<compile_context>
chip_gen: v7x
topology: tpu7x:2x2x1
jax: 0.10.2.dev20260603
libtpu: 0.0.44.dev20260713+nightly
codegen_flags: <defaults>
</compile_context>

<pallas_src>
import functools

import jax
import jax.numpy as jnp
from jax import lax
from jax.experimental import pallas as pl
from jax.experimental.pallas import tpu as pltpu
from jax.experimental.pallas import tpu_sc as plsc

BIN_SIZE = 20
MAX_DURATION = 1000
NB_BINS = MAX_DURATION // BIN_SIZE + 1

_NW = 32
_L = 16


def _sc_body(bin_hbm, spikes_hbm, out_hbm, spk_v, zbuf, idx_v, bin_v, semz, sems,
             *, rows_per_w, row_w, n):
    wid = lax.axis_index("s") * 2 + lax.axis_index("c")
    base = wid * rows_per_w
    nspk = rows_per_w * n

    pltpu.sync_copy(spikes_hbm.at[pl.ds(base * n, nspk)], spk_v)
    pltpu.sync_copy(bin_hbm, bin_v)
    binv = bin_v[...]
    iota = lax.iota(jnp.int32, _L)

    zeros = jnp.zeros((_L,), jnp.float32)

    def _memset(i, _):
        for u in range(8):
            zbuf[pl.ds(i * (8 * _L) + u * _L, _L)] = zeros
        return _

    lax.fori_loop(0, row_w // (8 * _L), _memset, None)

    zcopies = [
        pltpu.async_copy(
            zbuf, out_hbm.at[pl.ds((base + r) * row_w, row_w)], semz
        )
        for r in range(rows_per_w)
    ]

    def _build_idx(i, _):
        k = i * _L + iota
        r = lax.shift_right_logical(k, 10)
        nn = lax.bitwise_and(k, n - 1)
        pos = (base + r) * row_w + nn * NB_BINS + binv
        idx_v[i // 8, pl.ds((i % 8) * _L, _L)] = pos
        return _

    lax.fori_loop(0, nspk // _L, _build_idx, None)

    for cp in zcopies:
        cp.wait()

    scopies = [
        pltpu.async_copy(
            spk_v.at[pl.ds(j * 128, 128)], out_hbm.at[idx_v.at[j]], sems
        )
        for j in range(nspk // 128)
    ]
    for cp in scopies:
        cp.wait()


def kernel(spikes, time):
    B, N = spikes.shape
    row_w = N * NB_BINS
    bin_idx = jnp.full((_L,), jnp.asarray(time, jnp.int32) // BIN_SIZE, jnp.int32)
    rows_per_w = B // _NW

    mesh = plsc.VectorSubcoreMesh(core_axis_name="c", subcore_axis_name="s")
    sc_kernel = pl.kernel(
        functools.partial(_sc_body, rows_per_w=rows_per_w, row_w=row_w, n=N),
        mesh=mesh,
        out_type=jax.ShapeDtypeStruct((B * row_w,), spikes.dtype),
        scratch_types=[
            pltpu.VMEM((rows_per_w * N,), jnp.float32),
            pltpu.VMEM((row_w,), jnp.float32),
            pltpu.VMEM((128, 128), jnp.int32),
            pltpu.VMEM((_L,), jnp.int32),
            pltpu.SemaphoreType.DMA,
            pltpu.SemaphoreType.DMA,
        ],
    )
    out_flat = sc_kernel(bin_idx, spikes.reshape(-1))
    return out_flat.reshape(B, row_w)

# --- scband reference (transcript-rebuilt; emitter-appended) ---
"""Pipeline reference for scband-time-binning-layer-78434692759997 (READ-ONLY COPY).

The authoritative reference and input builder live on the scoring server;
editing this copy changes nothing except your own understanding.
"""

import jax, jax.numpy as jnp
import numpy as np

BIN_SIZE = 20
MAX_DURATION = 1000
NB_OF_NEURONS = 1024
NB_OF_BINS = MAX_DURATION // BIN_SIZE + 1  # 51
BATCH = 512


def setup_inputs(seed: int = 0) -> dict:
    key = jax.random.key(seed)
    k1, _ = jax.random.split(key)
    spikes = jax.random.uniform(k1, (BATCH, NB_OF_NEURONS), dtype=jnp.float32)
    time = 500  # python int scalar, as in the torch forward signature
    return {"spikes": spikes, "time": time}


def reference(spikes, time):
    # Faithful translation of TimeBinningLayer.forward with freshly-reset state:
    # bins is lazily initialized to zeros, then bins[:, :, time // bin_size] += spikes,
    # and the flattened bins buffer is returned.
    B = spikes.shape[0]
    bins = jnp.zeros((B, NB_OF_NEURONS, NB_OF_BINS), dtype=spikes.dtype)
    bins = bins.at[:, :, time // BIN_SIZE].add(spikes)
    return bins.reshape(B, NB_OF_NEURONS * NB_OF_BINS)

if __name__ == "__main__":
    import jax
    _d = setup_inputs()
    print(jax.jit(kernel)(*tuple(_d.values())))

</pallas_src>

<mosaic_0001>
#map = affine_map<(d0, d1) -> (0)>
module attributes {stable_mosaic.version = 14 : i64} {
  func.func @_sc_body(%arg0: i32, %arg1: i32, %arg2: memref<16xi32, #tpu.memory_space<hbm>>, %arg3: memref<524288xf32, #tpu.memory_space<hbm>>, %arg4: memref<26738688xf32, #tpu.memory_space<hbm>>, %arg5: memref<16384xf32, #tpu.memory_space<vmem>>, %arg6: memref<52224xf32, #tpu.memory_space<vmem>>, %arg7: memref<128x128xi32, #tpu.memory_space<vmem>>, %arg8: memref<16xi32, #tpu.memory_space<vmem>>, %arg9: memref<!tpu.dma_semaphore, #tpu.memory_space<semaphore_mem>>, %arg10: memref<!tpu.dma_semaphore, #tpu.memory_space<semaphore_mem>>) attributes {dimension_semantics = [#tpu.dimension_semantics<core_parallel>, #tpu.dimension_semantics<subcore_parallel>], iteration_bounds = array<i64: 2, 16>, scalar_prefetch = 0 : i64, scratch_operands = 6 : i64, tpu.core_type = #tpu.core_type<sc_vector_subcore>, window_params = [{transform_indices = #map}, {transform_indices = #map}, {transform_indices = #map}]} {
    %mul3A = arith.constant 2 : i32
    %mul3A_0 = arith.muli %arg1, %mul3A : i32
    %add3A = arith.addi %mul3A_0, %arg0 : i32
    %mul3A_1 = arith.constant 16 : i32
    %mul3A_2 = arith.muli %add3A, %mul3A_1 : i32
    %mul3A_3 = arith.constant 1024 : i32
    %mul3A_4 = arith.muli %mul3A_2, %mul3A_3 : i32
    "tpu.region"() ({
      %run_scoped3A = tpu.sem_alloc : memref<!tpu.dma_semaphore, #tpu.memory_space<semaphore_mem>>
      %dma_start3A_2191 = tpu.memref_slice %arg3[%mul3A_4] : memref<524288xf32, #tpu.memory_space<hbm>> -> memref<16384xf32, #tpu.memory_space<hbm>>
      %dma_start3A_2192 = tpu.memref_slice %arg3[%mul3A_4] : memref<524288xf32, #tpu.memory_space<hbm>> -> memref<16384xf32, #tpu.memory_space<hbm>>
      tpu.enqueue_dma source(%dma_start3A_2192 : memref<16384xf32, #tpu.memory_space<hbm>>) target(%arg5 : memref<16384xf32, #tpu.memory_space<vmem>>) target_semaphore(%run_scoped3A : memref<!tpu.dma_semaphore, #tpu.memory_space<semaphore_mem>>)
      %dma_wait3A_2193 = tpu.memref_slice %arg3[%mul3A_4] : memref<524288xf32, #tpu.memory_space<hbm>> -> memref<16384xf32, #tpu.memory_space<hbm>>
      %dma_wait3A_2194 = tpu.memref_slice %arg3[%mul3A_4] : memref<524288xf32, #tpu.memory_space<hbm>> -> memref<16384xf32, #tpu.memory_space<hbm>>
      tpu.wait_dma2 semaphore(%run_scoped3A : memref<!tpu.dma_semaphore, #tpu.memory_space<semaphore_mem>>) src(%dma_wait3A_2194 : memref<16384xf32, #tpu.memory_space<hbm>>) dst(%arg5 : memref<16384xf32, #tpu.memory_space<vmem>>)
      tpu.yield
    }) : () -> ()
    "tpu.region"() ({
      %run_scoped3A = tpu.sem_alloc : memref<!tpu.dma_semaphore, #tpu.memory_space<semaphore_mem>>
      tpu.enqueue_dma source(%arg2 : memref<16xi32, #tpu.memory_space<hbm>>) target(%arg8 : memref<16xi32, #tpu.memory_space<vmem>>) target_semaphore(%run_scoped3A : memref<!tpu.dma_semaphore, #tpu.memory_space<semaphore_mem>>)
      tpu.wait_dma2 semaphore(%run_scoped3A : memref<!tpu.dma_semaphore, #tpu.memory_space<semaphore_mem>>) src(%arg2 : memref<16xi32, #tpu.memory_space<hbm>>) dst(%arg8 : memref<16xi32, #tpu.memory_space<vmem>>)
      tpu.yield
    }) : () -> ()
    %get3A = arith.constant 0 : index
    %get3A_5 = tpu.vector_load %arg8[%get3A] {strides = array<i32>} : memref<16xi32, #tpu.memory_space<vmem>>, vector<16xi32>,
    %get3A_6 = vector.shape_cast %get3A_5 : vector<16xi32> to vector<16xi32>
    %iota3A = tpu.iota {dimensions = array<i32: 0>} : vector<16xi32>
    %broadcast_in_dim3A = arith.constant 0.000000e+00 : f32
    %broadcast_in_dim3A_7 = vector.broadcast %broadcast_in_dim3A : f32 to vector<16xf32>
    %scan3A = arith.constant 0 : i32
    %scan3A_8 = arith.constant 408 : i32
    %scan3A_9 = arith.addi %scan3A, %scan3A_8 : i32
    %scan3A_10 = arith.constant 1 : i32
    scf.for %scan3A_2191 = %scan3A to %scan3A_9 step %scan3A_10  : i32 {
      %mul3A_2192 = arith.constant 128 : i32
      %mul3A_2193 = arith.muli %scan3A_2191, %mul3A_2192 : i32
      %add3A_2194 = arith.constant 0 : i32
      %add3A_2195 = arith.addi %mul3A_2193, %add3A_2194 : i32
      %swap3A = arith.index_cast %add3A_2195 : i32 to index
      %swap3A_2196 = tpu.vector_load %arg6[%swap3A] {strides = array<i32>} : memref<52224xf32, #tpu.memory_space<vmem>>, vector<16xf32>,
      %swap3A_2197 = vector.shape_cast %swap3A_2196 : vector<16xf32> to vector<16xf32>
      %swap3A_2198 = vector.shape_cast %broadcast_in_dim3A_7 : vector<16xf32> to vector<16xf32>
      tpu.vector_store %arg6[%swap3A], %swap3A_2198 {strides = array<i32>} : memref<52224xf32, #tpu.memory_space<vmem>>, vector<16xf32>,
      %mul3A_2199 = arith.constant 128 : i32
      %mul3A_2200 = arith.muli %scan3A_2191, %mul3A_2199 : i32
      %add3A_2201 = arith.constant 16 : i32
      %add3A_2202 = arith.addi %mul3A_2200, %add3A_2201 : i32
      %swap3A_2203 = arith.index_cast %add3A_2202 : i32 to index
      %swap3A_2204 = tpu.vector_load %arg6[%swap3A_2203] {strides = array<i32>} : memref<52224xf32, #tpu.memory_space<vmem>>, vector<16xf32>,
      %swap3A_2205 = vector.shape_cast %swap3A_2204 : vector<16xf32> to vector<16xf32>
      %swap3A_2206 = vector.shape_cast %broadcast_in_dim3A_7 : vector<16xf32> to vector<16xf32>
      tpu.vector_store %arg6[%swap3A_2203], %swap3A_2206 {strides = array<i32>} : memref<52224xf32, #tpu.memory_space<vmem>>, vector<16xf32>,
      %mul3A_2207 = arith.constant 128 : i32
      %mul3A_2208 = arith.muli %scan3A_2191, %mul3A_2207 : i32
      %add3A_2209 = arith.constant 32 : i32
      %add3A_2210 = arith.addi %mul3A_2208, %add3A_2209 : i32
      %swap3A_2211 = arith.index_cast %add3A_2210 : i32 to index
      %swap3A_2212 = tpu.vector_load %arg6[%swap3A_2211] {strides = array<i32>} : memref<52224xf32, #tpu.memory_space<vmem>>, vector<16xf32>,
      %swap3A_2213 = vector.shape_cast %swap3A_2212 : vector<16xf32> to vector<16xf32>
      %swap3A_2214 = vector.shape_cast %broadcast_in_dim3A_7 : vector<16xf32> to vector<16xf32>
      tpu.vector_store %arg6[%swap3A_2211], %swap3A_2214 {strides = array<i32>} : memref<52224xf32, #tpu.memory_space<vmem>>, vector<16xf32>,
      %mul3A_2215 = arith.constant 128 : i32
      %mul3A_2216 = arith.muli %scan3A_2191, %mul3A_2215 : i32
      %add3A_2217 = arith.constant 48 : i32
      %add3A_2218 = arith.addi %mul3A_2216, %add3A_2217 : i32
      %swap3A_2219 = arith.index_cast %add3A_2218 : i32 to index
      %swap3A_2220 = tpu.vector_load %arg6[%swap3A_2219] {strides = array<i32>} : memref<52224xf32, #tpu.memory_space<vmem>>, vector<16xf32>,
      %swap3A_2221 = vector.shape_cast %swap3A_2220 : vector<16xf32> to vector<16xf32>
      %swap3A_2222 = vector.shape_cast %broadcast_in_dim3A_7 : vector<16xf32> to vector<16xf32>
      tpu.vector_store %arg6[%swap3A_2219], %swap3A_2222 {strides = array<i32>} : memref<52224xf32, #tpu.memory_space<vmem>>, vector<16xf32>,
      %mul3A_2223 = arith.constant 128 : i32
      %mul3A_2224 = arith.muli %scan3A_2191, %mul3A_2223 : i32
      %add3A_2225 = arith.constant 64 : i32
      %add3A_2226 = arith.addi %mul3A_2224, %add3A_2225 : i32
      %swap3A_2227 = arith.index_cast %add3A_2226 : i32 to index
      %swap3A_2228 = tpu.vector_load %arg6[%swap3A_2227] {strides = array<i32>} : memref<52224xf32, #tpu.memory_space<vmem>>, vector<16xf32>,
      %swap3A_2229 = vector.shape_cast %swap3A_2228 : vector<16xf32> to vector<16xf32>
      %swap3A_2230 = vector.shape_cast %broadcast_in_dim3A_7 : vector<16xf32> to vector<16xf32>
      tpu.vector_store %arg6[%swap3A_2227], %swap3A_2230 {strides = array<i32>} : memref<52224xf32, #tpu.memory_space<vmem>>, vector<16xf32>,
      %mul3A_2231 = arith.constant 128 : i32
      %mul3A_2232 = arith.muli %scan3A_2191, %mul3A_2231 : i32
      %add3A_2233 = arith.constant 80 : i32
      %add3A_2234 = arith.addi %mul3A_2232, %add3A_2233 : i32
      %swap3A_2235 = arith.index_cast %add3A_2234 : i32 to index
      %swap3A_2236 = tpu.vector_load %arg6[%swap3A_2235] {strides = array<i32>} : memref<52224xf32, #tpu.memory_space<vmem>>, vector<16xf32>,
      %swap3A_2237 = vector.shape_cast %swap3A_2236 : vector<16xf32> to vector<16xf32>
      %swap3A_2238 = vector.shape_cast %broadcast_in_dim3A_7 : vector<16xf32> to vector<16xf32>
      tpu.vector_store %arg6[%swap3A_2235], %swap3A_2238 {strides = array<i32>} : memref<52224xf32, #tpu.memory_space<vmem>>, vector<16xf32>,
      %mul3A_2239 = arith.constant 128 : i32
      %mul3A_2240 = arith.muli %scan3A_2191, %mul3A_2239 : i32
      %add3A_2241 = arith.constant 96 : i32
      %add3A_2242 = arith.addi %mul3A_2240, %add3A_2241 : i32
      %swap3A_2243 = arith.index_cast %add3A_2242 : i32 to index
      %swap3A_2244 = tpu.vector_load %arg6[%swap3A_2243] {strides = array<i32>} : memref<52224xf32, #tpu.memory_space<vmem>>, vector<16xf32>,
      %swap3A_2245 = vector.shape_cast %swap3A_2244 : vector<16xf32> to vector<16xf32>
      %swap3A_2246 = vector.shape_cast %broadcast_in_dim3A_7 : vector<16xf32> to vector<16xf32>
      tpu.vector_store %arg6[%swap3A_2243], %swap3A_2246 {strides = array<i32>} : memref<52224xf32, #tpu.memory_space<vmem>>, vector<16xf32>,
      %mul3A_2247 = arith.constant 128 : i32
      %mul3A_2248 = arith.muli %scan3A_2191, %mul3A_2247 : i32
      %add3A_2249 = arith.constant 112 : i32
      %add3A_2250 = arith.addi %mul3A_2248, %add3A_2249 : i32
      %swap3A_2251 = arith.index_cast %add3A_2250 : i32 to index
      %swap3A_2252 = tpu.vector_load %arg6[%swap3A_2251] {strides = array<i32>} : memref<52224xf32, #tpu.memory_space<vmem>>, vector<16xf32>,
      %swap3A_2253 = vector.shape_cast %swap3A_2252 : vector<16xf32> to vector<16xf32>
      %swap3A_2254 = vector.shape_cast %broadcast_in_dim3A_7 : vector<16xf32> to vector<16xf32>
      tpu.vector_store %arg6[%swap3A_2251], %swap3A_2254 {strides = array<i32>} : memref<52224xf32, #tpu.memory_space<vmem>>, vector<16xf32>,
    }
    %scan3A_11 = arith.constant 408 : i32
    %add3A_12 = arith.constant 0 : i32
    %add3A_13 = arith.addi %mul3A_2, %add3A_12 : i32
    %mul3A_14 = arith.constant 52224 : i32
    %mul3A_15 = arith.muli %add3A_13, %mul3A_14 : i32
    %dma_start3A = tpu.memref_slice %arg4[%mul3A_15] : memref<26738688xf32, #tpu.memory_space<hbm>> -> memref<52224xf32, #tpu.memory_space<hbm>>
    %dma_start3A_16 = tpu.memref_slice %arg4[%mul3A_15] : memref<26738688xf32, #tpu.memory_space<hbm>> -> memref<52224xf32, #tpu.memory_space<hbm>>
    tpu.enqueue_dma source(%arg6 : memref<52224xf32, #tpu.memory_space<vmem>>) target(%dma_start3A_16 : memref<52224xf32, #tpu.memory_space<hbm>>) target_semaphore(%arg9 : memref<!tpu.dma_semaphore, #tpu.memory_space<semaphore_mem>>)
    %add3A_17 = arith.constant 1 : i32
    %add3A_18 = arith.addi %mul3A_2, %add3A_17 : i32
    %mul3A_19 = arith.constant 52224 : i32
    %mul3A_20 = arith.muli %add3A_18, %mul3A_19 : i32
    %dma_start3A_21 = tpu.memref_slice %arg4[%mul3A_20] : memref<26738688xf32, #tpu.memory_space<hbm>> -> memref<52224xf32, #tpu.memory_space<hbm>>
    %dma_start3A_22 = tpu.memref_slice %arg4[%mul3A_20] : memref<26738688xf32, #tpu.memory_space<hbm>> -> memref<52224xf32, #tpu.memory_space<hbm>>
    tpu.enqueue_dma source(%arg6 : memref<52224xf32, #tpu.memory_space<vmem>>) target(%dma_start3A_22 : memref<52224xf32, #tpu.memory_space<hbm>>) target_semaphore(%arg9 : memref<!tpu.dma_semaphore, #tpu.memory_space<semaphore_mem>>)
    %add3A_23 = arith.constant 2 : i32
    %add3A_24 = arith.addi %mul3A_2, %add3A_23 : i32
    %mul3A_25 = arith.constant 52224 : i32
    %mul3A_26 = arith.muli %add3A_24, %mul3A_25 : i32
    %dma_start3A_27 = tpu.memref_slice %arg4[%mul3A_26] : memref<26738688xf32, #tpu.memory_space<hbm>> -> memref<52224xf32, #tpu.memory_space<hbm>>
    %dma_start3A_28 = tpu.memref_slice %arg4[%mul3A_26] : memref<26738688xf32, #tpu.memory_space<hbm>> -> memref<52224xf32, #tpu.memory_space<hbm>>
    tpu.enqueue_dma source(%arg6 : memref<52224xf32, #tpu.memory_space<vmem>>) target(%dma_start3A_28 : memref<52224xf32, #tpu.memory_space<hbm>>) target_semaphore(%arg9 : memref<!tpu.dma_semaphore, #tpu.memory_space<semaphore_mem>>)
    %add3A_29 = arith.constant 3 : i32
    %add3A_30 = arith.addi %mul3A_2, %add3A_29 : i32
    %mul3A_31 = arith.constant 52224 : i32
    %mul3A_32 = arith.muli %add3A_30, %mul3A_31 : i32
    %dma_start3A_33 = tpu.memref_slice %arg4[%mul3A_32] : memref<26738688xf32, #tpu.memory_space<hbm>> -> memref<52224xf32, #tpu.memory_space<hbm>>
    %dma_start3A_34 = tpu.memref_slice %arg4[%mul3A_32] : memref<26738688xf32, #tpu.memory_space<hbm>> -> memref<52224xf32, #tpu.memory_space<hbm>>
    tpu.enqueue_dma source(%arg6 : memref<52224xf32, #tpu.memory_space<vmem>>) target(%dma_start3A_34 : memref<52224xf32, #tpu.memory_space<hbm>>) target_semaphore(%arg9 : memref<!tpu.dma_semaphore, #tpu.memory_space<semaphore_mem>>)
    %add3A_35 = arith.constant 4 : i32
    %add3A_36 = arith.addi %mul3A_2, %add3A_35 : i32
    %mul3A_37 = arith.constant 52224 : i32
    %mul3A_38 = arith.muli %add3A_36, %mul3A_37 : i32
    %dma_start3A_39 = tpu.memref_slice %arg4[%mul3A_38] : memref<26738688xf32, #tpu.memory_space<hbm>> -> memref<52224xf32, #tpu.memory_space<hbm>>
    %dma_start3A_40 = tpu.memref_slice %arg4[%mul3A_38] : memref<26738688xf32, #tpu.memory_space<hbm>> -> memref<52224xf32, #tpu.memory_space<hbm>>
    tpu.enqueue_dma source(%arg6 : memref<52224xf32, #tpu.memory_space<vmem>>) target(%dma_start3A_40 : memref<52224xf32, #tpu.memory_space<hbm>>) target_semaphore(%arg9 : memref<!tpu.dma_semaphore, #tpu.memory_space<semaphore_mem>>)
    %add3A_41 = arith.constant 5 : i32
    %add3A_42 = arith.addi %mul3A_2, %add3A_41 : i32
    %mul3A_43 = arith.constant 52224 : i32
    %mul3A_44 = arith.muli %add3A_42, %mul3A_43 : i32
    %dma_start3A_45 = tpu.memref_slice %arg4[%mul3A_44] : memref<26738688xf32, #tpu.memory_space<hbm>> -> memref<52224xf32, #tpu.memory_space<hbm>>
    %dma_start3A_46 = tpu.memref_slice %arg4[%mul3A_44] : memref<26738688xf32, #tpu.memory_space<hbm>> -> memref<52224xf32, #tpu.memory_space<hbm>>
    tpu.enqueue_dma source(%arg6 : memref<52224xf32, #tpu.memory_space<vmem>>) target(%dma_start3A_46 : memref<52224xf32, #tpu.memory_space<hbm>>) target_semaphore(%arg9 : memref<!tpu.dma_semaphore, #tpu.memory_space<semaphore_mem>>)
    %add3A_47 = arith.constant 6 : i32
    %add3A_48 = arith.addi %mul3A_2, %add3A_47 : i32
    %mul3A_49 = arith.constant 52224 : i32
    %mul3A_50 = arith.muli %add3A_48, %mul3A_49 : i32
    %dma_start3A_51 = tpu.memref_slice %arg4[%mul3A_50] : memref<26738688xf32, #tpu.memory_space<hbm>> -> memref<52224xf32, #tpu.memory_space<hbm>>
    %dma_start3A_52 = tpu.memref_slice %arg4[%mul3A_50] : memref<26738688xf32, #tpu.memory_space<hbm>> -> memref<52224xf32, #tpu.memory_space<hbm>>
    tpu.enqueue_dma source(%arg6 : memref<52224xf32, #tpu.memory_space<vmem>>) target(%dma_start3A_52 : memref<52224xf32, #tpu.memory_space<hbm>>) target_semaphore(%arg9 : memref<!tpu.dma_semaphore, #tpu.memory_space<semaphore_mem>>)
    %add3A_53 = arith.constant 7 : i32
    %add3A_54 = arith.addi %mul3A_2, %add3A_53 : i32
    %mul3A_55 = arith.constant 52224 : i32
    %mul3A_56 = arith.muli %add3A_54, %mul3A_55 : i32
    %dma_start3A_57 = tpu.memref_slice %arg4[%mul3A_56] : memref<26738688xf32, #tpu.memory_space<hbm>> -> memref<52224xf32, #tpu.memory_space<hbm>>
    %dma_start3A_58 = tpu.memref_slice %arg4[%mul3A_56] : memref<26738688xf32, #tpu.memory_space<hbm>> -> memref<52224xf32, #tpu.memory_space<hbm>>
    tpu.enqueue_dma source(%arg6 : memref<52224xf32, #tpu.memory_space<vmem>>) target(%dma_start3A_58 : memref<52224xf32, #tpu.memory_space<hbm>>) target_semaphore(%arg9 : memref<!tpu.dma_semaphore, #tpu.memory_space<semaphore_mem>>)
    %add3A_59 = arith.constant 8 : i32
    %add3A_60 = arith.addi %mul3A_2, %add3A_59 : i32
    %mul3A_61 = arith.constant 52224 : i32
    %mul3A_62 = arith.muli %add3A_60, %mul3A_61 : i32
    %dma_start3A_63 = tpu.memref_slice %arg4[%mul3A_62] : memref<26738688xf32, #tpu.memory_space<hbm>> -> memref<52224xf32, #tpu.memory_space<hbm>>
    %dma_start3A_64 = tpu.memref_slice %arg4[%mul3A_62] : memref<26738688xf32, #tpu.memory_space<hbm>> -> memref<52224xf32, #tpu.memory_space<hbm>>
    tpu.enqueue_dma source(%arg6 : memref<52224xf32, #tpu.memory_space<vmem>>) target(%dma_start3A_64 : memref<52224xf32, #tpu.memory_space<hbm>>) target_semaphore(%arg9 : memref<!tpu.dma_semaphore, #tpu.memory_space<semaphore_mem>>)
    %add3A_65 = arith.constant 9 : i32
    %add3A_66 = arith.addi %mul3A_2, %add3A_65 : i32
    %mul3A_67 = arith.constant 52224 : i32
    %mul3A_68 = arith.muli %add3A_66, %mul3A_67 : i32
    %dma_start3A_69 = tpu.memref_slice %arg4[%mul3A_68] : memref<26738688xf32, #tpu.memory_space<hbm>> -> memref<52224xf32, #tpu.memory_space<hbm>>
    %dma_start3A_70 = tpu.memref_slice %arg4[%mul3A_68] : memref<26738688xf32, #tpu.memory_space<hbm>> -> memref<52224xf32, #tpu.memory_space<hbm>>
    tpu.enqueue_dma source(%arg6 : memref<52224xf32, #tpu.memory_space<vmem>>) target(%dma_start3A_70 : memref<52224xf32, #tpu.memory_space<hbm>>) target_semaphore(%arg9 : memref<!tpu.dma_semaphore, #tpu.memory_space<semaphore_mem>>)
    %add3A_71 = arith.constant 10 : i32
    %add3A_72 = arith.addi %mul3A_2, %add3A_71 : i32
    %mul3A_73 = arith.constant 52224 : i32
    %mul3A_74 = arith.muli %add3A_72, %mul3A_73 : i32
    %dma_start3A_75 = tpu.memref_slice %arg4[%mul3A_74] : memref<26738688xf32, #tpu.memory_space<hbm>> -> memref<52224xf32, #tpu.memory_space<hbm>>
    %dma_start3A_76 = tpu.memref_slice %arg4[%mul3A_74] : memref<26738688xf32, #tpu.memory_space<hbm>> -> memref<52224xf32, #tpu.memory_space<hbm>>
    tpu.enqueue_dma source(%arg6 : memref<52224xf32, #tpu.memory_space<vmem>>) target(%dma_start3A_76 : memref<52224xf32, #tpu.memory_space<hbm>>) target_semaphore(%arg9 : memref<!tpu.dma_semaphore, #tpu.memory_space<semaphore_mem>>)
    %add3A_77 = arith.constant 11 : i32
    %add3A_78 = arith.addi %mul3A_2, %add3A_77 : i32
    %mul3A_79 = arith.constant 52224 : i32
    %mul3A_80 = arith.muli %add3A_78, %mul3A_79 : i32
    %dma_start3A_81 = tpu.memref_slice %arg4[%mul3A_80] : memref<26738688xf32, #tpu.memory_space<hbm>> -> memref<52224xf32, #tpu.memory_space<hbm>>
    %dma_start3A_82 = tpu.memref_slice %arg4[%mul3A_80] : memref<26738688xf32, #tpu.memory_space<hbm>> -> memref<52224xf32, #tpu.memory_space<hbm>>
    tpu.enqueue_dma source(%arg6 : memref<52224xf32, #tpu.memory_space<vmem>>) target(%dma_start3A_82 : memref<52224xf32, #tpu.memory_space<hbm>>) target_semaphore(%arg9 : memref<!tpu.dma_semaphore, #tpu.memory_space<semaphore_mem>>)
    %add3A_83 = arith.constant 12 : i32
    %add3A_84 = arith.addi %mul3A_2, %add3A_83 : i32
    %mul3A_85 = arith.constant 52224 : i32
    %mul3A_86 = arith.muli %add3A_84, %mul3A_85 : i32
    %dma_start3A_87 = tpu.memref_slice %arg4[%mul3A_86] : memref<26738688xf32, #tpu.memory_space<hbm>> -> memref<52224xf32, #tpu.memory_space<hbm>>
    %dma_start3A_88 = tpu.memref_slice %arg4[%mul3A_86] : memref<26738688xf32, #tpu.memory_space<hbm>> -> memref<52224xf32, #tpu.memory_space<hbm>>
    tpu.enqueue_dma source(%arg6 : memref<52224xf32, #tpu.memory_space<vmem>>) target(%dma_start3A_88 : memref<52224xf32, #tpu.memory_space<hbm>>) target_semaphore(%arg9 : memref<!tpu.dma_semaphore, #tpu.memory_space<semaphore_mem>>)
    %add3A_89 = arith.constant 13 : i32
    %add3A_90 = arith.addi %mul3A_2, %add3A_89 : i32
    %mul3A_91 = arith.constant 52224 : i32
    %mul3A_92 = arith.muli %add3A_90, %mul3A_91 : i32
    %dma_start3A_93 = tpu.memref_slice %arg4[%mul3A_92] : memref<26738688xf32, #tpu.memory_space<hbm>> -> memref<52224xf32, #tpu.memory_space<hbm>>
    %dma_start3A_94 = tpu.memref_slice %arg4[%mul3A_92] : memref<26738688xf32, #tpu.memory_space<hbm>> -> memref<52224xf32, #tpu.memory_space<hbm>>
    tpu.enqueue_dma source(%arg6 : memref<52224xf32, #tpu.memory_space<vmem>>) target(%dma_start3A_94 : memref<52224xf32, #tpu.memory_space<hbm>>) target_semaphore(%arg9 : memref<!tpu.dma_semaphore, #tpu.memory_space<semaphore_mem>>)
    %add3A_95 = arith.constant 14 : i32
    %add3A_96 = arith.addi %mul3A_2, %add3A_95 : i32
    %mul3A_97 = arith.constant 52224 : i32
    %mul3A_98 = arith.muli %add3A_96, %mul3A_97 : i32
    %dma_start3A_99 = tpu.memref_slice %arg4[%mul3A_98] : memref<26738688xf32, #tpu.memory_space<hbm>> -> memref<52224xf32, #tpu.memory_space<hbm>>
    %dma_start3A_100 = tpu.memref_slice %arg4[%mul3A_98] : memref<26738688xf32, #tpu.memory_space<hbm>> -> memref<52224xf32, #tpu.memory_space<hbm>>
    tpu.enqueue_dma source(%arg6 : memref<52224xf32, #tpu.memory_space<vmem>>) target(%dma_start3A_100 : memref<52224xf32, #tpu.memory_space<hbm>>) target_semaphore(%arg9 : memref<!tpu.dma_semaphore, #tpu.memory_space<semaphore_mem>>)
    %add3A_101 = arith.constant 15 : i32
    %add3A_102 = arith.addi %mul3A_2, %add3A_101 : i32
    %mul3A_103 = arith.constant 52224 : i32
    %mul3A_104 = arith.muli %add3A_102, %mul3A_103 : i32
    %dma_start3A_105 = tpu.memref_slice %arg4[%mul3A_104] : memref<26738688xf32, #tpu.memory_space<hbm>> -> memref<52224xf32, #tpu.memory_space<hbm>>
    %dma_start3A_106 = tpu.memref_slice %arg4[%mul3A_104] : memref<26738688xf32, #tpu.memory_space<hbm>> -> memref<52224xf32, #tpu.memory_space<hbm>>
    tpu.enqueue_dma source(%arg6 : memref<52224xf32, #tpu.memory_space<vmem>>) target(%dma_start3A_106 : memref<52224xf32, #tpu.memory_space<hbm>>) target_semaphore(%arg9 : memref<!tpu.dma_semaphore, #tpu.memory_space<semaphore_mem>>)
    %scan3A_107 = arith.constant 0 : i32
    %scan3A_108 = arith.constant 1024 : i32
    %scan3A_109 = arith.addi %scan3A_107, %scan3A_108 : i32
    %scan3A_110 = arith.constant 1 : i32
    scf.for %scan3A_2191 = %scan3A_107 to %scan3A_109 step %scan3A_110  : i32 {
      %mul3A_2192 = arith.constant 16 : i32
      %mul3A_2193 = arith.muli %scan3A_2191, %mul3A_2192 : i32
      %add3A_2194 = vector.broadcast %mul3A_2193 : i32 to vector<16xi32>
      %add3A_2195 = arith.addi %add3A_2194, %iota3A : vector<16xi32>
      %shift_right_logical3A = arith.constant 10 : i32
      %shift_right_logical3A_2196 = vector.broadcast %shift_right_logical3A : i32 to vector<16xi32>
      %shift_right_logical3A_2197 = arith.shrui %add3A_2195, %shift_right_logical3A_2196 : vector<16xi32>
      %and3A = arith.constant 1023 : i32
      %and3A_2198 = vector.broadcast %and3A : i32 to vector<16xi32>
      %and3A_2199 = arith.andi %add3A_2195, %and3A_2198 : vector<16xi32>
      %add3A_2200 = vector.broadcast %mul3A_2 : i32 to vector<16xi32>
      %add3A_2201 = arith.addi %add3A_2200, %shift_right_logical3A_2197 : vector<16xi32>
      %mul3A_2202 = arith.constant 52224 : i32
      %mul3A_2203 = vector.broadcast %mul3A_2202 : i32 to vector<16xi32>
      %mul3A_2204 = arith.muli %add3A_2201, %mul3A_2203 : vector<16xi32>
      %mul3A_2205 = arith.constant 51 : i32
      %mul3A_2206 = vector.broadcast %mul3A_2205 : i32 to vector<16xi32>
      %mul3A_2207 = arith.muli %and3A_2199, %mul3A_2206 : vector<16xi32>
      %add3A_2208 = arith.addi %mul3A_2204, %mul3A_2207 : vector<16xi32>
      %add3A_2209 = arith.addi %add3A_2208, %get3A_6 : vector<16xi32>
      %jit3A = arith.constant 8 : i32
      %div3A = arith.divsi %scan3A_2191, %jit3A : i32
      %sign3A = arith.constant 0 : i32
      %sign3A_2210 = arith.cmpi sgt, %scan3A_2191, %sign3A : i32
      %sign3A_2211 = arith.extui %sign3A_2210 : i1 to i32
      %sign3A_2212 = arith.constant 0 : i32
      %sign3A_2213 = arith.cmpi slt, %scan3A_2191, %sign3A_2212 : i32
      %sign3A_2214 = arith.extui %sign3A_2213 : i1 to i32
      %sign3A_2215 = arith.subi %sign3A_2211, %sign3A_2214 : i32
      %sign3A_2216 = arith.constant 0 : i32
      %sign3A_2217 = arith.cmpi sgt, %jit3A, %sign3A_2216 : i32
      %sign3A_2218 = arith.extui %sign3A_2217 : i1 to i32
      %sign3A_2219 = arith.constant 0 : i32
      %sign3A_2220 = arith.cmpi slt, %jit3A, %sign3A_2219 : i32
      %sign3A_2221 = arith.extui %sign3A_2220 : i1 to i32
      %sign3A_2222 = arith.subi %sign3A_2218, %sign3A_2221 : i32
      %ne3A = arith.cmpi ne, %sign3A_2215, %sign3A_2222 : i32
      %rem3A = arith.remsi %scan3A_2191, %jit3A : i32
      %ne3A_2223 = arith.constant 0 : i32
      %ne3A_2224 = arith.cmpi ne, %rem3A, %ne3A_2223 : i32
      %and3A_2225 = arith.andi %ne3A, %ne3A_2224 : i1
      %sub3A = arith.constant 1 : i32
      %sub3A_2226 = arith.subi %div3A, %sub3A : i32
      %select_n3A = arith.select %and3A_2225, %sub3A_2226, %div3A : i32
      %jit3A_2227 = arith.constant 8 : i32
      %eq3A = arith.constant 0 : i32
      %eq3A_2228 = arith.cmpi eq, %jit3A_2227, %eq3A : i32
      %jit3A_2229 = arith.constant 1 : i32
      %select_n3A_2230 = arith.select %eq3A_2228, %jit3A_2229, %jit3A_2227 : i32
      %rem3A_2231 = arith.remsi %scan3A_2191, %select_n3A_2230 : i32
      %ne3A_2232 = arith.constant 0 : i32
      %ne3A_2233 = arith.cmpi ne, %rem3A_2231, %ne3A_2232 : i32
      %lt3A = arith.constant 0 : i32
      %lt3A_2234 = arith.cmpi slt, %rem3A_2231, %lt3A : i32
      %lt3A_2235 = arith.constant 0 : i32
      %lt3A_2236 = arith.cmpi slt, %select_n3A_2230, %lt3A_2235 : i32
      %ne3A_2237 = arith.xori %lt3A_2234, %lt3A_2236 : i1
      %and3A_2238 = arith.andi %ne3A_2237, %ne3A_2233 : i1
      %add3A_2239 = arith.addi %rem3A_2231, %select_n3A_2230 : i32
      %select_n3A_2240 = arith.select %and3A_2238, %add3A_2239, %rem3A_2231 : i32
      %mul3A_2241 = arith.constant 16 : i32
      %mul3A_2242 = arith.muli %select_n3A_2240, %mul3A_2241 : i32
      %swap3A = arith.index_cast %select_n3A : i32 to index
      %swap3A_2243 = arith.index_cast %mul3A_2242 : i32 to index
      %swap3A_2244 = tpu.vector_load %arg7[%swap3A, %swap3A_2243] {strides = array<i32>} : memref<128x128xi32, #tpu.memory_space<vmem>>, vector<1x16xi32>,
      %swap3A_2245 = vector.shape_cast %swap3A_2244 : vector<1x16xi32> to vector<16xi32>
      %swap3A_2246 = vector.shape_cast %add3A_2209 : vector<16xi32> to vector<1x16xi32>
      tpu.vector_store %arg7[%swap3A, %swap3A_2243], %swap3A_2246 {strides = array<i32>} : memref<128x128xi32, #tpu.memory_space<vmem>>, vector<1x16xi32>,
    }
    %scan3A_111 = arith.constant 1024 : i32
    %dma_wait3A = tpu.memref_slice %arg4[%mul3A_15] : memref<26738688xf32, #tpu.memory_space<hbm>> -> memref<52224xf32, #tpu.memory_space<hbm>>
    %dma_wait3A_112 = tpu.memref_slice %arg4[%mul3A_15] : memref<26738688xf32, #tpu.memory_space<hbm>> -> memref<52224xf32, #tpu.memory_space<hbm>>
    tpu.wait_dma2 semaphore(%arg9 : memref<!tpu.dma_semaphore, #tpu.memory_space<semaphore_mem>>) src(%arg6 : memref<52224xf32, #tpu.memory_space<vmem>>) dst(%dma_wait3A_112 : memref<52224xf32, #tpu.memory_space<hbm>>)
    %dma_wait3A_113 = tpu.memref_slice %arg4[%mul3A_20] : memref<26738688xf32, #tpu.memory_space<hbm>> -> memref<52224xf32, #tpu.memory_space<hbm>>
    %dma_wait3A_114 = tpu.memref_slice %arg4[%mul3A_20] : memref<26738688xf32, #tpu.memory_space<hbm>> -> memref<52224xf32, #tpu.memory_space<hbm>>
    tpu.wait_dma2 semaphore(%arg9 : memref<!tpu.dma_semaphore, #tpu.memory_space<semaphore_mem>>) src(%arg6 : memref<52224xf32, #tpu.memory_space<vmem>>) dst(%dma_wait3A_114 : memref<52224xf32, #tpu.memory_space<hbm>>)
    %dma_wait3A_115 = tpu.memref_slice %arg4[%mul3A_26] : memref<26738688xf32, #tpu.memory_space<hbm>> -> memref<52224xf32, #tpu.memory_space<hbm>>
    %dma_wait3A_116 = tpu.memref_slice %arg4[%mul3A_26] : memref<26738688xf32, #tpu.memory_space<hbm>> -> memref<52224xf32, #tpu.memory_space<hbm>>
    tpu.wait_dma2 semaphore(%arg9 : memref<!tpu.dma_semaphore, #tpu.memory_space<semaphore_mem>>) src(%arg6 : memref<52224xf32, #tpu.memory_space<vmem>>) dst(%dma_wait3A_116 : memref<52224xf32, #tpu.memory_space<hbm>>)
    %dma_wait3A_117 = tpu.memref_slice %arg4[%mul3A_32] : memref<26738688xf32, #tpu.memory_space<hbm>> -> memref<52224xf32, #tpu.memory_space<hbm>>
    %dma_wait3A_118 = tpu.memref_slice %arg4[%mul3A_32] : memref<26738688xf32, #tpu.memory_space<hbm>> -> memref<52224xf32, #tpu.memory_space<hbm>>
    tpu.wait_dma2 semaphore(%arg9 : memref<!tpu.dma_semaphore, #tpu.memory_space<semaphore_mem>>) src(%arg6 : memref<52224xf32, #tpu.memory_space<vmem>>) dst(%dma_wait3A_118 : memref<52224xf32, #tpu.memory_space<hbm>>)
    %dma_wait3A_119 = tpu.memref_slice %arg4[%mul3A_38] : memref<26738688xf32, #tpu.memory_space<hbm>> -> memref<52224xf32, #tpu.memory_space<hbm>>
    %dma_wait3A_120 = tpu.memref_slice %arg4[%mul3A_38] : memref<26738688xf32, #tpu.memory_space<hbm>> -> memref<52224xf32, #tpu.memory_space<hbm>>
    tpu.wait_dma2 semaphore(%arg9 : memref<!tpu.dma_semaphore, #tpu.memory_space<semaphore_mem>>) src(%arg6 : memref<52224xf32, #tpu.memory_space<vmem>>) dst(%dma_wait3A_120 : memref<52224xf32, #tpu.memory_space<hbm>>)
    %dma_wait3A_121 = tpu.memref_slice %arg4[%mul3A_44] : memref<26738688xf32, #tpu.memory_space<hbm>> -> memref<52224xf32, #tpu.memory_space<hbm>>
    %dma_wait3A_122 = tpu.memref_slice %arg4[%mul3A_44] : memref<26738688xf32, #tpu.memory_space<hbm>> -> memref<52224xf32, #tpu.memory_space<hbm>>
    tpu.wait_dma2 semaphore(%arg9 : memref<!tpu.dma_semaphore, #tpu.memory_space<semaphore_mem>>) src(%arg6 : memref<52224xf32, #tpu.memory_space<vmem>>) dst(%dma_wait3A_122 : memref<52224xf32, #tpu.memory_space<hbm>>)
    %dma_wait3A_123 = tpu.memref_slice %arg4[%mul3A_50] : memref<26738688xf32, #tpu.memory_space<hbm>> -> memref<52224xf32, #tpu.memory_space<hbm>>
    %dma_wait3A_124 = tpu.memref_slice %arg4[%mul3A_50] : memref<26738688xf32, #tpu.memory_space<hbm>> -> memref<52224xf32, #tpu.memory_space<hbm>>
    tpu.wait_dma2 semaphore(%arg9 : memref<!tpu.dma_semaphore, #tpu.memory_space<semaphore_mem>>) src(%arg6 : memref<52224xf32, #tpu.memory_space<vmem>>) dst(%dma_wait3A_124 : memref<52224xf32, #tpu.memory_space<hbm>>)
    %dma_wait3A_125 = tpu.memref_slice %arg4[%mul3A_56] : memref<26738688xf32, #tpu.memory_space<hbm>> -> memref<52224xf32, #tpu.memory_space<hbm>>
    %dma_wait3A_126 = tpu.memref_slice %arg4[%mul3A_56] : memref<26738688xf32, #tpu.memory_space<hbm>> -> memref<52224xf32, #tpu.memory_space<hbm>>
    tpu.wait_dma2 semaphore(%arg9 : memref<!tpu.dma_semaphore, #tpu.memory_space<semaphore_mem>>) src(%arg6 : memref<52224xf32, #tpu.memory_space<vmem>>) dst(%dma_wait3A_126 : memref<52224xf32, #tpu.memory_space<hbm>>)
    %dma_wait3A_127 = tpu.memref_slice %arg4[%mul3A_62] : memref<26738688xf32, #tpu.memory_space<hbm>> -> memref<52224xf32, #tpu.memory_space<hbm>>
    %dma_wait3A_128 = tpu.memref_slice %arg4[%mul3A_62] : memref<26738688xf32, #tpu.memory_space<hbm>> -> memref<52224xf32, #tpu.memory_space<hbm>>
    tpu.wait_dma2 semaphore(%arg9 : memref<!tpu.dma_semaphore, #tpu.memory_space<semaphore_mem>>) src(%arg6 : memref<52224xf32, #tpu.memory_space<vmem>>) dst(%dma_wait3A_128 : memref<52224xf32, #tpu.memory_space<hbm>>)
    %dma_wait3A_129 = tpu.memref_slice %arg4[%mul3A_68] : memref<26738688xf32, #tpu.memory_space<hbm>> -> memref<52224xf32, #tpu.memory_space<hbm>>
    %dma_wait3A_130 = tpu.memref_slice %arg4[%mul3A_68] : memref<26738688xf32, #tpu.memory_space<hbm>> -> memref<52224xf32, #tpu.memory_space<hbm>>
    tpu.wait_dma2 semaphore(%arg9 : memref<!tpu.dma_semaphore, #tpu.memory_space<semaphore_mem>>) src(%arg6 : memref<52224xf32, #tpu.memory_space<vmem>>) dst(%dma_wait3A_130 : memref<52224xf32, #tpu.memory_space<hbm>>)
    %dma_wait3A_131 = tpu.memref_slice %arg4[%mul3A_74] : memref<26738688xf32, #tpu.memory_space<hbm>> -> memref<52224xf32, #tpu.memory_space<hbm>>
    %dma_wait3A_132 = tpu.memref_slice %arg4[%mul3A_74] : memref<26738688xf32, #tpu.memory_space<hbm>> -> memref<52224xf32, #tpu.memory_space<hbm>>
    tpu.wait_dma2 semaphore(%arg9 : memref<!tpu.dma_semaphore, #tpu.memory_space<semaphore_mem>>) src(%arg6 : memref<52224xf32, #tpu.memory_space<vmem>>) dst(%dma_wait3A_132 : memref<52224xf32, #tpu.memory_space<hbm>>)
    %dma_wait3A_133 = tpu.memref_slice %arg4[%mul3A_80] : memref<26738688xf32, #tpu.memory_space<hbm>> -> memref<52224xf32, #tpu.memory_space<hbm>>
    %dma_wait3A_134 = tpu.memref_slice %arg4[%mul3A_80] : memref<26738688xf32, #tpu.memory_space<hbm>> -> memref<52224xf32, #tpu.memory_space<hbm>>
    tpu.wait_dma2 semaphore(%arg9 : memref<!tpu.dma_semaphore, #tpu.memory_space<semaphore_mem>>) src(%arg6 : memref<52224xf32, #tpu.memory_space<vmem>>) dst(%dma_wait3A_134 : memref<52224xf32, #tpu.memory_space<hbm>>)
    %dma_wait3A_135 = tpu.memref_slice %arg4[%mul3A_86] : memref<26738688xf32, #tpu.memory_space<hbm>> -> memref<52224xf32, #tpu.memory_space<hbm>>
    %dma_wait3A_136 = tpu.memref_slice %arg4[%mul3A_86] : memref<26738688xf32, #tpu.memory_space<hbm>> -> memref<52224xf32, #tpu.memory_space<hbm>>
    tpu.wait_dma2 semaphore(%arg9 : memref<!tpu.dma_semaphore, #tpu.memory_space<semaphore_mem>>) src(%arg6 : memref<52224xf32, #tpu.memory_space<vmem>>) dst(%dma_wait3A_136 : memref<52224xf32, #tpu.memory_space<hbm>>)
    %dma_wait3A_137 = tpu.memref_slice %arg4[%mul3A_92] : memref<26738688xf32, #tpu.memory_space<hbm>> -> memref<52224xf32, #tpu.memory_space<hbm>>
    %dma_wait3A_138 = tpu.memref_slice %arg4[%mul3A_92] : memref<26738688xf32, #tpu.memory_space<hbm>> -> memref<52224xf32, #tpu.memory_space<hbm>>
    tpu.wait_dma2 semaphore(%arg9 : memref<!tpu.dma_semaphore, #tpu.memory_space<semaphore_mem>>) src(%arg6 : memref<52224xf32, #tpu.memory_space<vmem>>) dst(%dma_wait3A_138 : memref<52224xf32, #tpu.memory_space<hbm>>)
    %dma_wait3A_139 = tpu.memref_slice %arg4[%mul3A_98] : memref<26738688xf32, #tpu.memory_space<hbm>> -> memref<52224xf32, #tpu.memory_space<hbm>>
    %dma_wait3A_140 = tpu.memref_slice %arg4[%mul3A_98] : memref<26738688xf32, #tpu.memory_space<hbm>> -> memref<52224xf32, #tpu.memory_space<hbm>>
    tpu.wait_dma2 semaphore(%arg9 : memref<!tpu.dma_semaphore, #tpu.memory_space<semaphore_mem>>) src(%arg6 : memref<52224xf32, #tpu.memory_space<vmem>>) dst(%dma_wait3A_140 : memref<52224xf32, #tpu.memory_space<hbm>>)
    %dma_wait3A_141 = tpu.memref_slice %arg4[%mul3A_104] : memref<26738688xf32, #tpu.memory_space<hbm>> -> memref<52224xf32, #tpu.memory_space<hbm>>
    %dma_wait3A_142 = tpu.memref_slice %arg4[%mul3A_104] : memref<26738688xf32, #tpu.memory_space<hbm>> -> memref<52224xf32, #tpu.memory_space<hbm>>
    tpu.wait_dma2 semaphore(%arg9 : memref<!tpu.dma_semaphore, #tpu.memory_space<semaphore_mem>>) src(%arg6 : memref<52224xf32, #tpu.memory_space<vmem>>) dst(%dma_wait3A_142 : memref<52224xf32, #tpu.memory_space<hbm>>)
    %dma_start3A_143 = arith.constant 0 : i32
    %dma_start3A_144 = arith.constant 0 : i32
    %dma_start3A_145 = tpu.memref_slice %arg5[%dma_start3A_144] : memref<16384xf32, #tpu.memory_space<vmem>> -> memref<128xf32, #tpu.memory_space<vmem>>
    %dma_start3A_146 = arith.constant 0 : i32
    %dma_start3A_147 = tpu.memref_slice %arg7[%dma_start3A_143, %dma_start3A_146] : memref<128x128xi32, #tpu.memory_space<vmem>> -> memref<1x128xi32, #tpu.memory_space<vmem>>
    %dma_start3A_148 = tpu.memref_squeeze %dma_start3A_147 : memref<1x128xi32, #tpu.memory_space<vmem>> -> memref<128xi32, #tpu.memory_space<vmem>>
    %dma_start3A_149 = arith.constant 0 : i32
    %dma_start3A_150 = tpu.memref_slice %arg4[%dma_start3A_149] : memref<26738688xf32, #tpu.memory_space<hbm>> -> memref<26738688xf32, #tpu.memory_space<hbm>>
    tpu.enqueue_indirect_dma source(%dma_start3A_145 : memref<128xf32, #tpu.memory_space<vmem>>) target(%dma_start3A_150 : memref<26738688xf32, #tpu.memory_space<hbm>>) offsets(%dma_start3A_148 : memref<128xi32, #tpu.memory_space<vmem>>) semaphore(%arg10 : memref<!tpu.dma_semaphore, #tpu.memory_space<semaphore_mem>>)
    %dma_start3A_151 = arith.constant 1 : i32
    %dma_start3A_152 = arith.constant 128 : i32
    %dma_start3A_153 = tpu.memref_slice %arg5[%dma_start3A_152] : memref<16384xf32, #tpu.memory_space<vmem>> -> memref<128xf32, #tpu.memory_space<vmem>>
    %dma_start3A_154 = arith.constant 0 : i32
    %dma_start3A_155 = tpu.memref_slice %arg7[%dma_start3A_151, %dma_start3A_154] : memref<128x128xi32, #tpu.memory_space<vmem>> -> memref<1x128xi32, #tpu.memory_space<vmem>>
    %dma_start3A_156 = tpu.memref_squeeze %dma_start3A_155 : memref<1x128xi32, #tpu.memory_space<vmem>> -> memref<128xi32, #tpu.memory_space<vmem>>
    %dma_start3A_157 = arith.constant 0 : i32
    %dma_start3A_158 = tpu.memref_slice %arg4[%dma_start3A_157] : memref<26738688xf32, #tpu.memory_space<hbm>> -> memref<26738688xf32, #tpu.memory_space<hbm>>
    tpu.enqueue_indirect_dma source(%dma_start3A_153 : memref<128xf32, #tpu.memory_space<vmem>>) target(%dma_start3A_158 : memref<26738688xf32, #tpu.memory_space<hbm>>) offsets(%dma_start3A_156 : memref<128xi32, #tpu.memory_space<vmem>>) semaphore(%arg10 : memref<!tpu.dma_semaphore, #tpu.memory_space<semaphore_mem>>)
    %dma_start3A_159 = arith.constant 2 : i32
    %dma_start3A_160 = arith.constant 256 : i32
    %dma_start3A_161 = tpu.memref_slice %arg5[%dma_start3A_160] : memref<16384xf32, #tpu.memory_space<vmem>> -> memref<128xf32, #tpu.memory_space<vmem>>
    %dma_start3A_162 = arith.constant 0 : i32
    %dma_start3A_163 = tpu.memref_slice %arg7[%dma_start3A_159, %dma_start3A_162] : memref<128x128xi32, #tpu.memory_space<vmem>> -> memref<1x128xi32, #tpu.memory_space<vmem>>
    %dma_start3A_164 = tpu.memref_squeeze %dma_start3A_163 : memref<1x128xi32, #tpu.memory_space<vmem>> -> memref<128xi32, #tpu.memory_space<vmem>>
    %dma_start3A_165 = arith.constant 0 : i32
    %dma_start3A_166 = tpu.memref_slice %arg4[%dma_start3A_165] : memref<26738688xf32, #tpu.memory_space<hbm>> -> memref<26738688xf32, #tpu.memory_space<hbm>>
    tpu.enqueue_indirect_dma source(%dma_start3A_161 : memref<128xf32, #tpu.memory_space<vmem>>) target(%dma_start3A_166 : memref<26738688xf32, #tpu.memory_space<hbm>>) offsets(%dma_start3A_164 : memref<128xi32, #tpu.memory_space<vmem>>) semaphore(%arg10 : memref<!tpu.dma_semaphore, #tpu.memory_space<semaphore_mem>>)
    %dma_start3A_167 = arith.constant 3 : i32
    %dma_start3A_168 = arith.constant 384 : i32
    %dma_start3A_169 = tpu.memref_slice %arg5[%dma_start3A_168] : memref<16384xf32, #tpu.memory_space<vmem>> -> memref<128xf32, #tpu.memory_space<vmem>>
    %dma_start3A_170 = arith.constant 0 : i32
    %dma_start3A_171 = tpu.memref_slice %arg7[%dma_start3A_167, %dma_start3A_170] : memref<128x128xi32, #tpu.memory_space<vmem>> -> memref<1x128xi32, #tpu.memory_space<vmem>>
    %dma_start3A_172 = tpu.memref_squeeze %dma_start3A_171 : memref<1x128xi32, #tpu.memory_space<vmem>> -> memref<128xi32, #tpu.memory_space<vmem>>
    %dma_start3A_173 = arith.constant 0 : i32
    %dma_start3A_174 = tpu.memref_slice %arg4[%dma_start3A_173] : memref<26738688xf32, #tpu.memory_space<hbm>> -> memref<26738688xf32, #tpu.memory_space<hbm>>
    tpu.enqueue_indirect_dma source(%dma_start3A_169 : memref<128xf32, #tpu.memory_space<vmem>>) target(%dma_start3A_174 : memref<26738688xf32, #tpu.memory_space<hbm>>) offsets(%dma_start3A_172 : memref<128xi32, #tpu.memory_space<vmem>>) semaphore(%arg10 : memref<!tpu.dma_semaphore, #tpu.memory_space<semaphore_mem>>)
    %dma_start3A_175 = arith.constant 4 : i32
    %dma_start3A_176 = arith.constant 512 : i32
    %dma_start3A_177 = tpu.memref_slice %arg5[%dma_start3A_176] : memref<16384xf32, #tpu.memory_space<vmem>> -> memref<128xf32, #tpu.memory_space<vmem>>
    %dma_start3A_178 = arith.constant 0 : i32
    %dma_start3A_179 = tpu.memref_slice %arg7[%dma_start3A_175, %dma_start3A_178] : memref<128x128xi32, #tpu.memory_space<vmem>> -> memref<1x128xi32, #tpu.memory_space<vmem>>
    %dma_start3A_180 = tpu.memref_squeeze %dma_start3A_179 : memref<1x128xi32, #tpu.memory_space<vmem>> -> memref<128xi32, #tpu.memory_space<vmem>>
    %dma_start3A_181 = arith.constant 0 : i32
    %dma_start3A_182 = tpu.memref_slice %arg4[%dma_start3A_181] : memref<26738688xf32, #tpu.memory_space<hbm>> -> memref<26738688xf32, #tpu.memory_space<hbm>>
    tpu.enqueue_indirect_dma source(%dma_start3A_177 : memref<128xf32, #tpu.memory_space<vmem>>) target(%dma_start3A_182 : memref<26738688xf32, #tpu.memory_space<hbm>>) offsets(%dma_start3A_180 : memref<128xi32, #tpu.memory_space<vmem>>) semaphore(%arg10 : memref<!tpu.dma_semaphore, #tpu.memory_space<semaphore_mem>>)
    %dma_start3A_183 = arith.constant 5 : i32
    %dma_start3A_184 = arith.constant 640 : i32
    %dma_start3A_185 = tpu.memref_slice %arg5[%dma_start3A_184] : memref<16384xf32, #tpu.memory_space<vmem>> -> memref<128xf32, #tpu.memory_space<vmem>>
    %dma_start3A_186 = arith.constant 0 : i32
    %dma_start3A_187 = tpu.memref_slice %arg7[%dma_start3A_183, %dma_start3A_186] : memref<128x128xi32, #tpu.memory_space<vmem>> -> memref<1x128xi32, #tpu.memory_space<vmem>>
    %dma_start3A_188 = tpu.memref_squeeze %dma_start3A_187 : memref<1x128xi32, #tpu.memory_space<vmem>> -> memref<128xi32, #tpu.memory_space<vmem>>
    %dma_start3A_189 = arith.constant 0 : i32
    %dma_start3A_190 = tpu.memref_slice %arg4[%dma_start3A_189] : memref<26738688xf32, #tpu.memory_space<hbm>> -> memref<26738688xf32, #tpu.memory_space<hbm>>
    tpu.enqueue_indirect_dma source(%dma_start3A_185 : memref<128xf32, #tpu.memory_space<vmem>>) target(%dma_start3A_190 : memref<26738688xf32, #tpu.memory_space<hbm>>) offsets(%dma_start3A_188 : memref<128xi32, #tpu.memory_space<vmem>>) semaphore(%arg10 : memref<!tpu.dma_semaphore, #tpu.memory_space<semaphore_mem>>)
    %dma_start3A_191 = arith.constant 6 : i32
    %dma_start3A_192 = arith.constant 768 : i32
    %dma_start3A_193 = tpu.memref_slice %arg5[%dma_start3A_192] : memref<16384xf32, #tpu.memory_space<vmem>> -> memref<128xf32, #tpu.memory_space<vmem>>
    %dma_start3A_194 = arith.constant 0 : i32
    %dma_start3A_195 = tpu.memref_slice %arg7[%dma_start3A_191, %dma_start3A_194] : memref<128x128xi32, #tpu.memory_space<vmem>> -> memref<1x128xi32, #tpu.memory_space<vmem>>
    %dma_start3A_196 = tpu.memref_squeeze %dma_start3A_195 : memref<1x128xi32, #tpu.memory_space<vmem>> -> memref<128xi32, #tpu.memory_space<vmem>>
    %dma_start3A_197 = arith.constant 0 : i32
    %dma_start3A_198 = tpu.memref_slice %arg4[%dma_start3A_197] : memref<26738688xf32, #tpu.memory_space<hbm>> -> memref<26738688xf32, #tpu.memory_space<hbm>>
    tpu.enqueue_indirect_dma source(%dma_start3A_193 : memref<128xf32, #tpu.memory_space<vmem>>) target(%dma_start3A_198 : memref<26738688xf32, #tpu.memory_space<hbm>>) offsets(%dma_start3A_196 : memref<128xi32, #tpu.memory_space<vmem>>) semaphore(%arg10 : memref<!tpu.dma_semaphore, #tpu.memory_space<semaphore_mem>>)
    %dma_start3A_199 = arith.constant 7 : i32
    %dma_start3A_200 = arith.constant 896 : i32
    %dma_start3A_201 = tpu.memref_slice %arg5[%dma_start3A_200] : memref<16384xf32, #tpu.memory_space<vmem>> -> memref<128xf32, #tpu.memory_space<vmem>>
    %dma_start3A_202 = arith.constant 0 : i32
    %dma_start3A_203 = tpu.memref_slice %arg7[%dma_start3A_199, %dma_start3A_202] : memref<128x128xi32, #tpu.memory_space<vmem>> -> memref<1x128xi32, #tpu.memory_space<vmem>>
    %dma_start3A_204 = tpu.memref_squeeze %dma_start3A_203 : memref<1x128xi32, #tpu.memory_space<vmem>> -> memref<128xi32, #tpu.memory_space<vmem>>
    %dma_start3A_205 = arith.constant 0 : i32
    %dma_start3A_206 = tpu.memref_slice %arg4[%dma_start3A_205] : memref<26738688xf32, #tpu.memory_space<hbm>> -> memref<26738688xf32, #tpu.memory_space<hbm>>
    tpu.enqueue_indirect_dma source(%dma_start3A_201 : memref<128xf32, #tpu.memory_space<vmem>>) target(%dma_start3A_206 : memref<26738688xf32, #tpu.memory_space<hbm>>) offsets(%dma_start3A_204 : memref<128xi32, #tpu.memory_space<vmem>>) semaphore(%arg10 : memref<!tpu.dma_semaphore, #tpu.memory_space<semaphore_mem>>)
    %dma_start3A_207 = arith.constant 8 : i32
    %dma_start3A_208 = arith.constant 1024 : i32
    %dma_start3A_209 = tpu.memref_slice %arg5[%dma_start3A_208] : memref<16384xf32, #tpu.memory_space<vmem>> -> memref<128xf32, #tpu.memory_space<vmem>>
    %dma_start3A_210 = arith.constant 0 : i32
    %dma_start3A_211 = tpu.memref_slice %arg7[%dma_start3A_207, %dma_start3A_210] : memref<128x128xi32, #tpu.memory_space<vmem>> -> memref<1x128xi32, #tpu.memory_space<vmem>>
    %dma_start3A_212 = tpu.memref_squeeze %dma_start3A_211 : memref<1x128xi32, #tpu.memory_space<vmem>> -> memref<128xi32, #tpu.memory_space<vmem>>
    %dma_start3A_213 = arith.constant 0 : i32
    %dma_start3A_214 = tpu.memref_slice %arg4[%dma_start3A_213] : memref<26738688xf32, #tpu.memory_space<hbm>> -> memref<26738688xf32, #tpu.memory_space<hbm>>
    tpu.enqueue_indirect_dma source(%dma_start3A_209 : memref<128xf32, #tpu.memory_space<vmem>>) target(%dma_start3A_214 : memref<26738688xf32, #tpu.memory_space<hbm>>) offsets(%dma_start3A_212 : memref<128xi32, #tpu.memory_space<vmem>>) semaphore(%arg10 : memref<!tpu.dma_semaphore, #tpu.memory_space<semaphore_mem>>)
    %dma_start3A_215 = arith.constant 9 : i32
    %dma_start3A_216 = arith.constant 1152 : i32
    %dma_start3A_217 = tpu.memref_slice %arg5[%dma_start3A_216] : memref<16384xf32, #tpu.memory_space<vmem>> -> memref<128xf32, #tpu.memory_space<vmem>>
    %dma_start3A_218 = arith.constant 0 : i32
    %dma_start3A_219 = tpu.memref_slice %arg7[%dma_start3A_215, %dma_start3A_218] : memref<128x128xi32, #tpu.memory_space<vmem>> -> memref<1x128xi32, #tpu.memory_space<vmem>>
    %dma_start3A_220 = tpu.memref_squeeze %dma_start3A_219 : memref<1x128xi32, #tpu.memory_space<vmem>> -> memref<128xi32, #tpu.memory_space<vmem>>
    %dma_start3A_221 = arith.constant 0 : i32
    %dma_start3A_222 = tpu.memref_slice %arg4[%dma_start3A_221] : memref<26738688xf32, #tpu.memory_space<hbm>> -> memref<26738688xf32, #tpu.memory_space<hbm>>
    tpu.enqueue_indirect_dma source(%dma_start3A_217 : memref<128xf32, #tpu.memory_space<vmem>>) target(%dma_start3A_222 : memref<26738688xf32, #tpu.memory_space<hbm>>) offsets(%dma_start3A_220 : memref<128xi32, #tpu.memory_space<vmem>>) semaphore(%arg10 : memref<!tpu.dma_semaphore, #tpu.memory_space<semaphore_mem>>)
    %dma_start3A_223 = arith.constant 10 : i32
    %dma_start3A_224 = arith.constant 1280 : i32
    %dma_start3A_225 = tpu.memref_slice %arg5[%dma_start3A_224] : memref<16384xf32, #tpu.memory_space<vmem>> -> memref<128xf32, #tpu.memory_space<vmem>>
    %dma_start3A_226 = arith.constant 0 : i32
    %dma_start3A_227 = tpu.memref_slice %arg7[%dma_start3A_223, %dma_start3A_226] : memref<128x128xi32, #tpu.memory_space<vmem>> -> memref<1x128xi32, #tpu.memory_space<vmem>>
    %dma_start3A_228 = tpu.memref_squeeze %dma_start3A_227 : memref<1x128xi32, #tpu.memory_space<vmem>> -> memref<128xi32, #tpu.memory_space<vmem>>
    %dma_start3A_229 = arith.constant 0 : i32
    %dma_start3A_230 = tpu.memref_slice %arg4[%dma_start3A_229] : memref<26738688xf32, #tpu.memory_space<hbm>> -> memref<26738688xf32, #tpu.memory_space<hbm>>
    tpu.enqueue_indirect_dma source(%dma_start3A_225 : memref<128xf32, #tpu.memory_space<vmem>>) target(%dma_start3A_230 : memref<26738688xf32, #tpu.memory_space<hbm>>) offsets(%dma_start3A_228 : memref<128xi32, #tpu.memory_space<vmem>>) semaphore(%arg10 : memref<!tpu.dma_semaphore, #tpu.memory_space<semaphore_mem>>)
    %dma_start3A_231 = arith.constant 11 : i32
    %dma_start3A_232 = arith.constant 1408 : i32
    %dma_start3A_233 = tpu.memref_slice %arg5[%dma_start3A_232] : memref<16384xf32, #tpu.memory_space<vmem>> -> memref<128xf32, #tpu.memory_space<vmem>>
    %dma_start3A_234 = arith.constant 0 : i32
    %dma_start3A_235 = tpu.memref_slice %arg7[%dma_start3A_231, %dma_start3A_234] : memref<128x128xi32, #tpu.memory_space<vmem>> -> memref<1x128xi32, #tpu.memory_space<vmem>>
    %dma_start3A_236 = tpu.memref_squeeze %dma_start3A_235 : memref<1x128xi32, #tpu.memory_space<vmem>> -> memref<128xi32, #tpu.memory_space<vmem>>
    %dma_start3A_237 = arith.constant 0 : i32
    %dma_start3A_238 = tpu.memref_slice %arg4[%dma_start3A_237] : memref<26738688xf32, #tpu.memory_space<hbm>> -> memref<26738688xf32, #tpu.memory_space<hbm>>
    tpu.enqueue_indirect_dma source(%dma_start3A_233 : memref<128xf32, #tpu.memory_space<vmem>>) target(%dma_start3A_238 : memref<26738688xf32, #tpu.memory_space<hbm>>) offsets(%dma_start3A_236 : memref<128xi32, #tpu.memory_space<vmem>>) semaphore(%arg10 : memref<!tpu.dma_semaphore, #tpu.memory_space<semaphore_mem>>)
    %dma_start3A_239 = arith.constant 12 : i32
    %dma_start3A_240 = arith.constant 1536 : i32
    %dma_start3A_241 = tpu.memref_slice %arg5[%dma_start3A_240] : memref<16384xf32, #tpu.memory_space<vmem>> -> memref<128xf32, #tpu.memory_space<vmem>>
    %dma_start3A_242 = arith.constant 0 : i32
    %dma_start3A_243 = tpu.memref_slice %arg7[%dma_start3A_239, %dma_start3A_242] : memref<128x128xi32, #tpu.memory_space<vmem>> -> memref<1x128xi32, #tpu.memory_space<vmem>>
    %dma_start3A_244 = tpu.memref_squeeze %dma_start3A_243 : memref<1x128xi32, #tpu.memory_space<vmem>> -> memref<128xi32, #tpu.memory_space<vmem>>
    %dma_start3A_245 = arith.constant 0 : i32
    %dma_start3A_246 = tpu.memref_slice %arg4[%dma_start3A_245] : memref<26738688xf32, #tpu.memory_space<hbm>> -> memref<26738688xf32, #tpu.memory_space<hbm>>
    tpu.enqueue_indirect_dma source(%dma_start3A_241 : memref<128xf32, #tpu.memory_space<vmem>>) target(%dma_start3A_246 : memref<26738688xf32, #tpu.memory_space<hbm>>) offsets(%dma_start3A_244 : memref<128xi32, #tpu.memory_space<vmem>>) semaphore(%arg10 : memref<!tpu.dma_semaphore, #tpu.memory_space<semaphore_mem>>)
    %dma_start3A_247 = arith.constant 13 : i32
    %dma_start3A_248 = arith.constant 1664 : i32
    %dma_start3A_249 = tpu.memref_slice %arg5[%dma_start3A_248] : memref<16384xf32, #tpu.memory_space<vmem>> -> memref<128xf32, #tpu.memory_space<vmem>>
    %dma_start3A_250 = arith.constant 0 : i32
    %dma_start3A_251 = tpu.memref_slice %arg7[%dma_start3A_247, %dma_start3A_250] : memref<128x128xi32, #tpu.memory_space<vmem>> -> memref<1x128xi32, #tpu.memory_space<vmem>>
    %dma_start3A_252 = tpu.memref_squeeze %dma_start3A_251 : memref<1x128xi32, #tpu.memory_space<vmem>> -> memref<128xi32, #tpu.memory_space<vmem>>
    %dma_start3A_253 = arith.constant 0 : i32
    %dma_start3A_254 = tpu.memref_slice %arg4[%dma_start3A_253] : memref<26738688xf32, #tpu.memory_space<hbm>> -> memref<26738688xf32, #tpu.memory_space<hbm>>
    tpu.enqueue_indirect_dma source(%dma_start3A_249 : memref<128xf32, #tpu.memory_space<vmem>>) target(%dma_start3A_254 : memref<26738688xf32, #tpu.memory_space<hbm>>) offsets(%dma_start3A_252 : memref<128xi32, #tpu.memory_space<vmem>>) semaphore(%arg10 : memref<!tpu.dma_semaphore, #tpu.memory_space<semaphore_mem>>)
    %dma_start3A_255 = arith.constant 14 : i32
    %dma_start3A_256 = arith.constant 1792 : i32
    %dma_start3A_257 = tpu.memref_slice %arg5[%dma_start3A_256] : memref<16384xf32, #tpu.memory_space<vmem>> -> memref<128xf32, #tpu.memory_space<vmem>>
    %dma_start3A_258 = arith.constant 0 : i32
    %dma_start3A_259 = tpu.memref_slice %arg7[%dma_start3A_255, %dma_start3A_258] : memref<128x128xi32, #tpu.memory_space<vmem>> -> memref<1x128xi32, #tpu.memory_space<vmem>>
    %dma_start3A_260 = tpu.memref_squeeze %dma_start3A_259 : memref<1x128xi32, #tpu.memory_space<vmem>> -> memref<128xi32, #tpu.memory_space<vmem>>
    %dma_start3A_261 = arith.constant 0 : i32
    %dma_start3A_262 = tpu.memref_slice %arg4[%dma_start3A_261] : memref<26738688xf32, #tpu.memory_space<hbm>> -> memref<26738688xf32, #tpu.memory_space<hbm>>
    tpu.enqueue_indirect_dma source(%dma_start3A_257 : memref<128xf32, #tpu.memory_space<vmem>>) target(%dma_start3A_262 : memref<26738688xf32, #tpu.memory_space<hbm>>) offsets(%dma_start3A_260 : memref<128xi32, #tpu.memory_space<vmem>>) semaphore(%arg10 : memref<!tpu.dma_semaphore, #tpu.memory_space<semaphore_mem>>)
    %dma_start3A_263 = arith.constant 15 : i32
    %dma_start3A_264 = arith.constant 1920 : i32
    %dma_start3A_265 = tpu.memref_slice %arg5[%dma_start3A_264] : memref<16384xf32, #tpu.memory_space<vmem>> -> memref<128xf32, #tpu.memory_space<vmem>>
    %dma_start3A_266 = arith.constant 0 : i32
    %dma_start3A_267 = tpu.memref_slice %arg7[%dma_start3A_263, %dma_start3A_266] : memref<128x128xi32, #tpu.memory_space<vmem>> -> memref<1x128xi32, #tpu.memory_space<vmem>>
    %dma_start3A_268 = tpu.memref_squeeze %dma_start3A_267 : memref<1x128xi32, #tpu.memory_space<vmem>> -> memref<128xi32, #tpu.memory_space<vmem>>
    %dma_start3A_269 = arith.constant 0 : i32
    %dma_start3A_270 = tpu.memref_slice %arg4[%dma_start3A_269] : memref<26738688xf32, #tpu.memory_space<hbm>> -> memref<26738688xf32, #tpu.memory_space<hbm>>
    tpu.enqueue_indirect_dma source(%dma_start3A_265 : memref<128xf32, #tpu.memory_space<vmem>>) target(%dma_start3A_270 : memref<26738688xf32, #tpu.memory_space<hbm>>) offsets(%dma_start3A_268 : memref<128xi32, #tpu.memory_space<vmem>>) semaphore(%arg10 : memref<!tpu.dma_semaphore, #tpu.memory_space<semaphore_mem>>)
    %dma_start3A_271 = arith.constant 16 : i32
    %dma_start3A_272 = arith.constant 2048 : i32
    %dma_start3A_273 = tpu.memref_slice %arg5[%dma_start3A_272] : memref<16384xf32, #tpu.memory_space<vmem>> -> memref<128xf32, #tpu.memory_space<vmem>>
    %dma_start3A_274 = arith.constant 0 : i32
    %dma_start3A_275 = tpu.memref_slice %arg7[%dma_start3A_271, %dma_start3A_274] : memref<128x128xi32, #tpu.memory_space<vmem>> -> memref<1x128xi32, #tpu.memory_space<vmem>>
    %dma_start3A_276 = tpu.memref_squeeze %dma_start3A_275 : memref<1x128xi32, #tpu.memory_space<vmem>> -> memref<128xi32, #tpu.memory_space<vmem>>
    %dma_start3A_277 = arith.constant 0 : i32
    %dma_start3A_278 = tpu.memref_slice %arg4[%dma_start3A_277] : memref<26738688xf32, #tpu.memory_space<hbm>> -> memref<26738688xf32, #tpu.memory_space<hbm>>
    tpu.enqueue_indirect_dma source(%dma_start3A_273 : memref<128xf32, #tpu.memory_space<vmem>>) target(%dma_start3A_278 : memref<26738688xf32, #tpu.memory_space<hbm>>) offsets(%dma_start3A_276 : memref<128xi32, #tpu.memory_space<vmem>>) semaphore(%arg10 : memref<!tpu.dma_semaphore, #tpu.memory_space<semaphore_mem>>)
    %dma_start3A_279 = arith.constant 17 : i32
    %dma_start3A_280 = arith.constant 2176 : i32
    %dma_start3A_281 = tpu.memref_slice %arg5[%dma_start3A_280] : memref<16384xf32, #tpu.memory_space<vmem>> -> memref<128xf32, #tpu.memory_space<vmem>>
    %dma_start3A_282 = arith.constant 0 : i32
    %dma_start3A_283 = tpu.memref_slice %arg7[%dma_start3A_279, %dma_start3A_282] : memref<128x128xi32, #tpu.memory_space<vmem>> -> memref<1x128xi32, #tpu.memory_space<vmem>>
    %dma_start3A_284 = tpu.memref_squeeze %dma_start3A_283 : memref<1x128xi32, #tpu.memory_space<vmem>> -> memref<128xi32, #tpu.memory_space<vmem>>
    %dma_start3A_285 = arith.constant 0 : i32
    %dma_start3A_286 = tpu.memref_slice %arg4[%dma_start3A_285] : memref<26738688xf32, #tpu.memory_space<hbm>> -> memref<26738688xf32, #tpu.memory_space<hbm>>
    tpu.enqueue_indirect_dma source(%dma_start3A_281 : memref<128xf32, #tpu.memory_space<vmem>>) target(%dma_start3A_286 : memref<26738688xf32, #tpu.memory_space<hbm>>) offsets(%dma_start3A_284 : memref<128xi32, #tpu.memory_space<vmem>>) semaphore(%arg10 : memref<!tpu.dma_semaphore, #tpu.memory_space<semaphore_mem>>)
    %dma_start3A_287 = arith.constant 18 : i32
    %dma_start3A_288 = arith.constant 2304 : i32
    %dma_start3A_289 = tpu.memref_slice %arg5[%dma_start3A_288] : memref<16384xf32, #tpu.memory_space<vmem>> -> memref<128xf32, #tpu.memory_space<vmem>>
    %dma_start3A_290 = arith.constant 0 : i32
    %dma_start3A_291 = tpu.memref_slice %arg7[%dma_start3A_287, %dma_start3A_290] : memref<128x128xi32, #tpu.memory_space<vmem>> -> memref<1x128xi32, #tpu.memory_space<vmem>>
    %dma_start3A_292 = tpu.memref_squeeze %dma_start3A_291 : memref<1x128xi32, #tpu.memory_space<vmem>> -> memref<128xi32, #tpu.memory_space<vmem>>
    %dma_start3A_293 = arith.constant 0 : i32
    %dma_start3A_294 = tpu.memref_slice %arg4[%dma_start3A_293] : memref<26738688xf32, #tpu.memory_space<hbm>> -> memref<26738688xf32, #tpu.memory_space<hbm>>
    tpu.enqueue_indirect_dma source(%dma_start3A_289 : memref<128xf32, #tpu.memory_space<vmem>>) target(%dma_start3A_294 : memref<26738688xf32, #tpu.memory_space<hbm>>) offsets(%dma_start3A_292 : memref<128xi32, #tpu.memory_space<vmem>>) semaphore(%arg10 : memref<!tpu.dma_semaphore, #tpu.memory_space<semaphore_mem>>)
    %dma_start3A_295 = arith.constant 19 : i32
    %dma_start3A_296 = arith.constant 2432 : i32
    %dma_start3A_297 = tpu.memref_slice %arg5[%dma_start3A_296] : memref<16384xf32, #tpu.memory_space<vmem>> -> memref<128xf32, #tpu.memory_space<vmem>>
    %dma_start3A_298 = arith.constant 0 : i32
    %dma_start3A_299 = tpu.memref_slice %arg7[%dma_start3A_295, %dma_start3A_298] : memref<128x128xi32, #tpu.memory_space<vmem>> -> memref<1x128xi32, #tpu.memory_space<vmem>>
    %dma_start3A_300 = tpu.memref_squeeze %dma_start3A_299 : memref<1x128xi32, #tpu.memory_space<vmem>> -> memref<128xi32, #tpu.memory_space<vmem>>
    %dma_start3A_301 = arith.constant 0 : i32
    %dma_start3A_302 = tpu.memref_slice %arg4[%dma_start3A_301] : memref<26738688xf32, #tpu.memory_space<hbm>> -> memref<26738688xf32, #tpu.memory_space<hbm>>
    tpu.enqueue_indirect_dma source(%dma_start3A_297 : memref<128xf32, #tpu.memory_space<vmem>>) target(%dma_start3A_302 : memref<26738688xf32, #tpu.memory_space<hbm>>) offsets(%dma_start3A_300 : memref<128xi32, #tpu.memory_space<vmem>>) semaphore(%arg10 : memref<!tpu.dma_semaphore, #tpu.memory_space<semaphore_mem>>)
    %dma_start3A_303 = arith.constant 20 : i32
    %dma_start3A_304 = arith.constant 2560 : i32
    %dma_start3A_305 = tpu.memref_slice %arg5[%dma_start3A_304] : memref<16384xf32, #tpu.memory_space<vmem>> -> memref<128xf32, #tpu.memory_space<vmem>>
    %dma_start3A_306 = arith.constant 0 : i32
    %dma_start3A_307 = tpu.memref_slice %arg7[%dma_start3A_303, %dma_start3A_306] : memref<128x128xi32, #tpu.memory_space<vmem>> -> memref<1x128xi32, #tpu.memory_space<vmem>>
    %dma_start3A_308 = tpu.memref_squeeze %dma_start3A_307 : memref<1x128xi32, #tpu.memory_space<vmem>> -> memref<128xi32, #tpu.memory_space<vmem>>
    %dma_start3A_309 = arith.constant 0 : i32
    %dma_start3A_310 = tpu.memref_slice %arg4[%dma_start3A_309] : memref<26738688xf32, #tpu.memory_space<hbm>> -> memref<26738688xf32, #tpu.memory_space<hbm>>
    tpu.enqueue_indirect_dma source(%dma_start3A_305 : memref<128xf32, #tpu.memory_space<vmem>>) target(%dma_start3A_310 : memref<26738688xf32, #tpu.memory_space<hbm>>) offsets(%dma_start3A_308 : memref<128xi32, #tpu.memory_space<vmem>>) semaphore(%arg10 : memref<!tpu.dma_semaphore, #tpu.memory_space<semaphore_mem>>)
    %dma_start3A_311 = arith.constant 21 : i32
    %dma_start3A_312 = arith.constant 2688 : i32
    %dma_start3A_313 = tpu.memref_slice %arg5[%dma_start3A_312] : memref<16384xf32, #tpu.memory_space<vmem>> -> memref<128xf32, #tpu.memory_space<vmem>>
    %dma_start3A_314 = arith.constant 0 : i32
    %dma_start3A_315 = tpu.memref_slice %arg7[%dma_start3A_311, %dma_start3A_314] : memref<128x128xi32, #tpu.memory_space<vmem>> -> memref<1x128xi32, #tpu.memory_space<vmem>>
    %dma_start3A_316 = tpu.memref_squeeze %dma_start3A_315 : memref<1x128xi32, #tpu.memory_space<vmem>> -> memref<128xi32, #tpu.memory_space<vmem>>
    %dma_start3A_317 = arith.constant 0 : i32
    %dma_start3A_318 = tpu.memref_slice %arg4[%dma_start3A_317] : memref<26738688xf32, #tpu.memory_space<hbm>> -> memref<26738688xf32, #tpu.memory_space<hbm>>
    tpu.enqueue_indirect_dma source(%dma_start3A_313 : memref<128xf32, #tpu.memory_space<vmem>>) target(%dma_start3A_318 : memref<26738688xf32, #tpu.memory_space<hbm>>) offsets(%dma_start3A_316 : memref<128xi32, #tpu.memory_space<vmem>>) semaphore(%arg10 : memref<!tpu.dma_semaphore, #tpu.memory_space<semaphore_mem>>)
    %dma_start3A_319 = arith.constant 22 : i32
    %dma_start3A_320 = arith.constant 2816 : i32
    %dma_start3A_321 = tpu.memref_slice %arg5[%dma_start3A_320] : memref<16384xf32, #tpu.memory_space<vmem>> -> memref<128xf32, #tpu.memory_space<vmem>>
    %dma_start3A_322 = arith.constant 0 : i32
    %dma_start3A_323 = tpu.memref_slice %arg7[%dma_start3A_319, %dma_start3A_322] : memref<128x128xi32, #tpu.memory_space<vmem>> -> memref<1x128xi32, #tpu.memory_space<vmem>>
    %dma_start3A_324 = tpu.memref_squeeze %dma_start3A_323 : memref<1x128xi32, #tpu.memory_space<vmem>> -> memref<128xi32, #tpu.memory_space<vmem>>
    %dma_start3A_325 = arith.constant 0 : i32
    %dma_start3A_326 = tpu.memref_slice %arg4[%dma_start3A_325] : memref<26738688xf32, #tpu.memory_space<hbm>> -> memref<26738688xf32, #tpu.memory_space<hbm>>
    tpu.enqueue_indirect_dma source(%dma_start3A_321 : memref<128xf32, #tpu.memory_space<vmem>>) target(%dma_start3A_326 : memref<26738688xf32, #tpu.memory_space<hbm>>) offsets(%dma_start3A_324 : memref<128xi32, #tpu.memory_space<vmem>>) semaphore(%arg10 : memref<!tpu.dma_semaphore, #tpu.memory_space<semaphore_mem>>)
    %dma_start3A_327 = arith.constant 23 : i32
    %dma_start3A_328 = arith.constant 2944 : i32
    %dma_start3A_329 = tpu.memref_slice %arg5[%dma_start3A_328] : memref<16384xf32, #tpu.memory_space<vmem>> -> memref<128xf32, #tpu.memory_space<vmem>>
    %dma_start3A_330 = arith.constant 0 : i32
    %dma_start3A_331 = tpu.memref_slice %arg7[%dma_start3A_327, %dma_start3A_330] : memref<128x128xi32, #tpu.memory_space<vmem>> -> memref<1x128xi32, #tpu.memory_space<vmem>>
    %dma_start3A_332 = tpu.memref_squeeze %dma_start3A_331 : memref<1x128xi32, #tpu.memory_space<vmem>> -> memref<128xi32, #tpu.memory_space<vmem>>
    %dma_start3A_333 = arith.constant 0 : i32
    %dma_start3A_334 = tpu.memref_slice %arg4[%dma_start3A_333] : memref<26738688xf32, #tpu.memory_space<hbm>> -> memref<26738688xf32, #tpu.memory_space<hbm>>
    tpu.enqueue_indirect_dma source(%dma_start3A_329 : memref<128xf32, #tpu.memory_space<vmem>>) target(%dma_start3A_334 : memref<26738688xf32, #tpu.memory_space<hbm>>) offsets(%dma_start3A_332 : memref<128xi32, #tpu.memory_space<vmem>>) semaphore(%arg10 : memref<!tpu.dma_semaphore, #tpu.memory_space<semaphore_mem>>)
    %dma_start3A_335 = arith.constant 24 : i32
    %dma_start3A_336 = arith.constant 3072 : i32
    %dma_start3A_337 = tpu.memref_slice %arg5[%dma_start3A_336] : memref<16384xf32, #tpu.memory_space<vmem>> -> memref<128xf32, #tpu.memory_space<vmem>>
    %dma_start3A_338 = arith.constant 0 : i32
    %dma_start3A_339 = tpu.memref_slice %arg7[%dma_start3A_335, %dma_start3A_338] : memref<128x128xi32, #tpu.memory_space<vmem>> -> memref<1x128xi32, #tpu.memory_space<vmem>>
    %dma_start3A_340 = tpu.memref_squeeze %dma_start3A_339 : memref<1x128xi32, #tpu.memory_space<vmem>> -> memref<128xi32, #tpu.memory_space<vmem>>
    %dma_start3A_341 = arith.constant 0 : i32
    %dma_start3A_342 = tpu.memref_slice %arg4[%dma_start3A_341] : memref<26738688xf32, #tpu.memory_space<hbm>> -> memref<26738688xf32, #tpu.memory_space<hbm>>
    tpu.enqueue_indirect_dma source(%dma_start3A_337 : memref<128xf32, #tpu.memory_space<vmem>>) target(%dma_start3A_342 : memref<26738688xf32, #tpu.memory_space<hbm>>) offsets(%dma_start3A_340 : memref<128xi32, #tpu.memory_space<vmem>>) semaphore(%arg10 : memref<!tpu.dma_semaphore, #tpu.memory_space<semaphore_mem>>)
    %dma_start3A_343 = arith.constant 25 : i32
    %dma_start3A_344 = arith.constant 3200 : i32
    %dma_start3A_345 = tpu.memref_slice %arg5[%dma_start3A_344] : memref<16384xf32, #tpu.memory_space<vmem>> -> memref<128xf32, #tpu.memory_space<vmem>>
    %dma_start3A_346 = arith.constant 0 : i32
    %dma_start3A_347 = tpu.memref_slice %arg7[%dma_start3A_343, %dma_start3A_346] : memref<128x128xi32, #tpu.memory_space<vmem>> -> memref<1x128xi32, #tpu.memory_space<vmem>>
    %dma_start3A_348 = tpu.memref_squeeze %dma_start3A_347 : memref<1x128xi32, #tpu.memory_space<vmem>> -> memref<128xi32, #tpu.memory_space<vmem>>
    %dma_start3A_349 = arith.constant 0 : i32
    %dma_start3A_350 = tpu.memref_slice %arg4[%dma_start3A_349] : memref<26738688xf32, #tpu.memory_space<hbm>> -> memref<26738688xf32, #tpu.memory_space<hbm>>
    tpu.enqueue_indirect_dma source(%dma_start3A_345 : memref<128xf32, #tpu.memory_space<vmem>>) target(%dma_start3A_350 : memref<26738688xf32, #tpu.memory_space<hbm>>) offsets(%dma_start3A_348 : memref<128xi32, #tpu.memory_space<vmem>>) semaphore(%arg10 : memref<!tpu.dma_semaphore, #tpu.memory_space<semaphore_mem>>)
    %dma_start3A_351 = arith.constant 26 : i32
    %dma_start3A_352 = arith.constant 3328 : i32
    %dma_start3A_353 = tpu.memref_slice %arg5[%dma_start3A_352] : memref<16384xf32, #tpu.memory_space<vmem>> -> memref<128xf32, #tpu.memory_space<vmem>>
    %dma_start3A_354 = arith.constant 0 : i32
    %dma_start3A_355 = tpu.memref_slice %arg7[%dma_start3A_351, %dma_start3A_354] : memref<128x128xi32, #tpu.memory_space<vmem>> -> memref<1x128xi32, #tpu.memory_space<vmem>>
    %dma_start3A_356 = tpu.memref_squeeze %dma_start3A_355 : memref<1x128xi32, #tpu.memory_space<vmem>> -> memref<128xi32, #tpu.memory_space<vmem>>
    %dma_start3A_357 = arith.constant 0 : i32
    %dma_start3A_358 = tpu.memref_slice %arg4[%dma_start3A_357] : memref<26738688xf32, #tpu.memory_space<hbm>> -> memref<26738688xf32, #tpu.memory_space<hbm>>
    tpu.enqueue_indirect_dma source(%dma_start3A_353 : memref<128xf32, #tpu.memory_space<vmem>>) target(%dma_start3A_358 : memref<26738688xf32, #tpu.memory_space<hbm>>) offsets(%dma_start3A_356 : memref<128xi32, #tpu.memory_space<vmem>>) semaphore(%arg10 : memref<!tpu.dma_semaphore, #tpu.memory_space<semaphore_mem>>)
    %dma_start3A_359 = arith.constant 27 : i32
    %dma_start3A_360 = arith.constant 3456 : i32
    %dma_start3A_361 = tpu.memref_slice %arg5[%dma_start3A_360] : memref<16384xf32, #tpu.memory_space<vmem>> -> memref<128xf32, #tpu.memory_space<vmem>>
    %dma_start3A_362 = arith.constant 0 : i32
    %dma_start3A_363 = tpu.memref_slice %arg7[%dma_start3A_359, %dma_start3A_362] : memref<128x128xi32, #tpu.memory_space<vmem>> -> memref<1x128xi32, #tpu.memory_space<vmem>>
    %dma_start3A_364 = tpu.memref_squeeze %dma_start3A_363 : memref<1x128xi32, #tpu.memory_space<vmem>> -> memref<128xi32, #tpu.memory_space<vmem>>
    %dma_start3A_365 = arith.constant 0 : i32
    %dma_start3A_366 = tpu.memref_slice %arg4[%dma_start3A_365] : memref<26738688xf32, #tpu.memory_space<hbm>> -> memref<26738688xf32, #tpu.memory_space<hbm>>
    tpu.enqueue_indirect_dma source(%dma_start3A_361 : memref<128xf32, #tpu.memory_space<vmem>>) target(%dma_start3A_366 : memref<26738688xf32, #tpu.memory_space<hbm>>) offsets(%dma_start3A_364 : memref<128xi32, #tpu.memory_space<vmem>>) semaphore(%arg10 : memref<!tpu.dma_semaphore, #tpu.memory_space<semaphore_mem>>)
    %dma_start3A_367 = arith.constant 28 : i32
    %dma_start3A_368 = arith.constant 3584 : i32
    %dma_start3A_369 = tpu.memref_slice %arg5[%dma_start3A_368] : memref<16384xf32, #tpu.memory_space<vmem>> -> memref<128xf32, #tpu.memory_space<vmem>>
    %dma_start3A_370 = arith.constant 0 : i32
    %dma_start3A_371 = tpu.memref_slice %arg7[%dma_start3A_367, %dma_start3A_370] : memref<128x128xi32, #tpu.memory_space<vmem>> -> memref<1x128xi32, #tpu.memory_space<vmem>>
    %dma_start3A_372 = tpu.memref_squeeze %dma_start3A_371 : memref<1x128xi32, #tpu.memory_space<vmem>> -> memref<128xi32, #tpu.memory_space<vmem>>
    %dma_start3A_373 = arith.constant 0 : i32
    %dma_start3A_374 = tpu.memref_slice %arg4[%dma_start3A_373] : memref<26738688xf32, #tpu.memory_space<hbm>> -> memref<26738688xf32, #tpu.memory_space<hbm>>
    tpu.enqueue_indirect_dma source(%dma_start3A_369 : memref<128xf32, #tpu.memory_space<vmem>>) target(%dma_start3A_374 : memref<26738688xf32, #tpu.memory_space<hbm>>) offsets(%dma_start3A_372 : memref<128xi32, #tpu.memory_space<vmem>>) semaphore(%arg10 : memref<!tpu.dma_semaphore, #tpu.memory_space<semaphore_mem>>)
    %dma_start3A_375 = arith.constant 29 : i32
    %dma_start3A_376 = arith.constant 3712 : i32
    %dma_start3A_377 = tpu.memref_slice %arg5[%dma_start3A_376] : memref<16384xf32, #tpu.memory_space<vmem>> -> memref<128xf32, #tpu.memory_space<vmem>>
    %dma_start3A_378 = arith.constant 0 : i32
    %dma_start3A_379 = tpu.memref_slice %arg7[%dma_start3A_375, %dma_start3A_378] : memref<128x128xi32, #tpu.memory_space<vmem>> -> memref<1x128xi32, #tpu.memory_space<vmem>>
    %dma_start3A_380 = tpu.memref_squeeze %dma_start3A_379 : memref<1x128xi32, #tpu.memory_space<vmem>> -> memref<128xi32, #tpu.memory_space<vmem>>
    %dma_start3A_381 = arith.constant 0 : i32
    %dma_start3A_382 = tpu.memref_slice %arg4[%dma_start3A_381] : memref<26738688xf32, #tpu.memory_space<hbm>> -> memref<26738688xf32, #tpu.memory_space<hbm>>
    tpu.enqueue_indirect_dma source(%dma_start3A_377 : memref<128xf32, #tpu.memory_space<vmem>>) target(%dma_start3A_382 : memref<26738688xf32, #tpu.memory_space<hbm>>) offsets(%dma_start3A_380 : memref<128xi32, #tpu.memory_space<vmem>>) semaphore(%arg10 : memref<!tpu.dma_semaphore, #tpu.memory_space<semaphore_mem>>)
    %dma_start3A_383 = arith.constant 30 : i32
    %dma_start3A_384 = arith.constant 3840 : i32
    %dma_start3A_385 = tpu.memref_slice %arg5[%dma_start3A_384] : memref<16384xf32, #tpu.memory_space<vmem>> -> memref<128xf32, #tpu.memory_space<vmem>>
    %dma_start3A_386 = arith.constant 0 : i32
    %dma_start3A_387 = tpu.memref_slice %arg7[%dma_start3A_383, %dma_start3A_386] : memref<128x128xi32, #tpu.memory_space<vmem>> -> memref<1x128xi32, #tpu.memory_space<vmem>>
    %dma_start3A_388 = tpu.memref_squeeze %dma_start3A_387 : memref<1x128xi32, #tpu.memory_space<vmem>> -> memref<128xi32, #tpu.memory_space<vmem>>
    %dma_start3A_389 = arith.constant 0 : i32
    %dma_start3A_390 = tpu.memref_slice %arg4[%dma_start3A_389] : memref<26738688xf32, #tpu.memory_space<hbm>> -> memref<26738688xf32, #tpu.memory_space<hbm>>
    tpu.enqueue_indirect_dma source(%dma_start3A_385 : memref<128xf32, #tpu.memory_space<vmem>>) target(%dma_start3A_390 : memref<26738688xf32, #tpu.memory_space<hbm>>) offsets(%dma_start3A_388 : memref<128xi32, #tpu.memory_space<vmem>>) semaphore(%arg10 : memref<!tpu.dma_semaphore, #tpu.memory_space<semaphore_mem>>)
    %dma_start3A_391 = arith.constant 31 : i32
    %dma_start3A_392 = arith.constant 3968 : i32
    %dma_start3A_393 = tpu.memref_slice %arg5[%dma_start3A_392] : memref<16384xf32, #tpu.memory_space<vmem>> -> memref<128xf32, #tpu.memory_space<vmem>>
    %dma_start3A_394 = arith.constant 0 : i32
    %dma_start3A_395 = tpu.memref_slice %arg7[%dma_start3A_391, %dma_start3A_394] : memref<128x128xi32, #tpu.memory_space<vmem>> -> memref<1x128xi32, #tpu.memory_space<vmem>>
    %dma_start3A_396 = tpu.memref_squeeze %dma_start3A_395 : memref<1x128xi32, #tpu.memory_space<vmem>> -> memref<128xi32, #tpu.memory_space<vmem>>
    %dma_start3A_397 = arith.constant 0 : i32
    %dma_start3A_398 = tpu.memref_slice %arg4[%dma_start3A_397] : memref<26738688xf32, #tpu.memory_space<hbm>> -> memref<26738688xf32, #tpu.memory_space<hbm>>
    tpu.enqueue_indirect_dma source(%dma_start3A_393 : memref<128xf32, #tpu.memory_space<vmem>>) target(%dma_start3A_398 : memref<26738688xf32, #tpu.memory_space<hbm>>) offsets(%dma_start3A_396 : memref<128xi32, #tpu.memory_space<vmem>>) semaphore(%arg10 : memref<!tpu.dma_semaphore, #tpu.memory_space<semaphore_mem>>)
    %dma_start3A_399 = arith.constant 32 : i32
    %dma_start3A_400 = arith.constant 4096 : i32
    %dma_start3A_401 = tpu.memref_slice %arg5[%dma_start3A_400] : memref<16384xf32, #tpu.memory_space<vmem>> -> memref<128xf32, #tpu.memory_space<vmem>>
    %dma_start3A_402 = arith.constant 0 : i32
    %dma_start3A_403 = tpu.memref_slice %arg7[%dma_start3A_399, %dma_start3A_402] : memref<128x128xi32, #tpu.memory_space<vmem>> -> memref<1x128xi32, #tpu.memory_space<vmem>>
    %dma_start3A_404 = tpu.memref_squeeze %dma_start3A_403 : memref<1x128xi32, #tpu.memory_space<vmem>> -> memref<128xi32, #tpu.memory_space<vmem>>
    %dma_start3A_405 = arith.constant 0 : i32
    %dma_start3A_406 = tpu.memref_slice %arg4[%dma_start3A_405] : memref<26738688xf32, #tpu.memory_space<hbm>> -> memref<26738688xf32, #tpu.memory_space<hbm>>
    tpu.enqueue_indirect_dma source(%dma_start3A_401 : memref<128xf32, #tpu.memory_space<vmem>>) target(%dma_start3A_406 : memref<26738688xf32, #tpu.memory_space<hbm>>) offsets(%dma_start3A_404 : memref<128xi32, #tpu.memory_space<vmem>>) semaphore(%arg10 : memref<!tpu.dma_semaphore, #tpu.memory_space<semaphore_mem>>)
    %dma_start3A_407 = arith.constant 33 : i32
    %dma_start3A_408 = arith.constant 4224 : i32
    %dma_start3A_409 = tpu.memref_slice %arg5[%dma_start3A_408] : memref<16384xf32, #tpu.memory_space<vmem>> -> memref<128xf32, #tpu.memory_space<vmem>>
    %dma_start3A_410 = arith.constant 0 : i32
    %dma_start3A_411 = tpu.memref_slice %arg7[%dma_start3A_407, %dma_start3A_410] : memref<128x128xi32, #tpu.memory_space<vmem>> -> memref<1x128xi32, #tpu.memory_space<vmem>>
    %dma_start3A_412 = tpu.memref_squeeze %dma_start3A_411 : memref<1x128xi32, #tpu.memory_space<vmem>> -> memref<128xi32, #tpu.memory_space<vmem>>
    %dma_start3A_413 = arith.constant 0 : i32
    %dma_start3A_414 = tpu.memref_slice %arg4[%dma_start3A_413] : memref<26738688xf32, #tpu.memory_space<hbm>> -> memref<26738688xf32, #tpu.memory_space<hbm>>
    tpu.enqueue_indirect_dma source(%dma_start3A_409 : memref<128xf32, #tpu.memory_space<vmem>>) target(%dma_start3A_414 : memref<26738688xf32, #tpu.memory_space<hbm>>) offsets(%dma_start3A_412 : memref<128xi32, #tpu.memory_space<vmem>>) semaphore(%arg10 : memref<!tpu.dma_semaphore, #tpu.memory_space<semaphore_mem>>)
    %dma_start3A_415 = arith.constant 34 : i32
    %dma_start3A_416 = arith.constant 4352 : i32
    %dma_start3A_417 = tpu.memref_slice %arg5[%dma_start3A_416] : memref<16384xf32, #tpu.memory_space<vmem>> -> memref<128xf32, #tpu.memory_space<vmem>>
    %dma_start3A_418 = arith.constant 0 : i32
    %dma_start3A_419 = tpu.memref_slice %arg7[%dma_start3A_415, %dma_start3A_418] : memref<128x128xi32, #tpu.memory_space<vmem>> -> memref<1x128xi32, #tpu.memory_space<vmem>>
    %dma_start3A_420 = tpu.memref_squeeze %dma_start3A_419 : memref<1x128xi32, #tpu.memory_space<vmem>> -> memref<128xi32, #tpu.memory_space<vmem>>
    %dma_start3A_421 = arith.constant 0 : i32
    %dma_start3A_422 = tpu.memref_slice %arg4[%dma_start3A_421] : memref<26738688xf32, #tpu.memory_space<hbm>> -> memref<26738688xf32, #tpu.memory_space<hbm>>
    tpu.enqueue_indirect_dma source(%dma_start3A_417 : memref<128xf32, #tpu.memory_space<vmem>>) target(%dma_start3A_422 : memref<26738688xf32, #tpu.memory_space<hbm>>) offsets(%dma_start3A_420 : memref<128xi32, #tpu.memory_space<vmem>>) semaphore(%arg10 : memref<!tpu.dma_semaphore, #tpu.memory_space<semaphore_mem>>)
    %dma_start3A_423 = arith.constant 35 : i32
    %dma_start3A_424 = arith.constant 4480 : i32
    %dma_start3A_425 = tpu.memref_slice %arg5[%dma_start3A_424] : memref<16384xf32, #tpu.memory_space<vmem>> -> memref<128xf32, #tpu.memory_space<vmem>>
    %dma_start3A_426 = arith.constant 0 : i32
    %dma_start3A_427 = tpu.memref_slice %arg7[%dma_start3A_423, %dma_start3A_426] : memref<128x128xi32, #tpu.memory_space<vmem>> -> memref<1x128xi32, #tpu.memory_space<vmem>>
    %dma_start3A_428 = tpu.memref_squeeze %dma_start3A_427 : memref<1x128xi32, #tpu.memory_space<vmem>> -> memref<128xi32, #tpu.memory_space<vmem>>
    %dma_start3A_429 = arith.constant 0 : i32
    %dma_start3A_430 = tpu.memref_slice %arg4[%dma_start3A_429] : memref<26738688xf32, #tpu.memory_space<hbm>> -> memref<26738688xf32, #tpu.memory_space<hbm>>
    tpu.enqueue_indirect_dma source(%dma_start3A_425 : memref<128xf32, #tpu.memory_space<vmem>>) target(%dma_start3A_430 : memref<26738688xf32, #tpu.memory_space<hbm>>) offsets(%dma_start3A_428 : memref<128xi32, #tpu.memory_space<vmem>>) semaphore(%arg10 : memref<!tpu.dma_semaphore, #tpu.memory_space<semaphore_mem>>)
    %dma_start3A_431 = arith.constant 36 : i32
    %dma_start3A_432 = arith.constant 4608 : i32
    %dma_start3A_433 = tpu.memref_slice %arg5[%dma_start3A_432] : memref<16384xf32, #tpu.memory_space<vmem>> -> memref<128xf32, #tpu.memory_space<vmem>>
    %dma_start3A_434 = arith.constant 0 : i32
    %dma_start3A_435 = tpu.memref_slice %arg7[%dma_start3A_431, %dma_start3A_434] : memref<128x128xi32, #tpu.memory_space<vmem>> -> memref<1x128xi32, #tpu.memory_space<vmem>>
    %dma_start3A_436 = tpu.memref_squeeze %dma_start3A_435 : memref<1x128xi32, #tpu.memory_space<vmem>> -> memref<128xi32, #tpu.memory_space<vmem>>
    %dma_start3A_437 = arith.constant 0 : i32
    %dma_start3A_438 = tpu.memref_slice %arg4[%dma_start3A_437] : memref<26738688xf32, #tpu.memory_space<hbm>> -> memref<26738688xf32, #tpu.memory_space<hbm>>
    tpu.enqueue_indirect_dma source(%dma_start3A_433 : memref<128xf32, #tpu.memory_space<vmem>>) target(%dma_start3A_438 : memref<26738688xf32, #tpu.memory_space<hbm>>) offsets(%dma_start3A_436 : memref<128xi32, #tpu.memory_space<vmem>>) semaphore(%arg10 : memref<!tpu.dma_semaphore, #tpu.memory_space<semaphore_mem>>)
    %dma_start3A_439 = arith.constant 37 : i32
    %dma_start3A_440 = arith.constant 4736 : i32
    %dma_start3A_441 = tpu.memref_slice %arg5[%dma_start3A_440] : memref<16384xf32, #tpu.memory_space<vmem>> -> memref<128xf32, #tpu.memory_space<vmem>>
    %dma_start3A_442 = arith.constant 0 : i32
    %dma_start3A_443 = tpu.memref_slice %arg7[%dma_start3A_439, %dma_start3A_442] : memref<128x128xi32, #tpu.memory_space<vmem>> -> memref<1x128xi32, #tpu.memory_space<vmem>>
    %dma_start3A_444 = tpu.memref_squeeze %dma_start3A_443 : memref<1x128xi32, #tpu.memory_space<vmem>> -> memref<128xi32, #tpu.memory_space<vmem>>
    %dma_start3A_445 = arith.constant 0 : i32
    %dma_start3A_446 = tpu.memref_slice %arg4[%dma_start3A_445] : memref<26738688xf32, #tpu.memory_space<hbm>> -> memref<26738688xf32, #tpu.memory_space<hbm>>
    tpu.enqueue_indirect_dma source(%dma_start3A_441 : memref<128xf32, #tpu.memory_space<vmem>>) target(%dma_start3A_446 : memref<26738688xf32, #tpu.memory_space<hbm>>) offsets(%dma_start3A_444 : memref<128xi32, #tpu.memory_space<vmem>>) semaphore(%arg10 : memref<!tpu.dma_semaphore, #tpu.memory_space<semaphore_mem>>)
    %dma_start3A_447 = arith.constant 38 : i32
    %dma_start3A_448 = arith.constant 4864 : i32
    %dma_start3A_449 = tpu.memref_slice %arg5[%dma_start3A_448] : memref<16384xf32, #tpu.memory_space<vmem>> -> memref<128xf32, #tpu.memory_space<vmem>>
    %dma_start3A_450 = arith.constant 0 : i32
    %dma_start3A_451 = tpu.memref_slice %arg7[%dma_start3A_447, %dma_start3A_450] : memref<128x128xi32, #tpu.memory_space<vmem>> -> memref<1x128xi32, #tpu.memory_space<vmem>>
    %dma_start3A_452 = tpu.memref_squeeze %dma_start3A_451 : memref<1x128xi32, #tpu.memory_space<vmem>> -> memref<128xi32, #tpu.memory_space<vmem>>
    %dma_start3A_453 = arith.constant 0 : i32
    %dma_start3A_454 = tpu.memref_slice %arg4[%dma_start3A_453] : memref<26738688xf32, #tpu.memory_space<hbm>> -> memref<26738688xf32, #tpu.memory_space<hbm>>
    tpu.enqueue_indirect_dma source(%dma_start3A_449 : memref<128xf32, #tpu.memory_space<vmem>>) target(%dma_start3A_454 : memref<26738688xf32, #tpu.memory_space<hbm>>) offsets(%dma_start3A_452 : memref<128xi32, #tpu.memory_space<vmem>>) semaphore(%arg10 : memref<!tpu.dma_semaphore, #tpu.memory_space<semaphore_mem>>)
    %dma_start3A_455 = arith.constant 39 : i32
    %dma_start3A_456 = arith.constant 4992 : i32
    %dma_start3A_457 = tpu.memref_slice %arg5[%dma_start3A_456] : memref<16384xf32, #tpu.memory_space<vmem>> -> memref<128xf32, #tpu.memory_space<vmem>>
    %dma_start3A_458 = arith.constant 0 : i32
    %dma_start3A_459 = tpu.memref_slice %arg7[%dma_start3A_455, %dma_start3A_458] : memref<128x128xi32, #tpu.memory_space<vmem>> -> memref<1x128xi32, #tpu.memory_space<vmem>>
    %dma_start3A_460 = tpu.memref_squeeze %dma_start3A_459 : memref<1x128xi32, #tpu.memory_space<vmem>> -> memref<128xi32, #tpu.memory_space<vmem>>
    %dma_start3A_461 = arith.constant 0 : i32
    %dma_start3A_462 = tpu.memref_slice %arg4[%dma_start3A_461] : memref<26738688xf32, #tpu.memory_space<hbm>> -> memref<26738688xf32, #tpu.memory_space<hbm>>
    tpu.enqueue_indirect_dma source(%dma_start3A_457 : memref<128xf32, #tpu.memory_space<vmem>>) target(%dma_start3A_462 : memref<26738688xf32, #tpu.memory_space<hbm>>) offsets(%dma_start3A_460 : memref<128xi32, #tpu.memory_space<vmem>>) semaphore(%arg10 : memref<!tpu.dma_semaphore, #tpu.memory_space<semaphore_mem>>)
    %dma_start3A_463 = arith.constant 40 : i32
    %dma_start3A_464 = arith.constant 5120 : i32
    %dma_start3A_465 = tpu.memref_slice %arg5[%dma_start3A_464] : memref<16384xf32, #tpu.memory_space<vmem>> -> memref<128xf32, #tpu.memory_space<vmem>>
    %dma_start3A_466 = arith.constant 0 : i32
    %dma_start3A_467 = tpu.memref_slice %arg7[%dma_start3A_463, %dma_start3A_466] : memref<128x128xi32, #tpu.memory_space<vmem>> -> memref<1x128xi32, #tpu.memory_space<vmem>>
    %dma_start3A_468 = tpu.memref_squeeze %dma_start3A_467 : memref<1x128xi32, #tpu.memory_space<vmem>> -> memref<128xi32, #tpu.memory_space<vmem>>
    %dma_start3A_469 = arith.constant 0 : i32
    %dma_start3A_470 = tpu.memref_slice %arg4[%dma_start3A_469] : memref<26738688xf32, #tpu.memory_space<hbm>> -> memref<26738688xf32, #tpu.memory_space<hbm>>
    tpu.enqueue_indirect_dma source(%dma_start3A_465 : memref<128xf32, #tpu.memory_space<vmem>>) target(%dma_start3A_470 : memref<26738688xf32, #tpu.memory_space<hbm>>) offsets(%dma_start3A_468 : memref<128xi32, #tpu.memory_space<vmem>>) semaphore(%arg10 : memref<!tpu.dma_semaphore, #tpu.memory_space<semaphore_mem>>)
    %dma_start3A_471 = arith.constant 41 : i32
    %dma_start3A_472 = arith.constant 5248 : i32
    %dma_start3A_473 = tpu.memref_slice %arg5[%dma_start3A_472] : memref<16384xf32, #tpu.memory_space<vmem>> -> memref<128xf32, #tpu.memory_space<vmem>>
    %dma_start3A_474 = arith.constant 0 : i32
    %dma_start3A_475 = tpu.memref_slice %arg7[%dma_start3A_471, %dma_start3A_474] : memref<128x128xi32, #tpu.memory_space<vmem>> -> memref<1x128xi32, #tpu.memory_space<vmem>>
    %dma_start3A_476 = tpu.memref_squeeze %dma_start3A_475 : memref<1x128xi32, #tpu.memory_space<vmem>> -> memref<128xi32, #tpu.memory_space<vmem>>
    %dma_start3A_477 = arith.constant 0 : i32
    %dma_start3A_478 = tpu.memref_slice %arg4[%dma_start3A_477] : memref<26738688xf32, #tpu.memory_space<hbm>> -> memref<26738688xf32, #tpu.memory_space<hbm>>
    tpu.enqueue_indirect_dma source(%dma_start3A_473 : memref<128xf32, #tpu.memory_space<vmem>>) target(%dma_start3A_478 : memref<26738688xf32, #tpu.memory_space<hbm>>) offsets(%dma_start3A_476 : memref<128xi32, #tpu.memory_space<vmem>>) semaphore(%arg10 : memref<!tpu.dma_semaphore, #tpu.memory_space<semaphore_mem>>)
    %dma_start3A_479 = arith.constant 42 : i32
    %dma_start3A_480 = arith.constant 5376 : i32
    %dma_start3A_481 = tpu.memref_slice %arg5[%dma_start3A_480] : memref<16384xf32, #tpu.memory_space<vmem>> -> memref<128xf32, #tpu.memory_space<vmem>>
    %dma_start3A_482 = arith.constant 0 : i32
    %dma_start3A_483 = tpu.memref_slice %arg7[%dma_start3A_479, %dma_start3A_482] : memref<128x128xi32, #tpu.memory_space<vmem>> -> memref<1x128xi32, #tpu.memory_space<vmem>>
    %dma_start3A_484 = tpu.memref_squeeze %dma_start3A_483 : memref<1x128xi32, #tpu.memory_space<vmem>> -> memref<128xi32, #tpu.memory_space<vmem>>
    %dma_start3A_485 = arith.constant 0 : i32
    %dma_start3A_486 = tpu.memref_slice %arg4[%dma_start3A_485] : memref<26738688xf32, #tpu.memory_space<hbm>> -> memref<26738688xf32, #tpu.memory_space<hbm>>
    tpu.enqueue_indirect_dma source(%dma_start3A_481 : memref<128xf32, #tpu.memory_space<vmem>>) target(%dma_start3A_486 : memref<26738688xf32, #tpu.memory_space<hbm>>) offsets(%dma_start3A_484 : memref<128xi32, #tpu.memory_space<vmem>>) semaphore(%arg10 : memref<!tpu.dma_semaphore, #tpu.memory_space<semaphore_mem>>)
    %dma_start3A_487 = arith.constant 43 : i32
    %dma_start3A_488 = arith.constant 5504 : i32
    %dma_start3A_489 = tpu.memref_slice %arg5[%dma_start3A_488] : memref<16384xf32, #tpu.memory_space<vmem>> -> memref<128xf32, #tpu.memory_space<vmem>>
    %dma_start3A_490 = arith.constant 0 : i32
    %dma_start3A_491 = tpu.memref_slice %arg7[%dma_start3A_487, %dma_start3A_490] : memref<128x128xi32, #tpu.memory_space<vmem>> -> memref<1x128xi32, #tpu.memory_space<vmem>>
    %dma_start3A_492 = tpu.memref_squeeze %dma_start3A_491 : memref<1x128xi32, #tpu.memory_space<vmem>> -> memref<128xi32, #tpu.memory_space<vmem>>
    %dma_start3A_493 = arith.constant 0 : i32
    %dma_start3A_494 = tpu.memref_slice %arg4[%dma_start3A_493] : memref<26738688xf32, #tpu.memory_space<hbm>> -> memref<26738688xf32, #tpu.memory_space<hbm>>
    tpu.enqueue_indirect_dma source(%dma_start3A_489 : memref<128xf32, #tpu.memory_space<vmem>>) target(%dma_start3A_494 : memref<26738688xf32, #tpu.memory_space<hbm>>) offsets(%dma_start3A_492 : memref<128xi32, #tpu.memory_space<vmem>>) semaphore(%arg10 : memref<!tpu.dma_semaphore, #tpu.memory_space<semaphore_mem>>)
    %dma_start3A_495 = arith.constant 44 : i32
    %dma_start3A_496 = arith.constant 5632 : i32
    %dma_start3A_497 = tpu.memref_slice %arg5[%dma_start3A_496] : memref<16384xf32, #tpu.memory_space<vmem>> -> memref<128xf32, #tpu.memory_space<vmem>>
    %dma_start3A_498 = arith.constant 0 : i32
    %dma_start3A_499 = tpu.memref_slice %arg7[%dma_start3A_495, %dma_start3A_498] : memref<128x128xi32, #tpu.memory_space<vmem>> -> memref<1x128xi32, #tpu.memory_space<vmem>>
    %dma_start3A_500 = tpu.memref_squeeze %dma_start3A_499 : memref<1x128xi32, #tpu.memory_space<vmem>> -> memref<128xi32, #tpu.memory_space<vmem>>
    %dma_start3A_501 = arith.constant 0 : i32
    %dma_start3A_502 = tpu.memref_slice %arg4[%dma_start3A_501] : memref<26738688xf32, #tpu.memory_space<hbm>> -> memref<26738688xf32, #tpu.memory_space<hbm>>
    tpu.enqueue_indirect_dma source(%dma_start3A_497 : memref<128xf32, #tpu.memory_space<vmem>>) target(%dma_start3A_502 : memref<26738688xf32, #tpu.memory_space<hbm>>) offsets(%dma_start3A_500 : memref<128xi32, #tpu.memory_space<vmem>>) semaphore(%arg10 : memref<!tpu.dma_semaphore, #tpu.memory_space<semaphore_mem>>)
    %dma_start3A_503 = arith.constant 45 : i32
    %dma_start3A_504 = arith.constant 5760 : i32
    %dma_start3A_505 = tpu.memref_slice %arg5[%dma_start3A_504] : memref<16384xf32, #tpu.memory_space<vmem>> -> memref<128xf32, #tpu.memory_space<vmem>>
    %dma_start3A_506 = arith.constant 0 : i32
    %dma_start3A_507 = tpu.memref_slice %arg7[%dma_start3A_503, %dma_start3A_506] : memref<128x128xi32, #tpu.memory_space<vmem>> -> memref<1x128xi32, #tpu.memory_space<vmem>>
    %dma_start3A_508 = tpu.memref_squeeze %dma_start3A_507 : memref<1x128xi32, #tpu.memory_space<vmem>> -> memref<128xi32, #tpu.memory_space<vmem>>
    %dma_start3A_509 = arith.constant 0 : i32
    %dma_start3A_510 = tpu.memref_slice %arg4[%dma_start3A_509] : memref<26738688xf32, #tpu.memory_space<hbm>> -> memref<26738688xf32, #tpu.memory_space<hbm>>
    tpu.enqueue_indirect_dma source(%dma_start3A_505 : memref<128xf32, #tpu.memory_space<vmem>>) target(%dma_start3A_510 : memref<26738688xf32, #tpu.memory_space<hbm>>) offsets(%dma_start3A_508 : memref<128xi32, #tpu.memory_space<vmem>>) semaphore(%arg10 : memref<!tpu.dma_semaphore, #tpu.memory_space<semaphore_mem>>)
    %dma_start3A_511 = arith.constant 46 : i32
    %dma_start3A_512 = arith.constant 5888 : i32
    %dma_start3A_513 = tpu.memref_slice %arg5[%dma_start3A_512] : memref<16384xf32, #tpu.memory_space<vmem>> -> memref<128xf32, #tpu.memory_space<vmem>>
    %dma_start3A_514 = arith.constant 0 : i32
    %dma_start3A_515 = tpu.memref_slice %arg7[%dma_start3A_511, %dma_start3A_514] : memref<128x128xi32, #tpu.memory_space<vmem>> -> memref<1x128xi32, #tpu.memory_space<vmem>>
    %dma_start3A_516 = tpu.memref_squeeze %dma_start3A_515 : memref<1x128xi32, #tpu.memory_space<vmem>> -> memref<128xi32, #tpu.memory_space<vmem>>
    %dma_start3A_517 = arith.constant 0 : i32
    %dma_start3A_518 = tpu.memref_slice %arg4[%dma_start3A_517] : memref<26738688xf32, #tpu.memory_space<hbm>> -> memref<26738688xf32, #tpu.memory_space<hbm>>
    tpu.enqueue_indirect_dma source(%dma_start3A_513 : memref<128xf32, #tpu.memory_space<vmem>>) target(%dma_start3A_518 : memref<26738688xf32, #tpu.memory_space<hbm>>) offsets(%dma_start3A_516 : memref<128xi32, #tpu.memory_space<vmem>>) semaphore(%arg10 : memref<!tpu.dma_semaphore, #tpu.memory_space<semaphore_mem>>)
    %dma_start3A_519 = arith.constant 47 : i32
    %dma_start3A_520 = arith.constant 6016 : i32
    %dma_start3A_521 = tpu.memref_slice %arg5[%dma_start3A_520] : memref<16384xf32, #tpu.memory_space<vmem>> -> memref<128xf32, #tpu.memory_space<vmem>>
    %dma_start3A_522 = arith.constant 0 : i32
    %dma_start3A_523 = tpu.memref_slice %arg7[%dma_start3A_519, %dma_start3A_522] : memref<128x128xi32, #tpu.memory_space<vmem>> -> memref<1x128xi32, #tpu.memory_space<vmem>>
    %dma_start3A_524 = tpu.memref_squeeze %dma_start3A_523 : memref<1x128xi32, #tpu.memory_space<vmem>> -> memref<128xi32, #tpu.memory_space<vmem>>
    %dma_start3A_525 = arith.constant 0 : i32
    %dma_start3A_526 = tpu.memref_slice %arg4[%dma_start3A_525] : memref<26738688xf32, #tpu.memory_space<hbm>> -> memref<26738688xf32, #tpu.memory_space<hbm>>
    tpu.enqueue_indirect_dma source(%dma_start3A_521 : memref<128xf32, #tpu.memory_space<vmem>>) target(%dma_start3A_526 : memref<26738688xf32, #tpu.memory_space<hbm>>) offsets(%dma_start3A_524 : memref<128xi32, #tpu.memory_space<vmem>>) semaphore(%arg10 : memref<!tpu.dma_semaphore, #tpu.memory_space<semaphore_mem>>)
    %dma_start3A_527 = arith.constant 48 : i32
    %dma_start3A_528 = arith.constant 6144 : i32
    %dma_start3A_529 = tpu.memref_slice %arg5[%dma_start3A_528] : memref<16384xf32, #tpu.memory_space<vmem>> -> memref<128xf32, #tpu.memory_space<vmem>>
    %dma_start3A_530 = arith.constant 0 : i32
    %dma_start3A_531 = tpu.memref_slice %arg7[%dma_start3A_527, %dma_start3A_530] : memref<128x128xi32, #tpu.memory_space<vmem>> -> memref<1x128xi32, #tpu.memory_space<vmem>>
    %dma_start3A_532 = tpu.memref_squeeze %dma_start3A_531 : memref<1x128xi32, #tpu.memory_space<vmem>> -> memref<128xi32, #tpu.memory_space<vmem>>
    %dma_start3A_533 = arith.constant 0 : i32
    %dma_start3A_534 = tpu.memref_slice %arg4[%dma_start3A_533] : memref<26738688xf32, #tpu.memory_space<hbm>> -> memref<26738688xf32, #tpu.memory_space<hbm>>
    tpu.enqueue_indirect_dma source(%dma_start3A_529 : memref<128xf32, #tpu.memory_space<vmem>>) target(%dma_start3A_534 : memref<26738688xf32, #tpu.memory_space<hbm>>) offsets(%dma_start3A_532 : memref<128xi32, #tpu.memory_space<vmem>>) semaphore(%arg10 : memref<!tpu.dma_semaphore, #tpu.memory_space<semaphore_mem>>)
    %dma_start3A_535 = arith.constant 49 : i32
    %dma_start3A_536 = arith.constant 6272 : i32
    %dma_start3A_537 = tpu.memref_slice %arg5[%dma_start3A_536] : memref<16384xf32, #tpu.memory_space<vmem>> -> memref<128xf32, #tpu.memory_space<vmem>>
    %dma_start3A_538 = arith.constant 0 : i32
    %dma_start3A_539 = tpu.memref_slice %arg7[%dma_start3A_535, %dma_start3A_538] : memref<128x128xi32, #tpu.memory_space<vmem>> -> memref<1x128xi32, #tpu.memory_space<vmem>>
    %dma_start3A_540 = tpu.memref_squeeze %dma_start3A_539 : memref<1x128xi32, #tpu.memory_space<vmem>> -> memref<128xi32, #tpu.memory_space<vmem>>
    %dma_start3A_541 = arith.constant 0 : i32
    %dma_start3A_542 = tpu.memref_slice %arg4[%dma_start3A_541] : memref<26738688xf32, #tpu.memory_space<hbm>> -> memref<26738688xf32, #tpu.memory_space<hbm>>
    tpu.enqueue_indirect_dma source(%dma_start3A_537 : memref<128xf32, #tpu.memory_space<vmem>>) target(%dma_start3A_542 : memref<26738688xf32, #tpu.memory_space<hbm>>) offsets(%dma_start3A_540 : memref<128xi32, #tpu.memory_space<vmem>>) semaphore(%arg10 : memref<!tpu.dma_semaphore, #tpu.memory_space<semaphore_mem>>)
    %dma_start3A_543 = arith.constant 50 : i32
    %dma_start3A_544 = arith.constant 6400 : i32
    %dma_start3A_545 = tpu.memref_slice %arg5[%dma_start3A_544] : memref<16384xf32, #tpu.memory_space<vmem>> -> memref<128xf32, #tpu.memory_space<vmem>>
    %dma_start3A_546 = arith.constant 0 : i32
    %dma_start3A_547 = tpu.memref_slice %arg7[%dma_start3A_543, %dma_start3A_546] : memref<128x128xi32, #tpu.memory_space<vmem>> -> memref<1x128xi32, #tpu.memory_space<vmem>>
    %dma_start3A_548 = tpu.memref_squeeze %dma_start3A_547 : memref<1x128xi32, #tpu.memory_space<vmem>> -> memref<128xi32, #tpu.memory_space<vmem>>
    %dma_start3A_549 = arith.constant 0 : i32
    %dma_start3A_550 = tpu.memref_slice %arg4[%dma_start3A_549] : memref<26738688xf32, #tpu.memory_space<hbm>> -> memref<26738688xf32, #tpu.memory_space<hbm>>
    tpu.enqueue_indirect_dma source(%dma_start3A_545 : memref<128xf32, #tpu.memory_space<vmem>>) target(%dma_start3A_550 : memref<26738688xf32, #tpu.memory_space<hbm>>) offsets(%dma_start3A_548 : memref<128xi32, #tpu.memory_space<vmem>>) semaphore(%arg10 : memref<!tpu.dma_semaphore, #tpu.memory_space<semaphore_mem>>)
    %dma_start3A_551 = arith.constant 51 : i32
    %dma_start3A_552 = arith.constant 6528 : i32
    %dma_start3A_553 = tpu.memref_slice %arg5[%dma_start3A_552] : memref<16384xf32, #tpu.memory_space<vmem>> -> memref<128xf32, #tpu.memory_space<vmem>>
    %dma_start3A_554 = arith.constant 0 : i32
    %dma_start3A_555 = tpu.memref_slice %arg7[%dma_start3A_551, %dma_start3A_554] : memref<128x128xi32, #tpu.memory_space<vmem>> -> memref<1x128xi32, #tpu.memory_space<vmem>>
    %dma_start3A_556 = tpu.memref_squeeze %dma_start3A_555 : memref<1x128xi32, #tpu.memory_space<vmem>> -> memref<128xi32, #tpu.memory_space<vmem>>
    %dma_start3A_557 = arith.constant 0 : i32
    %dma_start3A_558 = tpu.memref_slice %arg4[%dma_start3A_557] : memref<26738688xf32, #tpu.memory_space<hbm>> -> memref<26738688xf32, #tpu.memory_space<hbm>>
    tpu.enqueue_indirect_dma source(%dma_start3A_553 : memref<128xf32, #tpu.memory_space<vmem>>) target(%dma_start3A_558 : memref<26738688xf32, #tpu.memory_space<hbm>>) offsets(%dma_start3A_556 : memref<128xi32, #tpu.memory_space<vmem>>) semaphore(%arg10 : memref<!tpu.dma_semaphore, #tpu.memory_space<semaphore_mem>>)
    %dma_start3A_559 = arith.constant 52 : i32
    %dma_start3A_560 = arith.constant 6656 : i32
    %dma_start3A_561 = tpu.memref_slice %arg5[%dma_start3A_560] : memref<16384xf32, #tpu.memory_space<vmem>> -> memref<128xf32, #tpu.memory_space<vmem>>
    %dma_start3A_562 = arith.constant 0 : i32
    %dma_start3A_563 = tpu.memref_slice %arg7[%dma_start3A_559, %dma_start3A_562] : memref<128x128xi32, #tpu.memory_space<vmem>> -> memref<1x128xi32, #tpu.memory_space<vmem>>
    %dma_start3A_564 = tpu.memref_squeeze %dma_start3A_563 : memref<1x128xi32, #tpu.memory_space<vmem>> -> memref<128xi32, #tpu.memory_space<vmem>>
    %dma_start3A_565 = arith.constant 0 : i32
    %dma_start3A_566 = tpu.memref_slice %arg4[%dma_start3A_565] : memref<26738688xf32, #tpu.memory_space<hbm>> -> memref<26738688xf32, #tpu.memory_space<hbm>>
    tpu.enqueue_indirect_dma source(%dma_start3A_561 : memref<128xf32, #tpu.memory_space<vmem>>) target(%dma_start3A_566 : memref<26738688xf32, #tpu.memory_space<hbm>>) offsets(%dma_start3A_564 : memref<128xi32, #tpu.memory_space<vmem>>) semaphore(%arg10 : memref<!tpu.dma_semaphore, #tpu.memory_space<semaphore_mem>>)
    %dma_start3A_567 = arith.constant 53 : i32
    %dma_start3A_568 = arith.constant 6784 : i32
    %dma_start3A_569 = tpu.memref_slice %arg5[%dma_start3A_568] : memref<16384xf32, #tpu.memory_space<vmem>> -> memref<128xf32, #tpu.memory_space<vmem>>
    %dma_start3A_570 = arith.constant 0 : i32
    %dma_start3A_571 = tpu.memref_slice %arg7[%dma_start3A_567, %dma_start3A_570] : memref<128x128xi32, #tpu.memory_space<vmem>> -> memref<1x128xi32, #tpu.memory_space<vmem>>
    %dma_start3A_572 = tpu.memref_squeeze %dma_start3A_571 : memref<1x128xi32, #tpu.memory_space<vmem>> -> memref<128xi32, #tpu.memory_space<vmem>>
    %dma_start3A_573 = arith.constant 0 : i32
    %dma_start3A_574 = tpu.memref_slice %arg4[%dma_start3A_573] : memref<26738688xf32, #tpu.memory_space<hbm>> -> memref<26738688xf32, #tpu.memory_space<hbm>>
    tpu.enqueue_indirect_dma source(%dma_start3A_569 : memref<128xf32, #tpu.memory_space<vmem>>) target(%dma_start3A_574 : memref<26738688xf32, #tpu.memory_space<hbm>>) offsets(%dma_start3A_572 : memref<128xi32, #tpu.memory_space<vmem>>) semaphore(%arg10 : memref<!tpu.dma_semaphore, #tpu.memory_space<semaphore_mem>>)
    %dma_start3A_575 = arith.constant 54 : i32
    %dma_start3A_576 = arith.constant 6912 : i32
    %dma_start3A_577 = tpu.memref_slice %arg5[%dma_start3A_576] : memref<16384xf32, #tpu.memory_space<vmem>> -> memref<128xf32, #tpu.memory_space<vmem>>
    %dma_start3A_578 = arith.constant 0 : i32
    %dma_start3A_579 = tpu.memref_slice %arg7[%dma_start3A_575, %dma_start3A_578] : memref<128x128xi32, #tpu.memory_space<vmem>> -> memref<1x128xi32, #tpu.memory_space<vmem>>
    %dma_start3A_580 = tpu.memref_squeeze %dma_start3A_579 : memref<1x128xi32, #tpu.memory_space<vmem>> -> memref<128xi32, #tpu.memory_space<vmem>>
    %dma_start3A_581 = arith.constant 0 : i32
    %dma_start3A_582 = tpu.memref_slice %arg4[%dma_start3A_581] : memref<26738688xf32, #tpu.memory_space<hbm>> -> memref<26738688xf32, #tpu.memory_space<hbm>>
    tpu.enqueue_indirect_dma source(%dma_start3A_577 : memref<128xf32, #tpu.memory_space<vmem>>) target(%dma_start3A_582 : memref<26738688xf32, #tpu.memory_space<hbm>>) offsets(%dma_start3A_580 : memref<128xi32, #tpu.memory_space<vmem>>) semaphore(%arg10 : memref<!tpu.dma_semaphore, #tpu.memory_space<semaphore_mem>>)
    %dma_start3A_583 = arith.constant 55 : i32
    %dma_start3A_584 = arith.constant 7040 : i32
    %dma_start3A_585 = tpu.memref_slice %arg5[%dma_start3A_584] : memref<16384xf32, #tpu.memory_space<vmem>> -> memref<128xf32, #tpu.memory_space<vmem>>
    %dma_start3A_586 = arith.constant 0 : i32
    %dma_start3A_587 = tpu.memref_slice %arg7[%dma_start3A_583, %dma_start3A_586] : memref<128x128xi32, #tpu.memory_space<vmem>> -> memref<1x128xi32, #tpu.memory_space<vmem>>
    %dma_start3A_588 = tpu.memref_squeeze %dma_start3A_587 : memref<1x128xi32, #tpu.memory_space<vmem>> -> memref<128xi32, #tpu.memory_space<vmem>>
    %dma_start3A_589 = arith.constant 0 : i32
    %dma_start3A_590 = tpu.memref_slice %arg4[%dma_start3A_589] : memref<26738688xf32, #tpu.memory_space<hbm>> -> memref<26738688xf32, #tpu.memory_space<hbm>>
    tpu.enqueue_indirect_dma source(%dma_start3A_585 : memref<128xf32, #tpu.memory_space<vmem>>) target(%dma_start3A_590 : memref<26738688xf32, #tpu.memory_space<hbm>>) offsets(%dma_start3A_588 : memref<128xi32, #tpu.memory_space<vmem>>) semaphore(%arg10 : memref<!tpu.dma_semaphore, #tpu.memory_space<semaphore_mem>>)
    %dma_start3A_591 = arith.constant 56 : i32
    %dma_start3A_592 = arith.constant 7168 : i32
    %dma_start3A_593 = tpu.memref_slice %arg5[%dma_start3A_592] : memref<16384xf32, #tpu.memory_space<vmem>> -> memref<128xf32, #tpu.memory_space<vmem>>
    %dma_start3A_594 = arith.constant 0 : i32
    %dma_start3A_595 = tpu.memref_slice %arg7[%dma_start3A_591, %dma_start3A_594] : memref<128x128xi32, #tpu.memory_space<vmem>> -> memref<1x128xi32, #tpu.memory_space<vmem>>
    %dma_start3A_596 = tpu.memref_squeeze %dma_start3A_595 : memref<1x128xi32, #tpu.memory_space<vmem>> -> memref<128xi32, #tpu.memory_space<vmem>>
    %dma_start3A_597 = arith.constant 0 : i32
    %dma_start3A_598 = tpu.memref_slice %arg4[%dma_start3A_597] : memref<26738688xf32, #tpu.memory_space<hbm>> -> memref<26738688xf32, #tpu.memory_space<hbm>>
    tpu.enqueue_indirect_dma source(%dma_start3A_593 : memref<128xf32, #tpu.memory_space<vmem>>) target(%dma_start3A_598 : memref<26738688xf32, #tpu.memory_space<hbm>>) offsets(%dma_start3A_596 : memref<128xi32, #tpu.memory_space<vmem>>) semaphore(%arg10 : memref<!tpu.dma_semaphore, #tpu.memory_space<semaphore_mem>>)
    %dma_start3A_599 = arith.constant 57 : i32
    %dma_start3A_600 = arith.constant 7296 : i32
    %dma_start3A_601 = tpu.memref_slice %arg5[%dma_start3A_600] : memref<16384xf32, #tpu.memory_space<vmem>> -> memref<128xf32, #tpu.memory_space<vmem>>
    %dma_start3A_602 = arith.constant 0 : i32
    %dma_start3A_603 = tpu.memref_slice %arg7[%dma_start3A_599, %dma_start3A_602] : memref<128x128xi32, #tpu.memory_space<vmem>> -> memref<1x128xi32, #tpu.memory_space<vmem>>
    %dma_start3A_604 = tpu.memref_squeeze %dma_start3A_603 : memref<1x128xi32, #tpu.memory_space<vmem>> -> memref<128xi32, #tpu.memory_space<vmem>>
    %dma_start3A_605 = arith.constant 0 : i32
    %dma_start3A_606 = tpu.memref_slice %arg4[%dma_start3A_605] : memref<26738688xf32, #tpu.memory_space<hbm>> -> memref<26738688xf32, #tpu.memory_space<hbm>>
    tpu.enqueue_indirect_dma source(%dma_start3A_601 : memref<128xf32, #tpu.memory_space<vmem>>) target(%dma_start3A_606 : memref<26738688xf32, #tpu.memory_space<hbm>>) offsets(%dma_start3A_604 : memref<128xi32, #tpu.memory_space<vmem>>) semaphore(%arg10 : memref<!tpu.dma_semaphore, #tpu.memory_space<semaphore_mem>>)
    %dma_start3A_607 = arith.constant 58 : i32
    %dma_start3A_608 = arith.constant 7424 : i32
    %dma_start3A_609 = tpu.memref_slice %arg5[%dma_start3A_608] : memref<16384xf32, #tpu.memory_space<vmem>> -> memref<128xf32, #tpu.memory_space<vmem>>
    %dma_start3A_610 = arith.constant 0 : i32
    %dma_start3A_611 = tpu.memref_slice %arg7[%dma_start3A_607, %dma_start3A_610] : memref<128x128xi32, #tpu.memory_space<vmem>> -> memref<1x128xi32, #tpu.memory_space<vmem>>
    %dma_start3A_612 = tpu.memref_squeeze %dma_start3A_611 : memref<1x128xi32, #tpu.memory_space<vmem>> -> memref<128xi32, #tpu.memory_space<vmem>>
    %dma_start3A_613 = arith.constant 0 : i32
    %dma_start3A_614 = tpu.memref_slice %arg4[%dma_start3A_613] : memref<26738688xf32, #tpu.memory_space<hbm>> -> memref<26738688xf32, #tpu.memory_space<hbm>>
    tpu.enqueue_indirect_dma source(%dma_start3A_609 : memref<128xf32, #tpu.memory_space<vmem>>) target(%dma_start3A_614 : memref<26738688xf32, #tpu.memory_space<hbm>>) offsets(%dma_start3A_612 : memref<128xi32, #tpu.memory_space<vmem>>) semaphore(%arg10 : memref<!tpu.dma_semaphore, #tpu.memory_space<semaphore_mem>>)
    %dma_start3A_615 = arith.constant 59 : i32
    %dma_start3A_616 = arith.constant 7552 : i32
    %dma_start3A_617 = tpu.memref_slice %arg5[%dma_start3A_616] : memref<16384xf32, #tpu.memory_space<vmem>> -> memref<128xf32, #tpu.memory_space<vmem>>
    %dma_start3A_618 = arith.constant 0 : i32
    %dma_start3A_619 = tpu.memref_slice %arg7[%dma_start3A_615, %dma_start3A_618] : memref<128x128xi32, #tpu.memory_space<vmem>> -> memref<1x128xi32, #tpu.memory_space<vmem>>
    %dma_start3A_620 = tpu.memref_squeeze %dma_start3A_619 : memref<1x128xi32, #tpu.memory_space<vmem>> -> memref<128xi32, #tpu.memory_space<vmem>>
    %dma_start3A_621 = arith.constant 0 : i32
    %dma_start3A_622 = tpu.memref_slice %arg4[%dma_start3A_621] : memref<26738688xf32, #tpu.memory_space<hbm>> -> memref<26738688xf32, #tpu.memory_space<hbm>>
    tpu.enqueue_indirect_dma source(%dma_start3A_617 : memref<128xf32, #tpu.memory_space<vmem>>) target(%dma_start3A_622 : memref<26738688xf32, #tpu.memory_space<hbm>>) offsets(%dma_start3A_620 : memref<128xi32, #tpu.memory_space<vmem>>) semaphore(%arg10 : memref<!tpu.dma_semaphore, #tpu.memory_space<semaphore_mem>>)
    %dma_start3A_623 = arith.constant 60 : i32
    %dma_start3A_624 = arith.constant 7680 : i32
    %dma_start3A_625 = tpu.memref_slice %arg5[%dma_start3A_624] : memref<16384xf32, #tpu.memory_space<vmem>> -> memref<128xf32, #tpu.memory_space<vmem>>
    %dma_start3A_626 = arith.constant 0 : i32
    %dma_start3A_627 = tpu.memref_slice %arg7[%dma_start3A_623, %dma_start3A_626] : memref<128x128xi32, #tpu.memory_space<vmem>> -> memref<1x128xi32, #tpu.memory_space<vmem>>
    %dma_start3A_628 = tpu.memref_squeeze %dma_start3A_627 : memref<1x128xi32, #tpu.memory_space<vmem>> -> memref<128xi32, #tpu.memory_space<vmem>>
    %dma_start3A_629 = arith.constant 0 : i32
    %dma_start3A_630 = tpu.memref_slice %arg4[%dma_start3A_629] : memref<26738688xf32, #tpu.memory_space<hbm>> -> memref<26738688xf32, #tpu.memory_space<hbm>>
    tpu.enqueue_indirect_dma source(%dma_start3A_625 : memref<128xf32, #tpu.memory_space<vmem>>) target(%dma_start3A_630 : memref<26738688xf32, #tpu.memory_space<hbm>>) offsets(%dma_start3A_628 : memref<128xi32, #tpu.memory_space<vmem>>) semaphore(%arg10 : memref<!tpu.dma_semaphore, #tpu.memory_space<semaphore_mem>>)
    %dma_start3A_631 = arith.constant 61 : i32
    %dma_start3A_632 = arith.constant 7808 : i32
    %dma_start3A_633 = tpu.memref_slice %arg5[%dma_start3A_632] : memref<16384xf32, #tpu.memory_space<vmem>> -> memref<128xf32, #tpu.memory_space<vmem>>
    %dma_start3A_634 = arith.constant 0 : i32
    %dma_start3A_635 = tpu.memref_slice %arg7[%dma_start3A_631, %dma_start3A_634] : memref<128x128xi32, #tpu.memory_space<vmem>> -> memref<1x128xi32, #tpu.memory_space<vmem>>
    %dma_start3A_636 = tpu.memref_squeeze %dma_start3A_635 : memref<1x128xi32, #tpu.memory_space<vmem>> -> memref<128xi32, #tpu.memory_space<vmem>>
    %dma_start3A_637 = arith.constant 0 : i32
    %dma_start3A_638 = tpu.memref_slice %arg4[%dma_start3A_637] : memref<26738688xf32, #tpu.memory_space<hbm>> -> memref<26738688xf32, #tpu.memory_space<hbm>>
    tpu.enqueue_indirect_dma source(%dma_start3A_633 : memref<128xf32, #tpu.memory_space<vmem>>) target(%dma_start3A_638 : memref<26738688xf32, #tpu.memory_space<hbm>>) offsets(%dma_start3A_636 : memref<128xi32, #tpu.memory_space<vmem>>) semaphore(%arg10 : memref<!tpu.dma_semaphore, #tpu.memory_space<semaphore_mem>>)
    %dma_start3A_639 = arith.constant 62 : i32
    %dma_start3A_640 = arith.constant 7936 : i32
    %dma_start3A_641 = tpu.memref_slice %arg5[%dma_start3A_640] : memref<16384xf32, #tpu.memory_space<vmem>> -> memref<128xf32, #tpu.memory_space<vmem>>
    %dma_start3A_642 = arith.constant 0 : i32
    %dma_start3A_643 = tpu.memref_slice %arg7[%dma_start3A_639, %dma_start3A_642] : memref<128x128xi32, #tpu.memory_space<vmem>> -> memref<1x128xi32, #tpu.memory_space<vmem>>
    %dma_start3A_644 = tpu.memref_squeeze %dma_start3A_643 : memref<1x128xi32, #tpu.memory_space<vmem>> -> memref<128xi32, #tpu.memory_space<vmem>>
    %dma_start3A_645 = arith.constant 0 : i32
    %dma_start3A_646 = tpu.memref_slice %arg4[%dma_start3A_645] : memref<26738688xf32, #tpu.memory_space<hbm>> -> memref<26738688xf32, #tpu.memory_space<hbm>>
    tpu.enqueue_indirect_dma source(%dma_start3A_641 : memref<128xf32, #tpu.memory_space<vmem>>) target(%dma_start3A_646 : memref<26738688xf32, #tpu.memory_space<hbm>>) offsets(%dma_start3A_644 : memref<128xi32, #tpu.memory_space<vmem>>) semaphore(%arg10 : memref<!tpu.dma_semaphore, #tpu.memory_space<semaphore_mem>>)
    %dma_start3A_647 = arith.constant 63 : i32
    %dma_start3A_648 = arith.constant 8064 : i32
    %dma_start3A_649 = tpu.memref_slice %arg5[%dma_start3A_648] : memref<16384xf32, #tpu.memory_space<vmem>> -> memref<128xf32, #tpu.memory_space<vmem>>
    %dma_start3A_650 = arith.constant 0 : i32
    %dma_start3A_651 = tpu.memref_slice %arg7[%dma_start3A_647, %dma_start3A_650] : memref<128x128xi32, #tpu.memory_space<vmem>> -> memref<1x128xi32, #tpu.memory_space<vmem>>
    %dma_start3A_652 = tpu.memref_squeeze %dma_start3A_651 : memref<1x128xi32, #tpu.memory_space<vmem>> -> memref<128xi32, #tpu.memory_space<vmem>>
    %dma_start3A_653 = arith.constant 0 : i32
    %dma_start3A_654 = tpu.memref_slice %arg4[%dma_start3A_653] : memref<26738688xf32, #tpu.memory_space<hbm>> -> memref<26738688xf32, #tpu.memory_space<hbm>>
    tpu.enqueue_indirect_dma source(%dma_start3A_649 : memref<128xf32, #tpu.memory_space<vmem>>) target(%dma_start3A_654 : memref<26738688xf32, #tpu.memory_space<hbm>>) offsets(%dma_start3A_652 : memref<128xi32, #tpu.memory_space<vmem>>) semaphore(%arg10 : memref<!tpu.dma_semaphore, #tpu.memory_space<semaphore_mem>>)
    %dma_start3A_655 = arith.constant 64 : i32
    %dma_start3A_656 = arith.constant 8192 : i32
    %dma_start3A_657 = tpu.memref_slice %arg5[%dma_start3A_656] : memref<16384xf32, #tpu.memory_space<vmem>> -> memref<128xf32, #tpu.memory_space<vmem>>
    %dma_start3A_658 = arith.constant 0 : i32
    %dma_start3A_659 = tpu.memref_slice %arg7[%dma_start3A_655, %dma_start3A_658] : memref<128x128xi32, #tpu.memory_space<vmem>> -> memref<1x128xi32, #tpu.memory_space<vmem>>
    %dma_start3A_660 = tpu.memref_squeeze %dma_start3A_659 : memref<1x128xi32, #tpu.memory_space<vmem>> -> memref<128xi32, #tpu.memory_space<vmem>>
    %dma_start3A_661 = arith.constant 0 : i32
    %dma_start3A_662 = tpu.memref_slice %arg4[%dma_start3A_661] : memref<26738688xf32, #tpu.memory_space<hbm>> -> memref<26738688xf32, #tpu.memory_space<hbm>>
    tpu.enqueue_indirect_dma source(%dma_start3A_657 : memref<128xf32, #tpu.memory_space<vmem>>) target(%dma_start3A_662 : memref<26738688xf32, #tpu.memory_space<hbm>>) offsets(%dma_start3A_660 : memref<128xi32, #tpu.memory_space<vmem>>) semaphore(%arg10 : memref<!tpu.dma_semaphore, #tpu.memory_space<semaphore_mem>>)
    %dma_start3A_663 = arith.constant 65 : i32
    %dma_start3A_664 = arith.constant 8320 : i32
    %dma_start3A_665 = tpu.memref_slice %arg5[%dma_start3A_664] : memref<16384xf32, #tpu.memory_space<vmem>> -> memref<128xf32, #tpu.memory_space<vmem>>
    %dma_start3A_666 = arith.constant 0 : i32
    %dma_start3A_667 = tpu.memref_slice %arg7[%dma_start3A_663, %dma_start3A_666] : memref<128x128xi32, #tpu.memory_space<vmem>> -> memref<1x128xi32, #tpu.memory_space<vmem>>
    %dma_start3A_668 = tpu.memref_squeeze %dma_start3A_667 : memref<1x128xi32, #tpu.memory_space<vmem>> -> memref<128xi32, #tpu.memory_space<vmem>>
    %dma_start3A_669 = arith.constant 0 : i32
    %dma_start3A_670 = tpu.memref_slice %arg4[%dma_start3A_669] : memref<26738688xf32, #tpu.memory_space<hbm>> -> memref<26738688xf32, #tpu.memory_space<hbm>>
    tpu.enqueue_indirect_dma source(%dma_start3A_665 : memref<128xf32, #tpu.memory_space<vmem>>) target(%dma_start3A_670 : memref<26738688xf32, #tpu.memory_space<hbm>>) offsets(%dma_start3A_668 : memref<128xi32, #tpu.memory_space<vmem>>) semaphore(%arg10 : memref<!tpu.dma_semaphore, #tpu.memory_space<semaphore_mem>>)
    %dma_start3A_671 = arith.constant 66 : i32
    %dma_start3A_672 = arith.constant 8448 : i32
    %dma_start3A_673 = tpu.memref_slice %arg5[%dma_start3A_672] : memref<16384xf32, #tpu.memory_space<vmem>> -> memref<128xf32, #tpu.memory_space<vmem>>
    %dma_start3A_674 = arith.constant 0 : i32
    %dma_start3A_675 = tpu.memref_slice %arg7[%dma_start3A_671, %dma_start3A_674] : memref<128x128xi32, #tpu.memory_space<vmem>> -> memref<1x128xi32, #tpu.memory_space<vmem>>
    %dma_start3A_676 = tpu.memref_squeeze %dma_start3A_675 : memref<1x128xi32, #tpu.memory_space<vmem>> -> memref<128xi32, #tpu.memory_space<vmem>>
    %dma_start3A_677 = arith.constant 0 : i32
    %dma_start3A_678 = tpu.memref_slice %arg4[%dma_start3A_677] : memref<26738688xf32, #tpu.memory_space<hbm>> -> memref<26738688xf32, #tpu.memory_space<hbm>>
    tpu.enqueue_indirect_dma source(%dma_start3A_673 : memref<128xf32, #tpu.memory_space<vmem>>) target(%dma_start3A_678 : memref<26738688xf32, #tpu.memory_space<hbm>>) offsets(%dma_start3A_676 : memref<128xi32, #tpu.memory_space<vmem>>) semaphore(%arg10 : memref<!tpu.dma_semaphore, #tpu.memory_space<semaphore_mem>>)
    %dma_start3A_679 = arith.constant 67 : i32
    %dma_start3A_680 = arith.constant 8576 : i32
    %dma_start3A_681 = tpu.memref_slice %arg5[%dma_start3A_680] : memref<16384xf32, #tpu.memory_space<vmem>> -> memref<128xf32, #tpu.memory_space<vmem>>
    %dma_start3A_682 = arith.constant 0 : i32
    %dma_start3A_683 = tpu.memref_slice %arg7[%dma_start3A_679, %dma_start3A_682] : memref<128x128xi32, #tpu.memory_space<vmem>> -> memref<1x128xi32, #tpu.memory_space<vmem>>
    %dma_start3A_684 = tpu.memref_squeeze %dma_start3A_683 : memref<1x128xi32, #tpu.memory_space<vmem>> -> memref<128xi32, #tpu.memory_space<vmem>>
    %dma_start3A_685 = arith.constant 0 : i32
    %dma_start3A_686 = tpu.memref_slice %arg4[%dma_start3A_685] : memref<26738688xf32, #tpu.memory_space<hbm>> -> memref<26738688xf32, #tpu.memory_space<hbm>>
    tpu.enqueue_indirect_dma source(%dma_start3A_681 : memref<128xf32, #tpu.memory_space<vmem>>) target(%dma_start3A_686 : memref<26738688xf32, #tpu.memory_space<hbm>>) offsets(%dma_start3A_684 : memref<128xi32, #tpu.memory_space<vmem>>) semaphore(%arg10 : memref<!tpu.dma_semaphore, #tpu.memory_space<semaphore_mem>>)
    %dma_start3A_687 = arith.constant 68 : i32
    %dma_start3A_688 = arith.constant 8704 : i32
    %dma_start3A_689 = tpu.memref_slice %arg5[%dma_start3A_688] : memref<16384xf32, #tpu.memory_space<vmem>> -> memref<128xf32, #tpu.memory_space<vmem>>
    %dma_start3A_690 = arith.constant 0 : i32
    %dma_start3A_691 = tpu.memref_slice %arg7[%dma_start3A_687, %dma_start3A_690] : memref<128x128xi32, #tpu.memory_space<vmem>> -> memref<1x128xi32, #tpu.memory_space<vmem>>
    %dma_start3A_692 = tpu.memref_squeeze %dma_start3A_691 : memref<1x128xi32, #tpu.memory_space<vmem>> -> memref<128xi32, #tpu.memory_space<vmem>>
    %dma_start3A_693 = arith.constant 0 : i32
    %dma_start3A_694 = tpu.memref_slice %arg4[%dma_start3A_693] : memref<26738688xf32, #tpu.memory_space<hbm>> -> memref<26738688xf32, #tpu.memory_space<hbm>>
    tpu.enqueue_indirect_dma source(%dma_start3A_689 : memref<128xf32, #tpu.memory_space<vmem>>) target(%dma_start3A_694 : memref<26738688xf32, #tpu.memory_space<hbm>>) offsets(%dma_start3A_692 : memref<128xi32, #tpu.memory_space<vmem>>) semaphore(%arg10 : memref<!tpu.dma_semaphore, #tpu.memory_space<semaphore_mem>>)
    %dma_start3A_695 = arith.constant 69 : i32
    %dma_start3A_696 = arith.constant 8832 : i32
    %dma_start3A_697 = tpu.memref_slice %arg5[%dma_start3A_696] : memref<16384xf32, #tpu.memory_space<vmem>> -> memref<128xf32, #tpu.memory_space<vmem>>
    %dma_start3A_698 = arith.constant 0 : i32
    %dma_start3A_699 = tpu.memref_slice %arg7[%dma_start3A_695, %dma_start3A_698] : memref<128x128xi32, #tpu.memory_space<vmem>> -> memref<1x128xi32, #tpu.memory_space<vmem>>
    %dma_start3A_700 = tpu.memref_squeeze %dma_start3A_699 : memref<1x128xi32, #tpu.memory_space<vmem>> -> memref<128xi32, #tpu.memory_space<vmem>>
    %dma_start3A_701 = arith.constant 0 : i32
    %dma_start3A_702 = tpu.memref_slice %arg4[%dma_start3A_701] : memref<26738688xf32, #tpu.memory_space<hbm>> -> memref<26738688xf32, #tpu.memory_space<hbm>>
    tpu.enqueue_indirect_dma source(%dma_start3A_697 : memref<128xf32, #tpu.memory_space<vmem>>) target(%dma_start3A_702 : memref<26738688xf32, #tpu.memory_space<hbm>>) offsets(%dma_start3A_700 : memref<128xi32, #tpu.memory_space<vmem>>) semaphore(%arg10 : memref<!tpu.dma_semaphore, #tpu.memory_space<semaphore_mem>>)
    %dma_start3A_703 = arith.constant 70 : i32
    %dma_start3A_704 = arith.constant 8960 : i32
    %dma_start3A_705 = tpu.memref_slice %arg5[%dma_start3A_704] : memref<16384xf32, #tpu.memory_space<vmem>> -> memref<128xf32, #tpu.memory_space<vmem>>
    %dma_start3A_706 = arith.constant 0 : i32
    %dma_start3A_707 = tpu.memref_slice %arg7[%dma_start3A_703, %dma_start3A_706] : memref<128x128xi32, #tpu.memory_space<vmem>> -> memref<1x128xi32, #tpu.memory_space<vmem>>
    %dma_start3A_708 = tpu.memref_squeeze %dma_start3A_707 : memref<1x128xi32, #tpu.memory_space<vmem>> -> memref<128xi32, #tpu.memory_space<vmem>>
    %dma_start3A_709 = arith.constant 0 : i32
    %dma_start3A_710 = tpu.memref_slice %arg4[%dma_start3A_709] : memref<26738688xf32, #tpu.memory_space<hbm>> -> memref<26738688xf32, #tpu.memory_space<hbm>>
    tpu.enqueue_indirect_dma source(%dma_start3A_705 : memref<128xf32, #tpu.memory_space<vmem>>) target(%dma_start3A_710 : memref<26738688xf32, #tpu.memory_space<hbm>>) offsets(%dma_start3A_708 : memref<128xi32, #tpu.memory_space<vmem>>) semaphore(%arg10 : memref<!tpu.dma_semaphore, #tpu.memory_space<semaphore_mem>>)
    %dma_start3A_711 = arith.constant 71 : i32
    %dma_start3A_712 = arith.constant 9088 : i32
    %dma_start3A_713 = tpu.memref_slice %arg5[%dma_start3A_712] : memref<16384xf32, #tpu.memory_space<vmem>> -> memref<128xf32, #tpu.memory_space<vmem>>
    %dma_start3A_714 = arith.constant 0 : i32
    %dma_start3A_715 = tpu.memref_slice %arg7[%dma_start3A_711, %dma_start3A_714] : memref<128x128xi32, #tpu.memory_space<vmem>> -> memref<1x128xi32, #tpu.memory_space<vmem>>
    %dma_start3A_716 = tpu.memref_squeeze %dma_start3A_715 : memref<1x128xi32, #tpu.memory_space<vmem>> -> memref<128xi32, #tpu.memory_space<vmem>>
    %dma_start3A_717 = arith.constant 0 : i32
    %dma_start3A_718 = tpu.memref_slice %arg4[%dma_start3A_717] : memref<26738688xf32, #tpu.memory_space<hbm>> -> memref<26738688xf32, #tpu.memory_space<hbm>>
    tpu.enqueue_indirect_dma source(%dma_start3A_713 : memref<128xf32, #tpu.memory_space<vmem>>) target(%dma_start3A_718 : memref<26738688xf32, #tpu.memory_space<hbm>>) offsets(%dma_start3A_716 : memref<128xi32, #tpu.memory_space<vmem>>) semaphore(%arg10 : memref<!tpu.dma_semaphore, #tpu.memory_space<semaphore_mem>>)
    %dma_start3A_719 = arith.constant 72 : i32
    %dma_start3A_720 = arith.constant 9216 : i32
    %dma_start3A_721 = tpu.memref_slice %arg5[%dma_start3A_720] : memref<16384xf32, #tpu.memory_space<vmem>> -> memref<128xf32, #tpu.memory_space<vmem>>
    %dma_start3A_722 = arith.constant 0 : i32
    %dma_start3A_723 = tpu.memref_slice %arg7[%dma_start3A_719, %dma_start3A_722] : memref<128x128xi32, #tpu.memory_space<vmem>> -> memref<1x128xi32, #tpu.memory_space<vmem>>
    %dma_start3A_724 = tpu.memref_squeeze %dma_start3A_723 : memref<1x128xi32, #tpu.memory_space<vmem>> -> memref<128xi32, #tpu.memory_space<vmem>>
    %dma_start3A_725 = arith.constant 0 : i32
    %dma_start3A_726 = tpu.memref_slice %arg4[%dma_start3A_725] : memref<26738688xf32, #tpu.memory_space<hbm>> -> memref<26738688xf32, #tpu.memory_space<hbm>>
    tpu.enqueue_indirect_dma source(%dma_start3A_721 : memref<128xf32, #tpu.memory_space<vmem>>) target(%dma_start3A_726 : memref<26738688xf32, #tpu.memory_space<hbm>>) offsets(%dma_start3A_724 : memref<128xi32, #tpu.memory_space<vmem>>) semaphore(%arg10 : memref<!tpu.dma_semaphore, #tpu.memory_space<semaphore_mem>>)
    %dma_start3A_727 = arith.constant 73 : i32
    %dma_start3A_728 = arith.constant 9344 : i32
    %dma_start3A_729 = tpu.memref_slice %arg5[%dma_start3A_728] : memref<16384xf32, #tpu.memory_space<vmem>> -> memref<128xf32, #tpu.memory_space<vmem>>
    %dma_start3A_730 = arith.constant 0 : i32
    %dma_start3A_731 = tpu.memref_slice %arg7[%dma_start3A_727, %dma_start3A_730] : memref<128x128xi32, #tpu.memory_space<vmem>> -> memref<1x128xi32, #tpu.memory_space<vmem>>
    %dma_start3A_732 = tpu.memref_squeeze %dma_start3A_731 : memref<1x128xi32, #tpu.memory_space<vmem>> -> memref<128xi32, #tpu.memory_space<vmem>>
    %dma_start3A_733 = arith.constant 0 : i32
    %dma_start3A_734 = tpu.memref_slice %arg4[%dma_start3A_733] : memref<26738688xf32, #tpu.memory_space<hbm>> -> memref<26738688xf32, #tpu.memory_space<hbm>>
    tpu.enqueue_indirect_dma source(%dma_start3A_729 : memref<128xf32, #tpu.memory_space<vmem>>) target(%dma_start3A_734 : memref<26738688xf32, #tpu.memory_space<hbm>>) offsets(%dma_start3A_732 : memref<128xi32, #tpu.memory_space<vmem>>) semaphore(%arg10 : memref<!tpu.dma_semaphore, #tpu.memory_space<semaphore_mem>>)
    %dma_start3A_735 = arith.constant 74 : i32
    %dma_start3A_736 = arith.constant 9472 : i32
    %dma_start3A_737 = tpu.memref_slice %arg5[%dma_start3A_736] : memref<16384xf32, #tpu.memory_space<vmem>> -> memref<128xf32, #tpu.memory_space<vmem>>
    %dma_start3A_738 = arith.constant 0 : i32
    %dma_start3A_739 = tpu.memref_slice %arg7[%dma_start3A_735, %dma_start3A_738] : memref<128x128xi32, #tpu.memory_space<vmem>> -> memref<1x128xi32, #tpu.memory_space<vmem>>
    %dma_start3A_740 = tpu.memref_squeeze %dma_start3A_739 : memref<1x128xi32, #tpu.memory_space<vmem>> -> memref<128xi32, #tpu.memory_space<vmem>>
    %dma_start3A_741 = arith.constant 0 : i32
    %dma_start3A_742 = tpu.memref_slice %arg4[%dma_start3A_741] : memref<26738688xf32, #tpu.memory_space<hbm>> -> memref<26738688xf32, #tpu.memory_space<hbm>>
    tpu.enqueue_indirect_dma source(%dma_start3A_737 : memref<128xf32, #tpu.memory_space<vmem>>) target(%dma_start3A_742 : memref<26738688xf32, #tpu.memory_space<hbm>>) offsets(%dma_start3A_740 : memref<128xi32, #tpu.memory_space<vmem>>) semaphore(%arg10 : memref<!tpu.dma_semaphore, #tpu.memory_space<semaphore_mem>>)
    %dma_start3A_743 = arith.constant 75 : i32
    %dma_start3A_744 = arith.constant 9600 : i32
    %dma_start3A_745 = tpu.memref_slice %arg5[%dma_start3A_744] : memref<16384xf32, #tpu.memory_space<vmem>> -> memref<128xf32, #tpu.memory_space<vmem>>
    %dma_start3A_746 = arith.constant 0 : i32
    %dma_start3A_747 = tpu.memref_slice %arg7[%dma_start3A_743, %dma_start3A_746] : memref<128x128xi32, #tpu.memory_space<vmem>> -> memref<1x128xi32, #tpu.memory_space<vmem>>
    %dma_start3A_748 = tpu.memref_squeeze %dma_start3A_747 : memref<1x128xi32, #tpu.memory_space<vmem>> -> memref<128xi32, #tpu.memory_space<vmem>>
    %dma_start3A_749 = arith.constant 0 : i32
    %dma_start3A_750 = tpu.memref_slice %arg4[%dma_start3A_749] : memref<26738688xf32, #tpu.memory_space<hbm>> -> memref<26738688xf32, #tpu.memory_space<hbm>>
    tpu.enqueue_indirect_dma source(%dma_start3A_745 : memref<128xf32, #tpu.memory_space<vmem>>) target(%dma_start3A_750 : memref<26738688xf32, #tpu.memory_space<hbm>>) offsets(%dma_start3A_748 : memref<128xi32, #tpu.memory_space<vmem>>) semaphore(%arg10 : memref<!tpu.dma_semaphore, #tpu.memory_space<semaphore_mem>>)
    %dma_start3A_751 = arith.constant 76 : i32
    %dma_start3A_752 = arith.constant 9728 : i32
    %dma_start3A_753 = tpu.memref_slice %arg5[%dma_start3A_752] : memref<16384xf32, #tpu.memory_space<vmem>> -> memref<128xf32, #tpu.memory_space<vmem>>
    %dma_start3A_754 = arith.constant 0 : i32
    %dma_start3A_755 = tpu.memref_slice %arg7[%dma_start3A_751, %dma_start3A_754] : memref<128x128xi32, #tpu.memory_space<vmem>> -> memref<1x128xi32, #tpu.memory_space<vmem>>
    %dma_start3A_756 = tpu.memref_squeeze %dma_start3A_755 : memref<1x128xi32, #tpu.memory_space<vmem>> -> memref<128xi32, #tpu.memory_space<vmem>>
    %dma_start3A_757 = arith.constant 0 : i32
    %dma_start3A_758 = tpu.memref_slice %arg4[%dma_start3A_757] : memref<26738688xf32, #tpu.memory_space<hbm>> -> memref<26738688xf32, #tpu.memory_space<hbm>>
    tpu.enqueue_indirect_dma source(%dma_start3A_753 : memref<128xf32, #tpu.memory_space<vmem>>) target(%dma_start3A_758 : memref<26738688xf32, #tpu.memory_space<hbm>>) offsets(%dma_start3A_756 : memref<128xi32, #tpu.memory_space<vmem>>) semaphore(%arg10 : memref<!tpu.dma_semaphore, #tpu.memory_space<semaphore_mem>>)
    %dma_start3A_759 = arith.constant 77 : i32
    %dma_start3A_760 = arith.constant 9856 : i32
    %dma_start3A_761 = tpu.memref_slice %arg5[%dma_start3A_760] : memref<16384xf32, #tpu.memory_space<vmem>> -> memref<128xf32, #tpu.memory_space<vmem>>
    %dma_start3A_762 = arith.constant 0 : i32
    %dma_start3A_763 = tpu.memref_slice %arg7[%dma_start3A_759, %dma_start3A_762] : memref<128x128xi32, #tpu.memory_space<vmem>> -> memref<1x128xi32, #tpu.memory_space<vmem>>
    %dma_start3A_764 = tpu.memref_squeeze %dma_start3A_763 : memref<1x128xi32, #tpu.memory_space<vmem>> -> memref<128xi32, #tpu.memory_space<vmem>>
    %dma_start3A_765 = arith.constant 0 : i32
    %dma_start3A_766 = tpu.memref_slice %arg4[%dma_start3A_765] : memref<26738688xf32, #tpu.memory_space<hbm>> -> memref<26738688xf32, #tpu.memory_space<hbm>>
    tpu.enqueue_indirect_dma source(%dma_start3A_761 : memref<128xf32, #tpu.memory_space<vmem>>) target(%dma_start3A_766 : memref<26738688xf32, #tpu.memory_space<hbm>>) offsets(%dma_start3A_764 : memref<128xi32, #tpu.memory_space<vmem>>) semaphore(%arg10 : memref<!tpu.dma_semaphore, #tpu.memory_space<semaphore_mem>>)
    %dma_start3A_767 = arith.constant 78 : i32
    %dma_start3A_768 = arith.constant 9984 : i32
    %dma_start3A_769 = tpu.memref_slice %arg5[%dma_start3A_768] : memref<16384xf32, #tpu.memory_space<vmem>> -> memref<128xf32, #tpu.memory_space<vmem>>
    %dma_start3A_770 = arith.constant 0 : i32
    %dma_start3A_771 = tpu.memref_slice %arg7[%dma_start3A_767, %dma_start3A_770] : memref<128x128xi32, #tpu.memory_space<vmem>> -> memref<1x128xi32, #tpu.memory_space<vmem>>
    %dma_start3A_772 = tpu.memref_squeeze %dma_start3A_771 : memref<1x128xi32, #tpu.memory_space<vmem>> -> memref<128xi32, #tpu.memory_space<vmem>>
    %dma_start3A_773 = arith.constant 0 : i32
    %dma_start3A_774 = tpu.memref_slice %arg4[%dma_start3A_773] : memref<26738688xf32, #tpu.memory_space<hbm>> -> memref<26738688xf32, #tpu.memory_space<hbm>>
    tpu.enqueue_indirect_dma source(%dma_start3A_769 : memref<128xf32, #tpu.memory_space<vmem>>) target(%dma_start3A_774 : memref<26738688xf32, #tpu.memory_space<hbm>>) offsets(%dma_start3A_772 : memref<128xi32, #tpu.memory_space<vmem>>) semaphore(%arg10 : memref<!tpu.dma_semaphore, #tpu.memory_space<semaphore_mem>>)
    %dma_start3A_775 = arith.constant 79 : i32
    %dma_start3A_776 = arith.constant 10112 : i32
    %dma_start3A_777 = tpu.memref_slice %arg5[%dma_start3A_776] : memref<16384xf32, #tpu.memory_space<vmem>> -> memref<128xf32, #tpu.memory_space<vmem>>
    %dma_start3A_778 = arith.constant 0 : i32
    %dma_start3A_779 = tpu.memref_slice %arg7[%dma_start3A_775, %dma_start3A_778] : memref<128x128xi32, #tpu.memory_space<vmem>> -> memref<1x128xi32, #tpu.memory_space<vmem>>
    %dma_start3A_780 = tpu.memref_squeeze %dma_start3A_779 : memref<1x128xi32, #tpu.memory_space<vmem>> -> memref<128xi32, #tpu.memory_space<vmem>>
    %dma_start3A_781 = arith.constant 0 : i32
    %dma_start3A_782 = tpu.memref_slice %arg4[%dma_start3A_781] : memref<26738688xf32, #tpu.memory_space<hbm>> -> memref<26738688xf32, #tpu.memory_space<hbm>>
    tpu.enqueue_indirect_dma source(%dma_start3A_777 : memref<128xf32, #tpu.memory_space<vmem>>) target(%dma_start3A_782 : memref<26738688xf32, #tpu.memory_space<hbm>>) offsets(%dma_start3A_780 : memref<128xi32, #tpu.memory_space<vmem>>) semaphore(%arg10 : memref<!tpu.dma_semaphore, #tpu.memory_space<semaphore_mem>>)
    %dma_start3A_783 = arith.constant 80 : i32
    %dma_start3A_784 = arith.constant 10240 : i32
    %dma_start3A_785 = tpu.memref_slice %arg5[%dma_start3A_784] : memref<16384xf32, #tpu.memory_space<vmem>> -> memref<128xf32, #tpu.memory_space<vmem>>
    %dma_start3A_786 = arith.constant 0 : i32
    %dma_start3A_787 = tpu.memref_slice %arg7[%dma_start3A_783, %dma_start3A_786] : memref<128x128xi32, #tpu.memory_space<vmem>> -> memref<1x128xi32, #tpu.memory_space<vmem>>
    %dma_start3A_788 = tpu.memref_squeeze %dma_start3A_787 : memref<1x128xi32, #tpu.memory_space<vmem>> -> memref<128xi32, #tpu.memory_space<vmem>>
    %dma_start3A_789 = arith.constant 0 : i32
    %dma_start3A_790 = tpu.memref_slice %arg4[%dma_start3A_789] : memref<26738688xf32, #tpu.memory_space<hbm>> -> memref<26738688xf32, #tpu.memory_space<hbm>>
    tpu.enqueue_indirect_dma source(%dma_start3A_785 : memref<128xf32, #tpu.memory_space<vmem>>) target(%dma_start3A_790 : memref<26738688xf32, #tpu.memory_space<hbm>>) offsets(%dma_start3A_788 : memref<128xi32, #tpu.memory_space<vmem>>) semaphore(%arg10 : memref<!tpu.dma_semaphore, #tpu.memory_space<semaphore_mem>>)
    %dma_start3A_791 = arith.constant 81 : i32
    %dma_start3A_792 = arith.constant 10368 : i32
    %dma_start3A_793 = tpu.memref_slice %arg5[%dma_start3A_792] : memref<16384xf32, #tpu.memory_space<vmem>> -> memref<128xf32, #tpu.memory_space<vmem>>
    %dma_start3A_794 = arith.constant 0 : i32
    %dma_start3A_795 = tpu.memref_slice %arg7[%dma_start3A_791, %dma_start3A_794] : memref<128x128xi32, #tpu.memory_space<vmem>> -> memref<1x128xi32, #tpu.memory_space<vmem>>
    %dma_start3A_796 = tpu.memref_squeeze %dma_start3A_795 : memref<1x128xi32, #tpu.memory_space<vmem>> -> memref<128xi32, #tpu.memory_space<vmem>>
    %dma_start3A_797 = arith.constant 0 : i32
    %dma_start3A_798 = tpu.memref_slice %arg4[%dma_start3A_797] : memref<26738688xf32, #tpu.memory_space<hbm>> -> memref<26738688xf32, #tpu.memory_space<hbm>>
    tpu.enqueue_indirect_dma source(%dma_start3A_793 : memref<128xf32, #tpu.memory_space<vmem>>) target(%dma_start3A_798 : memref<26738688xf32, #tpu.memory_space<hbm>>) offsets(%dma_start3A_796 : memref<128xi32, #tpu.memory_space<vmem>>) semaphore(%arg10 : memref<!tpu.dma_semaphore, #tpu.memory_space<semaphore_mem>>)
    %dma_start3A_799 = arith.constant 82 : i32
    %dma_start3A_800 = arith.constant 10496 : i32
    %dma_start3A_801 = tpu.memref_slice %arg5[%dma_start3A_800] : memref<16384xf32, #tpu.memory_space<vmem>> -> memref<128xf32, #tpu.memory_space<vmem>>
    %dma_start3A_802 = arith.constant 0 : i32
    %dma_start3A_803 = tpu.memref_slice %arg7[%dma_start3A_799, %dma_start3A_802] : memref<128x128xi32, #tpu.memory_space<vmem>> -> memref<1x128xi32, #tpu.memory_space<vmem>>
    %dma_start3A_804 = tpu.memref_squeeze %dma_start3A_803 : memref<1x128xi32, #tpu.memory_space<vmem>> -> memref<128xi32, #tpu.memory_space<vmem>>
    %dma_start3A_805 = arith.constant 0 : i32
    %dma_start3A_806 = tpu.memref_slice %arg4[%dma_start3A_805] : memref<26738688xf32, #tpu.memory_space<hbm>> -> memref<26738688xf32, #tpu.memory_space<hbm>>
    tpu.enqueue_indirect_dma source(%dma_start3A_801 : memref<128xf32, #tpu.memory_space<vmem>>) target(%dma_start3A_806 : memref<26738688xf32, #tpu.memory_space<hbm>>) offsets(%dma_start3A_804 : memref<128xi32, #tpu.memory_space<vmem>>) semaphore(%arg10 : memref<!tpu.dma_semaphore, #tpu.memory_space<semaphore_mem>>)
    %dma_start3A_807 = arith.constant 83 : i32
    %dma_start3A_808 = arith.constant 10624 : i32
    %dma_start3A_809 = tpu.memref_slice %arg5[%dma_start3A_808] : memref<16384xf32, #tpu.memory_space<vmem>> -> memref<128xf32, #tpu.memory_space<vmem>>
    %dma_start3A_810 = arith.constant 0 : i32
    %dma_start3A_811 = tpu.memref_slice %arg7[%dma_start3A_807, %dma_start3A_810] : memref<128x128xi32, #tpu.memory_space<vmem>> -> memref<1x128xi32, #tpu.memory_space<vmem>>
    %dma_start3A_812 = tpu.memref_squeeze %dma_start3A_811 : memref<1x128xi32, #tpu.memory_space<vmem>> -> memref<128xi32, #tpu.memory_space<vmem>>
    %dma_start3A_813 = arith.constant 0 : i32
    %dma_start3A_814 = tpu.memref_slice %arg4[%dma_start3A_813] : memref<26738688xf32, #tpu.memory_space<hbm>> -> memref<26738688xf32, #tpu.memory_space<hbm>>
    tpu.enqueue_indirect_dma source(%dma_start3A_809 : memref<128xf32, #tpu.memory_space<vmem>>) target(%dma_start3A_814 : memref<26738688xf32, #tpu.memory_space<hbm>>) offsets(%dma_start3A_812 : memref<128xi32, #tpu.memory_space<vmem>>) semaphore(%arg10 : memref<!tpu.dma_semaphore, #tpu.memory_space<semaphore_mem>>)
    %dma_start3A_815 = arith.constant 84 : i32
    %dma_start3A_816 = arith.constant 10752 : i32
    %dma_start3A_817 = tpu.memref_slice %arg5[%dma_start3A_816] : memref<16384xf32, #tpu.memory_space<vmem>> -> memref<128xf32, #tpu.memory_space<vmem>>
    %dma_start3A_818 = arith.constant 0 : i32
    %dma_start3A_819 = tpu.memref_slice %arg7[%dma_start3A_815, %dma_start3A_818] : memref<128x128xi32, #tpu.memory_space<vmem>> -> memref<1x128xi32, #tpu.memory_space<vmem>>
    %dma_start3A_820 = tpu.memref_squeeze %dma_start3A_819 : memref<1x128xi32, #tpu.memory_space<vmem>> -> memref<128xi32, #tpu.memory_space<vmem>>
    %dma_start3A_821 = arith.constant 0 : i32
    %dma_start3A_822 = tpu.memref_slice %arg4[%dma_start3A_821] : memref<26738688xf32, #tpu.memory_space<hbm>> -> memref<26738688xf32, #tpu.memory_space<hbm>>
    tpu.enqueue_indirect_dma source(%dma_start3A_817 : memref<128xf32, #tpu.memory_space<vmem>>) target(%dma_start3A_822 : memref<26738688xf32, #tpu.memory_space<hbm>>) offsets(%dma_start3A_820 : memref<128xi32, #tpu.memory_space<vmem>>) semaphore(%arg10 : memref<!tpu.dma_semaphore, #tpu.memory_space<semaphore_mem>>)
    %dma_start3A_823 = arith.constant 85 : i32
    %dma_start3A_824 = arith.constant 10880 : i32
    %dma_start3A_825 = tpu.memref_slice %arg5[%dma_start3A_824] : memref<16384xf32, #tpu.memory_space<vmem>> -> memref<128xf32, #tpu.memory_space<vmem>>
    %dma_start3A_826 = arith.constant 0 : i32
    %dma_start3A_827 = tpu.memref_slice %arg7[%dma_start3A_823, %dma_start3A_826] : memref<128x128xi32, #tpu.memory_space<vmem>> -> memref<1x128xi32, #tpu.memory_space<vmem>>
    %dma_start3A_828 = tpu.memref_squeeze %dma_start3A_827 : memref<1x128xi32, #tpu.memory_space<vmem>> -> memref<128xi32, #tpu.memory_space<vmem>>
    %dma_start3A_829 = arith.constant 0 : i32
    %dma_start3A_830 = tpu.memref_slice %arg4[%dma_start3A_829] : memref<26738688xf32, #tpu.memory_space<hbm>> -> memref<26738688xf32, #tpu.memory_space<hbm>>
    tpu.enqueue_indirect_dma source(%dma_start3A_825 : memref<128xf32, #tpu.memory_space<vmem>>) target(%dma_start3A_830 : memref<26738688xf32, #tpu.memory_space<hbm>>) offsets(%dma_start3A_828 : memref<128xi32, #tpu.memory_space<vmem>>) semaphore(%arg10 : memref<!tpu.dma_semaphore, #tpu.memory_space<semaphore_mem>>)
    %dma_start3A_831 = arith.constant 86 : i32
    %dma_start3A_832 = arith.constant 11008 : i32
    %dma_start3A_833 = tpu.memref_slice %arg5[%dma_start3A_832] : memref<16384xf32, #tpu.memory_space<vmem>> -> memref<128xf32, #tpu.memory_space<vmem>>
    %dma_start3A_834 = arith.constant 0 : i32
    %dma_start3A_835 = tpu.memref_slice %arg7[%dma_start3A_831, %dma_start3A_834] : memref<128x128xi32, #tpu.memory_space<vmem>> -> memref<1x128xi32, #tpu.memory_space<vmem>>
    %dma_start3A_836 = tpu.memref_squeeze %dma_start3A_835 : memref<1x128xi32, #tpu.memory_space<vmem>> -> memref<128xi32, #tpu.memory_space<vmem>>
    %dma_start3A_837 = arith.constant 0 : i32
    %dma_start3A_838 = tpu.memref_slice %arg4[%dma_start3A_837] : memref<26738688xf32, #tpu.memory_space<hbm>> -> memref<26738688xf32, #tpu.memory_space<hbm>>
    tpu.enqueue_indirect_dma source(%dma_start3A_833 : memref<128xf32, #tpu.memory_space<vmem>>) target(%dma_start3A_838 : memref<26738688xf32, #tpu.memory_space<hbm>>) offsets(%dma_start3A_836 : memref<128xi32, #tpu.memory_space<vmem>>) semaphore(%arg10 : memref<!tpu.dma_semaphore, #tpu.memory_space<semaphore_mem>>)
    %dma_start3A_839 = arith.constant 87 : i32
    %dma_start3A_840 = arith.constant 11136 : i32
    %dma_start3A_841 = tpu.memref_slice %arg5[%dma_start3A_840] : memref<16384xf32, #tpu.memory_space<vmem>> -> memref<128xf32, #tpu.memory_space<vmem>>
    %dma_start3A_842 = arith.constant 0 : i32
    %dma_start3A_843 = tpu.memref_slice %arg7[%dma_start3A_839, %dma_start3A_842] : memref<128x128xi32, #tpu.memory_space<vmem>> -> memref<1x128xi32, #tpu.memory_space<vmem>>
    %dma_start3A_844 = tpu.memref_squeeze %dma_start3A_843 : memref<1x128xi32, #tpu.memory_space<vmem>> -> memref<128xi32, #tpu.memory_space<vmem>>
    %dma_start3A_845 = arith.constant 0 : i32
    %dma_start3A_846 = tpu.memref_slice %arg4[%dma_start3A_845] : memref<26738688xf32, #tpu.memory_space<hbm>> -> memref<26738688xf32, #tpu.memory_space<hbm>>
    tpu.enqueue_indirect_dma source(%dma_start3A_841 : memref<128xf32, #tpu.memory_space<vmem>>) target(%dma_start3A_846 : memref<26738688xf32, #tpu.memory_space<hbm>>) offsets(%dma_start3A_844 : memref<128xi32, #tpu.memory_space<vmem>>) semaphore(%arg10 : memref<!tpu.dma_semaphore, #tpu.memory_space<semaphore_mem>>)
    %dma_start3A_847 = arith.constant 88 : i32
    %dma_start3A_848 = arith.constant 11264 : i32
    %dma_start3A_849 = tpu.memref_slice %arg5[%dma_start3A_848] : memref<16384xf32, #tpu.memory_space<vmem>> -> memref<128xf32, #tpu.memory_space<vmem>>
    %dma_start3A_850 = arith.constant 0 : i32
    %dma_start3A_851 = tpu.memref_slice %arg7[%dma_start3A_847, %dma_start3A_850] : memref<128x128xi32, #tpu.memory_space<vmem>> -> memref<1x128xi32, #tpu.memory_space<vmem>>
    %dma_start3A_852 = tpu.memref_squeeze %dma_start3A_851 : memref<1x128xi32, #tpu.memory_space<vmem>> -> memref<128xi32, #tpu.memory_space<vmem>>
    %dma_start3A_853 = arith.constant 0 : i32
    %dma_start3A_854 = tpu.memref_slice %arg4[%dma_start3A_853] : memref<26738688xf32, #tpu.memory_space<hbm>> -> memref<26738688xf32, #tpu.memory_space<hbm>>
    tpu.enqueue_indirect_dma source(%dma_start3A_849 : memref<128xf32, #tpu.memory_space<vmem>>) target(%dma_start3A_854 : memref<26738688xf32, #tpu.memory_space<hbm>>) offsets(%dma_start3A_852 : memref<128xi32, #tpu.memory_space<vmem>>) semaphore(%arg10 : memref<!tpu.dma_semaphore, #tpu.memory_space<semaphore_mem>>)
    %dma_start3A_855 = arith.constant 89 : i32
    %dma_start3A_856 = arith.constant 11392 : i32
    %dma_start3A_857 = tpu.memref_slice %arg5[%dma_start3A_856] : memref<16384xf32, #tpu.memory_space<vmem>> -> memref<128xf32, #tpu.memory_space<vmem>>
    %dma_start3A_858 = arith.constant 0 : i32
    %dma_start3A_859 = tpu.memref_slice %arg7[%dma_start3A_855, %dma_start3A_858] : memref<128x128xi32, #tpu.memory_space<vmem>> -> memref<1x128xi32, #tpu.memory_space<vmem>>
    %dma_start3A_860 = tpu.memref_squeeze %dma_start3A_859 : memref<1x128xi32, #tpu.memory_space<vmem>> -> memref<128xi32, #tpu.memory_space<vmem>>
    %dma_start3A_861 = arith.constant 0 : i32
    %dma_start3A_862 = tpu.memref_slice %arg4[%dma_start3A_861] : memref<26738688xf32, #tpu.memory_space<hbm>> -> memref<26738688xf32, #tpu.memory_space<hbm>>
    tpu.enqueue_indirect_dma source(%dma_start3A_857 : memref<128xf32, #tpu.memory_space<vmem>>) target(%dma_start3A_862 : memref<26738688xf32, #tpu.memory_space<hbm>>) offsets(%dma_start3A_860 : memref<128xi32, #tpu.memory_space<vmem>>) semaphore(%arg10 : memref<!tpu.dma_semaphore, #tpu.memory_space<semaphore_mem>>)
    %dma_start3A_863 = arith.constant 90 : i32
    %dma_start3A_864 = arith.constant 11520 : i32
    %dma_start3A_865 = tpu.memref_slice %arg5[%dma_start3A_864] : memref<16384xf32, #tpu.memory_space<vmem>> -> memref<128xf32, #tpu.memory_space<vmem>>
    %dma_start3A_866 = arith.constant 0 : i32
    %dma_start3A_867 = tpu.memref_slice %arg7[%dma_start3A_863, %dma_start3A_866] : memref<128x128xi32, #tpu.memory_space<vmem>> -> memref<1x128xi32, #tpu.memory_space<vmem>>
    %dma_start3A_868 = tpu.memref_squeeze %dma_start3A_867 : memref<1x128xi32, #tpu.memory_space<vmem>> -> memref<128xi32, #tpu.memory_space<vmem>>
    %dma_start3A_869 = arith.constant 0 : i32
    %dma_start3A_870 = tpu.memref_slice %arg4[%dma_start3A_869] : memref<26738688xf32, #tpu.memory_space<hbm>> -> memref<26738688xf32, #tpu.memory_space<hbm>>
    tpu.enqueue_indirect_dma source(%dma_start3A_865 : memref<128xf32, #tpu.memory_space<vmem>>) target(%dma_start3A_870 : memref<26738688xf32, #tpu.memory_space<hbm>>) offsets(%dma_start3A_868 : memref<128xi32, #tpu.memory_space<vmem>>) semaphore(%arg10 : memref<!tpu.dma_semaphore, #tpu.memory_space<semaphore_mem>>)
    %dma_start3A_871 = arith.constant 91 : i32
    %dma_start3A_872 = arith.constant 11648 : i32
    %dma_start3A_873 = tpu.memref_slice %arg5[%dma_start3A_872] : memref<16384xf32, #tpu.memory_space<vmem>> -> memref<128xf32, #tpu.memory_space<vmem>>
    %dma_start3A_874 = arith.constant 0 : i32
    %dma_start3A_875 = tpu.memref_slice %arg7[%dma_start3A_871, %dma_start3A_874] : memref<128x128xi32, #tpu.memory_space<vmem>> -> memref<1x128xi32, #tpu.memory_space<vmem>>
    %dma_start3A_876 = tpu.memref_squeeze %dma_start3A_875 : memref<1x128xi32, #tpu.memory_space<vmem>> -> memref<128xi32, #tpu.memory_space<vmem>>
    %dma_start3A_877 = arith.constant 0 : i32
    %dma_start3A_878 = tpu.memref_slice %arg4[%dma_start3A_877] : memref<26738688xf32, #tpu.memory_space<hbm>> -> memref<26738688xf32, #tpu.memory_space<hbm>>
    tpu.enqueue_indirect_dma source(%dma_start3A_873 : memref<128xf32, #tpu.memory_space<vmem>>) target(%dma_start3A_878 : memref<26738688xf32, #tpu.memory_space<hbm>>) offsets(%dma_start3A_876 : memref<128xi32, #tpu.memory_space<vmem>>) semaphore(%arg10 : memref<!tpu.dma_semaphore, #tpu.memory_space<semaphore_mem>>)
    %dma_start3A_879 = arith.constant 92 : i32
    %dma_start3A_880 = arith.constant 11776 : i32
    %dma_start3A_881 = tpu.memref_slice %arg5[%dma_start3A_880] : memref<16384xf32, #tpu.memory_space<vmem>> -> memref<128xf32, #tpu.memory_space<vmem>>
    %dma_start3A_882 = arith.constant 0 : i32
    %dma_start3A_883 = tpu.memref_slice %arg7[%dma_start3A_879, %dma_start3A_882] : memref<128x128xi32, #tpu.memory_space<vmem>> -> memref<1x128xi32, #tpu.memory_space<vmem>>
    %dma_start3A_884 = tpu.memref_squeeze %dma_start3A_883 : memref<1x128xi32, #tpu.memory_space<vmem>> -> memref<128xi32, #tpu.memory_space<vmem>>
    %dma_start3A_885 = arith.constant 0 : i32
    %dma_start3A_886 = tpu.memref_slice %arg4[%dma_start3A_885] : memref<26738688xf32, #tpu.memory_space<hbm>> -> memref<26738688xf32, #tpu.memory_space<hbm>>
    tpu.enqueue_indirect_dma source(%dma_start3A_881 : memref<128xf32, #tpu.memory_space<vmem>>) target(%dma_start3A_886 : memref<26738688xf32, #tpu.memory_space<hbm>>) offsets(%dma_start3A_884 : memref<128xi32, #tpu.memory_space<vmem>>) semaphore(%arg10 : memref<!tpu.dma_semaphore, #tpu.memory_space<semaphore_mem>>)
    %dma_start3A_887 = arith.constant 93 : i32
    %dma_start3A_888 = arith.constant 11904 : i32
    %dma_start3A_889 = tpu.memref_slice %arg5[%dma_start3A_888] : memref<16384xf32, #tpu.memory_space<vmem>> -> memref<128xf32, #tpu.memory_space<vmem>>
    %dma_start3A_890 = arith.constant 0 : i32
    %dma_start3A_891 = tpu.memref_slice %arg7[%dma_start3A_887, %dma_start3A_890] : memref<128x128xi32, #tpu.memory_space<vmem>> -> memref<1x128xi32, #tpu.memory_space<vmem>>
    %dma_start3A_892 = tpu.memref_squeeze %dma_start3A_891 : memref<1x128xi32, #tpu.memory_space<vmem>> -> memref<128xi32, #tpu.memory_space<vmem>>
    %dma_start3A_893 = arith.constant 0 : i32
    %dma_start3A_894 = tpu.memref_slice %arg4[%dma_start3A_893] : memref<26738688xf32, #tpu.memory_space<hbm>> -> memref<26738688xf32, #tpu.memory_space<hbm>>
    tpu.enqueue_indirect_dma source(%dma_start3A_889 : memref<128xf32, #tpu.memory_space<vmem>>) target(%dma_start3A_894 : memref<26738688xf32, #tpu.memory_space<hbm>>) offsets(%dma_start3A_892 : memref<128xi32, #tpu.memory_space<vmem>>) semaphore(%arg10 : memref<!tpu.dma_semaphore, #tpu.memory_space<semaphore_mem>>)
    %dma_start3A_895 = arith.constant 94 : i32
    %dma_start3A_896 = arith.constant 12032 : i32
    %dma_start3A_897 = tpu.memref_slice %arg5[%dma_start3A_896] : memref<16384xf32, #tpu.memory_space<vmem>> -> memref<128xf32, #tpu.memory_space<vmem>>
    %dma_start3A_898 = arith.constant 0 : i32
    %dma_start3A_899 = tpu.memref_slice %arg7[%dma_start3A_895, %dma_start3A_898] : memref<128x128xi32, #tpu.memory_space<vmem>> -> memref<1x128xi32, #tpu.memory_space<vmem>>
    %dma_start3A_900 = tpu.memref_squeeze %dma_start3A_899 : memref<1x128xi32, #tpu.memory_space<vmem>> -> memref<128xi32, #tpu.memory_space<vmem>>
    %dma_start3A_901 = arith.constant 0 : i32
    %dma_start3A_902 = tpu.memref_slice %arg4[%dma_start3A_901] : memref<26738688xf32, #tpu.memory_space<hbm>> -> memref<26738688xf32, #tpu.memory_space<hbm>>
    tpu.enqueue_indirect_dma source(%dma_start3A_897 : memref<128xf32, #tpu.memory_space<vmem>>) target(%dma_start3A_902 : memref<26738688xf32, #tpu.memory_space<hbm>>) offsets(%dma_start3A_900 : memref<128xi32, #tpu.memory_space<vmem>>) semaphore(%arg10 : memref<!tpu.dma_semaphore, #tpu.memory_space<semaphore_mem>>)
    %dma_start3A_903 = arith.constant 95 : i32
    %dma_start3A_904 = arith.constant 12160 : i32
    %dma_start3A_905 = tpu.memref_slice %arg5[%dma_start3A_904] : memref<16384xf32, #tpu.memory_space<vmem>> -> memref<128xf32, #tpu.memory_space<vmem>>
    %dma_start3A_906 = arith.constant 0 : i32
    %dma_start3A_907 = tpu.memref_slice %arg7[%dma_start3A_903, %dma_start3A_906] : memref<128x128xi32, #tpu.memory_space<vmem>> -> memref<1x128xi32, #tpu.memory_space<vmem>>
    %dma_start3A_908 = tpu.memref_squeeze %dma_start3A_907 : memref<1x128xi32, #tpu.memory_space<vmem>> -> memref<128xi32, #tpu.memory_space<vmem>>
    %dma_start3A_909 = arith.constant 0 : i32
    %dma_start3A_910 = tpu.memref_slice %arg4[%dma_start3A_909] : memref<26738688xf32, #tpu.memory_space<hbm>> -> memref<26738688xf32, #tpu.memory_space<hbm>>
    tpu.enqueue_indirect_dma source(%dma_start3A_905 : memref<128xf32, #tpu.memory_space<vmem>>) target(%dma_start3A_910 : memref<26738688xf32, #tpu.memory_space<hbm>>) offsets(%dma_start3A_908 : memref<128xi32, #tpu.memory_space<vmem>>) semaphore(%arg10 : memref<!tpu.dma_semaphore, #tpu.memory_space<semaphore_mem>>)
    %dma_start3A_911 = arith.constant 96 : i32
    %dma_start3A_912 = arith.constant 12288 : i32
    %dma_start3A_913 = tpu.memref_slice %arg5[%dma_start3A_912] : memref<16384xf32, #tpu.memory_space<vmem>> -> memref<128xf32, #tpu.memory_space<vmem>>
    %dma_start3A_914 = arith.constant 0 : i32
    %dma_start3A_915 = tpu.memref_slice %arg7[%dma_start3A_911, %dma_start3A_914] : memref<128x128xi32, #tpu.memory_space<vmem>> -> memref<1x128xi32, #tpu.memory_space<vmem>>
    %dma_start3A_916 = tpu.memref_squeeze %dma_start3A_915 : memref<1x128xi32, #tpu.memory_space<vmem>> -> memref<128xi32, #tpu.memory_space<vmem>>
    %dma_start3A_917 = arith.constant 0 : i32
    %dma_start3A_918 = tpu.memref_slice %arg4[%dma_start3A_917] : memref<26738688xf32, #tpu.memory_space<hbm>> -> memref<26738688xf32, #tpu.memory_space<hbm>>
    tpu.enqueue_indirect_dma source(%dma_start3A_913 : memref<128xf32, #tpu.memory_space<vmem>>) target(%dma_start3A_918 : memref<26738688xf32, #tpu.memory_space<hbm>>) offsets(%dma_start3A_916 : memref<128xi32, #tpu.memory_space<vmem>>) semaphore(%arg10 : memref<!tpu.dma_semaphore, #tpu.memory_space<semaphore_mem>>)
    %dma_start3A_919 = arith.constant 97 : i32
    %dma_start3A_920 = arith.constant 12416 : i32
    %dma_start3A_921 = tpu.memref_slice %arg5[%dma_start3A_920] : memref<16384xf32, #tpu.memory_space<vmem>> -> memref<128xf32, #tpu.memory_space<vmem>>
    %dma_start3A_922 = arith.constant 0 : i32
    %dma_start3A_923 = tpu.memref_slice %arg7[%dma_start3A_919, %dma_start3A_922] : memref<128x128xi32, #tpu.memory_space<vmem>> -> memref<1x128xi32, #tpu.memory_space<vmem>>
    %dma_start3A_924 = tpu.memref_squeeze %dma_start3A_923 : memref<1x128xi32, #tpu.memory_space<vmem>> -> memref<128xi32, #tpu.memory_space<vmem>>
    %dma_start3A_925 = arith.constant 0 : i32
    %dma_start3A_926 = tpu.memref_slice %arg4[%dma_start3A_925] : memref<26738688xf32, #tpu.memory_space<hbm>> -> memref<26738688xf32, #tpu.memory_space<hbm>>
    tpu.enqueue_indirect_dma source(%dma_start3A_921 : memref<128xf32, #tpu.memory_space<vmem>>) target(%dma_start3A_926 : memref<26738688xf32, #tpu.memory_space<hbm>>) offsets(%dma_start3A_924 : memref<128xi32, #tpu.memory_space<vmem>>) semaphore(%arg10 : memref<!tpu.dma_semaphore, #tpu.memory_space<semaphore_mem>>)
    %dma_start3A_927 = arith.constant 98 : i32
    %dma_start3A_928 = arith.constant 12544 : i32
    %dma_start3A_929 = tpu.memref_slice %arg5[%dma_start3A_928] : memref<16384xf32, #tpu.memory_space<vmem>> -> memref<128xf32, #tpu.memory_space<vmem>>
    %dma_start3A_930 = arith.constant 0 : i32
    %dma_start3A_931 = tpu.memref_slice %arg7[%dma_start3A_927, %dma_start3A_930] : memref<128x128xi32, #tpu.memory_space<vmem>> -> memref<1x128xi32, #tpu.memory_space<vmem>>
    %dma_start3A_932 = tpu.memref_squeeze %dma_start3A_931 : memref<1x128xi32, #tpu.memory_space<vmem>> -> memref<128xi32, #tpu.memory_space<vmem>>
    %dma_start3A_933 = arith.constant 0 : i32
    %dma_start3A_934 = tpu.memref_slice %arg4[%dma_start3A_933] : memref<26738688xf32, #tpu.memory_space<hbm>> -> memref<26738688xf32, #tpu.memory_space<hbm>>
    tpu.enqueue_indirect_dma source(%dma_start3A_929 : memref<128xf32, #tpu.memory_space<vmem>>) target(%dma_start3A_934 : memref<26738688xf32, #tpu.memory_space<hbm>>) offsets(%dma_start3A_932 : memref<128xi32, #tpu.memory_space<vmem>>) semaphore(%arg10 : memref<!tpu.dma_semaphore, #tpu.memory_space<semaphore_mem>>)
    %dma_start3A_935 = arith.constant 99 : i32
    %dma_start3A_936 = arith.constant 12672 : i32
    %dma_start3A_937 = tpu.memref_slice %arg5[%dma_start3A_936] : memref<16384xf32, #tpu.memory_space<vmem>> -> memref<128xf32, #tpu.memory_space<vmem>>
    %dma_start3A_938 = arith.constant 0 : i32
    %dma_start3A_939 = tpu.memref_slice %arg7[%dma_start3A_935, %dma_start3A_938] : memref<128x128xi32, #tpu.memory_space<vmem>> -> memref<1x128xi32, #tpu.memory_space<vmem>>
    %dma_start3A_940 = tpu.memref_squeeze %dma_start3A_939 : memref<1x128xi32, #tpu.memory_space<vmem>> -> memref<128xi32, #tpu.memory_space<vmem>>
    %dma_start3A_941 = arith.constant 0 : i32
    %dma_start3A_942 = tpu.memref_slice %arg4[%dma_start3A_941] : memref<26738688xf32, #tpu.memory_space<hbm>> -> memref<26738688xf32, #tpu.memory_space<hbm>>
    tpu.enqueue_indirect_dma source(%dma_start3A_937 : memref<128xf32, #tpu.memory_space<vmem>>) target(%dma_start3A_942 : memref<26738688xf32, #tpu.memory_space<hbm>>) offsets(%dma_start3A_940 : memref<128xi32, #tpu.memory_space<vmem>>) semaphore(%arg10 : memref<!tpu.dma_semaphore, #tpu.memory_space<semaphore_mem>>)
    %dma_start3A_943 = arith.constant 100 : i32
    %dma_start3A_944 = arith.constant 12800 : i32
    %dma_start3A_945 = tpu.memref_slice %arg5[%dma_start3A_944] : memref<16384xf32, #tpu.memory_space<vmem>> -> memref<128xf32, #tpu.memory_space<vmem>>
    %dma_start3A_946 = arith.constant 0 : i32
    %dma_start3A_947 = tpu.memref_slice %arg7[%dma_start3A_943, %dma_start3A_946] : memref<128x128xi32, #tpu.memory_space<vmem>> -> memref<1x128xi32, #tpu.memory_space<vmem>>
    %dma_start3A_948 = tpu.memref_squeeze %dma_start3A_947 : memref<1x128xi32, #tpu.memory_space<vmem>> -> memref<128xi32, #tpu.memory_space<vmem>>
    %dma_start3A_949 = arith.constant 0 : i32
    %dma_start3A_950 = tpu.memref_slice %arg4[%dma_start3A_949] : memref<26738688xf32, #tpu.memory_space<hbm>> -> memref<26738688xf32, #tpu.memory_space<hbm>>
    tpu.enqueue_indirect_dma source(%dma_start3A_945 : memref<128xf32, #tpu.memory_space<vmem>>) target(%dma_start3A_950 : memref<26738688xf32, #tpu.memory_space<hbm>>) offsets(%dma_start3A_948 : memref<128xi32, #tpu.memory_space<vmem>>) semaphore(%arg10 : memref<!tpu.dma_semaphore, #tpu.memory_space<semaphore_mem>>)
    %dma_start3A_951 = arith.constant 101 : i32
    %dma_start3A_952 = arith.constant 12928 : i32
    %dma_start3A_953 = tpu.memref_slice %arg5[%dma_start3A_952] : memref<16384xf32, #tpu.memory_space<vmem>> -> memref<128xf32, #tpu.memory_space<vmem>>
    %dma_start3A_954 = arith.constant 0 : i32
    %dma_start3A_955 = tpu.memref_slice %arg7[%dma_start3A_951, %dma_start3A_954] : memref<128x128xi32, #tpu.memory_space<vmem>> -> memref<1x128xi32, #tpu.memory_space<vmem>>
    %dma_start3A_956 = tpu.memref_squeeze %dma_start3A_955 : memref<1x128xi32, #tpu.memory_space<vmem>> -> memref<128xi32, #tpu.memory_space<vmem>>
    %dma_start3A_957 = arith.constant 0 : i32
    %dma_start3A_958 = tpu.memref_slice %arg4[%dma_start3A_957] : memref<26738688xf32, #tpu.memory_space<hbm>> -> memref<26738688xf32, #tpu.memory_space<hbm>>
    tpu.enqueue_indirect_dma source(%dma_start3A_953 : memref<128xf32, #tpu.memory_space<vmem>>) target(%dma_start3A_958 : memref<26738688xf32, #tpu.memory_space<hbm>>) offsets(%dma_start3A_956 : memref<128xi32, #tpu.memory_space<vmem>>) semaphore(%arg10 : memref<!tpu.dma_semaphore, #tpu.memory_space<semaphore_mem>>)
    %dma_start3A_959 = arith.constant 102 : i32
    %dma_start3A_960 = arith.constant 13056 : i32
    %dma_start3A_961 = tpu.memref_slice %arg5[%dma_start3A_960] : memref<16384xf32, #tpu.memory_space<vmem>> -> memref<128xf32, #tpu.memory_space<vmem>>
    %dma_start3A_962 = arith.constant 0 : i32
    %dma_start3A_963 = tpu.memref_slice %arg7[%dma_start3A_959, %dma_start3A_962] : memref<128x128xi32, #tpu.memory_space<vmem>> -> memref<1x128xi32, #tpu.memory_space<vmem>>
    %dma_start3A_964 = tpu.memref_squeeze %dma_start3A_963 : memref<1x128xi32, #tpu.memory_space<vmem>> -> memref<128xi32, #tpu.memory_space<vmem>>
    %dma_start3A_965 = arith.constant 0 : i32
    %dma_start3A_966 = tpu.memref_slice %arg4[%dma_start3A_965] : memref<26738688xf32, #tpu.memory_space<hbm>> -> memref<26738688xf32, #tpu.memory_space<hbm>>
    tpu.enqueue_indirect_dma source(%dma_start3A_961 : memref<128xf32, #tpu.memory_space<vmem>>) target(%dma_start3A_966 : memref<26738688xf32, #tpu.memory_space<hbm>>) offsets(%dma_start3A_964 : memref<128xi32, #tpu.memory_space<vmem>>) semaphore(%arg10 : memref<!tpu.dma_semaphore, #tpu.memory_space<semaphore_mem>>)
    %dma_start3A_967 = arith.constant 103 : i32
    %dma_start3A_968 = arith.constant 13184 : i32
    %dma_start3A_969 = tpu.memref_slice %arg5[%dma_start3A_968] : memref<16384xf32, #tpu.memory_space<vmem>> -> memref<128xf32, #tpu.memory_space<vmem>>
    %dma_start3A_970 = arith.constant 0 : i32
    %dma_start3A_971 = tpu.memref_slice %arg7[%dma_start3A_967, %dma_start3A_970] : memref<128x128xi32, #tpu.memory_space<vmem>> -> memref<1x128xi32, #tpu.memory_space<vmem>>
    %dma_start3A_972 = tpu.memref_squeeze %dma_start3A_971 : memref<1x128xi32, #tpu.memory_space<vmem>> -> memref<128xi32, #tpu.memory_space<vmem>>
    %dma_start3A_973 = arith.constant 0 : i32
    %dma_start3A_974 = tpu.memref_slice %arg4[%dma_start3A_973] : memref<26738688xf32, #tpu.memory_space<hbm>> -> memref<26738688xf32, #tpu.memory_space<hbm>>
    tpu.enqueue_indirect_dma source(%dma_start3A_969 : memref<128xf32, #tpu.memory_space<vmem>>) target(%dma_start3A_974 : memref<26738688xf32, #tpu.memory_space<hbm>>) offsets(%dma_start3A_972 : memref<128xi32, #tpu.memory_space<vmem>>) semaphore(%arg10 : memref<!tpu.dma_semaphore, #tpu.memory_space<semaphore_mem>>)
    %dma_start3A_975 = arith.constant 104 : i32
    %dma_start3A_976 = arith.constant 13312 : i32
    %dma_start3A_977 = tpu.memref_slice %arg5[%dma_start3A_976] : memref<16384xf32, #tpu.memory_space<vmem>> -> memref<128xf32, #tpu.memory_space<vmem>>
    %dma_start3A_978 = arith.constant 0 : i32
    %dma_start3A_979 = tpu.memref_slice %arg7[%dma_start3A_975, %dma_start3A_978] : memref<128x128xi32, #tpu.memory_space<vmem>> -> memref<1x128xi32, #tpu.memory_space<vmem>>
    %dma_start3A_980 = tpu.memref_squeeze %dma_start3A_979 : memref<1x128xi32, #tpu.memory_space<vmem>> -> memref<128xi32, #tpu.memory_space<vmem>>
    %dma_start3A_981 = arith.constant 0 : i32
    %dma_start3A_982 = tpu.memref_slice %arg4[%dma_start3A_981] : memref<26738688xf32, #tpu.memory_space<hbm>> -> memref<26738688xf32, #tpu.memory_space<hbm>>
    tpu.enqueue_indirect_dma source(%dma_start3A_977 : memref<128xf32, #tpu.memory_space<vmem>>) target(%dma_start3A_982 : memref<26738688xf32, #tpu.memory_space<hbm>>) offsets(%dma_start3A_980 : memref<128xi32, #tpu.memory_space<vmem>>) semaphore(%arg10 : memref<!tpu.dma_semaphore, #tpu.memory_space<semaphore_mem>>)
    %dma_start3A_983 = arith.constant 105 : i32
    %dma_start3A_984 = arith.constant 13440 : i32
    %dma_start3A_985 = tpu.memref_slice %arg5[%dma_start3A_984] : memref<16384xf32, #tpu.memory_space<vmem>> -> memref<128xf32, #tpu.memory_space<vmem>>
    %dma_start3A_986 = arith.constant 0 : i32
    %dma_start3A_987 = tpu.memref_slice %arg7[%dma_start3A_983, %dma_start3A_986] : memref<128x128xi32, #tpu.memory_space<vmem>> -> memref<1x128xi32, #tpu.memory_space<vmem>>
    %dma_start3A_988 = tpu.memref_squeeze %dma_start3A_987 : memref<1x128xi32, #tpu.memory_space<vmem>> -> memref<128xi32, #tpu.memory_space<vmem>>
    %dma_start3A_989 = arith.constant 0 : i32
    %dma_start3A_990 = tpu.memref_slice %arg4[%dma_start3A_989] : memref<26738688xf32, #tpu.memory_space<hbm>> -> memref<26738688xf32, #tpu.memory_space<hbm>>
    tpu.enqueue_indirect_dma source(%dma_start3A_985 : memref<128xf32, #tpu.memory_space<vmem>>) target(%dma_start3A_990 : memref<26738688xf32, #tpu.memory_space<hbm>>) offsets(%dma_start3A_988 : memref<128xi32, #tpu.memory_space<vmem>>) semaphore(%arg10 : memref<!tpu.dma_semaphore, #tpu.memory_space<semaphore_mem>>)
    %dma_start3A_991 = arith.constant 106 : i32
    %dma_start3A_992 = arith.constant 13568 : i32
    %dma_start3A_993 = tpu.memref_slice %arg5[%dma_start3A_992] : memref<16384xf32, #tpu.memory_space<vmem>> -> memref<128xf32, #tpu.memory_space<vmem>>
    %dma_start3A_994 = arith.constant 0 : i32
    %dma_start3A_995 = tpu.memref_slice %arg7[%dma_start3A_991, %dma_start3A_994] : memref<128x128xi32, #tpu.memory_space<vmem>> -> memref<1x128xi32, #tpu.memory_space<vmem>>
    %dma_start3A_996 = tpu.memref_squeeze %dma_start3A_995 : memref<1x128xi32, #tpu.memory_space<vmem>> -> memref<128xi32, #tpu.memory_space<vmem>>
    %dma_start3A_997 = arith.constant 0 : i32
    %dma_start3A_998 = tpu.memref_slice %arg4[%dma_start3A_997] : memref<26738688xf32, #tpu.memory_space<hbm>> -> memref<26738688xf32, #tpu.memory_space<hbm>>
    tpu.enqueue_indirect_dma source(%dma_start3A_993 : memref<128xf32, #tpu.memory_space<vmem>>) target(%dma_start3A_998 : memref<26738688xf32, #tpu.memory_space<hbm>>) offsets(%dma_start3A_996 : memref<128xi32, #tpu.memory_space<vmem>>) semaphore(%arg10 : memref<!tpu.dma_semaphore, #tpu.memory_space<semaphore_mem>>)
    %dma_start3A_999 = arith.constant 107 : i32
    %dma_start3A_1000 = arith.constant 13696 : i32
    %dma_start3A_1001 = tpu.memref_slice %arg5[%dma_start3A_1000] : memref<16384xf32, #tpu.memory_space<vmem>> -> memref<128xf32, #tpu.memory_space<vmem>>
    %dma_start3A_1002 = arith.constant 0 : i32
    %dma_start3A_1003 = tpu.memref_slice %arg7[%dma_start3A_999, %dma_start3A_1002] : memref<128x128xi32, #tpu.memory_space<vmem>> -> memref<1x128xi32, #tpu.memory_space<vmem>>
    %dma_start3A_1004 = tpu.memref_squeeze %dma_start3A_1003 : memref<1x128xi32, #tpu.memory_space<vmem>> -> memref<128xi32, #tpu.memory_space<vmem>>
    %dma_start3A_1005 = arith.constant 0 : i32
    %dma_start3A_1006 = tpu.memref_slice %arg4[%dma_start3A_1005] : memref<26738688xf32, #tpu.memory_space<hbm>> -> memref<26738688xf32, #tpu.memory_space<hbm>>
    tpu.enqueue_indirect_dma source(%dma_start3A_1001 : memref<128xf32, #tpu.memory_space<vmem>>) target(%dma_start3A_1006 : memref<26738688xf32, #tpu.memory_space<hbm>>) offsets(%dma_start3A_1004 : memref<128xi32, #tpu.memory_space<vmem>>) semaphore(%arg10 : memref<!tpu.dma_semaphore, #tpu.memory_space<semaphore_mem>>)
    %dma_start3A_1007 = arith.constant 108 : i32
    %dma_start3A_1008 = arith.constant 13824 : i32
    %dma_start3A_1009 = tpu.memref_slice %arg5[%dma_start3A_1008] : memref<16384xf32, #tpu.memory_space<vmem>> -> memref<128xf32, #tpu.memory_space<vmem>>
    %dma_start3A_1010 = arith.constant 0 : i32
    %dma_start3A_1011 = tpu.memref_slice %arg7[%dma_start3A_1007, %dma_start3A_1010] : memref<128x128xi32, #tpu.memory_space<vmem>> -> memref<1x128xi32, #tpu.memory_space<vmem>>
    %dma_start3A_1012 = tpu.memref_squeeze %dma_start3A_1011 : memref<1x128xi32, #tpu.memory_space<vmem>> -> memref<128xi32, #tpu.memory_space<vmem>>
    %dma_start3A_1013 = arith.constant 0 : i32
    %dma_start3A_1014 = tpu.memref_slice %arg4[%dma_start3A_1013] : memref<26738688xf32, #tpu.memory_space<hbm>> -> memref<26738688xf32, #tpu.memory_space<hbm>>
    tpu.enqueue_indirect_dma source(%dma_start3A_1009 : memref<128xf32, #tpu.memory_space<vmem>>) target(%dma_start3A_1014 : memref<26738688xf32, #tpu.memory_space<hbm>>) offsets(%dma_start3A_1012 : memref<128xi32, #tpu.memory_space<vmem>>) semaphore(%arg10 : memref<!tpu.dma_semaphore, #tpu.memory_space<semaphore_mem>>)
    %dma_start3A_1015 = arith.constant 109 : i32
    %dma_start3A_1016 = arith.constant 13952 : i32
    %dma_start3A_1017 = tpu.memref_slice %arg5[%dma_start3A_1016] : memref<16384xf32, #tpu.memory_space<vmem>> -> memref<128xf32, #tpu.memory_space<vmem>>
    %dma_start3A_1018 = arith.constant 0 : i32
    %dma_start3A_1019 = tpu.memref_slice %arg7[%dma_start3A_1015, %dma_start3A_1018] : memref<128x128xi32, #tpu.memory_space<vmem>> -> memref<1x128xi32, #tpu.memory_space<vmem>>
    %dma_start3A_1020 = tpu.memref_squeeze %dma_start3A_1019 : memref<1x128xi32, #tpu.memory_space<vmem>> -> memref<128xi32, #tpu.memory_space<vmem>>
    %dma_start3A_1021 = arith.constant 0 : i32
    %dma_start3A_1022 = tpu.memref_slice %arg4[%dma_start3A_1021] : memref<26738688xf32, #tpu.memory_space<hbm>> -> memref<26738688xf32, #tpu.memory_space<hbm>>
    tpu.enqueue_indirect_dma source(%dma_start3A_1017 : memref<128xf32, #tpu.memory_space<vmem>>) target(%dma_start3A_1022 : memref<26738688xf32, #tpu.memory_space<hbm>>) offsets(%dma_start3A_1020 : memref<128xi32, #tpu.memory_space<vmem>>) semaphore(%arg10 : memref<!tpu.dma_semaphore, #tpu.memory_space<semaphore_mem>>)
    %dma_start3A_1023 = arith.constant 110 : i32
    %dma_start3A_1024 = arith.constant 14080 : i32
    %dma_start3A_1025 = tpu.memref_slice %arg5[%dma_start3A_1024] : memref<16384xf32, #tpu.memory_space<vmem>> -> memref<128xf32, #tpu.memory_space<vmem>>
    %dma_start3A_1026 = arith.constant 0 : i32
    %dma_start3A_1027 = tpu.memref_slice %arg7[%dma_start3A_1023, %dma_start3A_1026] : memref<128x128xi32, #tpu.memory_space<vmem>> -> memref<1x128xi32, #tpu.memory_space<vmem>>
    %dma_start3A_1028 = tpu.memref_squeeze %dma_start3A_1027 : memref<1x128xi32, #tpu.memory_space<vmem>> -> memref<128xi32, #tpu.memory_space<vmem>>
    %dma_start3A_1029 = arith.constant 0 : i32
    %dma_start3A_1030 = tpu.memref_slice %arg4[%dma_start3A_1029] : memref<26738688xf32, #tpu.memory_space<hbm>> -> memref<26738688xf32, #tpu.memory_space<hbm>>
    tpu.enqueue_indirect_dma source(%dma_start3A_1025 : memref<128xf32, #tpu.memory_space<vmem>>) target(%dma_start3A_1030 : memref<26738688xf32, #tpu.memory_space<hbm>>) offsets(%dma_start3A_1028 : memref<128xi32, #tpu.memory_space<vmem>>) semaphore(%arg10 : memref<!tpu.dma_semaphore, #tpu.memory_space<semaphore_mem>>)
    %dma_start3A_1031 = arith.constant 111 : i32
    %dma_start3A_1032 = arith.constant 14208 : i32
    %dma_start3A_1033 = tpu.memref_slice %arg5[%dma_start3A_1032] : memref<16384xf32, #tpu.memory_space<vmem>> -> memref<128xf32, #tpu.memory_space<vmem>>
    %dma_start3A_1034 = arith.constant 0 : i32
    %dma_start3A_1035 = tpu.memref_slice %arg7[%dma_start3A_1031, %dma_start3A_1034] : memref<128x128xi32, #tpu.memory_space<vmem>> -> memref<1x128xi32, #tpu.memory_space<vmem>>
    %dma_start3A_1036 = tpu.memref_squeeze %dma_start3A_1035 : memref<1x128xi32, #tpu.memory_space<vmem>> -> memref<128xi32, #tpu.memory_space<vmem>>
    %dma_start3A_1037 = arith.constant 0 : i32
    %dma_start3A_1038 = tpu.memref_slice %arg4[%dma_start3A_1037] : memref<26738688xf32, #tpu.memory_space<hbm>> -> memref<26738688xf32, #tpu.memory_space<hbm>>
    tpu.enqueue_indirect_dma source(%dma_start3A_1033 : memref<128xf32, #tpu.memory_space<vmem>>) target(%dma_start3A_1038 : memref<26738688xf32, #tpu.memory_space<hbm>>) offsets(%dma_start3A_1036 : memref<128xi32, #tpu.memory_space<vmem>>) semaphore(%arg10 : memref<!tpu.dma_semaphore, #tpu.memory_space<semaphore_mem>>)
    %dma_start3A_1039 = arith.constant 112 : i32
    %dma_start3A_1040 = arith.constant 14336 : i32
    %dma_start3A_1041 = tpu.memref_slice %arg5[%dma_start3A_1040] : memref<16384xf32, #tpu.memory_space<vmem>> -> memref<128xf32, #tpu.memory_space<vmem>>
    %dma_start3A_1042 = arith.constant 0 : i32
    %dma_start3A_1043 = tpu.memref_slice %arg7[%dma_start3A_1039, %dma_start3A_1042] : memref<128x128xi32, #tpu.memory_space<vmem>> -> memref<1x128xi32, #tpu.memory_space<vmem>>
    %dma_start3A_1044 = tpu.memref_squeeze %dma_start3A_1043 : memref<1x128xi32, #tpu.memory_space<vmem>> -> memref<128xi32, #tpu.memory_space<vmem>>
    %dma_start3A_1045 = arith.constant 0 : i32
    %dma_start3A_1046 = tpu.memref_slice %arg4[%dma_start3A_1045] : memref<26738688xf32, #tpu.memory_space<hbm>> -> memref<26738688xf32, #tpu.memory_space<hbm>>
    tpu.enqueue_indirect_dma source(%dma_start3A_1041 : memref<128xf32, #tpu.memory_space<vmem>>) target(%dma_start3A_1046 : memref<26738688xf32, #tpu.memory_space<hbm>>) offsets(%dma_start3A_1044 : memref<128xi32, #tpu.memory_space<vmem>>) semaphore(%arg10 : memref<!tpu.dma_semaphore, #tpu.memory_space<semaphore_mem>>)
    %dma_start3A_1047 = arith.constant 113 : i32
    %dma_start3A_1048 = arith.constant 14464 : i32
    %dma_start3A_1049 = tpu.memref_slice %arg5[%dma_start3A_1048] : memref<16384xf32, #tpu.memory_space<vmem>> -> memref<128xf32, #tpu.memory_space<vmem>>
    %dma_start3A_1050 = arith.constant 0 : i32
    %dma_start3A_1051 = tpu.memref_slice %arg7[%dma_start3A_1047, %dma_start3A_1050] : memref<128x128xi32, #tpu.memory_space<vmem>> -> memref<1x128xi32, #tpu.memory_space<vmem>>
    %dma_start3A_1052 = tpu.memref_squeeze %dma_start3A_1051 : memref<1x128xi32, #tpu.memory_space<vmem>> -> memref<128xi32, #tpu.memory_space<vmem>>
    %dma_start3A_1053 = arith.constant 0 : i32
    %dma_start3A_1054 = tpu.memref_slice %arg4[%dma_start3A_1053] : memref<26738688xf32, #tpu.memory_space<hbm>> -> memref<26738688xf32, #tpu.memory_space<hbm>>
    tpu.enqueue_indirect_dma source(%dma_start3A_1049 : memref<128xf32, #tpu.memory_space<vmem>>) target(%dma_start3A_1054 : memref<26738688xf32, #tpu.memory_space<hbm>>) offsets(%dma_start3A_1052 : memref<128xi32, #tpu.memory_space<vmem>>) semaphore(%arg10 : memref<!tpu.dma_semaphore, #tpu.memory_space<semaphore_mem>>)
    %dma_start3A_1055 = arith.constant 114 : i32
    %dma_start3A_1056 = arith.constant 14592 : i32
    %dma_start3A_1057 = tpu.memref_slice %arg5[%dma_start3A_1056] : memref<16384xf32, #tpu.memory_space<vmem>> -> memref<128xf32, #tpu.memory_space<vmem>>
    %dma_start3A_1058 = arith.constant 0 : i32
    %dma_start3A_1059 = tpu.memref_slice %arg7[%dma_start3A_1055, %dma_start3A_1058] : memref<128x128xi32, #tpu.memory_space<vmem>> -> memref<1x128xi32, #tpu.memory_space<vmem>>
    %dma_start3A_1060 = tpu.memref_squeeze %dma_start3A_1059 : memref<1x128xi32, #tpu.memory_space<vmem>> -> memref<128xi32, #tpu.memory_space<vmem>>
    %dma_start3A_1061 = arith.constant 0 : i32
    %dma_start3A_1062 = tpu.memref_slice %arg4[%dma_start3A_1061] : memref<26738688xf32, #tpu.memory_space<hbm>> -> memref<26738688xf32, #tpu.memory_space<hbm>>
    tpu.enqueue_indirect_dma source(%dma_start3A_1057 : memref<128xf32, #tpu.memory_space<vmem>>) target(%dma_start3A_1062 : memref<26738688xf32, #tpu.memory_space<hbm>>) offsets(%dma_start3A_1060 : memref<128xi32, #tpu.memory_space<vmem>>) semaphore(%arg10 : memref<!tpu.dma_semaphore, #tpu.memory_space<semaphore_mem>>)
    %dma_start3A_1063 = arith.constant 115 : i32
    %dma_start3A_1064 = arith.constant 14720 : i32
    %dma_start3A_1065 = tpu.memref_slice %arg5[%dma_start3A_1064] : memref<16384xf32, #tpu.memory_space<vmem>> -> memref<128xf32, #tpu.memory_space<vmem>>
    %dma_start3A_1066 = arith.constant 0 : i32
    %dma_start3A_1067 = tpu.memref_slice %arg7[%dma_start3A_1063, %dma_start3A_1066] : memref<128x128xi32, #tpu.memory_space<vmem>> -> memref<1x128xi32, #tpu.memory_space<vmem>>
    %dma_start3A_1068 = tpu.memref_squeeze %dma_start3A_1067 : memref<1x128xi32, #tpu.memory_space<vmem>> -> memref<128xi32, #tpu.memory_space<vmem>>
    %dma_start3A_1069 = arith.constant 0 : i32
    %dma_start3A_1070 = tpu.memref_slice %arg4[%dma_start3A_1069] : memref<26738688xf32, #tpu.memory_space<hbm>> -> memref<26738688xf32, #tpu.memory_space<hbm>>
    tpu.enqueue_indirect_dma source(%dma_start3A_1065 : memref<128xf32, #tpu.memory_space<vmem>>) target(%dma_start3A_1070 : memref<26738688xf32, #tpu.memory_space<hbm>>) offsets(%dma_start3A_1068 : memref<128xi32, #tpu.memory_space<vmem>>) semaphore(%arg10 : memref<!tpu.dma_semaphore, #tpu.memory_space<semaphore_mem>>)
    %dma_start3A_1071 = arith.constant 116 : i32
    %dma_start3A_1072 = arith.constant 14848 : i32
    %dma_start3A_1073 = tpu.memref_slice %arg5[%dma_start3A_1072] : memref<16384xf32, #tpu.memory_space<vmem>> -> memref<128xf32, #tpu.memory_space<vmem>>
    %dma_start3A_1074 = arith.constant 0 : i32
    %dma_start3A_1075 = tpu.memref_slice %arg7[%dma_start3A_1071, %dma_start3A_1074] : memref<128x128xi32, #tpu.memory_space<vmem>> -> memref<1x128xi32, #tpu.memory_space<vmem>>
    %dma_start3A_1076 = tpu.memref_squeeze %dma_start3A_1075 : memref<1x128xi32, #tpu.memory_space<vmem>> -> memref<128xi32, #tpu.memory_space<vmem>>
    %dma_start3A_1077 = arith.constant 0 : i32
    %dma_start3A_1078 = tpu.memref_slice %arg4[%dma_start3A_1077] : memref<26738688xf32, #tpu.memory_space<hbm>> -> memref<26738688xf32, #tpu.memory_space<hbm>>
    tpu.enqueue_indirect_dma source(%dma_start3A_1073 : memref<128xf32, #tpu.memory_space<vmem>>) target(%dma_start3A_1078 : memref<26738688xf32, #tpu.memory_space<hbm>>) offsets(%dma_start3A_1076 : memref<128xi32, #tpu.memory_space<vmem>>) semaphore(%arg10 : memref<!tpu.dma_semaphore, #tpu.memory_space<semaphore_mem>>)
    %dma_start3A_1079 = arith.constant 117 : i32
    %dma_start3A_1080 = arith.constant 14976 : i32
    %dma_start3A_1081 = tpu.memref_slice %arg5[%dma_start3A_1080] : memref<16384xf32, #tpu.memory_space<vmem>> -> memref<128xf32, #tpu.memory_space<vmem>>
    %dma_start3A_1082 = arith.constant 0 : i32
    %dma_start3A_1083 = tpu.memref_slice %arg7[%dma_start3A_1079, %dma_start3A_1082] : memref<128x128xi32, #tpu.memory_space<vmem>> -> memref<1x128xi32, #tpu.memory_space<vmem>>
    %dma_start3A_1084 = tpu.memref_squeeze %dma_start3A_1083 : memref<1x128xi32, #tpu.memory_space<vmem>> -> memref<128xi32, #tpu.memory_space<vmem>>
    %dma_start3A_1085 = arith.constant 0 : i32
    %dma_start3A_1086 = tpu.memref_slice %arg4[%dma_start3A_1085] : memref<26738688xf32, #tpu.memory_space<hbm>> -> memref<26738688xf32, #tpu.memory_space<hbm>>
    tpu.enqueue_indirect_dma source(%dma_start3A_1081 : memref<128xf32, #tpu.memory_space<vmem>>) target(%dma_start3A_1086 : memref<26738688xf32, #tpu.memory_space<hbm>>) offsets(%dma_start3A_1084 : memref<128xi32, #tpu.memory_space<vmem>>) semaphore(%arg10 : memref<!tpu.dma_semaphore, #tpu.memory_space<semaphore_mem>>)
    %dma_start3A_1087 = arith.constant 118 : i32
    %dma_start3A_1088 = arith.constant 15104 : i32
    %dma_start3A_1089 = tpu.memref_slice %arg5[%dma_start3A_1088] : memref<16384xf32, #tpu.memory_space<vmem>> -> memref<128xf32, #tpu.memory_space<vmem>>
    %dma_start3A_1090 = arith.constant 0 : i32
    %dma_start3A_1091 = tpu.memref_slice %arg7[%dma_start3A_1087, %dma_start3A_1090] : memref<128x128xi32, #tpu.memory_space<vmem>> -> memref<1x128xi32, #tpu.memory_space<vmem>>
    %dma_start3A_1092 = tpu.memref_squeeze %dma_start3A_1091 : memref<1x128xi32, #tpu.memory_space<vmem>> -> memref<128xi32, #tpu.memory_space<vmem>>
    %dma_start3A_1093 = arith.constant 0 : i32
    %dma_start3A_1094 = tpu.memref_slice %arg4[%dma_start3A_1093] : memref<26738688xf32, #tpu.memory_space<hbm>> -> memref<26738688xf32, #tpu.memory_space<hbm>>
    tpu.enqueue_indirect_dma source(%dma_start3A_1089 : memref<128xf32, #tpu.memory_space<vmem>>) target(%dma_start3A_1094 : memref<26738688xf32, #tpu.memory_space<hbm>>) offsets(%dma_start3A_1092 : memref<128xi32, #tpu.memory_space<vmem>>) semaphore(%arg10 : memref<!tpu.dma_semaphore, #tpu.memory_space<semaphore_mem>>)
    %dma_start3A_1095 = arith.constant 119 : i32
    %dma_start3A_1096 = arith.constant 15232 : i32
    %dma_start3A_1097 = tpu.memref_slice %arg5[%dma_start3A_1096] : memref<16384xf32, #tpu.memory_space<vmem>> -> memref<128xf32, #tpu.memory_space<vmem>>
    %dma_start3A_1098 = arith.constant 0 : i32
    %dma_start3A_1099 = tpu.memref_slice %arg7[%dma_start3A_1095, %dma_start3A_1098] : memref<128x128xi32, #tpu.memory_space<vmem>> -> memref<1x128xi32, #tpu.memory_space<vmem>>
    %dma_start3A_1100 = tpu.memref_squeeze %dma_start3A_1099 : memref<1x128xi32, #tpu.memory_space<vmem>> -> memref<128xi32, #tpu.memory_space<vmem>>
    %dma_start3A_1101 = arith.constant 0 : i32
    %dma_start3A_1102 = tpu.memref_slice %arg4[%dma_start3A_1101] : memref<26738688xf32, #tpu.memory_space<hbm>> -> memref<26738688xf32, #tpu.memory_space<hbm>>
    tpu.enqueue_indirect_dma source(%dma_start3A_1097 : memref<128xf32, #tpu.memory_space<vmem>>) target(%dma_start3A_1102 : memref<26738688xf32, #tpu.memory_space<hbm>>) offsets(%dma_start3A_1100 : memref<128xi32, #tpu.memory_space<vmem>>) semaphore(%arg10 : memref<!tpu.dma_semaphore, #tpu.memory_space<semaphore_mem>>)
    %dma_start3A_1103 = arith.constant 120 : i32
    %dma_start3A_1104 = arith.constant 15360 : i32
    %dma_start3A_1105 = tpu.memref_slice %arg5[%dma_start3A_1104] : memref<16384xf32, #tpu.memory_space<vmem>> -> memref<128xf32, #tpu.memory_space<vmem>>
    %dma_start3A_1106 = arith.constant 0 : i32
    %dma_start3A_1107 = tpu.memref_slice %arg7[%dma_start3A_1103, %dma_start3A_1106] : memref<128x128xi32, #tpu.memory_space<vmem>> -> memref<1x128xi32, #tpu.memory_space<vmem>>
    %dma_start3A_1108 = tpu.memref_squeeze %dma_start3A_1107 : memref<1x128xi32, #tpu.memory_space<vmem>> -> memref<128xi32, #tpu.memory_space<vmem>>
    %dma_start3A_1109 = arith.constant 0 : i32
    %dma_start3A_1110 = tpu.memref_slice %arg4[%dma_start3A_1109] : memref<26738688xf32, #tpu.memory_space<hbm>> -> memref<26738688xf32, #tpu.memory_space<hbm>>
    tpu.enqueue_indirect_dma source(%dma_start3A_1105 : memref<128xf32, #tpu.memory_space<vmem>>) target(%dma_start3A_1110 : memref<26738688xf32, #tpu.memory_space<hbm>>) offsets(%dma_start3A_1108 : memref<128xi32, #tpu.memory_space<vmem>>) semaphore(%arg10 : memref<!tpu.dma_semaphore, #tpu.memory_space<semaphore_mem>>)
    %dma_start3A_1111 = arith.constant 121 : i32
    %dma_start3A_1112 = arith.constant 15488 : i32
    %dma_start3A_1113 = tpu.memref_slice %arg5[%dma_start3A_1112] : memref<16384xf32, #tpu.memory_space<vmem>> -> memref<128xf32, #tpu.memory_space<vmem>>
    %dma_start3A_1114 = arith.constant 0 : i32
    %dma_start3A_1115 = tpu.memref_slice %arg7[%dma_start3A_1111, %dma_start3A_1114] : memref<128x128xi32, #tpu.memory_space<vmem>> -> memref<1x128xi32, #tpu.memory_space<vmem>>
    %dma_start3A_1116 = tpu.memref_squeeze %dma_start3A_1115 : memref<1x128xi32, #tpu.memory_space<vmem>> -> memref<128xi32, #tpu.memory_space<vmem>>
    %dma_start3A_1117 = arith.constant 0 : i32
    %dma_start3A_1118 = tpu.memref_slice %arg4[%dma_start3A_1117] : memref<26738688xf32, #tpu.memory_space<hbm>> -> memref<26738688xf32, #tpu.memory_space<hbm>>
    tpu.enqueue_indirect_dma source(%dma_start3A_1113 : memref<128xf32, #tpu.memory_space<vmem>>) target(%dma_start3A_1118 : memref<26738688xf32, #tpu.memory_space<hbm>>) offsets(%dma_start3A_1116 : memref<128xi32, #tpu.memory_space<vmem>>) semaphore(%arg10 : memref<!tpu.dma_semaphore, #tpu.memory_space<semaphore_mem>>)
    %dma_start3A_1119 = arith.constant 122 : i32
    %dma_start3A_1120 = arith.constant 15616 : i32
    %dma_start3A_1121 = tpu.memref_slice %arg5[%dma_start3A_1120] : memref<16384xf32, #tpu.memory_space<vmem>> -> memref<128xf32, #tpu.memory_space<vmem>>
    %dma_start3A_1122 = arith.constant 0 : i32
    %dma_start3A_1123 = tpu.memref_slice %arg7[%dma_start3A_1119, %dma_start3A_1122] : memref<128x128xi32, #tpu.memory_space<vmem>> -> memref<1x128xi32, #tpu.memory_space<vmem>>
    %dma_start3A_1124 = tpu.memref_squeeze %dma_start3A_1123 : memref<1x128xi32, #tpu.memory_space<vmem>> -> memref<128xi32, #tpu.memory_space<vmem>>
    %dma_start3A_1125 = arith.constant 0 : i32
    %dma_start3A_1126 = tpu.memref_slice %arg4[%dma_start3A_1125] : memref<26738688xf32, #tpu.memory_space<hbm>> -> memref<26738688xf32, #tpu.memory_space<hbm>>
    tpu.enqueue_indirect_dma source(%dma_start3A_1121 : memref<128xf32, #tpu.memory_space<vmem>>) target(%dma_start3A_1126 : memref<26738688xf32, #tpu.memory_space<hbm>>) offsets(%dma_start3A_1124 : memref<128xi32, #tpu.memory_space<vmem>>) semaphore(%arg10 : memref<!tpu.dma_semaphore, #tpu.memory_space<semaphore_mem>>)
    %dma_start3A_1127 = arith.constant 123 : i32
    %dma_start3A_1128 = arith.constant 15744 : i32
    %dma_start3A_1129 = tpu.memref_slice %arg5[%dma_start3A_1128] : memref<16384xf32, #tpu.memory_space<vmem>> -> memref<128xf32, #tpu.memory_space<vmem>>
    %dma_start3A_1130 = arith.constant 0 : i32
    %dma_start3A_1131 = tpu.memref_slice %arg7[%dma_start3A_1127, %dma_start3A_1130] : memref<128x128xi32, #tpu.memory_space<vmem>> -> memref<1x128xi32, #tpu.memory_space<vmem>>
    %dma_start3A_1132 = tpu.memref_squeeze %dma_start3A_1131 : memref<1x128xi32, #tpu.memory_space<vmem>> -> memref<128xi32, #tpu.memory_space<vmem>>
    %dma_start3A_1133 = arith.constant 0 : i32
    %dma_start3A_1134 = tpu.memref_slice %arg4[%dma_start3A_1133] : memref<26738688xf32, #tpu.memory_space<hbm>> -> memref<26738688xf32, #tpu.memory_space<hbm>>
    tpu.enqueue_indirect_dma source(%dma_start3A_1129 : memref<128xf32, #tpu.memory_space<vmem>>) target(%dma_start3A_1134 : memref<26738688xf32, #tpu.memory_space<hbm>>) offsets(%dma_start3A_1132 : memref<128xi32, #tpu.memory_space<vmem>>) semaphore(%arg10 : memref<!tpu.dma_semaphore, #tpu.memory_space<semaphore_mem>>)
    %dma_start3A_1135 = arith.constant 124 : i32
    %dma_start3A_1136 = arith.constant 15872 : i32
    %dma_start3A_1137 = tpu.memref_slice %arg5[%dma_start3A_1136] : memref<16384xf32, #tpu.memory_space<vmem>> -> memref<128xf32, #tpu.memory_space<vmem>>
    %dma_start3A_1138 = arith.constant 0 : i32
    %dma_start3A_1139 = tpu.memref_slice %arg7[%dma_start3A_1135, %dma_start3A_1138] : memref<128x128xi32, #tpu.memory_space<vmem>> -> memref<1x128xi32, #tpu.memory_space<vmem>>
    %dma_start3A_1140 = tpu.memref_squeeze %dma_start3A_1139 : memref<1x128xi32, #tpu.memory_space<vmem>> -> memref<128xi32, #tpu.memory_space<vmem>>
    %dma_start3A_1141 = arith.constant 0 : i32
    %dma_start3A_1142 = tpu.memref_slice %arg4[%dma_start3A_1141] : memref<26738688xf32, #tpu.memory_space<hbm>> -> memref<26738688xf32, #tpu.memory_space<hbm>>
    tpu.enqueue_indirect_dma source(%dma_start3A_1137 : memref<128xf32, #tpu.memory_space<vmem>>) target(%dma_start3A_1142 : memref<26738688xf32, #tpu.memory_space<hbm>>) offsets(%dma_start3A_1140 : memref<128xi32, #tpu.memory_space<vmem>>) semaphore(%arg10 : memref<!tpu.dma_semaphore, #tpu.memory_space<semaphore_mem>>)
    %dma_start3A_1143 = arith.constant 125 : i32
    %dma_start3A_1144 = arith.constant 16000 : i32
    %dma_start3A_1145 = tpu.memref_slice %arg5[%dma_start3A_1144] : memref<16384xf32, #tpu.memory_space<vmem>> -> memref<128xf32, #tpu.memory_space<vmem>>
    %dma_start3A_1146 = arith.constant 0 : i32
    %dma_start3A_1147 = tpu.memref_slice %arg7[%dma_start3A_1143, %dma_start3A_1146] : memref<128x128xi32, #tpu.memory_space<vmem>> -> memref<1x128xi32, #tpu.memory_space<vmem>>
    %dma_start3A_1148 = tpu.memref_squeeze %dma_start3A_1147 : memref<1x128xi32, #tpu.memory_space<vmem>> -> memref<128xi32, #tpu.memory_space<vmem>>
    %dma_start3A_1149 = arith.constant 0 : i32
    %dma_start3A_1150 = tpu.memref_slice %arg4[%dma_start3A_1149] : memref<26738688xf32, #tpu.memory_space<hbm>> -> memref<26738688xf32, #tpu.memory_space<hbm>>
    tpu.enqueue_indirect_dma source(%dma_start3A_1145 : memref<128xf32, #tpu.memory_space<vmem>>) target(%dma_start3A_1150 : memref<26738688xf32, #tpu.memory_space<hbm>>) offsets(%dma_start3A_1148 : memref<128xi32, #tpu.memory_space<vmem>>) semaphore(%arg10 : memref<!tpu.dma_semaphore, #tpu.memory_space<semaphore_mem>>)
    %dma_start3A_1151 = arith.constant 126 : i32
    %dma_start3A_1152 = arith.constant 16128 : i32
    %dma_start3A_1153 = tpu.memref_slice %arg5[%dma_start3A_1152] : memref<16384xf32, #tpu.memory_space<vmem>> -> memref<128xf32, #tpu.memory_space<vmem>>
    %dma_start3A_1154 = arith.constant 0 : i32
    %dma_start3A_1155 = tpu.memref_slice %arg7[%dma_start3A_1151, %dma_start3A_1154] : memref<128x128xi32, #tpu.memory_space<vmem>> -> memref<1x128xi32, #tpu.memory_space<vmem>>
    %dma_start3A_1156 = tpu.memref_squeeze %dma_start3A_1155 : memref<1x128xi32, #tpu.memory_space<vmem>> -> memref<128xi32, #tpu.memory_space<vmem>>
    %dma_start3A_1157 = arith.constant 0 : i32
    %dma_start3A_1158 = tpu.memref_slice %arg4[%dma_start3A_1157] : memref<26738688xf32, #tpu.memory_space<hbm>> -> memref<26738688xf32, #tpu.memory_space<hbm>>
    tpu.enqueue_indirect_dma source(%dma_start3A_1153 : memref<128xf32, #tpu.memory_space<vmem>>) target(%dma_start3A_1158 : memref<26738688xf32, #tpu.memory_space<hbm>>) offsets(%dma_start3A_1156 : memref<128xi32, #tpu.memory_space<vmem>>) semaphore(%arg10 : memref<!tpu.dma_semaphore, #tpu.memory_space<semaphore_mem>>)
    %dma_start3A_1159 = arith.constant 127 : i32
    %dma_start3A_1160 = arith.constant 16256 : i32
    %dma_start3A_1161 = tpu.memref_slice %arg5[%dma_start3A_1160] : memref<16384xf32, #tpu.memory_space<vmem>> -> memref<128xf32, #tpu.memory_space<vmem>>
    %dma_start3A_1162 = arith.constant 0 : i32
    %dma_start3A_1163 = tpu.memref_slice %arg7[%dma_start3A_1159, %dma_start3A_1162] : memref<128x128xi32, #tpu.memory_space<vmem>> -> memref<1x128xi32, #tpu.memory_space<vmem>>
    %dma_start3A_1164 = tpu.memref_squeeze %dma_start3A_1163 : memref<1x128xi32, #tpu.memory_space<vmem>> -> memref<128xi32, #tpu.memory_space<vmem>>
    %dma_start3A_1165 = arith.constant 0 : i32
    %dma_start3A_1166 = tpu.memref_slice %arg4[%dma_start3A_1165] : memref<26738688xf32, #tpu.memory_space<hbm>> -> memref<26738688xf32, #tpu.memory_space<hbm>>
    tpu.enqueue_indirect_dma source(%dma_start3A_1161 : memref<128xf32, #tpu.memory_space<vmem>>) target(%dma_start3A_1166 : memref<26738688xf32, #tpu.memory_space<hbm>>) offsets(%dma_start3A_1164 : memref<128xi32, #tpu.memory_space<vmem>>) semaphore(%arg10 : memref<!tpu.dma_semaphore, #tpu.memory_space<semaphore_mem>>)
    %dma_wait3A_1167 = arith.constant 0 : i32
    %dma_wait3A_1168 = arith.constant 0 : i32
    %dma_wait3A_1169 = tpu.memref_slice %arg5[%dma_wait3A_1168] : memref<16384xf32, #tpu.memory_space<vmem>> -> memref<128xf32, #tpu.memory_space<vmem>>
    %dma_wait3A_1170 = arith.constant 0 : i32
    %dma_wait3A_1171 = tpu.memref_slice %arg7[%dma_wait3A_1167, %dma_wait3A_1170] : memref<128x128xi32, #tpu.memory_space<vmem>> -> memref<1x128xi32, #tpu.memory_space<vmem>>
    %dma_wait3A_1172 = tpu.memref_squeeze %dma_wait3A_1171 : memref<1x128xi32, #tpu.memory_space<vmem>> -> memref<128xi32, #tpu.memory_space<vmem>>
    %dma_wait3A_1173 = arith.constant 0 : i32
    %dma_wait3A_1174 = tpu.memref_slice %arg4[%dma_wait3A_1173] : memref<26738688xf32, #tpu.memory_space<hbm>> -> memref<26738688xf32, #tpu.memory_space<hbm>>
    tpu.wait_indirect_dma semaphore(%arg10 : memref<!tpu.dma_semaphore, #tpu.memory_space<semaphore_mem>>) src(%dma_wait3A_1169 : memref<128xf32, #tpu.memory_space<vmem>>) dst(%dma_wait3A_1174 : memref<26738688xf32, #tpu.memory_space<hbm>>)
    %dma_wait3A_1175 = arith.constant 1 : i32
    %dma_wait3A_1176 = arith.constant 128 : i32
    %dma_wait3A_1177 = tpu.memref_slice %arg5[%dma_wait3A_1176] : memref<16384xf32, #tpu.memory_space<vmem>> -> memref<128xf32, #tpu.memory_space<vmem>>
    %dma_wait3A_1178 = arith.constant 0 : i32
    %dma_wait3A_1179 = tpu.memref_slice %arg7[%dma_wait3A_1175, %dma_wait3A_1178] : memref<128x128xi32, #tpu.memory_space<vmem>> -> memref<1x128xi32, #tpu.memory_space<vmem>>
    %dma_wait3A_1180 = tpu.memref_squeeze %dma_wait3A_1179 : memref<1x128xi32, #tpu.memory_space<vmem>> -> memref<128xi32, #tpu.memory_space<vmem>>
    %dma_wait3A_1181 = arith.constant 0 : i32
    %dma_wait3A_1182 = tpu.memref_slice %arg4[%dma_wait3A_1181] : memref<26738688xf32, #tpu.memory_space<hbm>> -> memref<26738688xf32, #tpu.memory_space<hbm>>
    tpu.wait_indirect_dma semaphore(%arg10 : memref<!tpu.dma_semaphore, #tpu.memory_space<semaphore_mem>>) src(%dma_wait3A_1177 : memref<128xf32, #tpu.memory_space<vmem>>) dst(%dma_wait3A_1182 : memref<26738688xf32, #tpu.memory_space<hbm>>)
    %dma_wait3A_1183 = arith.constant 2 : i32
    %dma_wait3A_1184 = arith.constant 256 : i32
    %dma_wait3A_1185 = tpu.memref_slice %arg5[%dma_wait3A_1184] : memref<16384xf32, #tpu.memory_space<vmem>> -> memref<128xf32, #tpu.memory_space<vmem>>
    %dma_wait3A_1186 = arith.constant 0 : i32
    %dma_wait3A_1187 = tpu.memref_slice %arg7[%dma_wait3A_1183, %dma_wait3A_1186] : memref<128x128xi32, #tpu.memory_space<vmem>> -> memref<1x128xi32, #tpu.memory_space<vmem>>
    %dma_wait3A_1188 = tpu.memref_squeeze %dma_wait3A_1187 : memref<1x128xi32, #tpu.memory_space<vmem>> -> memref<128xi32, #tpu.memory_space<vmem>>
    %dma_wait3A_1189 = arith.constant 0 : i32
    %dma_wait3A_1190 = tpu.memref_slice %arg4[%dma_wait3A_1189] : memref<26738688xf32, #tpu.memory_space<hbm>> -> memref<26738688xf32, #tpu.memory_space<hbm>>
    tpu.wait_indirect_dma semaphore(%arg10 : memref<!tpu.dma_semaphore, #tpu.memory_space<semaphore_mem>>) src(%dma_wait3A_1185 : memref<128xf32, #tpu.memory_space<vmem>>) dst(%dma_wait3A_1190 : memref<26738688xf32, #tpu.memory_space<hbm>>)
    %dma_wait3A_1191 = arith.constant 3 : i32
    %dma_wait3A_1192 = arith.constant 384 : i32
    %dma_wait3A_1193 = tpu.memref_slice %arg5[%dma_wait3A_1192] : memref<16384xf32, #tpu.memory_space<vmem>> -> memref<128xf32, #tpu.memory_space<vmem>>
    %dma_wait3A_1194 = arith.constant 0 : i32
    %dma_wait3A_1195 = tpu.memref_slice %arg7[%dma_wait3A_1191, %dma_wait3A_1194] : memref<128x128xi32, #tpu.memory_space<vmem>> -> memref<1x128xi32, #tpu.memory_space<vmem>>
    %dma_wait3A_1196 = tpu.memref_squeeze %dma_wait3A_1195 : memref<1x128xi32, #tpu.memory_space<vmem>> -> memref<128xi32, #tpu.memory_space<vmem>>
    %dma_wait3A_1197 = arith.constant 0 : i32
    %dma_wait3A_1198 = tpu.memref_slice %arg4[%dma_wait3A_1197] : memref<26738688xf32, #tpu.memory_space<hbm>> -> memref<26738688xf32, #tpu.memory_space<hbm>>
    tpu.wait_indirect_dma semaphore(%arg10 : memref<!tpu.dma_semaphore, #tpu.memory_space<semaphore_mem>>) src(%dma_wait3A_1193 : memref<128xf32, #tpu.memory_space<vmem>>) dst(%dma_wait3A_1198 : memref<26738688xf32, #tpu.memory_space<hbm>>)
    %dma_wait3A_1199 = arith.constant 4 : i32
    %dma_wait3A_1200 = arith.constant 512 : i32
    %dma_wait3A_1201 = tpu.memref_slice %arg5[%dma_wait3A_1200] : memref<16384xf32, #tpu.memory_space<vmem>> -> memref<128xf32, #tpu.memory_space<vmem>>
    %dma_wait3A_1202 = arith.constant 0 : i32
    %dma_wait3A_1203 = tpu.memref_slice %arg7[%dma_wait3A_1199, %dma_wait3A_1202] : memref<128x128xi32, #tpu.memory_space<vmem>> -> memref<1x128xi32, #tpu.memory_space<vmem>>
    %dma_wait3A_1204 = tpu.memref_squeeze %dma_wait3A_1203 : memref<1x128xi32, #tpu.memory_space<vmem>> -> memref<128xi32, #tpu.memory_space<vmem>>
    %dma_wait3A_1205 = arith.constant 0 : i32
    %dma_wait3A_1206 = tpu.memref_slice %arg4[%dma_wait3A_1205] : memref<26738688xf32, #tpu.memory_space<hbm>> -> memref<26738688xf32, #tpu.memory_space<hbm>>
    tpu.wait_indirect_dma semaphore(%arg10 : memref<!tpu.dma_semaphore, #tpu.memory_space<semaphore_mem>>) src(%dma_wait3A_1201 : memref<128xf32, #tpu.memory_space<vmem>>) dst(%dma_wait3A_1206 : memref<26738688xf32, #tpu.memory_space<hbm>>)
    %dma_wait3A_1207 = arith.constant 5 : i32
    %dma_wait3A_1208 = arith.constant 640 : i32
    %dma_wait3A_1209 = tpu.memref_slice %arg5[%dma_wait3A_1208] : memref<16384xf32, #tpu.memory_space<vmem>> -> memref<128xf32, #tpu.memory_space<vmem>>
    %dma_wait3A_1210 = arith.constant 0 : i32
    %dma_wait3A_1211 = tpu.memref_slice %arg7[%dma_wait3A_1207, %dma_wait3A_1210] : memref<128x128xi32, #tpu.memory_space<vmem>> -> memref<1x128xi32, #tpu.memory_space<vmem>>
    %dma_wait3A_1212 = tpu.memref_squeeze %dma_wait3A_1211 : memref<1x128xi32, #tpu.memory_space<vmem>> -> memref<128xi32, #tpu.memory_space<vmem>>
    %dma_wait3A_1213 = arith.constant 0 : i32
    %dma_wait3A_1214 = tpu.memref_slice %arg4[%dma_wait3A_1213] : memref<26738688xf32, #tpu.memory_space<hbm>> -> memref<26738688xf32, #tpu.memory_space<hbm>>
    tpu.wait_indirect_dma semaphore(%arg10 : memref<!tpu.dma_semaphore, #tpu.memory_space<semaphore_mem>>) src(%dma_wait3A_1209 : memref<128xf32, #tpu.memory_space<vmem>>) dst(%dma_wait3A_1214 : memref<26738688xf32, #tpu.memory_space<hbm>>)
    %dma_wait3A_1215 = arith.constant 6 : i32
    %dma_wait3A_1216 = arith.constant 768 : i32
    %dma_wait3A_1217 = tpu.memref_slice %arg5[%dma_wait3A_1216] : memref<16384xf32, #tpu.memory_space<vmem>> -> memref<128xf32, #tpu.memory_space<vmem>>
    %dma_wait3A_1218 = arith.constant 0 : i32
    %dma_wait3A_1219 = tpu.memref_slice %arg7[%dma_wait3A_1215, %dma_wait3A_1218] : memref<128x128xi32, #tpu.memory_space<vmem>> -> memref<1x128xi32, #tpu.memory_space<vmem>>
    %dma_wait3A_1220 = tpu.memref_squeeze %dma_wait3A_1219 : memref<1x128xi32, #tpu.memory_space<vmem>> -> memref<128xi32, #tpu.memory_space<vmem>>
    %dma_wait3A_1221 = arith.constant 0 : i32
    %dma_wait3A_1222 = tpu.memref_slice %arg4[%dma_wait3A_1221] : memref<26738688xf32, #tpu.memory_space<hbm>> -> memref<26738688xf32, #tpu.memory_space<hbm>>
    tpu.wait_indirect_dma semaphore(%arg10 : memref<!tpu.dma_semaphore, #tpu.memory_space<semaphore_mem>>) src(%dma_wait3A_1217 : memref<128xf32, #tpu.memory_space<vmem>>) dst(%dma_wait3A_1222 : memref<26738688xf32, #tpu.memory_space<hbm>>)
    %dma_wait3A_1223 = arith.constant 7 : i32
    %dma_wait3A_1224 = arith.constant 896 : i32
    %dma_wait3A_1225 = tpu.memref_slice %arg5[%dma_wait3A_1224] : memref<16384xf32, #tpu.memory_space<vmem>> -> memref<128xf32, #tpu.memory_space<vmem>>
    %dma_wait3A_1226 = arith.constant 0 : i32
    %dma_wait3A_1227 = tpu.memref_slice %arg7[%dma_wait3A_1223, %dma_wait3A_1226] : memref<128x128xi32, #tpu.memory_space<vmem>> -> memref<1x128xi32, #tpu.memory_space<vmem>>
    %dma_wait3A_1228 = tpu.memref_squeeze %dma_wait3A_1227 : memref<1x128xi32, #tpu.memory_space<vmem>> -> memref<128xi32, #tpu.memory_space<vmem>>
    %dma_wait3A_1229 = arith.constant 0 : i32
    %dma_wait3A_1230 = tpu.memref_slice %arg4[%dma_wait3A_1229] : memref<26738688xf32, #tpu.memory_space<hbm>> -> memref<26738688xf32, #tpu.memory_space<hbm>>
    tpu.wait_indirect_dma semaphore(%arg10 : memref<!tpu.dma_semaphore, #tpu.memory_space<semaphore_mem>>) src(%dma_wait3A_1225 : memref<128xf32, #tpu.memory_space<vmem>>) dst(%dma_wait3A_1230 : memref<26738688xf32, #tpu.memory_space<hbm>>)
    %dma_wait3A_1231 = arith.constant 8 : i32
    %dma_wait3A_1232 = arith.constant 1024 : i32
    %dma_wait3A_1233 = tpu.memref_slice %arg5[%dma_wait3A_1232] : memref<16384xf32, #tpu.memory_space<vmem>> -> memref<128xf32, #tpu.memory_space<vmem>>
    %dma_wait3A_1234 = arith.constant 0 : i32
    %dma_wait3A_1235 = tpu.memref_slice %arg7[%dma_wait3A_1231, %dma_wait3A_1234] : memref<128x128xi32, #tpu.memory_space<vmem>> -> memref<1x128xi32, #tpu.memory_space<vmem>>
    %dma_wait3A_1236 = tpu.memref_squeeze %dma_wait3A_1235 : memref<1x128xi32, #tpu.memory_space<vmem>> -> memref<128xi32, #tpu.memory_space<vmem>>
    %dma_wait3A_1237 = arith.constant 0 : i32
    %dma_wait3A_1238 = tpu.memref_slice %arg4[%dma_wait3A_1237] : memref<26738688xf32, #tpu.memory_space<hbm>> -> memref<26738688xf32, #tpu.memory_space<hbm>>
    tpu.wait_indirect_dma semaphore(%arg10 : memref<!tpu.dma_semaphore, #tpu.memory_space<semaphore_mem>>) src(%dma_wait3A_1233 : memref<128xf32, #tpu.memory_space<vmem>>) dst(%dma_wait3A_1238 : memref<26738688xf32, #tpu.memory_space<hbm>>)
    %dma_wait3A_1239 = arith.constant 9 : i32
    %dma_wait3A_1240 = arith.constant 1152 : i32
    %dma_wait3A_1241 = tpu.memref_slice %arg5[%dma_wait3A_1240] : memref<16384xf32, #tpu.memory_space<vmem>> -> memref<128xf32, #tpu.memory_space<vmem>>
    %dma_wait3A_1242 = arith.constant 0 : i32
    %dma_wait3A_1243 = tpu.memref_slice %arg7[%dma_wait3A_1239, %dma_wait3A_1242] : memref<128x128xi32, #tpu.memory_space<vmem>> -> memref<1x128xi32, #tpu.memory_space<vmem>>
    %dma_wait3A_1244 = tpu.memref_squeeze %dma_wait3A_1243 : memref<1x128xi32, #tpu.memory_space<vmem>> -> memref<128xi32, #tpu.memory_space<vmem>>
    %dma_wait3A_1245 = arith.constant 0 : i32
    %dma_wait3A_1246 = tpu.memref_slice %arg4[%dma_wait3A_1245] : memref<26738688xf32, #tpu.memory_space<hbm>> -> memref<26738688xf32, #tpu.memory_space<hbm>>
    tpu.wait_indirect_dma semaphore(%arg10 : memref<!tpu.dma_semaphore, #tpu.memory_space<semaphore_mem>>) src(%dma_wait3A_1241 : memref<128xf32, #tpu.memory_space<vmem>>) dst(%dma_wait3A_1246 : memref<26738688xf32, #tpu.memory_space<hbm>>)
    %dma_wait3A_1247 = arith.constant 10 : i32
    %dma_wait3A_1248 = arith.constant 1280 : i32
    %dma_wait3A_1249 = tpu.memref_slice %arg5[%dma_wait3A_1248] : memref<16384xf32, #tpu.memory_space<vmem>> -> memref<128xf32, #tpu.memory_space<vmem>>
    %dma_wait3A_1250 = arith.constant 0 : i32
    %dma_wait3A_1251 = tpu.memref_slice %arg7[%dma_wait3A_1247, %dma_wait3A_1250] : memref<128x128xi32, #tpu.memory_space<vmem>> -> memref<1x128xi32, #tpu.memory_space<vmem>>
    %dma_wait3A_1252 = tpu.memref_squeeze %dma_wait3A_1251 : memref<1x128xi32, #tpu.memory_space<vmem>> -> memref<128xi32, #tpu.memory_space<vmem>>
    %dma_wait3A_1253 = arith.constant 0 : i32
    %dma_wait3A_1254 = tpu.memref_slice %arg4[%dma_wait3A_1253] : memref<26738688xf32, #tpu.memory_space<hbm>> -> memref<26738688xf32, #tpu.memory_space<hbm>>
    tpu.wait_indirect_dma semaphore(%arg10 : memref<!tpu.dma_semaphore, #tpu.memory_space<semaphore_mem>>) src(%dma_wait3A_1249 : memref<128xf32, #tpu.memory_space<vmem>>) dst(%dma_wait3A_1254 : memref<26738688xf32, #tpu.memory_space<hbm>>)
    %dma_wait3A_1255 = arith.constant 11 : i32
    %dma_wait3A_1256 = arith.constant 1408 : i32
    %dma_wait3A_1257 = tpu.memref_slice %arg5[%dma_wait3A_1256] : memref<16384xf32, #tpu.memory_space<vmem>> -> memref<128xf32, #tpu.memory_space<vmem>>
    %dma_wait3A_1258 = arith.constant 0 : i32
    %dma_wait3A_1259 = tpu.memref_slice %arg7[%dma_wait3A_1255, %dma_wait3A_1258] : memref<128x128xi32, #tpu.memory_space<vmem>> -> memref<1x128xi32, #tpu.memory_space<vmem>>
    %dma_wait3A_1260 = tpu.memref_squeeze %dma_wait3A_1259 : memref<1x128xi32, #tpu.memory_space<vmem>> -> memref<128xi32, #tpu.memory_space<vmem>>
    %dma_wait3A_1261 = arith.constant 0 : i32
    %dma_wait3A_1262 = tpu.memref_slice %arg4[%dma_wait3A_1261] : memref<26738688xf32, #tpu.memory_space<hbm>> -> memref<26738688xf32, #tpu.memory_space<hbm>>
    tpu.wait_indirect_dma semaphore(%arg10 : memref<!tpu.dma_semaphore, #tpu.memory_space<semaphore_mem>>) src(%dma_wait3A_1257 : memref<128xf32, #tpu.memory_space<vmem>>) dst(%dma_wait3A_1262 : memref<26738688xf32, #tpu.memory_space<hbm>>)
    %dma_wait3A_1263 = arith.constant 12 : i32
    %dma_wait3A_1264 = arith.constant 1536 : i32
    %dma_wait3A_1265 = tpu.memref_slice %arg5[%dma_wait3A_1264] : memref<16384xf32, #tpu.memory_space<vmem>> -> memref<128xf32, #tpu.memory_space<vmem>>
    %dma_wait3A_1266 = arith.constant 0 : i32
    %dma_wait3A_1267 = tpu.memref_slice %arg7[%dma_wait3A_1263, %dma_wait3A_1266] : memref<128x128xi32, #tpu.memory_space<vmem>> -> memref<1x128xi32, #tpu.memory_space<vmem>>
    %dma_wait3A_1268 = tpu.memref_squeeze %dma_wait3A_1267 : memref<1x128xi32, #tpu.memory_space<vmem>> -> memref<128xi32, #tpu.memory_space<vmem>>
    %dma_wait3A_1269 = arith.constant 0 : i32
    %dma_wait3A_1270 = tpu.memref_slice %arg4[%dma_wait3A_1269] : memref<26738688xf32, #tpu.memory_space<hbm>> -> memref<26738688xf32, #tpu.memory_space<hbm>>
    tpu.wait_indirect_dma semaphore(%arg10 : memref<!tpu.dma_semaphore, #tpu.memory_space<semaphore_mem>>) src(%dma_wait3A_1265 : memref<128xf32, #tpu.memory_space<vmem>>) dst(%dma_wait3A_1270 : memref<26738688xf32, #tpu.memory_space<hbm>>)
    %dma_wait3A_1271 = arith.constant 13 : i32
    %dma_wait3A_1272 = arith.constant 1664 : i32
    %dma_wait3A_1273 = tpu.memref_slice %arg5[%dma_wait3A_1272] : memref<16384xf32, #tpu.memory_space<vmem>> -> memref<128xf32, #tpu.memory_space<vmem>>
    %dma_wait3A_1274 = arith.constant 0 : i32
    %dma_wait3A_1275 = tpu.memref_slice %arg7[%dma_wait3A_1271, %dma_wait3A_1274] : memref<128x128xi32, #tpu.memory_space<vmem>> -> memref<1x128xi32, #tpu.memory_space<vmem>>
    %dma_wait3A_1276 = tpu.memref_squeeze %dma_wait3A_1275 : memref<1x128xi32, #tpu.memory_space<vmem>> -> memref<128xi32, #tpu.memory_space<vmem>>
    %dma_wait3A_1277 = arith.constant 0 : i32
    %dma_wait3A_1278 = tpu.memref_slice %arg4[%dma_wait3A_1277] : memref<26738688xf32, #tpu.memory_space<hbm>> -> memref<26738688xf32, #tpu.memory_space<hbm>>
    tpu.wait_indirect_dma semaphore(%arg10 : memref<!tpu.dma_semaphore, #tpu.memory_space<semaphore_mem>>) src(%dma_wait3A_1273 : memref<128xf32, #tpu.memory_space<vmem>>) dst(%dma_wait3A_1278 : memref<26738688xf32, #tpu.memory_space<hbm>>)
    %dma_wait3A_1279 = arith.constant 14 : i32
    %dma_wait3A_1280 = arith.constant 1792 : i32
    %dma_wait3A_1281 = tpu.memref_slice %arg5[%dma_wait3A_1280] : memref<16384xf32, #tpu.memory_space<vmem>> -> memref<128xf32, #tpu.memory_space<vmem>>
    %dma_wait3A_1282 = arith.constant 0 : i32
    %dma_wait3A_1283 = tpu.memref_slice %arg7[%dma_wait3A_1279, %dma_wait3A_1282] : memref<128x128xi32, #tpu.memory_space<vmem>> -> memref<1x128xi32, #tpu.memory_space<vmem>>
    %dma_wait3A_1284 = tpu.memref_squeeze %dma_wait3A_1283 : memref<1x128xi32, #tpu.memory_space<vmem>> -> memref<128xi32, #tpu.memory_space<vmem>>
    %dma_wait3A_1285 = arith.constant 0 : i32
    %dma_wait3A_1286 = tpu.memref_slice %arg4[%dma_wait3A_1285] : memref<26738688xf32, #tpu.memory_space<hbm>> -> memref<26738688xf32, #tpu.memory_space<hbm>>
    tpu.wait_indirect_dma semaphore(%arg10 : memref<!tpu.dma_semaphore, #tpu.memory_space<semaphore_mem>>) src(%dma_wait3A_1281 : memref<128xf32, #tpu.memory_space<vmem>>) dst(%dma_wait3A_1286 : memref<26738688xf32, #tpu.memory_space<hbm>>)
    %dma_wait3A_1287 = arith.constant 15 : i32
    %dma_wait3A_1288 = arith.constant 1920 : i32
    %dma_wait3A_1289 = tpu.memref_slice %arg5[%dma_wait3A_1288] : memref<16384xf32, #tpu.memory_space<vmem>> -> memref<128xf32, #tpu.memory_space<vmem>>
    %dma_wait3A_1290 = arith.constant 0 : i32
    %dma_wait3A_1291 = tpu.memref_slice %arg7[%dma_wait3A_1287, %dma_wait3A_1290] : memref<128x128xi32, #tpu.memory_space<vmem>> -> memref<1x128xi32, #tpu.memory_space<vmem>>
    %dma_wait3A_1292 = tpu.memref_squeeze %dma_wait3A_1291 : memref<1x128xi32, #tpu.memory_space<vmem>> -> memref<128xi32, #tpu.memory_space<vmem>>
    %dma_wait3A_1293 = arith.constant 0 : i32
    %dma_wait3A_1294 = tpu.memref_slice %arg4[%dma_wait3A_1293] : memref<26738688xf32, #tpu.memory_space<hbm>> -> memref<26738688xf32, #tpu.memory_space<hbm>>
    tpu.wait_indirect_dma semaphore(%arg10 : memref<!tpu.dma_semaphore, #tpu.memory_space<semaphore_mem>>) src(%dma_wait3A_1289 : memref<128xf32, #tpu.memory_space<vmem>>) dst(%dma_wait3A_1294 : memref<26738688xf32, #tpu.memory_space<hbm>>)
    %dma_wait3A_1295 = arith.constant 16 : i32
    %dma_wait3A_1296 = arith.constant 2048 : i32
    %dma_wait3A_1297 = tpu.memref_slice %arg5[%dma_wait3A_1296] : memref<16384xf32, #tpu.memory_space<vmem>> -> memref<128xf32, #tpu.memory_space<vmem>>
    %dma_wait3A_1298 = arith.constant 0 : i32
    %dma_wait3A_1299 = tpu.memref_slice %arg7[%dma_wait3A_1295, %dma_wait3A_1298] : memref<128x128xi32, #tpu.memory_space<vmem>> -> memref<1x128xi32, #tpu.memory_space<vmem>>
    %dma_wait3A_1300 = tpu.memref_squeeze %dma_wait3A_1299 : memref<1x128xi32, #tpu.memory_space<vmem>> -> memref<128xi32, #tpu.memory_space<vmem>>
    %dma_wait3A_1301 = arith.constant 0 : i32
    %dma_wait3A_1302 = tpu.memref_slice %arg4[%dma_wait3A_1301] : memref<26738688xf32, #tpu.memory_space<hbm>> -> memref<26738688xf32, #tpu.memory_space<hbm>>
    tpu.wait_indirect_dma semaphore(%arg10 : memref<!tpu.dma_semaphore, #tpu.memory_space<semaphore_mem>>) src(%dma_wait3A_1297 : memref<128xf32, #tpu.memory_space<vmem>>) dst(%dma_wait3A_1302 : memref<26738688xf32, #tpu.memory_space<hbm>>)
    %dma_wait3A_1303 = arith.constant 17 : i32
    %dma_wait3A_1304 = arith.constant 2176 : i32
    %dma_wait3A_1305 = tpu.memref_slice %arg5[%dma_wait3A_1304] : memref<16384xf32, #tpu.memory_space<vmem>> -> memref<128xf32, #tpu.memory_space<vmem>>
    %dma_wait3A_1306 = arith.constant 0 : i32
    %dma_wait3A_1307 = tpu.memref_slice %arg7[%dma_wait3A_1303, %dma_wait3A_1306] : memref<128x128xi32, #tpu.memory_space<vmem>> -> memref<1x128xi32, #tpu.memory_space<vmem>>
    %dma_wait3A_1308 = tpu.memref_squeeze %dma_wait3A_1307 : memref<1x128xi32, #tpu.memory_space<vmem>> -> memref<128xi32, #tpu.memory_space<vmem>>
    %dma_wait3A_1309 = arith.constant 0 : i32
    %dma_wait3A_1310 = tpu.memref_slice %arg4[%dma_wait3A_1309] : memref<26738688xf32, #tpu.memory_space<hbm>> -> memref<26738688xf32, #tpu.memory_space<hbm>>
    tpu.wait_indirect_dma semaphore(%arg10 : memref<!tpu.dma_semaphore, #tpu.memory_space<semaphore_mem>>) src(%dma_wait3A_1305 : memref<128xf32, #tpu.memory_space<vmem>>) dst(%dma_wait3A_1310 : memref<26738688xf32, #tpu.memory_space<hbm>>)
    %dma_wait3A_1311 = arith.constant 18 : i32
    %dma_wait3A_1312 = arith.constant 2304 : i32
    %dma_wait3A_1313 = tpu.memref_slice %arg5[%dma_wait3A_1312] : memref<16384xf32, #tpu.memory_space<vmem>> -> memref<128xf32, #tpu.memory_space<vmem>>
    %dma_wait3A_1314 = arith.constant 0 : i32
    %dma_wait3A_1315 = tpu.memref_slice %arg7[%dma_wait3A_1311, %dma_wait3A_1314] : memref<128x128xi32, #tpu.memory_space<vmem>> -> memref<1x128xi32, #tpu.memory_space<vmem>>
    %dma_wait3A_1316 = tpu.memref_squeeze %dma_wait3A_1315 : memref<1x128xi32, #tpu.memory_space<vmem>> -> memref<128xi32, #tpu.memory_space<vmem>>
    %dma_wait3A_1317 = arith.constant 0 : i32
    %dma_wait3A_1318 = tpu.memref_slice %arg4[%dma_wait3A_1317] : memref<26738688xf32, #tpu.memory_space<hbm>> -> memref<26738688xf32, #tpu.memory_space<hbm>>
    tpu.wait_indirect_dma semaphore(%arg10 : memref<!tpu.dma_semaphore, #tpu.memory_space<semaphore_mem>>) src(%dma_wait3A_1313 : memref<128xf32, #tpu.memory_space<vmem>>) dst(%dma_wait3A_1318 : memref<26738688xf32, #tpu.memory_space<hbm>>)
    %dma_wait3A_1319 = arith.constant 19 : i32
    %dma_wait3A_1320 = arith.constant 2432 : i32
    %dma_wait3A_1321 = tpu.memref_slice %arg5[%dma_wait3A_1320] : memref<16384xf32, #tpu.memory_space<vmem>> -> memref<128xf32, #tpu.memory_space<vmem>>
    %dma_wait3A_1322 = arith.constant 0 : i32
    %dma_wait3A_1323 = tpu.memref_slice %arg7[%dma_wait3A_1319, %dma_wait3A_1322] : memref<128x128xi32, #tpu.memory_space<vmem>> -> memref<1x128xi32, #tpu.memory_space<vmem>>
    %dma_wait3A_1324 = tpu.memref_squeeze %dma_wait3A_1323 : memref<1x128xi32, #tpu.memory_space<vmem>> -> memref<128xi32, #tpu.memory_space<vmem>>
    %dma_wait3A_1325 = arith.constant 0 : i32
    %dma_wait3A_1326 = tpu.memref_slice %arg4[%dma_wait3A_1325] : memref<26738688xf32, #tpu.memory_space<hbm>> -> memref<26738688xf32, #tpu.memory_space<hbm>>
    tpu.wait_indirect_dma semaphore(%arg10 : memref<!tpu.dma_semaphore, #tpu.memory_space<semaphore_mem>>) src(%dma_wait3A_1321 : memref<128xf32, #tpu.memory_space<vmem>>) dst(%dma_wait3A_1326 : memref<26738688xf32, #tpu.memory_space<hbm>>)
    %dma_wait3A_1327 = arith.constant 20 : i32
    %dma_wait3A_1328 = arith.constant 2560 : i32
    %dma_wait3A_1329 = tpu.memref_slice %arg5[%dma_wait3A_1328] : memref<16384xf32, #tpu.memory_space<vmem>> -> memref<128xf32, #tpu.memory_space<vmem>>
    %dma_wait3A_1330 = arith.constant 0 : i32
    %dma_wait3A_1331 = tpu.memref_slice %arg7[%dma_wait3A_1327, %dma_wait3A_1330] : memref<128x128xi32, #tpu.memory_space<vmem>> -> memref<1x128xi32, #tpu.memory_space<vmem>>
    %dma_wait3A_1332 = tpu.memref_squeeze %dma_wait3A_1331 : memref<1x128xi32, #tpu.memory_space<vmem>> -> memref<128xi32, #tpu.memory_space<vmem>>
    %dma_wait3A_1333 = arith.constant 0 : i32
    %dma_wait3A_1334 = tpu.memref_slice %arg4[%dma_wait3A_1333] : memref<26738688xf32, #tpu.memory_space<hbm>> -> memref<26738688xf32, #tpu.memory_space<hbm>>
    tpu.wait_indirect_dma semaphore(%arg10 : memref<!tpu.dma_semaphore, #tpu.memory_space<semaphore_mem>>) src(%dma_wait3A_1329 : memref<128xf32, #tpu.memory_space<vmem>>) dst(%dma_wait3A_1334 : memref<26738688xf32, #tpu.memory_space<hbm>>)
    %dma_wait3A_1335 = arith.constant 21 : i32
    %dma_wait3A_1336 = arith.constant 2688 : i32
    %dma_wait3A_1337 = tpu.memref_slice %arg5[%dma_wait3A_1336] : memref<16384xf32, #tpu.memory_space<vmem>> -> memref<128xf32, #tpu.memory_space<vmem>>
    %dma_wait3A_1338 = arith.constant 0 : i32
    %dma_wait3A_1339 = tpu.memref_slice %arg7[%dma_wait3A_1335, %dma_wait3A_1338] : memref<128x128xi32, #tpu.memory_space<vmem>> -> memref<1x128xi32, #tpu.memory_space<vmem>>
    %dma_wait3A_1340 = tpu.memref_squeeze %dma_wait3A_1339 : memref<1x128xi32, #tpu.memory_space<vmem>> -> memref<128xi32, #tpu.memory_space<vmem>>
    %dma_wait3A_1341 = arith.constant 0 : i32
    %dma_wait3A_1342 = tpu.memref_slice %arg4[%dma_wait3A_1341] : memref<26738688xf32, #tpu.memory_space<hbm>> -> memref<26738688xf32, #tpu.memory_space<hbm>>
    tpu.wait_indirect_dma semaphore(%arg10 : memref<!tpu.dma_semaphore, #tpu.memory_space<semaphore_mem>>) src(%dma_wait3A_1337 : memref<128xf32, #tpu.memory_space<vmem>>) dst(%dma_wait3A_1342 : memref<26738688xf32, #tpu.memory_space<hbm>>)
    %dma_wait3A_1343 = arith.constant 22 : i32
    %dma_wait3A_1344 = arith.constant 2816 : i32
    %dma_wait3A_1345 = tpu.memref_slice %arg5[%dma_wait3A_1344] : memref<16384xf32, #tpu.memory_space<vmem>> -> memref<128xf32, #tpu.memory_space<vmem>>
    %dma_wait3A_1346 = arith.constant 0 : i32
    %dma_wait3A_1347 = tpu.memref_slice %arg7[%dma_wait3A_1343, %dma_wait3A_1346] : memref<128x128xi32, #tpu.memory_space<vmem>> -> memref<1x128xi32, #tpu.memory_space<vmem>>
    %dma_wait3A_1348 = tpu.memref_squeeze %dma_wait3A_1347 : memref<1x128xi32, #tpu.memory_space<vmem>> -> memref<128xi32, #tpu.memory_space<vmem>>
    %dma_wait3A_1349 = arith.constant 0 : i32
    %dma_wait3A_1350 = tpu.memref_slice %arg4[%dma_wait3A_1349] : memref<26738688xf32, #tpu.memory_space<hbm>> -> memref<26738688xf32, #tpu.memory_space<hbm>>
    tpu.wait_indirect_dma semaphore(%arg10 : memref<!tpu.dma_semaphore, #tpu.memory_space<semaphore_mem>>) src(%dma_wait3A_1345 : memref<128xf32, #tpu.memory_space<vmem>>) dst(%dma_wait3A_1350 : memref<26738688xf32, #tpu.memory_space<hbm>>)
    %dma_wait3A_1351 = arith.constant 23 : i32
    %dma_wait3A_1352 = arith.constant 2944 : i32
    %dma_wait3A_1353 = tpu.memref_slice %arg5[%dma_wait3A_1352] : memref<16384xf32, #tpu.memory_space<vmem>> -> memref<128xf32, #tpu.memory_space<vmem>>
    %dma_wait3A_1354 = arith.constant 0 : i32
    %dma_wait3A_1355 = tpu.memref_slice %arg7[%dma_wait3A_1351, %dma_wait3A_1354] : memref<128x128xi32, #tpu.memory_space<vmem>> -> memref<1x128xi32, #tpu.memory_space<vmem>>
    %dma_wait3A_1356 = tpu.memref_squeeze %dma_wait3A_1355 : memref<1x128xi32, #tpu.memory_space<vmem>> -> memref<128xi32, #tpu.memory_space<vmem>>
    %dma_wait3A_1357 = arith.constant 0 : i32
    %dma_wait3A_1358 = tpu.memref_slice %arg4[%dma_wait3A_1357] : memref<26738688xf32, #tpu.memory_space<hbm>> -> memref<26738688xf32, #tpu.memory_space<hbm>>
    tpu.wait_indirect_dma semaphore(%arg10 : memref<!tpu.dma_semaphore, #tpu.memory_space<semaphore_mem>>) src(%dma_wait3A_1353 : memref<128xf32, #tpu.memory_space<vmem>>) dst(%dma_wait3A_1358 : memref<26738688xf32, #tpu.memory_space<hbm>>)
    %dma_wait3A_1359 = arith.constant 24 : i32
    %dma_wait3A_1360 = arith.constant 3072 : i32
    %dma_wait3A_1361 = tpu.memref_slice %arg5[%dma_wait3A_1360] : memref<16384xf32, #tpu.memory_space<vmem>> -> memref<128xf32, #tpu.memory_space<vmem>>
    %dma_wait3A_1362 = arith.constant 0 : i32
    %dma_wait3A_1363 = tpu.memref_slice %arg7[%dma_wait3A_1359, %dma_wait3A_1362] : memref<128x128xi32, #tpu.memory_space<vmem>> -> memref<1x128xi32, #tpu.memory_space<vmem>>
    %dma_wait3A_1364 = tpu.memref_squeeze %dma_wait3A_1363 : memref<1x128xi32, #tpu.memory_space<vmem>> -> memref<128xi32, #tpu.memory_space<vmem>>
    %dma_wait3A_1365 = arith.constant 0 : i32
    %dma_wait3A_1366 = tpu.memref_slice %arg4[%dma_wait3A_1365] : memref<26738688xf32, #tpu.memory_space<hbm>> -> memref<26738688xf32, #tpu.memory_space<hbm>>
    tpu.wait_indirect_dma semaphore(%arg10 : memref<!tpu.dma_semaphore, #tpu.memory_space<semaphore_mem>>) src(%dma_wait3A_1361 : memref<128xf32, #tpu.memory_space<vmem>>) dst(%dma_wait3A_1366 : memref<26738688xf32, #tpu.memory_space<hbm>>)
    %dma_wait3A_1367 = arith.constant 25 : i32
    %dma_wait3A_1368 = arith.constant 3200 : i32
    %dma_wait3A_1369 = tpu.memref_slice %arg5[%dma_wait3A_1368] : memref<16384xf32, #tpu.memory_space<vmem>> -> memref<128xf32, #tpu.memory_space<vmem>>
    %dma_wait3A_1370 = arith.constant 0 : i32
    %dma_wait3A_1371 = tpu.memref_slice %arg7[%dma_wait3A_1367, %dma_wait3A_1370] : memref<128x128xi32, #tpu.memory_space<vmem>> -> memref<1x128xi32, #tpu.memory_space<vmem>>
    %dma_wait3A_1372 = tpu.memref_squeeze %dma_wait3A_1371 : memref<1x128xi32, #tpu.memory_space<vmem>> -> memref<128xi32, #tpu.memory_space<vmem>>
    %dma_wait3A_1373 = arith.constant 0 : i32
    %dma_wait3A_1374 = tpu.memref_slice %arg4[%dma_wait3A_1373] : memref<26738688xf32, #tpu.memory_space<hbm>> -> memref<26738688xf32, #tpu.memory_space<hbm>>
    tpu.wait_indirect_dma semaphore(%arg10 : memref<!tpu.dma_semaphore, #tpu.memory_space<semaphore_mem>>) src(%dma_wait3A_1369 : memref<128xf32, #tpu.memory_space<vmem>>) dst(%dma_wait3A_1374 : memref<26738688xf32, #tpu.memory_space<hbm>>)
    %dma_wait3A_1375 = arith.constant 26 : i32
    %dma_wait3A_1376 = arith.constant 3328 : i32
    %dma_wait3A_1377 = tpu.memref_slice %arg5[%dma_wait3A_1376] : memref<16384xf32, #tpu.memory_space<vmem>> -> memref<128xf32, #tpu.memory_space<vmem>>
    %dma_wait3A_1378 = arith.constant 0 : i32
    %dma_wait3A_1379 = tpu.memref_slice %arg7[%dma_wait3A_1375, %dma_wait3A_1378] : memref<128x128xi32, #tpu.memory_space<vmem>> -> memref<1x128xi32, #tpu.memory_space<vmem>>
    %dma_wait3A_1380 = tpu.memref_squeeze %dma_wait3A_1379 : memref<1x128xi32, #tpu.memory_space<vmem>> -> memref<128xi32, #tpu.memory_space<vmem>>
    %dma_wait3A_1381 = arith.constant 0 : i32
    %dma_wait3A_1382 = tpu.memref_slice %arg4[%dma_wait3A_1381] : memref<26738688xf32, #tpu.memory_space<hbm>> -> memref<26738688xf32, #tpu.memory_space<hbm>>
    tpu.wait_indirect_dma semaphore(%arg10 : memref<!tpu.dma_semaphore, #tpu.memory_space<semaphore_mem>>) src(%dma_wait3A_1377 : memref<128xf32, #tpu.memory_space<vmem>>) dst(%dma_wait3A_1382 : memref<26738688xf32, #tpu.memory_space<hbm>>)
    %dma_wait3A_1383 = arith.constant 27 : i32
    %dma_wait3A_1384 = arith.constant 3456 : i32
    %dma_wait3A_1385 = tpu.memref_slice %arg5[%dma_wait3A_1384] : memref<16384xf32, #tpu.memory_space<vmem>> -> memref<128xf32, #tpu.memory_space<vmem>>
    %dma_wait3A_1386 = arith.constant 0 : i32
    %dma_wait3A_1387 = tpu.memref_slice %arg7[%dma_wait3A_1383, %dma_wait3A_1386] : memref<128x128xi32, #tpu.memory_space<vmem>> -> memref<1x128xi32, #tpu.memory_space<vmem>>
    %dma_wait3A_1388 = tpu.memref_squeeze %dma_wait3A_1387 : memref<1x128xi32, #tpu.memory_space<vmem>> -> memref<128xi32, #tpu.memory_space<vmem>>
    %dma_wait3A_1389 = arith.constant 0 : i32
    %dma_wait3A_1390 = tpu.memref_slice %arg4[%dma_wait3A_1389] : memref<26738688xf32, #tpu.memory_space<hbm>> -> memref<26738688xf32, #tpu.memory_space<hbm>>
    tpu.wait_indirect_dma semaphore(%arg10 : memref<!tpu.dma_semaphore, #tpu.memory_space<semaphore_mem>>) src(%dma_wait3A_1385 : memref<128xf32, #tpu.memory_space<vmem>>) dst(%dma_wait3A_1390 : memref<26738688xf32, #tpu.memory_space<hbm>>)
    %dma_wait3A_1391 = arith.constant 28 : i32
    %dma_wait3A_1392 = arith.constant 3584 : i32
    %dma_wait3A_1393 = tpu.memref_slice %arg5[%dma_wait3A_1392] : memref<16384xf32, #tpu.memory_space<vmem>> -> memref<128xf32, #tpu.memory_space<vmem>>
    %dma_wait3A_1394 = arith.constant 0 : i32
    %dma_wait3A_1395 = tpu.memref_slice %arg7[%dma_wait3A_1391, %dma_wait3A_1394] : memref<128x128xi32, #tpu.memory_space<vmem>> -> memref<1x128xi32, #tpu.memory_space<vmem>>
    %dma_wait3A_1396 = tpu.memref_squeeze %dma_wait3A_1395 : memref<1x128xi32, #tpu.memory_space<vmem>> -> memref<128xi32, #tpu.memory_space<vmem>>
    %dma_wait3A_1397 = arith.constant 0 : i32
    %dma_wait3A_1398 = tpu.memref_slice %arg4[%dma_wait3A_1397] : memref<26738688xf32, #tpu.memory_space<hbm>> -> memref<26738688xf32, #tpu.memory_space<hbm>>
    tpu.wait_indirect_dma semaphore(%arg10 : memref<!tpu.dma_semaphore, #tpu.memory_space<semaphore_mem>>) src(%dma_wait3A_1393 : memref<128xf32, #tpu.memory_space<vmem>>) dst(%dma_wait3A_1398 : memref<26738688xf32, #tpu.memory_space<hbm>>)
    %dma_wait3A_1399 = arith.constant 29 : i32
    %dma_wait3A_1400 = arith.constant 3712 : i32
    %dma_wait3A_1401 = tpu.memref_slice %arg5[%dma_wait3A_1400] : memref<16384xf32, #tpu.memory_space<vmem>> -> memref<128xf32, #tpu.memory_space<vmem>>
    %dma_wait3A_1402 = arith.constant 0 : i32
    %dma_wait3A_1403 = tpu.memref_slice %arg7[%dma_wait3A_1399, %dma_wait3A_1402] : memref<128x128xi32, #tpu.memory_space<vmem>> -> memref<1x128xi32, #tpu.memory_space<vmem>>
    %dma_wait3A_1404 = tpu.memref_squeeze %dma_wait3A_1403 : memref<1x128xi32, #tpu.memory_space<vmem>> -> memref<128xi32, #tpu.memory_space<vmem>>
    %dma_wait3A_1405 = arith.constant 0 : i32
    %dma_wait3A_1406 = tpu.memref_slice %arg4[%dma_wait3A_1405] : memref<26738688xf32, #tpu.memory_space<hbm>> -> memref<26738688xf32, #tpu.memory_space<hbm>>
    tpu.wait_indirect_dma semaphore(%arg10 : memref<!tpu.dma_semaphore, #tpu.memory_space<semaphore_mem>>) src(%dma_wait3A_1401 : memref<128xf32, #tpu.memory_space<vmem>>) dst(%dma_wait3A_1406 : memref<26738688xf32, #tpu.memory_space<hbm>>)
    %dma_wait3A_1407 = arith.constant 30 : i32
    %dma_wait3A_1408 = arith.constant 3840 : i32
    %dma_wait3A_1409 = tpu.memref_slice %arg5[%dma_wait3A_1408] : memref<16384xf32, #tpu.memory_space<vmem>> -> memref<128xf32, #tpu.memory_space<vmem>>
    %dma_wait3A_1410 = arith.constant 0 : i32
    %dma_wait3A_1411 = tpu.memref_slice %arg7[%dma_wait3A_1407, %dma_wait3A_1410] : memref<128x128xi32, #tpu.memory_space<vmem>> -> memref<1x128xi32, #tpu.memory_space<vmem>>
    %dma_wait3A_1412 = tpu.memref_squeeze %dma_wait3A_1411 : memref<1x128xi32, #tpu.memory_space<vmem>> -> memref<128xi32, #tpu.memory_space<vmem>>
    %dma_wait3A_1413 = arith.constant 0 : i32
    %dma_wait3A_1414 = tpu.memref_slice %arg4[%dma_wait3A_1413] : memref<26738688xf32, #tpu.memory_space<hbm>> -> memref<26738688xf32, #tpu.memory_space<hbm>>
    tpu.wait_indirect_dma semaphore(%arg10 : memref<!tpu.dma_semaphore, #tpu.memory_space<semaphore_mem>>) src(%dma_wait3A_1409 : memref<128xf32, #tpu.memory_space<vmem>>) dst(%dma_wait3A_1414 : memref<26738688xf32, #tpu.memory_space<hbm>>)
    %dma_wait3A_1415 = arith.constant 31 : i32
    %dma_wait3A_1416 = arith.constant 3968 : i32
    %dma_wait3A_1417 = tpu.memref_slice %arg5[%dma_wait3A_1416] : memref<16384xf32, #tpu.memory_space<vmem>> -> memref<128xf32, #tpu.memory_space<vmem>>
    %dma_wait3A_1418 = arith.constant 0 : i32
    %dma_wait3A_1419 = tpu.memref_slice %arg7[%dma_wait3A_1415, %dma_wait3A_1418] : memref<128x128xi32, #tpu.memory_space<vmem>> -> memref<1x128xi32, #tpu.memory_space<vmem>>
    %dma_wait3A_1420 = tpu.memref_squeeze %dma_wait3A_1419 : memref<1x128xi32, #tpu.memory_space<vmem>> -> memref<128xi32, #tpu.memory_space<vmem>>
    %dma_wait3A_1421 = arith.constant 0 : i32
    %dma_wait3A_1422 = tpu.memref_slice %arg4[%dma_wait3A_1421] : memref<26738688xf32, #tpu.memory_space<hbm>> -> memref<26738688xf32, #tpu.memory_space<hbm>>
    tpu.wait_indirect_dma semaphore(%arg10 : memref<!tpu.dma_semaphore, #tpu.memory_space<semaphore_mem>>) src(%dma_wait3A_1417 : memref<128xf32, #tpu.memory_space<vmem>>) dst(%dma_wait3A_1422 : memref<26738688xf32, #tpu.memory_space<hbm>>)
    %dma_wait3A_1423 = arith.constant 32 : i32
    %dma_wait3A_1424 = arith.constant 4096 : i32
    %dma_wait3A_1425 = tpu.memref_slice %arg5[%dma_wait3A_1424] : memref<16384xf32, #tpu.memory_space<vmem>> -> memref<128xf32, #tpu.memory_space<vmem>>
    %dma_wait3A_1426 = arith.constant 0 : i32
    %dma_wait3A_1427 = tpu.memref_slice %arg7[%dma_wait3A_1423, %dma_wait3A_1426] : memref<128x128xi32, #tpu.memory_space<vmem>> -> memref<1x128xi32, #tpu.memory_space<vmem>>
    %dma_wait3A_1428 = tpu.memref_squeeze %dma_wait3A_1427 : memref<1x128xi32, #tpu.memory_space<vmem>> -> memref<128xi32, #tpu.memory_space<vmem>>
    %dma_wait3A_1429 = arith.constant 0 : i32
    %dma_wait3A_1430 = tpu.memref_slice %arg4[%dma_wait3A_1429] : memref<26738688xf32, #tpu.memory_space<hbm>> -> memref<26738688xf32, #tpu.memory_space<hbm>>
    tpu.wait_indirect_dma semaphore(%arg10 : memref<!tpu.dma_semaphore, #tpu.memory_space<semaphore_mem>>) src(%dma_wait3A_1425 : memref<128xf32, #tpu.memory_space<vmem>>) dst(%dma_wait3A_1430 : memref<26738688xf32, #tpu.memory_space<hbm>>)
    %dma_wait3A_1431 = arith.constant 33 : i32
    %dma_wait3A_1432 = arith.constant 4224 : i32
    %dma_wait3A_1433 = tpu.memref_slice %arg5[%dma_wait3A_1432] : memref<16384xf32, #tpu.memory_space<vmem>> -> memref<128xf32, #tpu.memory_space<vmem>>
    %dma_wait3A_1434 = arith.constant 0 : i32
    %dma_wait3A_1435 = tpu.memref_slice %arg7[%dma_wait3A_1431, %dma_wait3A_1434] : memref<128x128xi32, #tpu.memory_space<vmem>> -> memref<1x128xi32, #tpu.memory_space<vmem>>
    %dma_wait3A_1436 = tpu.memref_squeeze %dma_wait3A_1435 : memref<1x128xi32, #tpu.memory_space<vmem>> -> memref<128xi32, #tpu.memory_space<vmem>>
    %dma_wait3A_1437 = arith.constant 0 : i32
    %dma_wait3A_1438 = tpu.memref_slice %arg4[%dma_wait3A_1437] : memref<26738688xf32, #tpu.memory_space<hbm>> -> memref<26738688xf32, #tpu.memory_space<hbm>>
    tpu.wait_indirect_dma semaphore(%arg10 : memref<!tpu.dma_semaphore, #tpu.memory_space<semaphore_mem>>) src(%dma_wait3A_1433 : memref<128xf32, #tpu.memory_space<vmem>>) dst(%dma_wait3A_1438 : memref<26738688xf32, #tpu.memory_space<hbm>>)
    %dma_wait3A_1439 = arith.constant 34 : i32
    %dma_wait3A_1440 = arith.constant 4352 : i32
    %dma_wait3A_1441 = tpu.memref_slice %arg5[%dma_wait3A_1440] : memref<16384xf32, #tpu.memory_space<vmem>> -> memref<128xf32, #tpu.memory_space<vmem>>
    %dma_wait3A_1442 = arith.constant 0 : i32
    %dma_wait3A_1443 = tpu.memref_slice %arg7[%dma_wait3A_1439, %dma_wait3A_1442] : memref<128x128xi32, #tpu.memory_space<vmem>> -> memref<1x128xi32, #tpu.memory_space<vmem>>
    %dma_wait3A_1444 = tpu.memref_squeeze %dma_wait3A_1443 : memref<1x128xi32, #tpu.memory_space<vmem>> -> memref<128xi32, #tpu.memory_space<vmem>>
    %dma_wait3A_1445 = arith.constant 0 : i32
    %dma_wait3A_1446 = tpu.memref_slice %arg4[%dma_wait3A_1445] : memref<26738688xf32, #tpu.memory_space<hbm>> -> memref<26738688xf32, #tpu.memory_space<hbm>>
    tpu.wait_indirect_dma semaphore(%arg10 : memref<!tpu.dma_semaphore, #tpu.memory_space<semaphore_mem>>) src(%dma_wait3A_1441 : memref<128xf32, #tpu.memory_space<vmem>>) dst(%dma_wait3A_1446 : memref<26738688xf32, #tpu.memory_space<hbm>>)
    %dma_wait3A_1447 = arith.constant 35 : i32
    %dma_wait3A_1448 = arith.constant 4480 : i32
    %dma_wait3A_1449 = tpu.memref_slice %arg5[%dma_wait3A_1448] : memref<16384xf32, #tpu.memory_space<vmem>> -> memref<128xf32, #tpu.memory_space<vmem>>
    %dma_wait3A_1450 = arith.constant 0 : i32
    %dma_wait3A_1451 = tpu.memref_slice %arg7[%dma_wait3A_1447, %dma_wait3A_1450] : memref<128x128xi32, #tpu.memory_space<vmem>> -> memref<1x128xi32, #tpu.memory_space<vmem>>
    %dma_wait3A_1452 = tpu.memref_squeeze %dma_wait3A_1451 : memref<1x128xi32, #tpu.memory_space<vmem>> -> memref<128xi32, #tpu.memory_space<vmem>>
    %dma_wait3A_1453 = arith.constant 0 : i32
    %dma_wait3A_1454 = tpu.memref_slice %arg4[%dma_wait3A_1453] : memref<26738688xf32, #tpu.memory_space<hbm>> -> memref<26738688xf32, #tpu.memory_space<hbm>>
    tpu.wait_indirect_dma semaphore(%arg10 : memref<!tpu.dma_semaphore, #tpu.memory_space<semaphore_mem>>) src(%dma_wait3A_1449 : memref<128xf32, #tpu.memory_space<vmem>>) dst(%dma_wait3A_1454 : memref<26738688xf32, #tpu.memory_space<hbm>>)
    %dma_wait3A_1455 = arith.constant 36 : i32
    %dma_wait3A_1456 = arith.constant 4608 : i32
    %dma_wait3A_1457 = tpu.memref_slice %arg5[%dma_wait3A_1456] : memref<16384xf32, #tpu.memory_space<vmem>> -> memref<128xf32, #tpu.memory_space<vmem>>
    %dma_wait3A_1458 = arith.constant 0 : i32
    %dma_wait3A_1459 = tpu.memref_slice %arg7[%dma_wait3A_1455, %dma_wait3A_1458] : memref<128x128xi32, #tpu.memory_space<vmem>> -> memref<1x128xi32, #tpu.memory_space<vmem>>
    %dma_wait3A_1460 = tpu.memref_squeeze %dma_wait3A_1459 : memref<1x128xi32, #tpu.memory_space<vmem>> -> memref<128xi32, #tpu.memory_space<vmem>>
    %dma_wait3A_1461 = arith.constant 0 : i32
    %dma_wait3A_1462 = tpu.memref_slice %arg4[%dma_wait3A_1461] : memref<26738688xf32, #tpu.memory_space<hbm>> -> memref<26738688xf32, #tpu.memory_space<hbm>>
    tpu.wait_indirect_dma semaphore(%arg10 : memref<!tpu.dma_semaphore, #tpu.memory_space<semaphore_mem>>) src(%dma_wait3A_1457 : memref<128xf32, #tpu.memory_space<vmem>>) dst(%dma_wait3A_1462 : memref<26738688xf32, #tpu.memory_space<hbm>>)
    %dma_wait3A_1463 = arith.constant 37 : i32
    %dma_wait3A_1464 = arith.constant 4736 : i32
    %dma_wait3A_1465 = tpu.memref_slice %arg5[%dma_wait3A_1464] : memref<16384xf32, #tpu.memory_space<vmem>> -> memref<128xf32, #tpu.memory_space<vmem>>
    %dma_wait3A_1466 = arith.constant 0 : i32
    %dma_wait3A_1467 = tpu.memref_slice %arg7[%dma_wait3A_1463, %dma_wait3A_1466] : memref<128x128xi32, #tpu.memory_space<vmem>> -> memref<1x128xi32, #tpu.memory_space<vmem>>
    %dma_wait3A_1468 = tpu.memref_squeeze %dma_wait3A_1467 : memref<1x128xi32, #tpu.memory_space<vmem>> -> memref<128xi32, #tpu.memory_space<vmem>>
    %dma_wait3A_1469 = arith.constant 0 : i32
    %dma_wait3A_1470 = tpu.memref_slice %arg4[%dma_wait3A_1469] : memref<26738688xf32, #tpu.memory_space<hbm>> -> memref<26738688xf32, #tpu.memory_space<hbm>>
    tpu.wait_indirect_dma semaphore(%arg10 : memref<!tpu.dma_semaphore, #tpu.memory_space<semaphore_mem>>) src(%dma_wait3A_1465 : memref<128xf32, #tpu.memory_space<vmem>>) dst(%dma_wait3A_1470 : memref<26738688xf32, #tpu.memory_space<hbm>>)
    %dma_wait3A_1471 = arith.constant 38 : i32
    %dma_wait3A_1472 = arith.constant 4864 : i32
    %dma_wait3A_1473 = tpu.memref_slice %arg5[%dma_wait3A_1472] : memref<16384xf32, #tpu.memory_space<vmem>> -> memref<128xf32, #tpu.memory_space<vmem>>
    %dma_wait3A_1474 = arith.constant 0 : i32
    %dma_wait3A_1475 = tpu.memref_slice %arg7[%dma_wait3A_1471, %dma_wait3A_1474] : memref<128x128xi32, #tpu.memory_space<vmem>> -> memref<1x128xi32, #tpu.memory_space<vmem>>
    %dma_wait3A_1476 = tpu.memref_squeeze %dma_wait3A_1475 : memref<1x128xi32, #tpu.memory_space<vmem>> -> memref<128xi32, #tpu.memory_space<vmem>>
    %dma_wait3A_1477 = arith.constant 0 : i32
    %dma_wait3A_1478 = tpu.memref_slice %arg4[%dma_wait3A_1477] : memref<26738688xf32, #tpu.memory_space<hbm>> -> memref<26738688xf32, #tpu.memory_space<hbm>>
    tpu.wait_indirect_dma semaphore(%arg10 : memref<!tpu.dma_semaphore, #tpu.memory_space<semaphore_mem>>) src(%dma_wait3A_1473 : memref<128xf32, #tpu.memory_space<vmem>>) dst(%dma_wait3A_1478 : memref<26738688xf32, #tpu.memory_space<hbm>>)
    %dma_wait3A_1479 = arith.constant 39 : i32
    %dma_wait3A_1480 = arith.constant 4992 : i32
    %dma_wait3A_1481 = tpu.memref_slice %arg5[%dma_wait3A_1480] : memref<16384xf32, #tpu.memory_space<vmem>> -> memref<128xf32, #tpu.memory_space<vmem>>
    %dma_wait3A_1482 = arith.constant 0 : i32
    %dma_wait3A_1483 = tpu.memref_slice %arg7[%dma_wait3A_1479, %dma_wait3A_1482] : memref<128x128xi32, #tpu.memory_space<vmem>> -> memref<1x128xi32, #tpu.memory_space<vmem>>
    %dma_wait3A_1484 = tpu.memref_squeeze %dma_wait3A_1483 : memref<1x128xi32, #tpu.memory_space<vmem>> -> memref<128xi32, #tpu.memory_space<vmem>>
    %dma_wait3A_1485 = arith.constant 0 : i32
    %dma_wait3A_1486 = tpu.memref_slice %arg4[%dma_wait3A_1485] : memref<26738688xf32, #tpu.memory_space<hbm>> -> memref<26738688xf32, #tpu.memory_space<hbm>>
    tpu.wait_indirect_dma semaphore(%arg10 : memref<!tpu.dma_semaphore, #tpu.memory_space<semaphore_mem>>) src(%dma_wait3A_1481 : memref<128xf32, #tpu.memory_space<vmem>>) dst(%dma_wait3A_1486 : memref<26738688xf32, #tpu.memory_space<hbm>>)
    %dma_wait3A_1487 = arith.constant 40 : i32
    %dma_wait3A_1488 = arith.constant 5120 : i32
    %dma_wait3A_1489 = tpu.memref_slice %arg5[%dma_wait3A_1488] : memref<16384xf32, #tpu.memory_space<vmem>> -> memref<128xf32, #tpu.memory_space<vmem>>
    %dma_wait3A_1490 = arith.constant 0 : i32
    %dma_wait3A_1491 = tpu.memref_slice %arg7[%dma_wait3A_1487, %dma_wait3A_1490] : memref<128x128xi32, #tpu.memory_space<vmem>> -> memref<1x128xi32, #tpu.memory_space<vmem>>
    %dma_wait3A_1492 = tpu.memref_squeeze %dma_wait3A_1491 : memref<1x128xi32, #tpu.memory_space<vmem>> -> memref<128xi32, #tpu.memory_space<vmem>>
    %dma_wait3A_1493 = arith.constant 0 : i32
    %dma_wait3A_1494 = tpu.memref_slice %arg4[%dma_wait3A_1493] : memref<26738688xf32, #tpu.memory_space<hbm>> -> memref<26738688xf32, #tpu.memory_space<hbm>>
    tpu.wait_indirect_dma semaphore(%arg10 : memref<!tpu.dma_semaphore, #tpu.memory_space<semaphore_mem>>) src(%dma_wait3A_1489 : memref<128xf32, #tpu.memory_space<vmem>>) dst(%dma_wait3A_1494 : memref<26738688xf32, #tpu.memory_space<hbm>>)
    %dma_wait3A_1495 = arith.constant 41 : i32
    %dma_wait3A_1496 = arith.constant 5248 : i32
    %dma_wait3A_1497 = tpu.memref_slice %arg5[%dma_wait3A_1496] : memref<16384xf32, #tpu.memory_space<vmem>> -> memref<128xf32, #tpu.memory_space<vmem>>
    %dma_wait3A_1498 = arith.constant 0 : i32
    %dma_wait3A_1499 = tpu.memref_slice %arg7[%dma_wait3A_1495, %dma_wait3A_1498] : memref<128x128xi32, #tpu.memory_space<vmem>> -> memref<1x128xi32, #tpu.memory_space<vmem>>
    %dma_wait3A_1500 = tpu.memref_squeeze %dma_wait3A_1499 : memref<1x128xi32, #tpu.memory_space<vmem>> -> memref<128xi32, #tpu.memory_space<vmem>>
    %dma_wait3A_1501 = arith.constant 0 : i32
    %dma_wait3A_1502 = tpu.memref_slice %arg4[%dma_wait3A_1501] : memref<26738688xf32, #tpu.memory_space<hbm>> -> memref<26738688xf32, #tpu.memory_space<hbm>>
    tpu.wait_indirect_dma semaphore(%arg10 : memref<!tpu.dma_semaphore, #tpu.memory_space<semaphore_mem>>) src(%dma_wait3A_1497 : memref<128xf32, #tpu.memory_space<vmem>>) dst(%dma_wait3A_1502 : memref<26738688xf32, #tpu.memory_space<hbm>>)
    %dma_wait3A_1503 = arith.constant 42 : i32
    %dma_wait3A_1504 = arith.constant 5376 : i32
    %dma_wait3A_1505 = tpu.memref_slice %arg5[%dma_wait3A_1504] : memref<16384xf32, #tpu.memory_space<vmem>> -> memref<128xf32, #tpu.memory_space<vmem>>
    %dma_wait3A_1506 = arith.constant 0 : i32
    %dma_wait3A_1507 = tpu.memref_slice %arg7[%dma_wait3A_1503, %dma_wait3A_1506] : memref<128x128xi32, #tpu.memory_space<vmem>> -> memref<1x128xi32, #tpu.memory_space<vmem>>
    %dma_wait3A_1508 = tpu.memref_squeeze %dma_wait3A_1507 : memref<1x128xi32, #tpu.memory_space<vmem>> -> memref<128xi32, #tpu.memory_space<vmem>>
    %dma_wait3A_1509 = arith.constant 0 : i32
    %dma_wait3A_1510 = tpu.memref_slice %arg4[%dma_wait3A_1509] : memref<26738688xf32, #tpu.memory_space<hbm>> -> memref<26738688xf32, #tpu.memory_space<hbm>>
    tpu.wait_indirect_dma semaphore(%arg10 : memref<!tpu.dma_semaphore, #tpu.memory_space<semaphore_mem>>) src(%dma_wait3A_1505 : memref<128xf32, #tpu.memory_space<vmem>>) dst(%dma_wait3A_1510 : memref<26738688xf32, #tpu.memory_space<hbm>>)
    %dma_wait3A_1511 = arith.constant 43 : i32
    %dma_wait3A_1512 = arith.constant 5504 : i32
    %dma_wait3A_1513 = tpu.memref_slice %arg5[%dma_wait3A_1512] : memref<16384xf32, #tpu.memory_space<vmem>> -> memref<128xf32, #tpu.memory_space<vmem>>
    %dma_wait3A_1514 = arith.constant 0 : i32
    %dma_wait3A_1515 = tpu.memref_slice %arg7[%dma_wait3A_1511, %dma_wait3A_1514] : memref<128x128xi32, #tpu.memory_space<vmem>> -> memref<1x128xi32, #tpu.memory_space<vmem>>
    %dma_wait3A_1516 = tpu.memref_squeeze %dma_wait3A_1515 : memref<1x128xi32, #tpu.memory_space<vmem>> -> memref<128xi32, #tpu.memory_space<vmem>>
    %dma_wait3A_1517 = arith.constant 0 : i32
    %dma_wait3A_1518 = tpu.memref_slice %arg4[%dma_wait3A_1517] : memref<26738688xf32, #tpu.memory_space<hbm>> -> memref<26738688xf32, #tpu.memory_space<hbm>>
    tpu.wait_indirect_dma semaphore(%arg10 : memref<!tpu.dma_semaphore, #tpu.memory_space<semaphore_mem>>) src(%dma_wait3A_1513 : memref<128xf32, #tpu.memory_space<vmem>>) dst(%dma_wait3A_1518 : memref<26738688xf32, #tpu.memory_space<hbm>>)
    %dma_wait3A_1519 = arith.constant 44 : i32
    %dma_wait3A_1520 = arith.constant 5632 : i32
    %dma_wait3A_1521 = tpu.memref_slice %arg5[%dma_wait3A_1520] : memref<16384xf32, #tpu.memory_space<vmem>> -> memref<128xf32, #tpu.memory_space<vmem>>
    %dma_wait3A_1522 = arith.constant 0 : i32
    %dma_wait3A_1523 = tpu.memref_slice %arg7[%dma_wait3A_1519, %dma_wait3A_1522] : memref<128x128xi32, #tpu.memory_space<vmem>> -> memref<1x128xi32, #tpu.memory_space<vmem>>
    %dma_wait3A_1524 = tpu.memref_squeeze %dma_wait3A_1523 : memref<1x128xi32, #tpu.memory_space<vmem>> -> memref<128xi32, #tpu.memory_space<vmem>>
    %dma_wait3A_1525 = arith.constant 0 : i32
    %dma_wait3A_1526 = tpu.memref_slice %arg4[%dma_wait3A_1525] : memref<26738688xf32, #tpu.memory_space<hbm>> -> memref<26738688xf32, #tpu.memory_space<hbm>>
    tpu.wait_indirect_dma semaphore(%arg10 : memref<!tpu.dma_semaphore, #tpu.memory_space<semaphore_mem>>) src(%dma_wait3A_1521 : memref<128xf32, #tpu.memory_space<vmem>>) dst(%dma_wait3A_1526 : memref<26738688xf32, #tpu.memory_space<hbm>>)
    %dma_wait3A_1527 = arith.constant 45 : i32
    %dma_wait3A_1528 = arith.constant 5760 : i32
    %dma_wait3A_1529 = tpu.memref_slice %arg5[%dma_wait3A_1528] : memref<16384xf32, #tpu.memory_space<vmem>> -> memref<128xf32, #tpu.memory_space<vmem>>
    %dma_wait3A_1530 = arith.constant 0 : i32
    %dma_wait3A_1531 = tpu.memref_slice %arg7[%dma_wait3A_1527, %dma_wait3A_1530] : memref<128x128xi32, #tpu.memory_space<vmem>> -> memref<1x128xi32, #tpu.memory_space<vmem>>
    %dma_wait3A_1532 = tpu.memref_squeeze %dma_wait3A_1531 : memref<1x128xi32, #tpu.memory_space<vmem>> -> memref<128xi32, #tpu.memory_space<vmem>>
    %dma_wait3A_1533 = arith.constant 0 : i32
    %dma_wait3A_1534 = tpu.memref_slice %arg4[%dma_wait3A_1533] : memref<26738688xf32, #tpu.memory_space<hbm>> -> memref<26738688xf32, #tpu.memory_space<hbm>>
    tpu.wait_indirect_dma semaphore(%arg10 : memref<!tpu.dma_semaphore, #tpu.memory_space<semaphore_mem>>) src(%dma_wait3A_1529 : memref<128xf32, #tpu.memory_space<vmem>>) dst(%dma_wait3A_1534 : memref<26738688xf32, #tpu.memory_space<hbm>>)
    %dma_wait3A_1535 = arith.constant 46 : i32
    %dma_wait3A_1536 = arith.constant 5888 : i32
    %dma_wait3A_1537 = tpu.memref_slice %arg5[%dma_wait3A_1536] : memref<16384xf32, #tpu.memory_space<vmem>> -> memref<128xf32, #tpu.memory_space<vmem>>
    %dma_wait3A_1538 = arith.constant 0 : i32
    %dma_wait3A_1539 = tpu.memref_slice %arg7[%dma_wait3A_1535, %dma_wait3A_1538] : memref<128x128xi32, #tpu.memory_space<vmem>> -> memref<1x128xi32, #tpu.memory_space<vmem>>
    %dma_wait3A_1540 = tpu.memref_squeeze %dma_wait3A_1539 : memref<1x128xi32, #tpu.memory_space<vmem>> -> memref<128xi32, #tpu.memory_space<vmem>>
    %dma_wait3A_1541 = arith.constant 0 : i32
    %dma_wait3A_1542 = tpu.memref_slice %arg4[%dma_wait3A_1541] : memref<26738688xf32, #tpu.memory_space<hbm>> -> memref<26738688xf32, #tpu.memory_space<hbm>>
    tpu.wait_indirect_dma semaphore(%arg10 : memref<!tpu.dma_semaphore, #tpu.memory_space<semaphore_mem>>) src(%dma_wait3A_1537 : memref<128xf32, #tpu.memory_space<vmem>>) dst(%dma_wait3A_1542 : memref<26738688xf32, #tpu.memory_space<hbm>>)
    %dma_wait3A_1543 = arith.constant 47 : i32
    %dma_wait3A_1544 = arith.constant 6016 : i32
    %dma_wait3A_1545 = tpu.memref_slice %arg5[%dma_wait3A_1544] : memref<16384xf32, #tpu.memory_space<vmem>> -> memref<128xf32, #tpu.memory_space<vmem>>
    %dma_wait3A_1546 = arith.constant 0 : i32
    %dma_wait3A_1547 = tpu.memref_slice %arg7[%dma_wait3A_1543, %dma_wait3A_1546] : memref<128x128xi32, #tpu.memory_space<vmem>> -> memref<1x128xi32, #tpu.memory_space<vmem>>
    %dma_wait3A_1548 = tpu.memref_squeeze %dma_wait3A_1547 : memref<1x128xi32, #tpu.memory_space<vmem>> -> memref<128xi32, #tpu.memory_space<vmem>>
    %dma_wait3A_1549 = arith.constant 0 : i32
    %dma_wait3A_1550 = tpu.memref_slice %arg4[%dma_wait3A_1549] : memref<26738688xf32, #tpu.memory_space<hbm>> -> memref<26738688xf32, #tpu.memory_space<hbm>>
    tpu.wait_indirect_dma semaphore(%arg10 : memref<!tpu.dma_semaphore, #tpu.memory_space<semaphore_mem>>) src(%dma_wait3A_1545 : memref<128xf32, #tpu.memory_space<vmem>>) dst(%dma_wait3A_1550 : memref<26738688xf32, #tpu.memory_space<hbm>>)
    %dma_wait3A_1551 = arith.constant 48 : i32
    %dma_wait3A_1552 = arith.constant 6144 : i32
    %dma_wait3A_1553 = tpu.memref_slice %arg5[%dma_wait3A_1552] : memref<16384xf32, #tpu.memory_space<vmem>> -> memref<128xf32, #tpu.memory_space<vmem>>
    %dma_wait3A_1554 = arith.constant 0 : i32
    %dma_wait3A_1555 = tpu.memref_slice %arg7[%dma_wait3A_1551, %dma_wait3A_1554] : memref<128x128xi32, #tpu.memory_space<vmem>> -> memref<1x128xi32, #tpu.memory_space<vmem>>
    %dma_wait3A_1556 = tpu.memref_squeeze %dma_wait3A_1555 : memref<1x128xi32, #tpu.memory_space<vmem>> -> memref<128xi32, #tpu.memory_space<vmem>>
    %dma_wait3A_1557 = arith.constant 0 : i32
    %dma_wait3A_1558 = tpu.memref_slice %arg4[%dma_wait3A_1557] : memref<26738688xf32, #tpu.memory_space<hbm>> -> memref<26738688xf32, #tpu.memory_space<hbm>>
    tpu.wait_indirect_dma semaphore(%arg10 : memref<!tpu.dma_semaphore, #tpu.memory_space<semaphore_mem>>) src(%dma_wait3A_1553 : memref<128xf32, #tpu.memory_space<vmem>>) dst(%dma_wait3A_1558 : memref<26738688xf32, #tpu.memory_space<hbm>>)
    %dma_wait3A_1559 = arith.constant 49 : i32
    %dma_wait3A_1560 = arith.constant 6272 : i32
    %dma_wait3A_1561 = tpu.memref_slice %arg5[%dma_wait3A_1560] : memref<16384xf32, #tpu.memory_space<vmem>> -> memref<128xf32, #tpu.memory_space<vmem>>
    %dma_wait3A_1562 = arith.constant 0 : i32
    %dma_wait3A_1563 = tpu.memref_slice %arg7[%dma_wait3A_1559, %dma_wait3A_1562] : memref<128x128xi32, #tpu.memory_space<vmem>> -> memref<1x128xi32, #tpu.memory_space<vmem>>
    %dma_wait3A_1564 = tpu.memref_squeeze %dma_wait3A_1563 : memref<1x128xi32, #tpu.memory_space<vmem>> -> memref<128xi32, #tpu.memory_space<vmem>>
    %dma_wait3A_1565 = arith.constant 0 : i32
    %dma_wait3A_1566 = tpu.memref_slice %arg4[%dma_wait3A_1565] : memref<26738688xf32, #tpu.memory_space<hbm>> -> memref<26738688xf32, #tpu.memory_space<hbm>>
    tpu.wait_indirect_dma semaphore(%arg10 : memref<!tpu.dma_semaphore, #tpu.memory_space<semaphore_mem>>) src(%dma_wait3A_1561 : memref<128xf32, #tpu.memory_space<vmem>>) dst(%dma_wait3A_1566 : memref<26738688xf32, #tpu.memory_space<hbm>>)
    %dma_wait3A_1567 = arith.constant 50 : i32
    %dma_wait3A_1568 = arith.constant 6400 : i32
    %dma_wait3A_1569 = tpu.memref_slice %arg5[%dma_wait3A_1568] : memref<16384xf32, #tpu.memory_space<vmem>> -> memref<128xf32, #tpu.memory_space<vmem>>
    %dma_wait3A_1570 = arith.constant 0 : i32
    %dma_wait3A_1571 = tpu.memref_slice %arg7[%dma_wait3A_1567, %dma_wait3A_1570] : memref<128x128xi32, #tpu.memory_space<vmem>> -> memref<1x128xi32, #tpu.memory_space<vmem>>
    %dma_wait3A_1572 = tpu.memref_squeeze %dma_wait3A_1571 : memref<1x128xi32, #tpu.memory_space<vmem>> -> memref<128xi32, #tpu.memory_space<vmem>>
    %dma_wait3A_1573 = arith.constant 0 : i32
    %dma_wait3A_1574 = tpu.memref_slice %arg4[%dma_wait3A_1573] : memref<26738688xf32, #tpu.memory_space<hbm>> -> memref<26738688xf32, #tpu.memory_space<hbm>>
    tpu.wait_indirect_dma semaphore(%arg10 : memref<!tpu.dma_semaphore, #tpu.memory_space<semaphore_mem>>) src(%dma_wait3A_1569 : memref<128xf32, #tpu.memory_space<vmem>>) dst(%dma_wait3A_1574 : memref<26738688xf32, #tpu.memory_space<hbm>>)
    %dma_wait3A_1575 = arith.constant 51 : i32
    %dma_wait3A_1576 = arith.constant 6528 : i32
    %dma_wait3A_1577 = tpu.memref_slice %arg5[%dma_wait3A_1576] : memref<16384xf32, #tpu.memory_space<vmem>> -> memref<128xf32, #tpu.memory_space<vmem>>
    %dma_wait3A_1578 = arith.constant 0 : i32
    %dma_wait3A_1579 = tpu.memref_slice %arg7[%dma_wait3A_1575, %dma_wait3A_1578] : memref<128x128xi32, #tpu.memory_space<vmem>> -> memref<1x128xi32, #tpu.memory_space<vmem>>
    %dma_wait3A_1580 = tpu.memref_squeeze %dma_wait3A_1579 : memref<1x128xi32, #tpu.memory_space<vmem>> -> memref<128xi32, #tpu.memory_space<vmem>>
    %dma_wait3A_1581 = arith.constant 0 : i32
    %dma_wait3A_1582 = tpu.memref_slice %arg4[%dma_wait3A_1581] : memref<26738688xf32, #tpu.memory_space<hbm>> -> memref<26738688xf32, #tpu.memory_space<hbm>>
    tpu.wait_indirect_dma semaphore(%arg10 : memref<!tpu.dma_semaphore, #tpu.memory_space<semaphore_mem>>) src(%dma_wait3A_1577 : memref<128xf32, #tpu.memory_space<vmem>>) dst(%dma_wait3A_1582 : memref<26738688xf32, #tpu.memory_space<hbm>>)
    %dma_wait3A_1583 = arith.constant 52 : i32
    %dma_wait3A_1584 = arith.constant 6656 : i32
    %dma_wait3A_1585 = tpu.memref_slice %arg5[%dma_wait3A_1584] : memref<16384xf32, #tpu.memory_space<vmem>> -> memref<128xf32, #tpu.memory_space<vmem>>
    %dma_wait3A_1586 = arith.constant 0 : i32
    %dma_wait3A_1587 = tpu.memref_slice %arg7[%dma_wait3A_1583, %dma_wait3A_1586] : memref<128x128xi32, #tpu.memory_space<vmem>> -> memref<1x128xi32, #tpu.memory_space<vmem>>
    %dma_wait3A_1588 = tpu.memref_squeeze %dma_wait3A_1587 : memref<1x128xi32, #tpu.memory_space<vmem>> -> memref<128xi32, #tpu.memory_space<vmem>>
    %dma_wait3A_1589 = arith.constant 0 : i32
    %dma_wait3A_1590 = tpu.memref_slice %arg4[%dma_wait3A_1589] : memref<26738688xf32, #tpu.memory_space<hbm>> -> memref<26738688xf32, #tpu.memory_space<hbm>>
    tpu.wait_indirect_dma semaphore(%arg10 : memref<!tpu.dma_semaphore, #tpu.memory_space<semaphore_mem>>) src(%dma_wait3A_1585 : memref<128xf32, #tpu.memory_space<vmem>>) dst(%dma_wait3A_1590 : memref<26738688xf32, #tpu.memory_space<hbm>>)
    %dma_wait3A_1591 = arith.constant 53 : i32
    %dma_wait3A_1592 = arith.constant 6784 : i32
    %dma_wait3A_1593 = tpu.memref_slice %arg5[%dma_wait3A_1592] : memref<16384xf32, #tpu.memory_space<vmem>> -> memref<128xf32, #tpu.memory_space<vmem>>
    %dma_wait3A_1594 = arith.constant 0 : i32
    %dma_wait3A_1595 = tpu.memref_slice %arg7[%dma_wait3A_1591, %dma_wait3A_1594] : memref<128x128xi32, #tpu.memory_space<vmem>> -> memref<1x128xi32, #tpu.memory_space<vmem>>
    %dma_wait3A_1596 = tpu.memref_squeeze %dma_wait3A_1595 : memref<1x128xi32, #tpu.memory_space<vmem>> -> memref<128xi32, #tpu.memory_space<vmem>>
    %dma_wait3A_1597 = arith.constant 0 : i32
    %dma_wait3A_1598 = tpu.memref_slice %arg4[%dma_wait3A_1597] : memref<26738688xf32, #tpu.memory_space<hbm>> -> memref<26738688xf32, #tpu.memory_space<hbm>>
    tpu.wait_indirect_dma semaphore(%arg10 : memref<!tpu.dma_semaphore, #tpu.memory_space<semaphore_mem>>) src(%dma_wait3A_1593 : memref<128xf32, #tpu.memory_space<vmem>>) dst(%dma_wait3A_1598 : memref<26738688xf32, #tpu.memory_space<hbm>>)
    %dma_wait3A_1599 = arith.constant 54 : i32
    %dma_wait3A_1600 = arith.constant 6912 : i32
    %dma_wait3A_1601 = tpu.memref_slice %arg5[%dma_wait3A_1600] : memref<16384xf32, #tpu.memory_space<vmem>> -> memref<128xf32, #tpu.memory_space<vmem>>
    %dma_wait3A_1602 = arith.constant 0 : i32
    %dma_wait3A_1603 = tpu.memref_slice %arg7[%dma_wait3A_1599, %dma_wait3A_1602] : memref<128x128xi32, #tpu.memory_space<vmem>> -> memref<1x128xi32, #tpu.memory_space<vmem>>
    %dma_wait3A_1604 = tpu.memref_squeeze %dma_wait3A_1603 : memref<1x128xi32, #tpu.memory_space<vmem>> -> memref<128xi32, #tpu.memory_space<vmem>>
    %dma_wait3A_1605 = arith.constant 0 : i32
    %dma_wait3A_1606 = tpu.memref_slice %arg4[%dma_wait3A_1605] : memref<26738688xf32, #tpu.memory_space<hbm>> -> memref<26738688xf32, #tpu.memory_space<hbm>>
    tpu.wait_indirect_dma semaphore(%arg10 : memref<!tpu.dma_semaphore, #tpu.memory_space<semaphore_mem>>) src(%dma_wait3A_1601 : memref<128xf32, #tpu.memory_space<vmem>>) dst(%dma_wait3A_1606 : memref<26738688xf32, #tpu.memory_space<hbm>>)
    %dma_wait3A_1607 = arith.constant 55 : i32
    %dma_wait3A_1608 = arith.constant 7040 : i32
    %dma_wait3A_1609 = tpu.memref_slice %arg5[%dma_wait3A_1608] : memref<16384xf32, #tpu.memory_space<vmem>> -> memref<128xf32, #tpu.memory_space<vmem>>
    %dma_wait3A_1610 = arith.constant 0 : i32
    %dma_wait3A_1611 = tpu.memref_slice %arg7[%dma_wait3A_1607, %dma_wait3A_1610] : memref<128x128xi32, #tpu.memory_space<vmem>> -> memref<1x128xi32, #tpu.memory_space<vmem>>
    %dma_wait3A_1612 = tpu.memref_squeeze %dma_wait3A_1611 : memref<1x128xi32, #tpu.memory_space<vmem>> -> memref<128xi32, #tpu.memory_space<vmem>>
    %dma_wait3A_1613 = arith.constant 0 : i32
    %dma_wait3A_1614 = tpu.memref_slice %arg4[%dma_wait3A_1613] : memref<26738688xf32, #tpu.memory_space<hbm>> -> memref<26738688xf32, #tpu.memory_space<hbm>>
    tpu.wait_indirect_dma semaphore(%arg10 : memref<!tpu.dma_semaphore, #tpu.memory_space<semaphore_mem>>) src(%dma_wait3A_1609 : memref<128xf32, #tpu.memory_space<vmem>>) dst(%dma_wait3A_1614 : memref<26738688xf32, #tpu.memory_space<hbm>>)
    %dma_wait3A_1615 = arith.constant 56 : i32
    %dma_wait3A_1616 = arith.constant 7168 : i32
    %dma_wait3A_1617 = tpu.memref_slice %arg5[%dma_wait3A_1616] : memref<16384xf32, #tpu.memory_space<vmem>> -> memref<128xf32, #tpu.memory_space<vmem>>
    %dma_wait3A_1618 = arith.constant 0 : i32
    %dma_wait3A_1619 = tpu.memref_slice %arg7[%dma_wait3A_1615, %dma_wait3A_1618] : memref<128x128xi32, #tpu.memory_space<vmem>> -> memref<1x128xi32, #tpu.memory_space<vmem>>
    %dma_wait3A_1620 = tpu.memref_squeeze %dma_wait3A_1619 : memref<1x128xi32, #tpu.memory_space<vmem>> -> memref<128xi32, #tpu.memory_space<vmem>>
    %dma_wait3A_1621 = arith.constant 0 : i32
    %dma_wait3A_1622 = tpu.memref_slice %arg4[%dma_wait3A_1621] : memref<26738688xf32, #tpu.memory_space<hbm>> -> memref<26738688xf32, #tpu.memory_space<hbm>>
    tpu.wait_indirect_dma semaphore(%arg10 : memref<!tpu.dma_semaphore, #tpu.memory_space<semaphore_mem>>) src(%dma_wait3A_1617 : memref<128xf32, #tpu.memory_space<vmem>>) dst(%dma_wait3A_1622 : memref<26738688xf32, #tpu.memory_space<hbm>>)
    %dma_wait3A_1623 = arith.constant 57 : i32
    %dma_wait3A_1624 = arith.constant 7296 : i32
    %dma_wait3A_1625 = tpu.memref_slice %arg5[%dma_wait3A_1624] : memref<16384xf32, #tpu.memory_space<vmem>> -> memref<128xf32, #tpu.memory_space<vmem>>
    %dma_wait3A_1626 = arith.constant 0 : i32
    %dma_wait3A_1627 = tpu.memref_slice %arg7[%dma_wait3A_1623, %dma_wait3A_1626] : memref<128x128xi32, #tpu.memory_space<vmem>> -> memref<1x128xi32, #tpu.memory_space<vmem>>
    %dma_wait3A_1628 = tpu.memref_squeeze %dma_wait3A_1627 : memref<1x128xi32, #tpu.memory_space<vmem>> -> memref<128xi32, #tpu.memory_space<vmem>>
    %dma_wait3A_1629 = arith.constant 0 : i32
    %dma_wait3A_1630 = tpu.memref_slice %arg4[%dma_wait3A_1629] : memref<26738688xf32, #tpu.memory_space<hbm>> -> memref<26738688xf32, #tpu.memory_space<hbm>>
    tpu.wait_indirect_dma semaphore(%arg10 : memref<!tpu.dma_semaphore, #tpu.memory_space<semaphore_mem>>) src(%dma_wait3A_1625 : memref<128xf32, #tpu.memory_space<vmem>>) dst(%dma_wait3A_1630 : memref<26738688xf32, #tpu.memory_space<hbm>>)
    %dma_wait3A_1631 = arith.constant 58 : i32
    %dma_wait3A_1632 = arith.constant 7424 : i32
    %dma_wait3A_1633 = tpu.memref_slice %arg5[%dma_wait3A_1632] : memref<16384xf32, #tpu.memory_space<vmem>> -> memref<128xf32, #tpu.memory_space<vmem>>
    %dma_wait3A_1634 = arith.constant 0 : i32
    %dma_wait3A_1635 = tpu.memref_slice %arg7[%dma_wait3A_1631, %dma_wait3A_1634] : memref<128x128xi32, #tpu.memory_space<vmem>> -> memref<1x128xi32, #tpu.memory_space<vmem>>
    %dma_wait3A_1636 = tpu.memref_squeeze %dma_wait3A_1635 : memref<1x128xi32, #tpu.memory_space<vmem>> -> memref<128xi32, #tpu.memory_space<vmem>>
    %dma_wait3A_1637 = arith.constant 0 : i32
    %dma_wait3A_1638 = tpu.memref_slice %arg4[%dma_wait3A_1637] : memref<26738688xf32, #tpu.memory_space<hbm>> -> memref<26738688xf32, #tpu.memory_space<hbm>>
    tpu.wait_indirect_dma semaphore(%arg10 : memref<!tpu.dma_semaphore, #tpu.memory_space<semaphore_mem>>) src(%dma_wait3A_1633 : memref<128xf32, #tpu.memory_space<vmem>>) dst(%dma_wait3A_1638 : memref<26738688xf32, #tpu.memory_space<hbm>>)
    %dma_wait3A_1639 = arith.constant 59 : i32
    %dma_wait3A_1640 = arith.constant 7552 : i32
    %dma_wait3A_1641 = tpu.memref_slice %arg5[%dma_wait3A_1640] : memref<16384xf32, #tpu.memory_space<vmem>> -> memref<128xf32, #tpu.memory_space<vmem>>
    %dma_wait3A_1642 = arith.constant 0 : i32
    %dma_wait3A_1643 = tpu.memref_slice %arg7[%dma_wait3A_1639, %dma_wait3A_1642] : memref<128x128xi32, #tpu.memory_space<vmem>> -> memref<1x128xi32, #tpu.memory_space<vmem>>
    %dma_wait3A_1644 = tpu.memref_squeeze %dma_wait3A_1643 : memref<1x128xi32, #tpu.memory_space<vmem>> -> memref<128xi32, #tpu.memory_space<vmem>>
    %dma_wait3A_1645 = arith.constant 0 : i32
    %dma_wait3A_1646 = tpu.memref_slice %arg4[%dma_wait3A_1645] : memref<26738688xf32, #tpu.memory_space<hbm>> -> memref<26738688xf32, #tpu.memory_space<hbm>>
    tpu.wait_indirect_dma semaphore(%arg10 : memref<!tpu.dma_semaphore, #tpu.memory_space<semaphore_mem>>) src(%dma_wait3A_1641 : memref<128xf32, #tpu.memory_space<vmem>>) dst(%dma_wait3A_1646 : memref<26738688xf32, #tpu.memory_space<hbm>>)
    %dma_wait3A_1647 = arith.constant 60 : i32
    %dma_wait3A_1648 = arith.constant 7680 : i32
    %dma_wait3A_1649 = tpu.memref_slice %arg5[%dma_wait3A_1648] : memref<16384xf32, #tpu.memory_space<vmem>> -> memref<128xf32, #tpu.memory_space<vmem>>
    %dma_wait3A_1650 = arith.constant 0 : i32
    %dma_wait3A_1651 = tpu.memref_slice %arg7[%dma_wait3A_1647, %dma_wait3A_1650] : memref<128x128xi32, #tpu.memory_space<vmem>> -> memref<1x128xi32, #tpu.memory_space<vmem>>
    %dma_wait3A_1652 = tpu.memref_squeeze %dma_wait3A_1651 : memref<1x128xi32, #tpu.memory_space<vmem>> -> memref<128xi32, #tpu.memory_space<vmem>>
    %dma_wait3A_1653 = arith.constant 0 : i32
    %dma_wait3A_1654 = tpu.memref_slice %arg4[%dma_wait3A_1653] : memref<26738688xf32, #tpu.memory_space<hbm>> -> memref<26738688xf32, #tpu.memory_space<hbm>>
    tpu.wait_indirect_dma semaphore(%arg10 : memref<!tpu.dma_semaphore, #tpu.memory_space<semaphore_mem>>) src(%dma_wait3A_1649 : memref<128xf32, #tpu.memory_space<vmem>>) dst(%dma_wait3A_1654 : memref<26738688xf32, #tpu.memory_space<hbm>>)
    %dma_wait3A_1655 = arith.constant 61 : i32
    %dma_wait3A_1656 = arith.constant 7808 : i32
    %dma_wait3A_1657 = tpu.memref_slice %arg5[%dma_wait3A_1656] : memref<16384xf32, #tpu.memory_space<vmem>> -> memref<128xf32, #tpu.memory_space<vmem>>
    %dma_wait3A_1658 = arith.constant 0 : i32
    %dma_wait3A_1659 = tpu.memref_slice %arg7[%dma_wait3A_1655, %dma_wait3A_1658] : memref<128x128xi32, #tpu.memory_space<vmem>> -> memref<1x128xi32, #tpu.memory_space<vmem>>
    %dma_wait3A_1660 = tpu.memref_squeeze %dma_wait3A_1659 : memref<1x128xi32, #tpu.memory_space<vmem>> -> memref<128xi32, #tpu.memory_space<vmem>>
    %dma_wait3A_1661 = arith.constant 0 : i32
    %dma_wait3A_1662 = tpu.memref_slice %arg4[%dma_wait3A_1661] : memref<26738688xf32, #tpu.memory_space<hbm>> -> memref<26738688xf32, #tpu.memory_space<hbm>>
    tpu.wait_indirect_dma semaphore(%arg10 : memref<!tpu.dma_semaphore, #tpu.memory_space<semaphore_mem>>) src(%dma_wait3A_1657 : memref<128xf32, #tpu.memory_space<vmem>>) dst(%dma_wait3A_1662 : memref<26738688xf32, #tpu.memory_space<hbm>>)
    %dma_wait3A_1663 = arith.constant 62 : i32
    %dma_wait3A_1664 = arith.constant 7936 : i32
    %dma_wait3A_1665 = tpu.memref_slice %arg5[%dma_wait3A_1664] : memref<16384xf32, #tpu.memory_space<vmem>> -> memref<128xf32, #tpu.memory_space<vmem>>
    %dma_wait3A_1666 = arith.constant 0 : i32
    %dma_wait3A_1667 = tpu.memref_slice %arg7[%dma_wait3A_1663, %dma_wait3A_1666] : memref<128x128xi32, #tpu.memory_space<vmem>> -> memref<1x128xi32, #tpu.memory_space<vmem>>
    %dma_wait3A_1668 = tpu.memref_squeeze %dma_wait3A_1667 : memref<1x128xi32, #tpu.memory_space<vmem>> -> memref<128xi32, #tpu.memory_space<vmem>>
    %dma_wait3A_1669 = arith.constant 0 : i32
    %dma_wait3A_1670 = tpu.memref_slice %arg4[%dma_wait3A_1669] : memref<26738688xf32, #tpu.memory_space<hbm>> -> memref<26738688xf32, #tpu.memory_space<hbm>>
    tpu.wait_indirect_dma semaphore(%arg10 : memref<!tpu.dma_semaphore, #tpu.memory_space<semaphore_mem>>) src(%dma_wait3A_1665 : memref<128xf32, #tpu.memory_space<vmem>>) dst(%dma_wait3A_1670 : memref<26738688xf32, #tpu.memory_space<hbm>>)
    %dma_wait3A_1671 = arith.constant 63 : i32
    %dma_wait3A_1672 = arith.constant 8064 : i32
    %dma_wait3A_1673 = tpu.memref_slice %arg5[%dma_wait3A_1672] : memref<16384xf32, #tpu.memory_space<vmem>> -> memref<128xf32, #tpu.memory_space<vmem>>
    %dma_wait3A_1674 = arith.constant 0 : i32
    %dma_wait3A_1675 = tpu.memref_slice %arg7[%dma_wait3A_1671, %dma_wait3A_1674] : memref<128x128xi32, #tpu.memory_space<vmem>> -> memref<1x128xi32, #tpu.memory_space<vmem>>
    %dma_wait3A_1676 = tpu.memref_squeeze %dma_wait3A_1675 : memref<1x128xi32, #tpu.memory_space<vmem>> -> memref<128xi32, #tpu.memory_space<vmem>>
    %dma_wait3A_1677 = arith.constant 0 : i32
    %dma_wait3A_1678 = tpu.memref_slice %arg4[%dma_wait3A_1677] : memref<26738688xf32, #tpu.memory_space<hbm>> -> memref<26738688xf32, #tpu.memory_space<hbm>>
    tpu.wait_indirect_dma semaphore(%arg10 : memref<!tpu.dma_semaphore, #tpu.memory_space<semaphore_mem>>) src(%dma_wait3A_1673 : memref<128xf32, #tpu.memory_space<vmem>>) dst(%dma_wait3A_1678 : memref<26738688xf32, #tpu.memory_space<hbm>>)
    %dma_wait3A_1679 = arith.constant 64 : i32
    %dma_wait3A_1680 = arith.constant 8192 : i32
    %dma_wait3A_1681 = tpu.memref_slice %arg5[%dma_wait3A_1680] : memref<16384xf32, #tpu.memory_space<vmem>> -> memref<128xf32, #tpu.memory_space<vmem>>
    %dma_wait3A_1682 = arith.constant 0 : i32
    %dma_wait3A_1683 = tpu.memref_slice %arg7[%dma_wait3A_1679, %dma_wait3A_1682] : memref<128x128xi32, #tpu.memory_space<vmem>> -> memref<1x128xi32, #tpu.memory_space<vmem>>
    %dma_wait3A_1684 = tpu.memref_squeeze %dma_wait3A_1683 : memref<1x128xi32, #tpu.memory_space<vmem>> -> memref<128xi32, #tpu.memory_space<vmem>>
    %dma_wait3A_1685 = arith.constant 0 : i32
    %dma_wait3A_1686 = tpu.memref_slice %arg4[%dma_wait3A_1685] : memref<26738688xf32, #tpu.memory_space<hbm>> -> memref<26738688xf32, #tpu.memory_space<hbm>>
    tpu.wait_indirect_dma semaphore(%arg10 : memref<!tpu.dma_semaphore, #tpu.memory_space<semaphore_mem>>) src(%dma_wait3A_1681 : memref<128xf32, #tpu.memory_space<vmem>>) dst(%dma_wait3A_1686 : memref<26738688xf32, #tpu.memory_space<hbm>>)
    %dma_wait3A_1687 = arith.constant 65 : i32
    %dma_wait3A_1688 = arith.constant 8320 : i32
    %dma_wait3A_1689 = tpu.memref_slice %arg5[%dma_wait3A_1688] : memref<16384xf32, #tpu.memory_space<vmem>> -> memref<128xf32, #tpu.memory_space<vmem>>
    %dma_wait3A_1690 = arith.constant 0 : i32
    %dma_wait3A_1691 = tpu.memref_slice %arg7[%dma_wait3A_1687, %dma_wait3A_1690] : memref<128x128xi32, #tpu.memory_space<vmem>> -> memref<1x128xi32, #tpu.memory_space<vmem>>
    %dma_wait3A_1692 = tpu.memref_squeeze %dma_wait3A_1691 : memref<1x128xi32, #tpu.memory_space<vmem>> -> memref<128xi32, #tpu.memory_space<vmem>>
    %dma_wait3A_1693 = arith.constant 0 : i32
    %dma_wait3A_1694 = tpu.memref_slice %arg4[%dma_wait3A_1693] : memref<26738688xf32, #tpu.memory_space<hbm>> -> memref<26738688xf32, #tpu.memory_space<hbm>>
    tpu.wait_indirect_dma semaphore(%arg10 : memref<!tpu.dma_semaphore, #tpu.memory_space<semaphore_mem>>) src(%dma_wait3A_1689 : memref<128xf32, #tpu.memory_space<vmem>>) dst(%dma_wait3A_1694 : memref<26738688xf32, #tpu.memory_space<hbm>>)
    %dma_wait3A_1695 = arith.constant 66 : i32
    %dma_wait3A_1696 = arith.constant 8448 : i32
    %dma_wait3A_1697 = tpu.memref_slice %arg5[%dma_wait3A_1696] : memref<16384xf32, #tpu.memory_space<vmem>> -> memref<128xf32, #tpu.memory_space<vmem>>
    %dma_wait3A_1698 = arith.constant 0 : i32
    %dma_wait3A_1699 = tpu.memref_slice %arg7[%dma_wait3A_1695, %dma_wait3A_1698] : memref<128x128xi32, #tpu.memory_space<vmem>> -> memref<1x128xi32, #tpu.memory_space<vmem>>
    %dma_wait3A_1700 = tpu.memref_squeeze %dma_wait3A_1699 : memref<1x128xi32, #tpu.memory_space<vmem>> -> memref<128xi32, #tpu.memory_space<vmem>>
    %dma_wait3A_1701 = arith.constant 0 : i32
    %dma_wait3A_1702 = tpu.memref_slice %arg4[%dma_wait3A_1701] : memref<26738688xf32, #tpu.memory_space<hbm>> -> memref<26738688xf32, #tpu.memory_space<hbm>>
    tpu.wait_indirect_dma semaphore(%arg10 : memref<!tpu.dma_semaphore, #tpu.memory_space<semaphore_mem>>) src(%dma_wait3A_1697 : memref<128xf32, #tpu.memory_space<vmem>>) dst(%dma_wait3A_1702 : memref<26738688xf32, #tpu.memory_space<hbm>>)
    %dma_wait3A_1703 = arith.constant 67 : i32
    %dma_wait3A_1704 = arith.constant 8576 : i32
    %dma_wait3A_1705 = tpu.memref_slice %arg5[%dma_wait3A_1704] : memref<16384xf32, #tpu.memory_space<vmem>> -> memref<128xf32, #tpu.memory_space<vmem>>
    %dma_wait3A_1706 = arith.constant 0 : i32
    %dma_wait3A_1707 = tpu.memref_slice %arg7[%dma_wait3A_1703, %dma_wait3A_1706] : memref<128x128xi32, #tpu.memory_space<vmem>> -> memref<1x128xi32, #tpu.memory_space<vmem>>
    %dma_wait3A_1708 = tpu.memref_squeeze %dma_wait3A_1707 : memref<1x128xi32, #tpu.memory_space<vmem>> -> memref<128xi32, #tpu.memory_space<vmem>>
    %dma_wait3A_1709 = arith.constant 0 : i32
    %dma_wait3A_1710 = tpu.memref_slice %arg4[%dma_wait3A_1709] : memref<26738688xf32, #tpu.memory_space<hbm>> -> memref<26738688xf32, #tpu.memory_space<hbm>>
    tpu.wait_indirect_dma semaphore(%arg10 : memref<!tpu.dma_semaphore, #tpu.memory_space<semaphore_mem>>) src(%dma_wait3A_1705 : memref<128xf32, #tpu.memory_space<vmem>>) dst(%dma_wait3A_1710 : memref<26738688xf32, #tpu.memory_space<hbm>>)
    %dma_wait3A_1711 = arith.constant 68 : i32
    %dma_wait3A_1712 = arith.constant 8704 : i32
    %dma_wait3A_1713 = tpu.memref_slice %arg5[%dma_wait3A_1712] : memref<16384xf32, #tpu.memory_space<vmem>> -> memref<128xf32, #tpu.memory_space<vmem>>
    %dma_wait3A_1714 = arith.constant 0 : i32
    %dma_wait3A_1715 = tpu.memref_slice %arg7[%dma_wait3A_1711, %dma_wait3A_1714] : memref<128x128xi32, #tpu.memory_space<vmem>> -> memref<1x128xi32, #tpu.memory_space<vmem>>
    %dma_wait3A_1716 = tpu.memref_squeeze %dma_wait3A_1715 : memref<1x128xi32, #tpu.memory_space<vmem>> -> memref<128xi32, #tpu.memory_space<vmem>>
    %dma_wait3A_1717 = arith.constant 0 : i32
    %dma_wait3A_1718 = tpu.memref_slice %arg4[%dma_wait3A_1717] : memref<26738688xf32, #tpu.memory_space<hbm>> -> memref<26738688xf32, #tpu.memory_space<hbm>>
    tpu.wait_indirect_dma semaphore(%arg10 : memref<!tpu.dma_semaphore, #tpu.memory_space<semaphore_mem>>) src(%dma_wait3A_1713 : memref<128xf32, #tpu.memory_space<vmem>>) dst(%dma_wait3A_1718 : memref<26738688xf32, #tpu.memory_space<hbm>>)
    %dma_wait3A_1719 = arith.constant 69 : i32
    %dma_wait3A_1720 = arith.constant 8832 : i32
    %dma_wait3A_1721 = tpu.memref_slice %arg5[%dma_wait3A_1720] : memref<16384xf32, #tpu.memory_space<vmem>> -> memref<128xf32, #tpu.memory_space<vmem>>
    %dma_wait3A_1722 = arith.constant 0 : i32
    %dma_wait3A_1723 = tpu.memref_slice %arg7[%dma_wait3A_1719, %dma_wait3A_1722] : memref<128x128xi32, #tpu.memory_space<vmem>> -> memref<1x128xi32, #tpu.memory_space<vmem>>
    %dma_wait3A_1724 = tpu.memref_squeeze %dma_wait3A_1723 : memref<1x128xi32, #tpu.memory_space<vmem>> -> memref<128xi32, #tpu.memory_space<vmem>>
    %dma_wait3A_1725 = arith.constant 0 : i32
    %dma_wait3A_1726 = tpu.memref_slice %arg4[%dma_wait3A_1725] : memref<26738688xf32, #tpu.memory_space<hbm>> -> memref<26738688xf32, #tpu.memory_space<hbm>>
    tpu.wait_indirect_dma semaphore(%arg10 : memref<!tpu.dma_semaphore, #tpu.memory_space<semaphore_mem>>) src(%dma_wait3A_1721 : memref<128xf32, #tpu.memory_space<vmem>>) dst(%dma_wait3A_1726 : memref<26738688xf32, #tpu.memory_space<hbm>>)
    %dma_wait3A_1727 = arith.constant 70 : i32
    %dma_wait3A_1728 = arith.constant 8960 : i32
    %dma_wait3A_1729 = tpu.memref_slice %arg5[%dma_wait3A_1728] : memref<16384xf32, #tpu.memory_space<vmem>> -> memref<128xf32, #tpu.memory_space<vmem>>
    %dma_wait3A_1730 = arith.constant 0 : i32
    %dma_wait3A_1731 = tpu.memref_slice %arg7[%dma_wait3A_1727, %dma_wait3A_1730] : memref<128x128xi32, #tpu.memory_space<vmem>> -> memref<1x128xi32, #tpu.memory_space<vmem>>
    %dma_wait3A_1732 = tpu.memref_squeeze %dma_wait3A_1731 : memref<1x128xi32, #tpu.memory_space<vmem>> -> memref<128xi32, #tpu.memory_space<vmem>>
    %dma_wait3A_1733 = arith.constant 0 : i32
    %dma_wait3A_1734 = tpu.memref_slice %arg4[%dma_wait3A_1733] : memref<26738688xf32, #tpu.memory_space<hbm>> -> memref<26738688xf32, #tpu.memory_space<hbm>>
    tpu.wait_indirect_dma semaphore(%arg10 : memref<!tpu.dma_semaphore, #tpu.memory_space<semaphore_mem>>) src(%dma_wait3A_1729 : memref<128xf32, #tpu.memory_space<vmem>>) dst(%dma_wait3A_1734 : memref<26738688xf32, #tpu.memory_space<hbm>>)
    %dma_wait3A_1735 = arith.constant 71 : i32
    %dma_wait3A_1736 = arith.constant 9088 : i32
    %dma_wait3A_1737 = tpu.memref_slice %arg5[%dma_wait3A_1736] : memref<16384xf32, #tpu.memory_space<vmem>> -> memref<128xf32, #tpu.memory_space<vmem>>
    %dma_wait3A_1738 = arith.constant 0 : i32
    %dma_wait3A_1739 = tpu.memref_slice %arg7[%dma_wait3A_1735, %dma_wait3A_1738] : memref<128x128xi32, #tpu.memory_space<vmem>> -> memref<1x128xi32, #tpu.memory_space<vmem>>
    %dma_wait3A_1740 = tpu.memref_squeeze %dma_wait3A_1739 : memref<1x128xi32, #tpu.memory_space<vmem>> -> memref<128xi32, #tpu.memory_space<vmem>>
    %dma_wait3A_1741 = arith.constant 0 : i32
    %dma_wait3A_1742 = tpu.memref_slice %arg4[%dma_wait3A_1741] : memref<26738688xf32, #tpu.memory_space<hbm>> -> memref<26738688xf32, #tpu.memory_space<hbm>>
    tpu.wait_indirect_dma semaphore(%arg10 : memref<!tpu.dma_semaphore, #tpu.memory_space<semaphore_mem>>) src(%dma_wait3A_1737 : memref<128xf32, #tpu.memory_space<vmem>>) dst(%dma_wait3A_1742 : memref<26738688xf32, #tpu.memory_space<hbm>>)
    %dma_wait3A_1743 = arith.constant 72 : i32
    %dma_wait3A_1744 = arith.constant 9216 : i32
    %dma_wait3A_1745 = tpu.memref_slice %arg5[%dma_wait3A_1744] : memref<16384xf32, #tpu.memory_space<vmem>> -> memref<128xf32, #tpu.memory_space<vmem>>
    %dma_wait3A_1746 = arith.constant 0 : i32
    %dma_wait3A_1747 = tpu.memref_slice %arg7[%dma_wait3A_1743, %dma_wait3A_1746] : memref<128x128xi32, #tpu.memory_space<vmem>> -> memref<1x128xi32, #tpu.memory_space<vmem>>
    %dma_wait3A_1748 = tpu.memref_squeeze %dma_wait3A_1747 : memref<1x128xi32, #tpu.memory_space<vmem>> -> memref<128xi32, #tpu.memory_space<vmem>>
    %dma_wait3A_1749 = arith.constant 0 : i32
    %dma_wait3A_1750 = tpu.memref_slice %arg4[%dma_wait3A_1749] : memref<26738688xf32, #tpu.memory_space<hbm>> -> memref<26738688xf32, #tpu.memory_space<hbm>>
    tpu.wait_indirect_dma semaphore(%arg10 : memref<!tpu.dma_semaphore, #tpu.memory_space<semaphore_mem>>) src(%dma_wait3A_1745 : memref<128xf32, #tpu.memory_space<vmem>>) dst(%dma_wait3A_1750 : memref<26738688xf32, #tpu.memory_space<hbm>>)
    %dma_wait3A_1751 = arith.constant 73 : i32
    %dma_wait3A_1752 = arith.constant 9344 : i32
    %dma_wait3A_1753 = tpu.memref_slice %arg5[%dma_wait3A_1752] : memref<16384xf32, #tpu.memory_space<vmem>> -> memref<128xf32, #tpu.memory_space<vmem>>
    %dma_wait3A_1754 = arith.constant 0 : i32
    %dma_wait3A_1755 = tpu.memref_slice %arg7[%dma_wait3A_1751, %dma_wait3A_1754] : memref<128x128xi32, #tpu.memory_space<vmem>> -> memref<1x128xi32, #tpu.memory_space<vmem>>
    %dma_wait3A_1756 = tpu.memref_squeeze %dma_wait3A_1755 : memref<1x128xi32, #tpu.memory_space<vmem>> -> memref<128xi32, #tpu.memory_space<vmem>>
    %dma_wait3A_1757 = arith.constant 0 : i32
    %dma_wait3A_1758 = tpu.memref_slice %arg4[%dma_wait3A_1757] : memref<26738688xf32, #tpu.memory_space<hbm>> -> memref<26738688xf32, #tpu.memory_space<hbm>>
    tpu.wait_indirect_dma semaphore(%arg10 : memref<!tpu.dma_semaphore, #tpu.memory_space<semaphore_mem>>) src(%dma_wait3A_1753 : memref<128xf32, #tpu.memory_space<vmem>>) dst(%dma_wait3A_1758 : memref<26738688xf32, #tpu.memory_space<hbm>>)
    %dma_wait3A_1759 = arith.constant 74 : i32
    %dma_wait3A_1760 = arith.constant 9472 : i32
    %dma_wait3A_1761 = tpu.memref_slice %arg5[%dma_wait3A_1760] : memref<16384xf32, #tpu.memory_space<vmem>> -> memref<128xf32, #tpu.memory_space<vmem>>
    %dma_wait3A_1762 = arith.constant 0 : i32
    %dma_wait3A_1763 = tpu.memref_slice %arg7[%dma_wait3A_1759, %dma_wait3A_1762] : memref<128x128xi32, #tpu.memory_space<vmem>> -> memref<1x128xi32, #tpu.memory_space<vmem>>
    %dma_wait3A_1764 = tpu.memref_squeeze %dma_wait3A_1763 : memref<1x128xi32, #tpu.memory_space<vmem>> -> memref<128xi32, #tpu.memory_space<vmem>>
    %dma_wait3A_1765 = arith.constant 0 : i32
    %dma_wait3A_1766 = tpu.memref_slice %arg4[%dma_wait3A_1765] : memref<26738688xf32, #tpu.memory_space<hbm>> -> memref<26738688xf32, #tpu.memory_space<hbm>>
    tpu.wait_indirect_dma semaphore(%arg10 : memref<!tpu.dma_semaphore, #tpu.memory_space<semaphore_mem>>) src(%dma_wait3A_1761 : memref<128xf32, #tpu.memory_space<vmem>>) dst(%dma_wait3A_1766 : memref<26738688xf32, #tpu.memory_space<hbm>>)
    %dma_wait3A_1767 = arith.constant 75 : i32
    %dma_wait3A_1768 = arith.constant 9600 : i32
    %dma_wait3A_1769 = tpu.memref_slice %arg5[%dma_wait3A_1768] : memref<16384xf32, #tpu.memory_space<vmem>> -> memref<128xf32, #tpu.memory_space<vmem>>
    %dma_wait3A_1770 = arith.constant 0 : i32
    %dma_wait3A_1771 = tpu.memref_slice %arg7[%dma_wait3A_1767, %dma_wait3A_1770] : memref<128x128xi32, #tpu.memory_space<vmem>> -> memref<1x128xi32, #tpu.memory_space<vmem>>
    %dma_wait3A_1772 = tpu.memref_squeeze %dma_wait3A_1771 : memref<1x128xi32, #tpu.memory_space<vmem>> -> memref<128xi32, #tpu.memory_space<vmem>>
    %dma_wait3A_1773 = arith.constant 0 : i32
    %dma_wait3A_1774 = tpu.memref_slice %arg4[%dma_wait3A_1773] : memref<26738688xf32, #tpu.memory_space<hbm>> -> memref<26738688xf32, #tpu.memory_space<hbm>>
    tpu.wait_indirect_dma semaphore(%arg10 : memref<!tpu.dma_semaphore, #tpu.memory_space<semaphore_mem>>) src(%dma_wait3A_1769 : memref<128xf32, #tpu.memory_space<vmem>>) dst(%dma_wait3A_1774 : memref<26738688xf32, #tpu.memory_space<hbm>>)
    %dma_wait3A_1775 = arith.constant 76 : i32
    %dma_wait3A_1776 = arith.constant 9728 : i32
    %dma_wait3A_1777 = tpu.memref_slice %arg5[%dma_wait3A_1776] : memref<16384xf32, #tpu.memory_space<vmem>> -> memref<128xf32, #tpu.memory_space<vmem>>
    %dma_wait3A_1778 = arith.constant 0 : i32
    %dma_wait3A_1779 = tpu.memref_slice %arg7[%dma_wait3A_1775, %dma_wait3A_1778] : memref<128x128xi32, #tpu.memory_space<vmem>> -> memref<1x128xi32, #tpu.memory_space<vmem>>
    %dma_wait3A_1780 = tpu.memref_squeeze %dma_wait3A_1779 : memref<1x128xi32, #tpu.memory_space<vmem>> -> memref<128xi32, #tpu.memory_space<vmem>>
    %dma_wait3A_1781 = arith.constant 0 : i32
    %dma_wait3A_1782 = tpu.memref_slice %arg4[%dma_wait3A_1781] : memref<26738688xf32, #tpu.memory_space<hbm>> -> memref<26738688xf32, #tpu.memory_space<hbm>>
    tpu.wait_indirect_dma semaphore(%arg10 : memref<!tpu.dma_semaphore, #tpu.memory_space<semaphore_mem>>) src(%dma_wait3A_1777 : memref<128xf32, #tpu.memory_space<vmem>>) dst(%dma_wait3A_1782 : memref<26738688xf32, #tpu.memory_space<hbm>>)
    %dma_wait3A_1783 = arith.constant 77 : i32
    %dma_wait3A_1784 = arith.constant 9856 : i32
    %dma_wait3A_1785 = tpu.memref_slice %arg5[%dma_wait3A_1784] : memref<16384xf32, #tpu.memory_space<vmem>> -> memref<128xf32, #tpu.memory_space<vmem>>
    %dma_wait3A_1786 = arith.constant 0 : i32
    %dma_wait3A_1787 = tpu.memref_slice %arg7[%dma_wait3A_1783, %dma_wait3A_1786] : memref<128x128xi32, #tpu.memory_space<vmem>> -> memref<1x128xi32, #tpu.memory_space<vmem>>
    %dma_wait3A_1788 = tpu.memref_squeeze %dma_wait3A_1787 : memref<1x128xi32, #tpu.memory_space<vmem>> -> memref<128xi32, #tpu.memory_space<vmem>>
    %dma_wait3A_1789 = arith.constant 0 : i32
    %dma_wait3A_1790 = tpu.memref_slice %arg4[%dma_wait3A_1789] : memref<26738688xf32, #tpu.memory_space<hbm>> -> memref<26738688xf32, #tpu.memory_space<hbm>>
    tpu.wait_indirect_dma semaphore(%arg10 : memref<!tpu.dma_semaphore, #tpu.memory_space<semaphore_mem>>) src(%dma_wait3A_1785 : memref<128xf32, #tpu.memory_space<vmem>>) dst(%dma_wait3A_1790 : memref<26738688xf32, #tpu.memory_space<hbm>>)
    %dma_wait3A_1791 = arith.constant 78 : i32
    %dma_wait3A_1792 = arith.constant 9984 : i32
    %dma_wait3A_1793 = tpu.memref_slice %arg5[%dma_wait3A_1792] : memref<16384xf32, #tpu.memory_space<vmem>> -> memref<128xf32, #tpu.memory_space<vmem>>
    %dma_wait3A_1794 = arith.constant 0 : i32
    %dma_wait3A_1795 = tpu.memref_slice %arg7[%dma_wait3A_1791, %dma_wait3A_1794] : memref<128x128xi32, #tpu.memory_space<vmem>> -> memref<1x128xi32, #tpu.memory_space<vmem>>
    %dma_wait3A_1796 = tpu.memref_squeeze %dma_wait3A_1795 : memref<1x128xi32, #tpu.memory_space<vmem>> -> memref<128xi32, #tpu.memory_space<vmem>>
    %dma_wait3A_1797 = arith.constant 0 : i32
    %dma_wait3A_1798 = tpu.memref_slice %arg4[%dma_wait3A_1797] : memref<26738688xf32, #tpu.memory_space<hbm>> -> memref<26738688xf32, #tpu.memory_space<hbm>>
    tpu.wait_indirect_dma semaphore(%arg10 : memref<!tpu.dma_semaphore, #tpu.memory_space<semaphore_mem>>) src(%dma_wait3A_1793 : memref<128xf32, #tpu.memory_space<vmem>>) dst(%dma_wait3A_1798 : memref<26738688xf32, #tpu.memory_space<hbm>>)
    %dma_wait3A_1799 = arith.constant 79 : i32
    %dma_wait3A_1800 = arith.constant 10112 : i32
    %dma_wait3A_1801 = tpu.memref_slice %arg5[%dma_wait3A_1800] : memref<16384xf32, #tpu.memory_space<vmem>> -> memref<128xf32, #tpu.memory_space<vmem>>
    %dma_wait3A_1802 = arith.constant 0 : i32
    %dma_wait3A_1803 = tpu.memref_slice %arg7[%dma_wait3A_1799, %dma_wait3A_1802] : memref<128x128xi32, #tpu.memory_space<vmem>> -> memref<1x128xi32, #tpu.memory_space<vmem>>
    %dma_wait3A_1804 = tpu.memref_squeeze %dma_wait3A_1803 : memref<1x128xi32, #tpu.memory_space<vmem>> -> memref<128xi32, #tpu.memory_space<vmem>>
    %dma_wait3A_1805 = arith.constant 0 : i32
    %dma_wait3A_1806 = tpu.memref_slice %arg4[%dma_wait3A_1805] : memref<26738688xf32, #tpu.memory_space<hbm>> -> memref<26738688xf32, #tpu.memory_space<hbm>>
    tpu.wait_indirect_dma semaphore(%arg10 : memref<!tpu.dma_semaphore, #tpu.memory_space<semaphore_mem>>) src(%dma_wait3A_1801 : memref<128xf32, #tpu.memory_space<vmem>>) dst(%dma_wait3A_1806 : memref<26738688xf32, #tpu.memory_space<hbm>>)
    %dma_wait3A_1807 = arith.constant 80 : i32
    %dma_wait3A_1808 = arith.constant 10240 : i32
    %dma_wait3A_1809 = tpu.memref_slice %arg5[%dma_wait3A_1808] : memref<16384xf32, #tpu.memory_space<vmem>> -> memref<128xf32, #tpu.memory_space<vmem>>
    %dma_wait3A_1810 = arith.constant 0 : i32
    %dma_wait3A_1811 = tpu.memref_slice %arg7[%dma_wait3A_1807, %dma_wait3A_1810] : memref<128x128xi32, #tpu.memory_space<vmem>> -> memref<1x128xi32, #tpu.memory_space<vmem>>
    %dma_wait3A_1812 = tpu.memref_squeeze %dma_wait3A_1811 : memref<1x128xi32, #tpu.memory_space<vmem>> -> memref<128xi32, #tpu.memory_space<vmem>>
    %dma_wait3A_1813 = arith.constant 0 : i32
    %dma_wait3A_1814 = tpu.memref_slice %arg4[%dma_wait3A_1813] : memref<26738688xf32, #tpu.memory_space<hbm>> -> memref<26738688xf32, #tpu.memory_space<hbm>>
    tpu.wait_indirect_dma semaphore(%arg10 : memref<!tpu.dma_semaphore, #tpu.memory_space<semaphore_mem>>) src(%dma_wait3A_1809 : memref<128xf32, #tpu.memory_space<vmem>>) dst(%dma_wait3A_1814 : memref<26738688xf32, #tpu.memory_space<hbm>>)
    %dma_wait3A_1815 = arith.constant 81 : i32
    %dma_wait3A_1816 = arith.constant 10368 : i32
    %dma_wait3A_1817 = tpu.memref_slice %arg5[%dma_wait3A_1816] : memref<16384xf32, #tpu.memory_space<vmem>> -> memref<128xf32, #tpu.memory_space<vmem>>
    %dma_wait3A_1818 = arith.constant 0 : i32
    %dma_wait3A_1819 = tpu.memref_slice %arg7[%dma_wait3A_1815, %dma_wait3A_1818] : memref<128x128xi32, #tpu.memory_space<vmem>> -> memref<1x128xi32, #tpu.memory_space<vmem>>
    %dma_wait3A_1820 = tpu.memref_squeeze %dma_wait3A_1819 : memref<1x128xi32, #tpu.memory_space<vmem>> -> memref<128xi32, #tpu.memory_space<vmem>>
    %dma_wait3A_1821 = arith.constant 0 : i32
    %dma_wait3A_1822 = tpu.memref_slice %arg4[%dma_wait3A_1821] : memref<26738688xf32, #tpu.memory_space<hbm>> -> memref<26738688xf32, #tpu.memory_space<hbm>>
    tpu.wait_indirect_dma semaphore(%arg10 : memref<!tpu.dma_semaphore, #tpu.memory_space<semaphore_mem>>) src(%dma_wait3A_1817 : memref<128xf32, #tpu.memory_space<vmem>>) dst(%dma_wait3A_1822 : memref<26738688xf32, #tpu.memory_space<hbm>>)
    %dma_wait3A_1823 = arith.constant 82 : i32
    %dma_wait3A_1824 = arith.constant 10496 : i32
    %dma_wait3A_1825 = tpu.memref_slice %arg5[%dma_wait3A_1824] : memref<16384xf32, #tpu.memory_space<vmem>> -> memref<128xf32, #tpu.memory_space<vmem>>
    %dma_wait3A_1826 = arith.constant 0 : i32
    %dma_wait3A_1827 = tpu.memref_slice %arg7[%dma_wait3A_1823, %dma_wait3A_1826] : memref<128x128xi32, #tpu.memory_space<vmem>> -> memref<1x128xi32, #tpu.memory_space<vmem>>
    %dma_wait3A_1828 = tpu.memref_squeeze %dma_wait3A_1827 : memref<1x128xi32, #tpu.memory_space<vmem>> -> memref<128xi32, #tpu.memory_space<vmem>>
    %dma_wait3A_1829 = arith.constant 0 : i32
    %dma_wait3A_1830 = tpu.memref_slice %arg4[%dma_wait3A_1829] : memref<26738688xf32, #tpu.memory_space<hbm>> -> memref<26738688xf32, #tpu.memory_space<hbm>>
    tpu.wait_indirect_dma semaphore(%arg10 : memref<!tpu.dma_semaphore, #tpu.memory_space<semaphore_mem>>) src(%dma_wait3A_1825 : memref<128xf32, #tpu.memory_space<vmem>>) dst(%dma_wait3A_1830 : memref<26738688xf32, #tpu.memory_space<hbm>>)
    %dma_wait3A_1831 = arith.constant 83 : i32
    %dma_wait3A_1832 = arith.constant 10624 : i32
    %dma_wait3A_1833 = tpu.memref_slice %arg5[%dma_wait3A_1832] : memref<16384xf32, #tpu.memory_space<vmem>> -> memref<128xf32, #tpu.memory_space<vmem>>
    %dma_wait3A_1834 = arith.constant 0 : i32
    %dma_wait3A_1835 = tpu.memref_slice %arg7[%dma_wait3A_1831, %dma_wait3A_1834] : memref<128x128xi32, #tpu.memory_space<vmem>> -> memref<1x128xi32, #tpu.memory_space<vmem>>
    %dma_wait3A_1836 = tpu.memref_squeeze %dma_wait3A_1835 : memref<1x128xi32, #tpu.memory_space<vmem>> -> memref<128xi32, #tpu.memory_space<vmem>>
    %dma_wait3A_1837 = arith.constant 0 : i32
    %dma_wait3A_1838 = tpu.memref_slice %arg4[%dma_wait3A_1837] : memref<26738688xf32, #tpu.memory_space<hbm>> -> memref<26738688xf32, #tpu.memory_space<hbm>>
    tpu.wait_indirect_dma semaphore(%arg10 : memref<!tpu.dma_semaphore, #tpu.memory_space<semaphore_mem>>) src(%dma_wait3A_1833 : memref<128xf32, #tpu.memory_space<vmem>>) dst(%dma_wait3A_1838 : memref<26738688xf32, #tpu.memory_space<hbm>>)
    %dma_wait3A_1839 = arith.constant 84 : i32
    %dma_wait3A_1840 = arith.constant 10752 : i32
    %dma_wait3A_1841 = tpu.memref_slice %arg5[%dma_wait3A_1840] : memref<16384xf32, #tpu.memory_space<vmem>> -> memref<128xf32, #tpu.memory_space<vmem>>
    %dma_wait3A_1842 = arith.constant 0 : i32
    %dma_wait3A_1843 = tpu.memref_slice %arg7[%dma_wait3A_1839, %dma_wait3A_1842] : memref<128x128xi32, #tpu.memory_space<vmem>> -> memref<1x128xi32, #tpu.memory_space<vmem>>
    %dma_wait3A_1844 = tpu.memref_squeeze %dma_wait3A_1843 : memref<1x128xi32, #tpu.memory_space<vmem>> -> memref<128xi32, #tpu.memory_space<vmem>>
    %dma_wait3A_1845 = arith.constant 0 : i32
    %dma_wait3A_1846 = tpu.memref_slice %arg4[%dma_wait3A_1845] : memref<26738688xf32, #tpu.memory_space<hbm>> -> memref<26738688xf32, #tpu.memory_space<hbm>>
    tpu.wait_indirect_dma semaphore(%arg10 : memref<!tpu.dma_semaphore, #tpu.memory_space<semaphore_mem>>) src(%dma_wait3A_1841 : memref<128xf32, #tpu.memory_space<vmem>>) dst(%dma_wait3A_1846 : memref<26738688xf32, #tpu.memory_space<hbm>>)
    %dma_wait3A_1847 = arith.constant 85 : i32
    %dma_wait3A_1848 = arith.constant 10880 : i32
    %dma_wait3A_1849 = tpu.memref_slice %arg5[%dma_wait3A_1848] : memref<16384xf32, #tpu.memory_space<vmem>> -> memref<128xf32, #tpu.memory_space<vmem>>
    %dma_wait3A_1850 = arith.constant 0 : i32
    %dma_wait3A_1851 = tpu.memref_slice %arg7[%dma_wait3A_1847, %dma_wait3A_1850] : memref<128x128xi32, #tpu.memory_space<vmem>> -> memref<1x128xi32, #tpu.memory_space<vmem>>
    %dma_wait3A_1852 = tpu.memref_squeeze %dma_wait3A_1851 : memref<1x128xi32, #tpu.memory_space<vmem>> -> memref<128xi32, #tpu.memory_space<vmem>>
    %dma_wait3A_1853 = arith.constant 0 : i32
    %dma_wait3A_1854 = tpu.memref_slice %arg4[%dma_wait3A_1853] : memref<26738688xf32, #tpu.memory_space<hbm>> -> memref<26738688xf32, #tpu.memory_space<hbm>>
    tpu.wait_indirect_dma semaphore(%arg10 : memref<!tpu.dma_semaphore, #tpu.memory_space<semaphore_mem>>) src(%dma_wait3A_1849 : memref<128xf32, #tpu.memory_space<vmem>>) dst(%dma_wait3A_1854 : memref<26738688xf32, #tpu.memory_space<hbm>>)
    %dma_wait3A_1855 = arith.constant 86 : i32
    %dma_wait3A_1856 = arith.constant 11008 : i32
    %dma_wait3A_1857 = tpu.memref_slice %arg5[%dma_wait3A_1856] : memref<16384xf32, #tpu.memory_space<vmem>> -> memref<128xf32, #tpu.memory_space<vmem>>
    %dma_wait3A_1858 = arith.constant 0 : i32
    %dma_wait3A_1859 = tpu.memref_slice %arg7[%dma_wait3A_1855, %dma_wait3A_1858] : memref<128x128xi32, #tpu.memory_space<vmem>> -> memref<1x128xi32, #tpu.memory_space<vmem>>
    %dma_wait3A_1860 = tpu.memref_squeeze %dma_wait3A_1859 : memref<1x128xi32, #tpu.memory_space<vmem>> -> memref<128xi32, #tpu.memory_space<vmem>>
    %dma_wait3A_1861 = arith.constant 0 : i32
    %dma_wait3A_1862 = tpu.memref_slice %arg4[%dma_wait3A_1861] : memref<26738688xf32, #tpu.memory_space<hbm>> -> memref<26738688xf32, #tpu.memory_space<hbm>>
    tpu.wait_indirect_dma semaphore(%arg10 : memref<!tpu.dma_semaphore, #tpu.memory_space<semaphore_mem>>) src(%dma_wait3A_1857 : memref<128xf32, #tpu.memory_space<vmem>>) dst(%dma_wait3A_1862 : memref<26738688xf32, #tpu.memory_space<hbm>>)
    %dma_wait3A_1863 = arith.constant 87 : i32
    %dma_wait3A_1864 = arith.constant 11136 : i32
    %dma_wait3A_1865 = tpu.memref_slice %arg5[%dma_wait3A_1864] : memref<16384xf32, #tpu.memory_space<vmem>> -> memref<128xf32, #tpu.memory_space<vmem>>
    %dma_wait3A_1866 = arith.constant 0 : i32
    %dma_wait3A_1867 = tpu.memref_slice %arg7[%dma_wait3A_1863, %dma_wait3A_1866] : memref<128x128xi32, #tpu.memory_space<vmem>> -> memref<1x128xi32, #tpu.memory_space<vmem>>
    %dma_wait3A_1868 = tpu.memref_squeeze %dma_wait3A_1867 : memref<1x128xi32, #tpu.memory_space<vmem>> -> memref<128xi32, #tpu.memory_space<vmem>>
    %dma_wait3A_1869 = arith.constant 0 : i32
    %dma_wait3A_1870 = tpu.memref_slice %arg4[%dma_wait3A_1869] : memref<26738688xf32, #tpu.memory_space<hbm>> -> memref<26738688xf32, #tpu.memory_space<hbm>>
    tpu.wait_indirect_dma semaphore(%arg10 : memref<!tpu.dma_semaphore, #tpu.memory_space<semaphore_mem>>) src(%dma_wait3A_1865 : memref<128xf32, #tpu.memory_space<vmem>>) dst(%dma_wait3A_1870 : memref<26738688xf32, #tpu.memory_space<hbm>>)
    %dma_wait3A_1871 = arith.constant 88 : i32
    %dma_wait3A_1872 = arith.constant 11264 : i32
    %dma_wait3A_1873 = tpu.memref_slice %arg5[%dma_wait3A_1872] : memref<16384xf32, #tpu.memory_space<vmem>> -> memref<128xf32, #tpu.memory_space<vmem>>
    %dma_wait3A_1874 = arith.constant 0 : i32
    %dma_wait3A_1875 = tpu.memref_slice %arg7[%dma_wait3A_1871, %dma_wait3A_1874] : memref<128x128xi32, #tpu.memory_space<vmem>> -> memref<1x128xi32, #tpu.memory_space<vmem>>
    %dma_wait3A_1876 = tpu.memref_squeeze %dma_wait3A_1875 : memref<1x128xi32, #tpu.memory_space<vmem>> -> memref<128xi32, #tpu.memory_space<vmem>>
    %dma_wait3A_1877 = arith.constant 0 : i32
    %dma_wait3A_1878 = tpu.memref_slice %arg4[%dma_wait3A_1877] : memref<26738688xf32, #tpu.memory_space<hbm>> -> memref<26738688xf32, #tpu.memory_space<hbm>>
    tpu.wait_indirect_dma semaphore(%arg10 : memref<!tpu.dma_semaphore, #tpu.memory_space<semaphore_mem>>) src(%dma_wait3A_1873 : memref<128xf32, #tpu.memory_space<vmem>>) dst(%dma_wait3A_1878 : memref<26738688xf32, #tpu.memory_space<hbm>>)
    %dma_wait3A_1879 = arith.constant 89 : i32
    %dma_wait3A_1880 = arith.constant 11392 : i32
    %dma_wait3A_1881 = tpu.memref_slice %arg5[%dma_wait3A_1880] : memref<16384xf32, #tpu.memory_space<vmem>> -> memref<128xf32, #tpu.memory_space<vmem>>
    %dma_wait3A_1882 = arith.constant 0 : i32
    %dma_wait3A_1883 = tpu.memref_slice %arg7[%dma_wait3A_1879, %dma_wait3A_1882] : memref<128x128xi32, #tpu.memory_space<vmem>> -> memref<1x128xi32, #tpu.memory_space<vmem>>
    %dma_wait3A_1884 = tpu.memref_squeeze %dma_wait3A_1883 : memref<1x128xi32, #tpu.memory_space<vmem>> -> memref<128xi32, #tpu.memory_space<vmem>>
    %dma_wait3A_1885 = arith.constant 0 : i32
    %dma_wait3A_1886 = tpu.memref_slice %arg4[%dma_wait3A_1885] : memref<26738688xf32, #tpu.memory_space<hbm>> -> memref<26738688xf32, #tpu.memory_space<hbm>>
    tpu.wait_indirect_dma semaphore(%arg10 : memref<!tpu.dma_semaphore, #tpu.memory_space<semaphore_mem>>) src(%dma_wait3A_1881 : memref<128xf32, #tpu.memory_space<vmem>>) dst(%dma_wait3A_1886 : memref<26738688xf32, #tpu.memory_space<hbm>>)
    %dma_wait3A_1887 = arith.constant 90 : i32
    %dma_wait3A_1888 = arith.constant 11520 : i32
    %dma_wait3A_1889 = tpu.memref_slice %arg5[%dma_wait3A_1888] : memref<16384xf32, #tpu.memory_space<vmem>> -> memref<128xf32, #tpu.memory_space<vmem>>
    %dma_wait3A_1890 = arith.constant 0 : i32
    %dma_wait3A_1891 = tpu.memref_slice %arg7[%dma_wait3A_1887, %dma_wait3A_1890] : memref<128x128xi32, #tpu.memory_space<vmem>> -> memref<1x128xi32, #tpu.memory_space<vmem>>
    %dma_wait3A_1892 = tpu.memref_squeeze %dma_wait3A_1891 : memref<1x128xi32, #tpu.memory_space<vmem>> -> memref<128xi32, #tpu.memory_space<vmem>>
    %dma_wait3A_1893 = arith.constant 0 : i32
    %dma_wait3A_1894 = tpu.memref_slice %arg4[%dma_wait3A_1893] : memref<26738688xf32, #tpu.memory_space<hbm>> -> memref<26738688xf32, #tpu.memory_space<hbm>>
    tpu.wait_indirect_dma semaphore(%arg10 : memref<!tpu.dma_semaphore, #tpu.memory_space<semaphore_mem>>) src(%dma_wait3A_1889 : memref<128xf32, #tpu.memory_space<vmem>>) dst(%dma_wait3A_1894 : memref<26738688xf32, #tpu.memory_space<hbm>>)
    %dma_wait3A_1895 = arith.constant 91 : i32
    %dma_wait3A_1896 = arith.constant 11648 : i32
    %dma_wait3A_1897 = tpu.memref_slice %arg5[%dma_wait3A_1896] : memref<16384xf32, #tpu.memory_space<vmem>> -> memref<128xf32, #tpu.memory_space<vmem>>
    %dma_wait3A_1898 = arith.constant 0 : i32
    %dma_wait3A_1899 = tpu.memref_slice %arg7[%dma_wait3A_1895, %dma_wait3A_1898] : memref<128x128xi32, #tpu.memory_space<vmem>> -> memref<1x128xi32, #tpu.memory_space<vmem>>
    %dma_wait3A_1900 = tpu.memref_squeeze %dma_wait3A_1899 : memref<1x128xi32, #tpu.memory_space<vmem>> -> memref<128xi32, #tpu.memory_space<vmem>>
    %dma_wait3A_1901 = arith.constant 0 : i32
    %dma_wait3A_1902 = tpu.memref_slice %arg4[%dma_wait3A_1901] : memref<26738688xf32, #tpu.memory_space<hbm>> -> memref<26738688xf32, #tpu.memory_space<hbm>>
    tpu.wait_indirect_dma semaphore(%arg10 : memref<!tpu.dma_semaphore, #tpu.memory_space<semaphore_mem>>) src(%dma_wait3A_1897 : memref<128xf32, #tpu.memory_space<vmem>>) dst(%dma_wait3A_1902 : memref<26738688xf32, #tpu.memory_space<hbm>>)
    %dma_wait3A_1903 = arith.constant 92 : i32
    %dma_wait3A_1904 = arith.constant 11776 : i32
    %dma_wait3A_1905 = tpu.memref_slice %arg5[%dma_wait3A_1904] : memref<16384xf32, #tpu.memory_space<vmem>> -> memref<128xf32, #tpu.memory_space<vmem>>
    %dma_wait3A_1906 = arith.constant 0 : i32
    %dma_wait3A_1907 = tpu.memref_slice %arg7[%dma_wait3A_1903, %dma_wait3A_1906] : memref<128x128xi32, #tpu.memory_space<vmem>> -> memref<1x128xi32, #tpu.memory_space<vmem>>
    %dma_wait3A_1908 = tpu.memref_squeeze %dma_wait3A_1907 : memref<1x128xi32, #tpu.memory_space<vmem>> -> memref<128xi32, #tpu.memory_space<vmem>>
    %dma_wait3A_1909 = arith.constant 0 : i32
    %dma_wait3A_1910 = tpu.memref_slice %arg4[%dma_wait3A_1909] : memref<26738688xf32, #tpu.memory_space<hbm>> -> memref<26738688xf32, #tpu.memory_space<hbm>>
    tpu.wait_indirect_dma semaphore(%arg10 : memref<!tpu.dma_semaphore, #tpu.memory_space<semaphore_mem>>) src(%dma_wait3A_1905 : memref<128xf32, #tpu.memory_space<vmem>>) dst(%dma_wait3A_1910 : memref<26738688xf32, #tpu.memory_space<hbm>>)
    %dma_wait3A_1911 = arith.constant 93 : i32
    %dma_wait3A_1912 = arith.constant 11904 : i32
    %dma_wait3A_1913 = tpu.memref_slice %arg5[%dma_wait3A_1912] : memref<16384xf32, #tpu.memory_space<vmem>> -> memref<128xf32, #tpu.memory_space<vmem>>
    %dma_wait3A_1914 = arith.constant 0 : i32
    %dma_wait3A_1915 = tpu.memref_slice %arg7[%dma_wait3A_1911, %dma_wait3A_1914] : memref<128x128xi32, #tpu.memory_space<vmem>> -> memref<1x128xi32, #tpu.memory_space<vmem>>
    %dma_wait3A_1916 = tpu.memref_squeeze %dma_wait3A_1915 : memref<1x128xi32, #tpu.memory_space<vmem>> -> memref<128xi32, #tpu.memory_space<vmem>>
    %dma_wait3A_1917 = arith.constant 0 : i32
    %dma_wait3A_1918 = tpu.memref_slice %arg4[%dma_wait3A_1917] : memref<26738688xf32, #tpu.memory_space<hbm>> -> memref<26738688xf32, #tpu.memory_space<hbm>>
    tpu.wait_indirect_dma semaphore(%arg10 : memref<!tpu.dma_semaphore, #tpu.memory_space<semaphore_mem>>) src(%dma_wait3A_1913 : memref<128xf32, #tpu.memory_space<vmem>>) dst(%dma_wait3A_1918 : memref<26738688xf32, #tpu.memory_space<hbm>>)
    %dma_wait3A_1919 = arith.constant 94 : i32
    %dma_wait3A_1920 = arith.constant 12032 : i32
    %dma_wait3A_1921 = tpu.memref_slice %arg5[%dma_wait3A_1920] : memref<16384xf32, #tpu.memory_space<vmem>> -> memref<128xf32, #tpu.memory_space<vmem>>
    %dma_wait3A_1922 = arith.constant 0 : i32
    %dma_wait3A_1923 = tpu.memref_slice %arg7[%dma_wait3A_1919, %dma_wait3A_1922] : memref<128x128xi32, #tpu.memory_space<vmem>> -> memref<1x128xi32, #tpu.memory_space<vmem>>
    %dma_wait3A_1924 = tpu.memref_squeeze %dma_wait3A_1923 : memref<1x128xi32, #tpu.memory_space<vmem>> -> memref<128xi32, #tpu.memory_space<vmem>>
    %dma_wait3A_1925 = arith.constant 0 : i32
    %dma_wait3A_1926 = tpu.memref_slice %arg4[%dma_wait3A_1925] : memref<26738688xf32, #tpu.memory_space<hbm>> -> memref<26738688xf32, #tpu.memory_space<hbm>>
    tpu.wait_indirect_dma semaphore(%arg10 : memref<!tpu.dma_semaphore, #tpu.memory_space<semaphore_mem>>) src(%dma_wait3A_1921 : memref<128xf32, #tpu.memory_space<vmem>>) dst(%dma_wait3A_1926 : memref<26738688xf32, #tpu.memory_space<hbm>>)
    %dma_wait3A_1927 = arith.constant 95 : i32
    %dma_wait3A_1928 = arith.constant 12160 : i32
    %dma_wait3A_1929 = tpu.memref_slice %arg5[%dma_wait3A_1928] : memref<16384xf32, #tpu.memory_space<vmem>> -> memref<128xf32, #tpu.memory_space<vmem>>
    %dma_wait3A_1930 = arith.constant 0 : i32
    %dma_wait3A_1931 = tpu.memref_slice %arg7[%dma_wait3A_1927, %dma_wait3A_1930] : memref<128x128xi32, #tpu.memory_space<vmem>> -> memref<1x128xi32, #tpu.memory_space<vmem>>
    %dma_wait3A_1932 = tpu.memref_squeeze %dma_wait3A_1931 : memref<1x128xi32, #tpu.memory_space<vmem>> -> memref<128xi32, #tpu.memory_space<vmem>>
    %dma_wait3A_1933 = arith.constant 0 : i32
    %dma_wait3A_1934 = tpu.memref_slice %arg4[%dma_wait3A_1933] : memref<26738688xf32, #tpu.memory_space<hbm>> -> memref<26738688xf32, #tpu.memory_space<hbm>>
    tpu.wait_indirect_dma semaphore(%arg10 : memref<!tpu.dma_semaphore, #tpu.memory_space<semaphore_mem>>) src(%dma_wait3A_1929 : memref<128xf32, #tpu.memory_space<vmem>>) dst(%dma_wait3A_1934 : memref<26738688xf32, #tpu.memory_space<hbm>>)
    %dma_wait3A_1935 = arith.constant 96 : i32
    %dma_wait3A_1936 = arith.constant 12288 : i32
    %dma_wait3A_1937 = tpu.memref_slice %arg5[%dma_wait3A_1936] : memref<16384xf32, #tpu.memory_space<vmem>> -> memref<128xf32, #tpu.memory_space<vmem>>
    %dma_wait3A_1938 = arith.constant 0 : i32
    %dma_wait3A_1939 = tpu.memref_slice %arg7[%dma_wait3A_1935, %dma_wait3A_1938] : memref<128x128xi32, #tpu.memory_space<vmem>> -> memref<1x128xi32, #tpu.memory_space<vmem>>
    %dma_wait3A_1940 = tpu.memref_squeeze %dma_wait3A_1939 : memref<1x128xi32, #tpu.memory_space<vmem>> -> memref<128xi32, #tpu.memory_space<vmem>>
    %dma_wait3A_1941 = arith.constant 0 : i32
    %dma_wait3A_1942 = tpu.memref_slice %arg4[%dma_wait3A_1941] : memref<26738688xf32, #tpu.memory_space<hbm>> -> memref<26738688xf32, #tpu.memory_space<hbm>>
    tpu.wait_indirect_dma semaphore(%arg10 : memref<!tpu.dma_semaphore, #tpu.memory_space<semaphore_mem>>) src(%dma_wait3A_1937 : memref<128xf32, #tpu.memory_space<vmem>>) dst(%dma_wait3A_1942 : memref<26738688xf32, #tpu.memory_space<hbm>>)
    %dma_wait3A_1943 = arith.constant 97 : i32
    %dma_wait3A_1944 = arith.constant 12416 : i32
    %dma_wait3A_1945 = tpu.memref_slice %arg5[%dma_wait3A_1944] : memref<16384xf32, #tpu.memory_space<vmem>> -> memref<128xf32, #tpu.memory_space<vmem>>
    %dma_wait3A_1946 = arith.constant 0 : i32
    %dma_wait3A_1947 = tpu.memref_slice %arg7[%dma_wait3A_1943, %dma_wait3A_1946] : memref<128x128xi32, #tpu.memory_space<vmem>> -> memref<1x128xi32, #tpu.memory_space<vmem>>
    %dma_wait3A_1948 = tpu.memref_squeeze %dma_wait3A_1947 : memref<1x128xi32, #tpu.memory_space<vmem>> -> memref<128xi32, #tpu.memory_space<vmem>>
    %dma_wait3A_1949 = arith.constant 0 : i32
    %dma_wait3A_1950 = tpu.memref_slice %arg4[%dma_wait3A_1949] : memref<26738688xf32, #tpu.memory_space<hbm>> -> memref<26738688xf32, #tpu.memory_space<hbm>>
    tpu.wait_indirect_dma semaphore(%arg10 : memref<!tpu.dma_semaphore, #tpu.memory_space<semaphore_mem>>) src(%dma_wait3A_1945 : memref<128xf32, #tpu.memory_space<vmem>>) dst(%dma_wait3A_1950 : memref<26738688xf32, #tpu.memory_space<hbm>>)
    %dma_wait3A_1951 = arith.constant 98 : i32
    %dma_wait3A_1952 = arith.constant 12544 : i32
    %dma_wait3A_1953 = tpu.memref_slice %arg5[%dma_wait3A_1952] : memref<16384xf32, #tpu.memory_space<vmem>> -> memref<128xf32, #tpu.memory_space<vmem>>
    %dma_wait3A_1954 = arith.constant 0 : i32
    %dma_wait3A_1955 = tpu.memref_slice %arg7[%dma_wait3A_1951, %dma_wait3A_1954] : memref<128x128xi32, #tpu.memory_space<vmem>> -> memref<1x128xi32, #tpu.memory_space<vmem>>
    %dma_wait3A_1956 = tpu.memref_squeeze %dma_wait3A_1955 : memref<1x128xi32, #tpu.memory_space<vmem>> -> memref<128xi32, #tpu.memory_space<vmem>>
    %dma_wait3A_1957 = arith.constant 0 : i32
    %dma_wait3A_1958 = tpu.memref_slice %arg4[%dma_wait3A_1957] : memref<26738688xf32, #tpu.memory_space<hbm>> -> memref<26738688xf32, #tpu.memory_space<hbm>>
    tpu.wait_indirect_dma semaphore(%arg10 : memref<!tpu.dma_semaphore, #tpu.memory_space<semaphore_mem>>) src(%dma_wait3A_1953 : memref<128xf32, #tpu.memory_space<vmem>>) dst(%dma_wait3A_1958 : memref<26738688xf32, #tpu.memory_space<hbm>>)
    %dma_wait3A_1959 = arith.constant 99 : i32
    %dma_wait3A_1960 = arith.constant 12672 : i32
    %dma_wait3A_1961 = tpu.memref_slice %arg5[%dma_wait3A_1960] : memref<16384xf32, #tpu.memory_space<vmem>> -> memref<128xf32, #tpu.memory_space<vmem>>
    %dma_wait3A_1962 = arith.constant 0 : i32
    %dma_wait3A_1963 = tpu.memref_slice %arg7[%dma_wait3A_1959, %dma_wait3A_1962] : memref<128x128xi32, #tpu.memory_space<vmem>> -> memref<1x128xi32, #tpu.memory_space<vmem>>
    %dma_wait3A_1964 = tpu.memref_squeeze %dma_wait3A_1963 : memref<1x128xi32, #tpu.memory_space<vmem>> -> memref<128xi32, #tpu.memory_space<vmem>>
    %dma_wait3A_1965 = arith.constant 0 : i32
    %dma_wait3A_1966 = tpu.memref_slice %arg4[%dma_wait3A_1965] : memref<26738688xf32, #tpu.memory_space<hbm>> -> memref<26738688xf32, #tpu.memory_space<hbm>>
    tpu.wait_indirect_dma semaphore(%arg10 : memref<!tpu.dma_semaphore, #tpu.memory_space<semaphore_mem>>) src(%dma_wait3A_1961 : memref<128xf32, #tpu.memory_space<vmem>>) dst(%dma_wait3A_1966 : memref<26738688xf32, #tpu.memory_space<hbm>>)
    %dma_wait3A_1967 = arith.constant 100 : i32
    %dma_wait3A_1968 = arith.constant 12800 : i32
    %dma_wait3A_1969 = tpu.memref_slice %arg5[%dma_wait3A_1968] : memref<16384xf32, #tpu.memory_space<vmem>> -> memref<128xf32, #tpu.memory_space<vmem>>
    %dma_wait3A_1970 = arith.constant 0 : i32
    %dma_wait3A_1971 = tpu.memref_slice %arg7[%dma_wait3A_1967, %dma_wait3A_1970] : memref<128x128xi32, #tpu.memory_space<vmem>> -> memref<1x128xi32, #tpu.memory_space<vmem>>
    %dma_wait3A_1972 = tpu.memref_squeeze %dma_wait3A_1971 : memref<1x128xi32, #tpu.memory_space<vmem>> -> memref<128xi32, #tpu.memory_space<vmem>>
    %dma_wait3A_1973 = arith.constant 0 : i32
    %dma_wait3A_1974 = tpu.memref_slice %arg4[%dma_wait3A_1973] : memref<26738688xf32, #tpu.memory_space<hbm>> -> memref<26738688xf32, #tpu.memory_space<hbm>>
    tpu.wait_indirect_dma semaphore(%arg10 : memref<!tpu.dma_semaphore, #tpu.memory_space<semaphore_mem>>) src(%dma_wait3A_1969 : memref<128xf32, #tpu.memory_space<vmem>>) dst(%dma_wait3A_1974 : memref<26738688xf32, #tpu.memory_space<hbm>>)
    %dma_wait3A_1975 = arith.constant 101 : i32
    %dma_wait3A_1976 = arith.constant 12928 : i32
    %dma_wait3A_1977 = tpu.memref_slice %arg5[%dma_wait3A_1976] : memref<16384xf32, #tpu.memory_space<vmem>> -> memref<128xf32, #tpu.memory_space<vmem>>
    %dma_wait3A_1978 = arith.constant 0 : i32
    %dma_wait3A_1979 = tpu.memref_slice %arg7[%dma_wait3A_1975, %dma_wait3A_1978] : memref<128x128xi32, #tpu.memory_space<vmem>> -> memref<1x128xi32, #tpu.memory_space<vmem>>
    %dma_wait3A_1980 = tpu.memref_squeeze %dma_wait3A_1979 : memref<1x128xi32, #tpu.memory_space<vmem>> -> memref<128xi32, #tpu.memory_space<vmem>>
    %dma_wait3A_1981 = arith.constant 0 : i32
    %dma_wait3A_1982 = tpu.memref_slice %arg4[%dma_wait3A_1981] : memref<26738688xf32, #tpu.memory_space<hbm>> -> memref<26738688xf32, #tpu.memory_space<hbm>>
    tpu.wait_indirect_dma semaphore(%arg10 : memref<!tpu.dma_semaphore, #tpu.memory_space<semaphore_mem>>) src(%dma_wait3A_1977 : memref<128xf32, #tpu.memory_space<vmem>>) dst(%dma_wait3A_1982 : memref<26738688xf32, #tpu.memory_space<hbm>>)
    %dma_wait3A_1983 = arith.constant 102 : i32
    %dma_wait3A_1984 = arith.constant 13056 : i32
    %dma_wait3A_1985 = tpu.memref_slice %arg5[%dma_wait3A_1984] : memref<16384xf32, #tpu.memory_space<vmem>> -> memref<128xf32, #tpu.memory_space<vmem>>
    %dma_wait3A_1986 = arith.constant 0 : i32
    %dma_wait3A_1987 = tpu.memref_slice %arg7[%dma_wait3A_1983, %dma_wait3A_1986] : memref<128x128xi32, #tpu.memory_space<vmem>> -> memref<1x128xi32, #tpu.memory_space<vmem>>
    %dma_wait3A_1988 = tpu.memref_squeeze %dma_wait3A_1987 : memref<1x128xi32, #tpu.memory_space<vmem>> -> memref<128xi32, #tpu.memory_space<vmem>>
    %dma_wait3A_1989 = arith.constant 0 : i32
    %dma_wait3A_1990 = tpu.memref_slice %arg4[%dma_wait3A_1989] : memref<26738688xf32, #tpu.memory_space<hbm>> -> memref<26738688xf32, #tpu.memory_space<hbm>>
    tpu.wait_indirect_dma semaphore(%arg10 : memref<!tpu.dma_semaphore, #tpu.memory_space<semaphore_mem>>) src(%dma_wait3A_1985 : memref<128xf32, #tpu.memory_space<vmem>>) dst(%dma_wait3A_1990 : memref<26738688xf32, #tpu.memory_space<hbm>>)
    %dma_wait3A_1991 = arith.constant 103 : i32
    %dma_wait3A_1992 = arith.constant 13184 : i32
    %dma_wait3A_1993 = tpu.memref_slice %arg5[%dma_wait3A_1992] : memref<16384xf32, #tpu.memory_space<vmem>> -> memref<128xf32, #tpu.memory_space<vmem>>
    %dma_wait3A_1994 = arith.constant 0 : i32
    %dma_wait3A_1995 = tpu.memref_slice %arg7[%dma_wait3A_1991, %dma_wait3A_1994] : memref<128x128xi32, #tpu.memory_space<vmem>> -> memref<1x128xi32, #tpu.memory_space<vmem>>
    %dma_wait3A_1996 = tpu.memref_squeeze %dma_wait3A_1995 : memref<1x128xi32, #tpu.memory_space<vmem>> -> memref<128xi32, #tpu.memory_space<vmem>>
    %dma_wait3A_1997 = arith.constant 0 : i32
    %dma_wait3A_1998 = tpu.memref_slice %arg4[%dma_wait3A_1997] : memref<26738688xf32, #tpu.memory_space<hbm>> -> memref<26738688xf32, #tpu.memory_space<hbm>>
    tpu.wait_indirect_dma semaphore(%arg10 : memref<!tpu.dma_semaphore, #tpu.memory_space<semaphore_mem>>) src(%dma_wait3A_1993 : memref<128xf32, #tpu.memory_space<vmem>>) dst(%dma_wait3A_1998 : memref<26738688xf32, #tpu.memory_space<hbm>>)
    %dma_wait3A_1999 = arith.constant 104 : i32
    %dma_wait3A_2000 = arith.constant 13312 : i32
    %dma_wait3A_2001 = tpu.memref_slice %arg5[%dma_wait3A_2000] : memref<16384xf32, #tpu.memory_space<vmem>> -> memref<128xf32, #tpu.memory_space<vmem>>
    %dma_wait3A_2002 = arith.constant 0 : i32
    %dma_wait3A_2003 = tpu.memref_slice %arg7[%dma_wait3A_1999, %dma_wait3A_2002] : memref<128x128xi32, #tpu.memory_space<vmem>> -> memref<1x128xi32, #tpu.memory_space<vmem>>
    %dma_wait3A_2004 = tpu.memref_squeeze %dma_wait3A_2003 : memref<1x128xi32, #tpu.memory_space<vmem>> -> memref<128xi32, #tpu.memory_space<vmem>>
    %dma_wait3A_2005 = arith.constant 0 : i32
    %dma_wait3A_2006 = tpu.memref_slice %arg4[%dma_wait3A_2005] : memref<26738688xf32, #tpu.memory_space<hbm>> -> memref<26738688xf32, #tpu.memory_space<hbm>>
    tpu.wait_indirect_dma semaphore(%arg10 : memref<!tpu.dma_semaphore, #tpu.memory_space<semaphore_mem>>) src(%dma_wait3A_2001 : memref<128xf32, #tpu.memory_space<vmem>>) dst(%dma_wait3A_2006 : memref<26738688xf32, #tpu.memory_space<hbm>>)
    %dma_wait3A_2007 = arith.constant 105 : i32
    %dma_wait3A_2008 = arith.constant 13440 : i32
    %dma_wait3A_2009 = tpu.memref_slice %arg5[%dma_wait3A_2008] : memref<16384xf32, #tpu.memory_space<vmem>> -> memref<128xf32, #tpu.memory_space<vmem>>
    %dma_wait3A_2010 = arith.constant 0 : i32
    %dma_wait3A_2011 = tpu.memref_slice %arg7[%dma_wait3A_2007, %dma_wait3A_2010] : memref<128x128xi32, #tpu.memory_space<vmem>> -> memref<1x128xi32, #tpu.memory_space<vmem>>
    %dma_wait3A_2012 = tpu.memref_squeeze %dma_wait3A_2011 : memref<1x128xi32, #tpu.memory_space<vmem>> -> memref<128xi32, #tpu.memory_space<vmem>>
    %dma_wait3A_2013 = arith.constant 0 : i32
    %dma_wait3A_2014 = tpu.memref_slice %arg4[%dma_wait3A_2013] : memref<26738688xf32, #tpu.memory_space<hbm>> -> memref<26738688xf32, #tpu.memory_space<hbm>>
    tpu.wait_indirect_dma semaphore(%arg10 : memref<!tpu.dma_semaphore, #tpu.memory_space<semaphore_mem>>) src(%dma_wait3A_2009 : memref<128xf32, #tpu.memory_space<vmem>>) dst(%dma_wait3A_2014 : memref<26738688xf32, #tpu.memory_space<hbm>>)
    %dma_wait3A_2015 = arith.constant 106 : i32
    %dma_wait3A_2016 = arith.constant 13568 : i32
    %dma_wait3A_2017 = tpu.memref_slice %arg5[%dma_wait3A_2016] : memref<16384xf32, #tpu.memory_space<vmem>> -> memref<128xf32, #tpu.memory_space<vmem>>
    %dma_wait3A_2018 = arith.constant 0 : i32
    %dma_wait3A_2019 = tpu.memref_slice %arg7[%dma_wait3A_2015, %dma_wait3A_2018] : memref<128x128xi32, #tpu.memory_space<vmem>> -> memref<1x128xi32, #tpu.memory_space<vmem>>
    %dma_wait3A_2020 = tpu.memref_squeeze %dma_wait3A_2019 : memref<1x128xi32, #tpu.memory_space<vmem>> -> memref<128xi32, #tpu.memory_space<vmem>>
    %dma_wait3A_2021 = arith.constant 0 : i32
    %dma_wait3A_2022 = tpu.memref_slice %arg4[%dma_wait3A_2021] : memref<26738688xf32, #tpu.memory_space<hbm>> -> memref<26738688xf32, #tpu.memory_space<hbm>>
    tpu.wait_indirect_dma semaphore(%arg10 : memref<!tpu.dma_semaphore, #tpu.memory_space<semaphore_mem>>) src(%dma_wait3A_2017 : memref<128xf32, #tpu.memory_space<vmem>>) dst(%dma_wait3A_2022 : memref<26738688xf32, #tpu.memory_space<hbm>>)
    %dma_wait3A_2023 = arith.constant 107 : i32
    %dma_wait3A_2024 = arith.constant 13696 : i32
    %dma_wait3A_2025 = tpu.memref_slice %arg5[%dma_wait3A_2024] : memref<16384xf32, #tpu.memory_space<vmem>> -> memref<128xf32, #tpu.memory_space<vmem>>
    %dma_wait3A_2026 = arith.constant 0 : i32
    %dma_wait3A_2027 = tpu.memref_slice %arg7[%dma_wait3A_2023, %dma_wait3A_2026] : memref<128x128xi32, #tpu.memory_space<vmem>> -> memref<1x128xi32, #tpu.memory_space<vmem>>
    %dma_wait3A_2028 = tpu.memref_squeeze %dma_wait3A_2027 : memref<1x128xi32, #tpu.memory_space<vmem>> -> memref<128xi32, #tpu.memory_space<vmem>>
    %dma_wait3A_2029 = arith.constant 0 : i32
    %dma_wait3A_2030 = tpu.memref_slice %arg4[%dma_wait3A_2029] : memref<26738688xf32, #tpu.memory_space<hbm>> -> memref<26738688xf32, #tpu.memory_space<hbm>>
    tpu.wait_indirect_dma semaphore(%arg10 : memref<!tpu.dma_semaphore, #tpu.memory_space<semaphore_mem>>) src(%dma_wait3A_2025 : memref<128xf32, #tpu.memory_space<vmem>>) dst(%dma_wait3A_2030 : memref<26738688xf32, #tpu.memory_space<hbm>>)
    %dma_wait3A_2031 = arith.constant 108 : i32
    %dma_wait3A_2032 = arith.constant 13824 : i32
    %dma_wait3A_2033 = tpu.memref_slice %arg5[%dma_wait3A_2032] : memref<16384xf32, #tpu.memory_space<vmem>> -> memref<128xf32, #tpu.memory_space<vmem>>
    %dma_wait3A_2034 = arith.constant 0 : i32
    %dma_wait3A_2035 = tpu.memref_slice %arg7[%dma_wait3A_2031, %dma_wait3A_2034] : memref<128x128xi32, #tpu.memory_space<vmem>> -> memref<1x128xi32, #tpu.memory_space<vmem>>
    %dma_wait3A_2036 = tpu.memref_squeeze %dma_wait3A_2035 : memref<1x128xi32, #tpu.memory_space<vmem>> -> memref<128xi32, #tpu.memory_space<vmem>>
    %dma_wait3A_2037 = arith.constant 0 : i32
    %dma_wait3A_2038 = tpu.memref_slice %arg4[%dma_wait3A_2037] : memref<26738688xf32, #tpu.memory_space<hbm>> -> memref<26738688xf32, #tpu.memory_space<hbm>>
    tpu.wait_indirect_dma semaphore(%arg10 : memref<!tpu.dma_semaphore, #tpu.memory_space<semaphore_mem>>) src(%dma_wait3A_2033 : memref<128xf32, #tpu.memory_space<vmem>>) dst(%dma_wait3A_2038 : memref<26738688xf32, #tpu.memory_space<hbm>>)
    %dma_wait3A_2039 = arith.constant 109 : i32
    %dma_wait3A_2040 = arith.constant 13952 : i32
    %dma_wait3A_2041 = tpu.memref_slice %arg5[%dma_wait3A_2040] : memref<16384xf32, #tpu.memory_space<vmem>> -> memref<128xf32, #tpu.memory_space<vmem>>
    %dma_wait3A_2042 = arith.constant 0 : i32
    %dma_wait3A_2043 = tpu.memref_slice %arg7[%dma_wait3A_2039, %dma_wait3A_2042] : memref<128x128xi32, #tpu.memory_space<vmem>> -> memref<1x128xi32, #tpu.memory_space<vmem>>
    %dma_wait3A_2044 = tpu.memref_squeeze %dma_wait3A_2043 : memref<1x128xi32, #tpu.memory_space<vmem>> -> memref<128xi32, #tpu.memory_space<vmem>>
    %dma_wait3A_2045 = arith.constant 0 : i32
    %dma_wait3A_2046 = tpu.memref_slice %arg4[%dma_wait3A_2045] : memref<26738688xf32, #tpu.memory_space<hbm>> -> memref<26738688xf32, #tpu.memory_space<hbm>>
    tpu.wait_indirect_dma semaphore(%arg10 : memref<!tpu.dma_semaphore, #tpu.memory_space<semaphore_mem>>) src(%dma_wait3A_2041 : memref<128xf32, #tpu.memory_space<vmem>>) dst(%dma_wait3A_2046 : memref<26738688xf32, #tpu.memory_space<hbm>>)
    %dma_wait3A_2047 = arith.constant 110 : i32
    %dma_wait3A_2048 = arith.constant 14080 : i32
    %dma_wait3A_2049 = tpu.memref_slice %arg5[%dma_wait3A_2048] : memref<16384xf32, #tpu.memory_space<vmem>> -> memref<128xf32, #tpu.memory_space<vmem>>
    %dma_wait3A_2050 = arith.constant 0 : i32
    %dma_wait3A_2051 = tpu.memref_slice %arg7[%dma_wait3A_2047, %dma_wait3A_2050] : memref<128x128xi32, #tpu.memory_space<vmem>> -> memref<1x128xi32, #tpu.memory_space<vmem>>
    %dma_wait3A_2052 = tpu.memref_squeeze %dma_wait3A_2051 : memref<1x128xi32, #tpu.memory_space<vmem>> -> memref<128xi32, #tpu.memory_space<vmem>>
    %dma_wait3A_2053 = arith.constant 0 : i32
    %dma_wait3A_2054 = tpu.memref_slice %arg4[%dma_wait3A_2053] : memref<26738688xf32, #tpu.memory_space<hbm>> -> memref<26738688xf32, #tpu.memory_space<hbm>>
    tpu.wait_indirect_dma semaphore(%arg10 : memref<!tpu.dma_semaphore, #tpu.memory_space<semaphore_mem>>) src(%dma_wait3A_2049 : memref<128xf32, #tpu.memory_space<vmem>>) dst(%dma_wait3A_2054 : memref<26738688xf32, #tpu.memory_space<hbm>>)
    %dma_wait3A_2055 = arith.constant 111 : i32
    %dma_wait3A_2056 = arith.constant 14208 : i32
    %dma_wait3A_2057 = tpu.memref_slice %arg5[%dma_wait3A_2056] : memref<16384xf32, #tpu.memory_space<vmem>> -> memref<128xf32, #tpu.memory_space<vmem>>
    %dma_wait3A_2058 = arith.constant 0 : i32
    %dma_wait3A_2059 = tpu.memref_slice %arg7[%dma_wait3A_2055, %dma_wait3A_2058] : memref<128x128xi32, #tpu.memory_space<vmem>> -> memref<1x128xi32, #tpu.memory_space<vmem>>
    %dma_wait3A_2060 = tpu.memref_squeeze %dma_wait3A_2059 : memref<1x128xi32, #tpu.memory_space<vmem>> -> memref<128xi32, #tpu.memory_space<vmem>>
    %dma_wait3A_2061 = arith.constant 0 : i32
    %dma_wait3A_2062 = tpu.memref_slice %arg4[%dma_wait3A_2061] : memref<26738688xf32, #tpu.memory_space<hbm>> -> memref<26738688xf32, #tpu.memory_space<hbm>>
    tpu.wait_indirect_dma semaphore(%arg10 : memref<!tpu.dma_semaphore, #tpu.memory_space<semaphore_mem>>) src(%dma_wait3A_2057 : memref<128xf32, #tpu.memory_space<vmem>>) dst(%dma_wait3A_2062 : memref<26738688xf32, #tpu.memory_space<hbm>>)
    %dma_wait3A_2063 = arith.constant 112 : i32
    %dma_wait3A_2064 = arith.constant 14336 : i32
    %dma_wait3A_2065 = tpu.memref_slice %arg5[%dma_wait3A_2064] : memref<16384xf32, #tpu.memory_space<vmem>> -> memref<128xf32, #tpu.memory_space<vmem>>
    %dma_wait3A_2066 = arith.constant 0 : i32
    %dma_wait3A_2067 = tpu.memref_slice %arg7[%dma_wait3A_2063, %dma_wait3A_2066] : memref<128x128xi32, #tpu.memory_space<vmem>> -> memref<1x128xi32, #tpu.memory_space<vmem>>
    %dma_wait3A_2068 = tpu.memref_squeeze %dma_wait3A_2067 : memref<1x128xi32, #tpu.memory_space<vmem>> -> memref<128xi32, #tpu.memory_space<vmem>>
    %dma_wait3A_2069 = arith.constant 0 : i32
    %dma_wait3A_2070 = tpu.memref_slice %arg4[%dma_wait3A_2069] : memref<26738688xf32, #tpu.memory_space<hbm>> -> memref<26738688xf32, #tpu.memory_space<hbm>>
    tpu.wait_indirect_dma semaphore(%arg10 : memref<!tpu.dma_semaphore, #tpu.memory_space<semaphore_mem>>) src(%dma_wait3A_2065 : memref<128xf32, #tpu.memory_space<vmem>>) dst(%dma_wait3A_2070 : memref<26738688xf32, #tpu.memory_space<hbm>>)
    %dma_wait3A_2071 = arith.constant 113 : i32
    %dma_wait3A_2072 = arith.constant 14464 : i32
    %dma_wait3A_2073 = tpu.memref_slice %arg5[%dma_wait3A_2072] : memref<16384xf32, #tpu.memory_space<vmem>> -> memref<128xf32, #tpu.memory_space<vmem>>
    %dma_wait3A_2074 = arith.constant 0 : i32
    %dma_wait3A_2075 = tpu.memref_slice %arg7[%dma_wait3A_2071, %dma_wait3A_2074] : memref<128x128xi32, #tpu.memory_space<vmem>> -> memref<1x128xi32, #tpu.memory_space<vmem>>
    %dma_wait3A_2076 = tpu.memref_squeeze %dma_wait3A_2075 : memref<1x128xi32, #tpu.memory_space<vmem>> -> memref<128xi32, #tpu.memory_space<vmem>>
    %dma_wait3A_2077 = arith.constant 0 : i32
    %dma_wait3A_2078 = tpu.memref_slice %arg4[%dma_wait3A_2077] : memref<26738688xf32, #tpu.memory_space<hbm>> -> memref<26738688xf32, #tpu.memory_space<hbm>>
    tpu.wait_indirect_dma semaphore(%arg10 : memref<!tpu.dma_semaphore, #tpu.memory_space<semaphore_mem>>) src(%dma_wait3A_2073 : memref<128xf32, #tpu.memory_space<vmem>>) dst(%dma_wait3A_2078 : memref<26738688xf32, #tpu.memory_space<hbm>>)
    %dma_wait3A_2079 = arith.constant 114 : i32
    %dma_wait3A_2080 = arith.constant 14592 : i32
    %dma_wait3A_2081 = tpu.memref_slice %arg5[%dma_wait3A_2080] : memref<16384xf32, #tpu.memory_space<vmem>> -> memref<128xf32, #tpu.memory_space<vmem>>
    %dma_wait3A_2082 = arith.constant 0 : i32
    %dma_wait3A_2083 = tpu.memref_slice %arg7[%dma_wait3A_2079, %dma_wait3A_2082] : memref<128x128xi32, #tpu.memory_space<vmem>> -> memref<1x128xi32, #tpu.memory_space<vmem>>
    %dma_wait3A_2084 = tpu.memref_squeeze %dma_wait3A_2083 : memref<1x128xi32, #tpu.memory_space<vmem>> -> memref<128xi32, #tpu.memory_space<vmem>>
    %dma_wait3A_2085 = arith.constant 0 : i32
    %dma_wait3A_2086 = tpu.memref_slice %arg4[%dma_wait3A_2085] : memref<26738688xf32, #tpu.memory_space<hbm>> -> memref<26738688xf32, #tpu.memory_space<hbm>>
    tpu.wait_indirect_dma semaphore(%arg10 : memref<!tpu.dma_semaphore, #tpu.memory_space<semaphore_mem>>) src(%dma_wait3A_2081 : memref<128xf32, #tpu.memory_space<vmem>>) dst(%dma_wait3A_2086 : memref<26738688xf32, #tpu.memory_space<hbm>>)
    %dma_wait3A_2087 = arith.constant 115 : i32
    %dma_wait3A_2088 = arith.constant 14720 : i32
    %dma_wait3A_2089 = tpu.memref_slice %arg5[%dma_wait3A_2088] : memref<16384xf32, #tpu.memory_space<vmem>> -> memref<128xf32, #tpu.memory_space<vmem>>
    %dma_wait3A_2090 = arith.constant 0 : i32
    %dma_wait3A_2091 = tpu.memref_slice %arg7[%dma_wait3A_2087, %dma_wait3A_2090] : memref<128x128xi32, #tpu.memory_space<vmem>> -> memref<1x128xi32, #tpu.memory_space<vmem>>
    %dma_wait3A_2092 = tpu.memref_squeeze %dma_wait3A_2091 : memref<1x128xi32, #tpu.memory_space<vmem>> -> memref<128xi32, #tpu.memory_space<vmem>>
    %dma_wait3A_2093 = arith.constant 0 : i32
    %dma_wait3A_2094 = tpu.memref_slice %arg4[%dma_wait3A_2093] : memref<26738688xf32, #tpu.memory_space<hbm>> -> memref<26738688xf32, #tpu.memory_space<hbm>>
    tpu.wait_indirect_dma semaphore(%arg10 : memref<!tpu.dma_semaphore, #tpu.memory_space<semaphore_mem>>) src(%dma_wait3A_2089 : memref<128xf32, #tpu.memory_space<vmem>>) dst(%dma_wait3A_2094 : memref<26738688xf32, #tpu.memory_space<hbm>>)
    %dma_wait3A_2095 = arith.constant 116 : i32
    %dma_wait3A_2096 = arith.constant 14848 : i32
    %dma_wait3A_2097 = tpu.memref_slice %arg5[%dma_wait3A_2096] : memref<16384xf32, #tpu.memory_space<vmem>> -> memref<128xf32, #tpu.memory_space<vmem>>
    %dma_wait3A_2098 = arith.constant 0 : i32
    %dma_wait3A_2099 = tpu.memref_slice %arg7[%dma_wait3A_2095, %dma_wait3A_2098] : memref<128x128xi32, #tpu.memory_space<vmem>> -> memref<1x128xi32, #tpu.memory_space<vmem>>
    %dma_wait3A_2100 = tpu.memref_squeeze %dma_wait3A_2099 : memref<1x128xi32, #tpu.memory_space<vmem>> -> memref<128xi32, #tpu.memory_space<vmem>>
    %dma_wait3A_2101 = arith.constant 0 : i32
    %dma_wait3A_2102 = tpu.memref_slice %arg4[%dma_wait3A_2101] : memref<26738688xf32, #tpu.memory_space<hbm>> -> memref<26738688xf32, #tpu.memory_space<hbm>>
    tpu.wait_indirect_dma semaphore(%arg10 : memref<!tpu.dma_semaphore, #tpu.memory_space<semaphore_mem>>) src(%dma_wait3A_2097 : memref<128xf32, #tpu.memory_space<vmem>>) dst(%dma_wait3A_2102 : memref<26738688xf32, #tpu.memory_space<hbm>>)
    %dma_wait3A_2103 = arith.constant 117 : i32
    %dma_wait3A_2104 = arith.constant 14976 : i32
    %dma_wait3A_2105 = tpu.memref_slice %arg5[%dma_wait3A_2104] : memref<16384xf32, #tpu.memory_space<vmem>> -> memref<128xf32, #tpu.memory_space<vmem>>
    %dma_wait3A_2106 = arith.constant 0 : i32
    %dma_wait3A_2107 = tpu.memref_slice %arg7[%dma_wait3A_2103, %dma_wait3A_2106] : memref<128x128xi32, #tpu.memory_space<vmem>> -> memref<1x128xi32, #tpu.memory_space<vmem>>
    %dma_wait3A_2108 = tpu.memref_squeeze %dma_wait3A_2107 : memref<1x128xi32, #tpu.memory_space<vmem>> -> memref<128xi32, #tpu.memory_space<vmem>>
    %dma_wait3A_2109 = arith.constant 0 : i32
    %dma_wait3A_2110 = tpu.memref_slice %arg4[%dma_wait3A_2109] : memref<26738688xf32, #tpu.memory_space<hbm>> -> memref<26738688xf32, #tpu.memory_space<hbm>>
    tpu.wait_indirect_dma semaphore(%arg10 : memref<!tpu.dma_semaphore, #tpu.memory_space<semaphore_mem>>) src(%dma_wait3A_2105 : memref<128xf32, #tpu.memory_space<vmem>>) dst(%dma_wait3A_2110 : memref<26738688xf32, #tpu.memory_space<hbm>>)
    %dma_wait3A_2111 = arith.constant 118 : i32
    %dma_wait3A_2112 = arith.constant 15104 : i32
    %dma_wait3A_2113 = tpu.memref_slice %arg5[%dma_wait3A_2112] : memref<16384xf32, #tpu.memory_space<vmem>> -> memref<128xf32, #tpu.memory_space<vmem>>
    %dma_wait3A_2114 = arith.constant 0 : i32
    %dma_wait3A_2115 = tpu.memref_slice %arg7[%dma_wait3A_2111, %dma_wait3A_2114] : memref<128x128xi32, #tpu.memory_space<vmem>> -> memref<1x128xi32, #tpu.memory_space<vmem>>
    %dma_wait3A_2116 = tpu.memref_squeeze %dma_wait3A_2115 : memref<1x128xi32, #tpu.memory_space<vmem>> -> memref<128xi32, #tpu.memory_space<vmem>>
    %dma_wait3A_2117 = arith.constant 0 : i32
    %dma_wait3A_2118 = tpu.memref_slice %arg4[%dma_wait3A_2117] : memref<26738688xf32, #tpu.memory_space<hbm>> -> memref<26738688xf32, #tpu.memory_space<hbm>>
    tpu.wait_indirect_dma semaphore(%arg10 : memref<!tpu.dma_semaphore, #tpu.memory_space<semaphore_mem>>) src(%dma_wait3A_2113 : memref<128xf32, #tpu.memory_space<vmem>>) dst(%dma_wait3A_2118 : memref<26738688xf32, #tpu.memory_space<hbm>>)
    %dma_wait3A_2119 = arith.constant 119 : i32
    %dma_wait3A_2120 = arith.constant 15232 : i32
    %dma_wait3A_2121 = tpu.memref_slice %arg5[%dma_wait3A_2120] : memref<16384xf32, #tpu.memory_space<vmem>> -> memref<128xf32, #tpu.memory_space<vmem>>
    %dma_wait3A_2122 = arith.constant 0 : i32
    %dma_wait3A_2123 = tpu.memref_slice %arg7[%dma_wait3A_2119, %dma_wait3A_2122] : memref<128x128xi32, #tpu.memory_space<vmem>> -> memref<1x128xi32, #tpu.memory_space<vmem>>
    %dma_wait3A_2124 = tpu.memref_squeeze %dma_wait3A_2123 : memref<1x128xi32, #tpu.memory_space<vmem>> -> memref<128xi32, #tpu.memory_space<vmem>>
    %dma_wait3A_2125 = arith.constant 0 : i32
    %dma_wait3A_2126 = tpu.memref_slice %arg4[%dma_wait3A_2125] : memref<26738688xf32, #tpu.memory_space<hbm>> -> memref<26738688xf32, #tpu.memory_space<hbm>>
    tpu.wait_indirect_dma semaphore(%arg10 : memref<!tpu.dma_semaphore, #tpu.memory_space<semaphore_mem>>) src(%dma_wait3A_2121 : memref<128xf32, #tpu.memory_space<vmem>>) dst(%dma_wait3A_2126 : memref<26738688xf32, #tpu.memory_space<hbm>>)
    %dma_wait3A_2127 = arith.constant 120 : i32
    %dma_wait3A_2128 = arith.constant 15360 : i32
    %dma_wait3A_2129 = tpu.memref_slice %arg5[%dma_wait3A_2128] : memref<16384xf32, #tpu.memory_space<vmem>> -> memref<128xf32, #tpu.memory_space<vmem>>
    %dma_wait3A_2130 = arith.constant 0 : i32
    %dma_wait3A_2131 = tpu.memref_slice %arg7[%dma_wait3A_2127, %dma_wait3A_2130] : memref<128x128xi32, #tpu.memory_space<vmem>> -> memref<1x128xi32, #tpu.memory_space<vmem>>
    %dma_wait3A_2132 = tpu.memref_squeeze %dma_wait3A_2131 : memref<1x128xi32, #tpu.memory_space<vmem>> -> memref<128xi32, #tpu.memory_space<vmem>>
    %dma_wait3A_2133 = arith.constant 0 : i32
    %dma_wait3A_2134 = tpu.memref_slice %arg4[%dma_wait3A_2133] : memref<26738688xf32, #tpu.memory_space<hbm>> -> memref<26738688xf32, #tpu.memory_space<hbm>>
    tpu.wait_indirect_dma semaphore(%arg10 : memref<!tpu.dma_semaphore, #tpu.memory_space<semaphore_mem>>) src(%dma_wait3A_2129 : memref<128xf32, #tpu.memory_space<vmem>>) dst(%dma_wait3A_2134 : memref<26738688xf32, #tpu.memory_space<hbm>>)
    %dma_wait3A_2135 = arith.constant 121 : i32
    %dma_wait3A_2136 = arith.constant 15488 : i32
    %dma_wait3A_2137 = tpu.memref_slice %arg5[%dma_wait3A_2136] : memref<16384xf32, #tpu.memory_space<vmem>> -> memref<128xf32, #tpu.memory_space<vmem>>
    %dma_wait3A_2138 = arith.constant 0 : i32
    %dma_wait3A_2139 = tpu.memref_slice %arg7[%dma_wait3A_2135, %dma_wait3A_2138] : memref<128x128xi32, #tpu.memory_space<vmem>> -> memref<1x128xi32, #tpu.memory_space<vmem>>
    %dma_wait3A_2140 = tpu.memref_squeeze %dma_wait3A_2139 : memref<1x128xi32, #tpu.memory_space<vmem>> -> memref<128xi32, #tpu.memory_space<vmem>>
    %dma_wait3A_2141 = arith.constant 0 : i32
    %dma_wait3A_2142 = tpu.memref_slice %arg4[%dma_wait3A_2141] : memref<26738688xf32, #tpu.memory_space<hbm>> -> memref<26738688xf32, #tpu.memory_space<hbm>>
    tpu.wait_indirect_dma semaphore(%arg10 : memref<!tpu.dma_semaphore, #tpu.memory_space<semaphore_mem>>) src(%dma_wait3A_2137 : memref<128xf32, #tpu.memory_space<vmem>>) dst(%dma_wait3A_2142 : memref<26738688xf32, #tpu.memory_space<hbm>>)
    %dma_wait3A_2143 = arith.constant 122 : i32
    %dma_wait3A_2144 = arith.constant 15616 : i32
    %dma_wait3A_2145 = tpu.memref_slice %arg5[%dma_wait3A_2144] : memref<16384xf32, #tpu.memory_space<vmem>> -> memref<128xf32, #tpu.memory_space<vmem>>
    %dma_wait3A_2146 = arith.constant 0 : i32
    %dma_wait3A_2147 = tpu.memref_slice %arg7[%dma_wait3A_2143, %dma_wait3A_2146] : memref<128x128xi32, #tpu.memory_space<vmem>> -> memref<1x128xi32, #tpu.memory_space<vmem>>
    %dma_wait3A_2148 = tpu.memref_squeeze %dma_wait3A_2147 : memref<1x128xi32, #tpu.memory_space<vmem>> -> memref<128xi32, #tpu.memory_space<vmem>>
    %dma_wait3A_2149 = arith.constant 0 : i32
    %dma_wait3A_2150 = tpu.memref_slice %arg4[%dma_wait3A_2149] : memref<26738688xf32, #tpu.memory_space<hbm>> -> memref<26738688xf32, #tpu.memory_space<hbm>>
    tpu.wait_indirect_dma semaphore(%arg10 : memref<!tpu.dma_semaphore, #tpu.memory_space<semaphore_mem>>) src(%dma_wait3A_2145 : memref<128xf32, #tpu.memory_space<vmem>>) dst(%dma_wait3A_2150 : memref<26738688xf32, #tpu.memory_space<hbm>>)
    %dma_wait3A_2151 = arith.constant 123 : i32
    %dma_wait3A_2152 = arith.constant 15744 : i32
    %dma_wait3A_2153 = tpu.memref_slice %arg5[%dma_wait3A_2152] : memref<16384xf32, #tpu.memory_space<vmem>> -> memref<128xf32, #tpu.memory_space<vmem>>
    %dma_wait3A_2154 = arith.constant 0 : i32
    %dma_wait3A_2155 = tpu.memref_slice %arg7[%dma_wait3A_2151, %dma_wait3A_2154] : memref<128x128xi32, #tpu.memory_space<vmem>> -> memref<1x128xi32, #tpu.memory_space<vmem>>
    %dma_wait3A_2156 = tpu.memref_squeeze %dma_wait3A_2155 : memref<1x128xi32, #tpu.memory_space<vmem>> -> memref<128xi32, #tpu.memory_space<vmem>>
    %dma_wait3A_2157 = arith.constant 0 : i32
    %dma_wait3A_2158 = tpu.memref_slice %arg4[%dma_wait3A_2157] : memref<26738688xf32, #tpu.memory_space<hbm>> -> memref<26738688xf32, #tpu.memory_space<hbm>>
    tpu.wait_indirect_dma semaphore(%arg10 : memref<!tpu.dma_semaphore, #tpu.memory_space<semaphore_mem>>) src(%dma_wait3A_2153 : memref<128xf32, #tpu.memory_space<vmem>>) dst(%dma_wait3A_2158 : memref<26738688xf32, #tpu.memory_space<hbm>>)
    %dma_wait3A_2159 = arith.constant 124 : i32
    %dma_wait3A_2160 = arith.constant 15872 : i32
    %dma_wait3A_2161 = tpu.memref_slice %arg5[%dma_wait3A_2160] : memref<16384xf32, #tpu.memory_space<vmem>> -> memref<128xf32, #tpu.memory_space<vmem>>
    %dma_wait3A_2162 = arith.constant 0 : i32
    %dma_wait3A_2163 = tpu.memref_slice %arg7[%dma_wait3A_2159, %dma_wait3A_2162] : memref<128x128xi32, #tpu.memory_space<vmem>> -> memref<1x128xi32, #tpu.memory_space<vmem>>
    %dma_wait3A_2164 = tpu.memref_squeeze %dma_wait3A_2163 : memref<1x128xi32, #tpu.memory_space<vmem>> -> memref<128xi32, #tpu.memory_space<vmem>>
    %dma_wait3A_2165 = arith.constant 0 : i32
    %dma_wait3A_2166 = tpu.memref_slice %arg4[%dma_wait3A_2165] : memref<26738688xf32, #tpu.memory_space<hbm>> -> memref<26738688xf32, #tpu.memory_space<hbm>>
    tpu.wait_indirect_dma semaphore(%arg10 : memref<!tpu.dma_semaphore, #tpu.memory_space<semaphore_mem>>) src(%dma_wait3A_2161 : memref<128xf32, #tpu.memory_space<vmem>>) dst(%dma_wait3A_2166 : memref<26738688xf32, #tpu.memory_space<hbm>>)
    %dma_wait3A_2167 = arith.constant 125 : i32
    %dma_wait3A_2168 = arith.constant 16000 : i32
    %dma_wait3A_2169 = tpu.memref_slice %arg5[%dma_wait3A_2168] : memref<16384xf32, #tpu.memory_space<vmem>> -> memref<128xf32, #tpu.memory_space<vmem>>
    %dma_wait3A_2170 = arith.constant 0 : i32
    %dma_wait3A_2171 = tpu.memref_slice %arg7[%dma_wait3A_2167, %dma_wait3A_2170] : memref<128x128xi32, #tpu.memory_space<vmem>> -> memref<1x128xi32, #tpu.memory_space<vmem>>
    %dma_wait3A_2172 = tpu.memref_squeeze %dma_wait3A_2171 : memref<1x128xi32, #tpu.memory_space<vmem>> -> memref<128xi32, #tpu.memory_space<vmem>>
    %dma_wait3A_2173 = arith.constant 0 : i32
    %dma_wait3A_2174 = tpu.memref_slice %arg4[%dma_wait3A_2173] : memref<26738688xf32, #tpu.memory_space<hbm>> -> memref<26738688xf32, #tpu.memory_space<hbm>>
    tpu.wait_indirect_dma semaphore(%arg10 : memref<!tpu.dma_semaphore, #tpu.memory_space<semaphore_mem>>) src(%dma_wait3A_2169 : memref<128xf32, #tpu.memory_space<vmem>>) dst(%dma_wait3A_2174 : memref<26738688xf32, #tpu.memory_space<hbm>>)
    %dma_wait3A_2175 = arith.constant 126 : i32
    %dma_wait3A_2176 = arith.constant 16128 : i32
    %dma_wait3A_2177 = tpu.memref_slice %arg5[%dma_wait3A_2176] : memref<16384xf32, #tpu.memory_space<vmem>> -> memref<128xf32, #tpu.memory_space<vmem>>
    %dma_wait3A_2178 = arith.constant 0 : i32
    %dma_wait3A_2179 = tpu.memref_slice %arg7[%dma_wait3A_2175, %dma_wait3A_2178] : memref<128x128xi32, #tpu.memory_space<vmem>> -> memref<1x128xi32, #tpu.memory_space<vmem>>
    %dma_wait3A_2180 = tpu.memref_squeeze %dma_wait3A_2179 : memref<1x128xi32, #tpu.memory_space<vmem>> -> memref<128xi32, #tpu.memory_space<vmem>>
    %dma_wait3A_2181 = arith.constant 0 : i32
    %dma_wait3A_2182 = tpu.memref_slice %arg4[%dma_wait3A_2181] : memref<26738688xf32, #tpu.memory_space<hbm>> -> memref<26738688xf32, #tpu.memory_space<hbm>>
    tpu.wait_indirect_dma semaphore(%arg10 : memref<!tpu.dma_semaphore, #tpu.memory_space<semaphore_mem>>) src(%dma_wait3A_2177 : memref<128xf32, #tpu.memory_space<vmem>>) dst(%dma_wait3A_2182 : memref<26738688xf32, #tpu.memory_space<hbm>>)
    %dma_wait3A_2183 = arith.constant 127 : i32
    %dma_wait3A_2184 = arith.constant 16256 : i32
    %dma_wait3A_2185 = tpu.memref_slice %arg5[%dma_wait3A_2184] : memref<16384xf32, #tpu.memory_space<vmem>> -> memref<128xf32, #tpu.memory_space<vmem>>
    %dma_wait3A_2186 = arith.constant 0 : i32
    %dma_wait3A_2187 = tpu.memref_slice %arg7[%dma_wait3A_2183, %dma_wait3A_2186] : memref<128x128xi32, #tpu.memory_space<vmem>> -> memref<1x128xi32, #tpu.memory_space<vmem>>
    %dma_wait3A_2188 = tpu.memref_squeeze %dma_wait3A_2187 : memref<1x128xi32, #tpu.memory_space<vmem>> -> memref<128xi32, #tpu.memory_space<vmem>>
    %dma_wait3A_2189 = arith.constant 0 : i32
    %dma_wait3A_2190 = tpu.memref_slice %arg4[%dma_wait3A_2189] : memref<26738688xf32, #tpu.memory_space<hbm>> -> memref<26738688xf32, #tpu.memory_space<hbm>>
    tpu.wait_indirect_dma semaphore(%arg10 : memref<!tpu.dma_semaphore, #tpu.memory_space<semaphore_mem>>) src(%dma_wait3A_2185 : memref<128xf32, #tpu.memory_space<vmem>>) dst(%dma_wait3A_2190 : memref<26738688xf32, #tpu.memory_space<hbm>>)
    return
  }
}

</mosaic_0001>

<sc_bundles>
// kernel: kernel.3.cloned.1.call-start
scs
__scs_entry_jumppad:
0x0: {  	(pc) =	sbr.rel $0x88, $3  }
0x1: {  	(tag) =	ssettag $0x0;
	lr =	simm.s32 $0x1  }
0x2: {  	[smem:$0x3F9F] =	sst lr;
	_ =	strace $0xD0000000  }
0x3: {  	_ = 	snop  }
0x4: {  	_ = 	snop  }
0x5: {  	_ = 	snop  }
0x6: {  	_ = 	snop  }
0x7: {  	_ = 	snop  }
__scs_overlays_trampoline_lowered:
0x8: {  	[smem:$0x3FAE] =	sst s0  }
0x9: {  	[smem:$0x3FAF] =	sst s1  }
0xa: {  	[smem:$0x3FB0] =	sst s2  }
0xb: {  	[smem:$0x3FB1] =	sst s3  }
0xc: {  	[smem:$0x3FB2] =	sst s4  }
0xd: {  	[smem:$0x3FB3] =	sst s5  }
0xe: {  	[smem:$0x3FB4] =	sst s6  }
0xf: {  	[smem:$0x3FB5] =	sst s7  }
0x10: {  	[smem:$0x3FB6] =	sst s8  }
0x11: {  	[smem:$0x3FB7] =	sst s9;
	s0 =	simm.s32 @!p0 $0x0  }
0x12: {  	s1 =	sld [smem:$0x3F9D];
	s0 =	simm.s32 @p0 $0x1  }
0x13: {  	[smem:$0x3FB8] =	sst s0;
	s0 =	simm.s32 @!p1 $0x0  }
0x14: {  	s2 =	sld [smem:$0x3F9C];
	s0 =	simm.s32 @p1 $0x1  }
0x15: {  	[smem:$0x3FB9] =	sst s0;
	s0 =	simm.s32 @!p2 $0x0  }
0x16: {  	s3 =	sld [smem:$0x3FDB];
	s0 =	simm.s32 @p2 $0x1  }
0x17: {  	s4 =	simm.s32 $0x1BF5;
	[smem:$0x3FBB] =	sst s0  }
0x18: {  	s0 =	sld [smem:$0x3F9E];
	_ =	swait.ge [sflag:s4], $0x0  }
0x19: {  	s7 =	sld [smem:$0x3F9F]  }
0x1a: {  	s8 =	sadd.s32 $0xFFFFE003, lr  }
0x1b: {  	s9 =	sadd.s32 $0xFFFFFEF7, lr;
	s5 =	simm.s32 $0xFFFFFFFF;
	p2 =	slt.u32 s8, $0xFFFFF086  }
0x1c: {  	p1 =	slt.u32 s9, $0xF7A;
	s5 =	simm.s32 @!p2 $0x0  }
0x1d: {  	s5 =	simm.s32 @p1 $0x1;
	p0 =	seq.s32 s7, s2  }
0x1e: {  	s7 =	smul.u32 @!p0 $0xF7A, s2;
	p2 =	seq.s32 @!p0 s5, $0x0  }
0x1f: {  	s9 =	smul.u32 $0xF7A, s1;
	s8 =	simm.s32 @!p0 $0x1BF5;
	p2 =	por !p2, p0  }
0x20: {  	[sflag:s8] =	ssyncset.s32 @!p0 $0xFFFFF086;
	s6 =	sadd.s32 @!p0 s3, s7;
	s7 =	simm.s32 @!p0 $0x108  }
0x21: {  	s3 =	sadd.s32 s3, s9;
	s6 =	sadd.s32 @!p0 $0x88, s6;
	s7 =	simm.s32 @p2 $0x1082  }
0x22: {  	[simem:s7], [sflag:s8] =	dma.local @!p0 [hbm:s6], $0xF7A  }
0x23: {  	s9 =	sor.u32 $0xD0000000, s2;
	s6 =	simm.s32 $0x108;
	_ =	swait.ge @!p0 [sflag:s8], $0x0  }
0x24: {  	s3 =	sadd.s32 $0x88, s3;
	s6 =	simm.s32 @!p1 $0x1082;
	[sflag:s4] =	ssyncset.s32 $0xFFFFF086  }
0x25: {  	[simem:s6], [sflag:s4] =	dma.local [hbm:s3], $0xF7A  }
0x26: {  	[smem:$0x3F9F] =	sst s1;
	(tag) =	ssettag s2;
	_ =	strace s9  }
0x27: {  	s1 =	sld [smem:$0x3FAF]  }
0x28: {  	s2 =	sld [smem:$0x3FB0]  }
0x29: {  	s4 =	sld [smem:$0x3FB2]  }
0x2a: {  	p0 =	seq.s32 s5, $0x0;
	s5 =	sld [smem:$0x3FB3]  }
0x2b: {  	s6 =	sld [smem:$0x3FB4]  }
0x2c: {  	s7 =	sld [smem:$0x3FB5]  }
0x2d: {  	s3 =	simm.s32 $0x108;
	s8 =	sld [smem:$0x3FB6]  }
0x2e: {  	s3 =	simm.s32 @!p0 $0x1082;
	s9 =	sld [smem:$0x3FB7]  }
0x2f: {  	lr =	sadd.s32 s0, s3;
	s0 =	sld [smem:$0x3FAE]  }
0x30: {  	s3 =	sld [smem:$0x3FB1]  }
0x31: {  	[smem:$0x3FBA] =	sst s10  }
0x32: {  	s10 =	sld [smem:$0x3FB8];
	_ =	sdelay $0x3  }
0x33: {  	p0 =	seq.s32 s10, $0x1;
	s10 =	sld [smem:$0x3FBA];
	_ =	sdelay $0x3  }
0x34: {  	[smem:$0x3FBA] =	sst s10  }
0x35: {  	s10 =	sld [smem:$0x3FB9];
	_ =	sdelay $0x3  }
0x36: {  	p1 =	seq.s32 s10, $0x1;
	s10 =	sld [smem:$0x3FBA];
	_ =	sdelay $0x3  }
0x37: {  	[smem:$0x3FBA] =	sst s10  }
0x38: {  	s10 =	sld [smem:$0x3FBB]  }
0x39: {  	_ = 	snop;
	(pc) =	sbr.ind lr, $3  }
0x3a: {  	_ = 	snop  }
0x3b: {  	_ = 	snop  }
0x3c: {  	p2 =	seq.s32 s10, $0x1;
	s10 =	sld [smem:$0x3FBA]  }
0x3d: {  	_ =	shalt  }
0x3e: {  	_ =	shalt  }
0x3f: {  	_ =	shalt  }
0x40: {  	_ =	shalt  }
0x41: {  	_ =	shalt  }
0x42: {  	_ =	shalt  }
0x43: {  	_ =	shalt  }
0x44: {  	_ =	shalt  }
0x45: {  	_ =	shalt  }
0x46: {  	_ =	shalt  }
0x47: {  	_ =	shalt  }
0x48: {  	_ =	shalt  }
0x49: {  	_ =	shalt  }
0x4a: {  	_ =	shalt  }
0x4b: {  	_ =	shalt  }
0x4c: {  	_ =	shalt  }
0x4d: {  	_ =	shalt  }
0x4e: {  	_ =	shalt  }
0x4f: {  	_ =	shalt  }
0x50: {  	_ =	shalt  }
0x51: {  	_ =	shalt  }
0x52: {  	_ =	shalt  }
0x53: {  	_ =	shalt  }
0x54: {  	_ =	shalt  }
0x55: {  	_ =	shalt  }
0x56: {  	_ =	shalt  }
0x57: {  	_ =	shalt  }
0x58: {  	_ =	shalt  }
0x59: {  	_ =	shalt  }
0x5a: {  	_ =	shalt  }
0x5b: {  	_ =	shalt  }
0x5c: {  	_ =	shalt  }
0x5d: {  	_ =	shalt  }
0x5e: {  	_ =	shalt  }
0x5f: {  	_ =	shalt  }
0x60: {  	_ =	shalt  }
0x61: {  	_ =	shalt  }
0x62: {  	_ =	shalt  }
0x63: {  	_ =	shalt  }
0x64: {  	_ =	shalt  }
0x65: {  	_ =	shalt  }
0x66: {  	_ =	shalt  }
0x67: {  	_ =	shalt  }
0x68: {  	_ =	shalt  }
0x69: {  	_ =	shalt  }
0x6a: {  	_ =	shalt  }
0x6b: {  	_ =	shalt  }
0x6c: {  	_ =	shalt  }
0x6d: {  	_ =	shalt  }
0x6e: {  	_ =	shalt  }
0x6f: {  	_ =	shalt  }
0x70: {  	_ =	shalt  }
0x71: {  	_ =	shalt  }
0x72: {  	_ =	shalt  }
0x73: {  	_ =	shalt  }
0x74: {  	_ =	shalt  }
0x75: {  	_ =	shalt  }
0x76: {  	_ =	shalt  }
0x77: {  	_ =	shalt  }
0x78: {  	_ =	shalt  }
0x79: {  	_ =	shalt  }
0x7a: {  	_ =	shalt  }
0x7b: {  	_ =	shalt  }
0x7c: {  	_ =	shalt  }
0x7d: {  	_ =	shalt  }
0x7e: {  	_ =	shalt  }
0x7f: {  	_ =	shalt  }
0x80: {  	_ =	shalt  }
0x81: {  	_ =	shalt  }
0x82: {  	_ =	shalt  }
0x83: {  	_ =	shalt  }
0x84: {  	_ =	shalt  }
0x85: {  	_ =	shalt  }
0x86: {  	_ =	shalt  }
0x87: {  	_ =	shalt  }
.Lfunc_end0:
.L_simem_size_0:
called_computation_lowered:
.L_overlay_start_0:
0x88: {  	s2 =	sld [smem:$0x3FD9]  }
0x89: {  	s3 =	sld [smem:$0x3FFE];
	_ =	sdelay $0x1  }
0x8a: {  	s1 =	srdreg.scid  }
0x8b: {  	s0 =	sand.u32 $0x1, s1  }
0x8c: {  	s17 =	sshll.u32 s0, $0xA;
	s2 =	sadd.s32 s3, s2  }
0x8d: {  	s2 =	sadd.s32 s2, s17  }
0x8e: {  	[smem:$0x3FC6] =	sst s2  }
0x8f: {  	_ = 	snop  }
0x90: {  	s2 =	sld [smem:$0x3FD0];
	(tm) =	ssettm $0x1  }
0x91: {  	s18 =	sld [smem:$0x3FFB];
	_ =	sdelay $0x3  }
0x92: {  	_ =	strace s18  }
0x93: {  	s3 =	sld [smem:$0x3FFC];
	_ =	sdelay $0x3  }
0x94: {  	_ =	strace s3  }
0x95: {  	s3 =	sld [smem:$0x3FFD];
	_ =	sdelay $0x3  }
0x96: {  	_ =	strace s3  }
0x97: {  	_ =	strace $0x8FFFFFFF  }
0x98: {  	s19 =	sld [smem:$0x3FDB];
	_ =	sdelay $0x1  }
0x99: {  	s4 =	simm.s32 $_scs_section_size  }
0x9a: {  	s5 =	simm.s32 $_size__tile_overlayer_lowered;
	s6 =	simm.s32 $_tile_overlayer_lowered  }
0x9b: {  	s22 =	simm.s32 $0x1BFF;
	s21 =	sshll.u32 s6, $0x1;
	s3 =	sadd.s32 s4, s19  }
0x9c: {  	s7 =	simm.s32 $0x0;
	s20 =	sshll.u32 s5, $0x1;
	s5 =	sadd.s32 s21, s3  }
0x9d: {  	[timem:s7], [sflag:s22] =	dma.local [hbm:s5], s20  }
0x9e: {  	_ =	swait.ge [sflag:s22], s20  }
0x9f: {  	s4 =	ssub.s32 $0x0, s20;
	[sflag:s22] =	ssyncset.done $0x0  }
0xa0: {  	[sflag:s22] =	ssyncadd.s32 s4;
	_ =	sdelay $0x1  }
0xa1: {  	s23 =	simm.s32 $0x1B8B  }
0xa2: {  	_ =	swait.ge [sflag:s23], $0x1  }
0xa3: {  	[sflag:s23] =	ssyncset.done $0x0  }
0xa4: {  	s25 =	simm.s32 $0x1B8E;
	s24 =	sld [smem:$0x3FFE];
	[sflag:s23] =	ssyncadd.s32 $0xFFFFFFFF  }
0xa5: {  	s26 =	simm.s32 $execute0_lowered;
	[smem:$0x3FD2] =	sst s25  }
0xa6: {  	s5 =	sshll.u32 s26, $0x1;
	_ =	strace $0x80000046;
	[dreg:$0x1] =	wrdreg $0xFFFFFFFF  }
0xa7: {  	s28 =	simm.s32 $_size_execute0_lowered;
	s3 =	sadd.s32 s3, s5;
	[dreg:$0x0] =	wrdreg $0x0  }
0xa8: {  	s5 =	sshll.u32 s28, $0x1;
	[dreg:$0x2] =	wrdreg s3  }
0xa9: {  	[dreg:$0x3] =	wrdreg s5  }
0xaa: {  	[dreg:$0x4] =	wrdreg $0xC0  }
0xab: {  	_ =	task [dreg:s7], $0x5FFFF  }
0xac: {  	[dreg:$0x1] =	wrdreg $0xFFFFFFFF  }
0xad: {  	[dreg:$0x0] =	wrdreg $0x60  }
0xae: {  	[dreg:$0x2] =	wrdreg s24  }
0xaf: {  	[dreg:$0x3] =	wrdreg s2  }
0xb0: {  	[dreg:$0x4] =	wrdreg $0x9  }
0xb1: {  	_ =	task.clear_ibuf [dreg:s7], $0x5FFFF;
	_ =	strace $0x90000046  }
0xb2: {  	s29 =	simm.s32 $0x9;
	_ =	strace $0x80000048  }
0xb3: {  	_ =	swait.ge [sflag:s29], $0x1  }
0xb4: {  	[sflag:s29] =	ssyncadd.s32 $0xFFFFFFFF  }
0xb5: {  	_ =	strace $0x90000048  }
0xb6: {  	_ =	sfence  }
0xb7: {  	s30 =	sld [smem:$0x0];
	_ =	sdelay $0x2  }
0xb8: {  	s31 =	sshll.u32 s1, $0xD;
	s1 =	sshrl.u32 s1, $0x2  }
0xb9: {  	s3 =	sand.u32 $0x4000, s31;
	s1 =	sadd.s32 s1, s30  }
0xba: {  	s0 =	sor.u32 s3, s0;
	s1 =	sshll.u32 s1, $0x11  }
0xbb: {  	s0 =	sor.u32 s1, s0  }
0xbc: {  	s0 =	sadd.s32 $0x8F2B, s0  }
0xbd: {  	[sflag:s0] =	ssyncadd.remote.s32 $0x1  }
0xbe: {  	_ =	sfence.sel $0xFFFF  }
0xbf: {  	[dreg:$0x0] =	wrdreg $0xFFFFFFFF;
	(pc) =	sbr.abs _section_cstart, $3  }
0xc0: {  	[dreg:$0x1] =	wrdreg $0xFFFFFFFF  }
0xc1: {  	_ =	task.clear_ibuf [dreg:s7], $0x2FFFF;
	_ =	strace $0x9FFFFFFF  }
0xc2: {  	(tm) =	ssettm $0x7FFFFFFF  }
0xc3: {  	_ =	shalt  }
tec
execute0_lowered:
.L_overlay_start_1:
0x0: {  	(tag) =	ssettag $0x1  }
0x1: {  	s0 =	rddreg [dreg:$0x0]  }
0x2: {  	s1 =	rddreg [dreg:$0x1];
	s3 =	srdreg.scid  }
0x3: {  	s4 =	stileid.u32;
	s2 =	simm.s32 $0x0;
	s23 =	simm.s32 $0x3  }
0x4: {  	s25 =	simm.s32 $0x4000;
	s28 =	simm.s32 $0x80;
	s31 =	simm.s32 $0x2  }
0x5: {  	s3 =	sand.u32 $0x1, s3;
	s4 =	sshll.u32 s4, $0x1;
	[smem:$0x7FF] =	sst s2  }
0x6: {  	s5 =	sor.u32 s3, s4;
	_ =	strace $0x80000047;
	s6 =	ssub.s32 $0x2, s3  }
0x7: {  	s3 =	sadd.s32 $0x400, s0;
	s4 =	sadd.s32 $0x600, s0;
	s7 =	smul.u32 $0xCC000, s5  }
0x8: {  	s0 =	simm.s32 $0x0;
	s26 =	sshrl.u32 s6, $0x1;
	s29 =	smul.u32 $0x19800, s5  }
0x9: {  	s30 =	sshll.u32 s5, $0x4;
	s5 =	sshll.u32 s5, $0xB;
	s22 =	ssub.s32 s6, s26  }
0xa: {  	s5 =	sadd.s32 s1, s5;
	s26 =	simm.s32 $0x1;
	s7 =	sshrl.u32 s7, $0x3  }
0xb: {  	s6 =	sadd.s32 s4, s29;
	s22 =	smax.u32 s22, $0x1;
	s21 =	sadd.s32 s4, s7  }
0xc: {  	s7 =	sadd.s32 $0x1980, s21;
	s8 =	sadd.s32 $0x3300, s21;
	s9 =	sadd.s32 $0x4C80, s21  }
0xd: {  	s10 =	sadd.s32 $0x6600, s21;
	s11 =	sadd.s32 $0x7F80, s21;
	s12 =	sadd.s32 $0x9900, s21  }
0xe: {  	s13 =	sadd.s32 $0xB280, s21;
	s14 =	sadd.s32 $0xCC00, s21;
	s15 =	sadd.s32 $0xE580, s21  }
0xf: {  	s16 =	sadd.s32 $0xFF00, s21;
	s17 =	sadd.s32 $0x11880, s21;
	s18 =	sadd.s32 $0x13200, s21  }
0x10: {  	v1 =	vimm.f32 $0.0e+00;
	v2 =	vlaneseq.u32;
	v0 =	vmov s30;
	s19 =	sadd.s32 $0x14B80, s21;
	s20 =	sadd.s32 $0x16500, s21;
	s21 =	sadd.s32 $0x17E80, s21  }
.LBB2_1:
0x11: {  	[tilespmem:s2], [sflag:$0x3] =	stream.linear.gather [hbm4b:s5+s2], $0x4000, $0x38;
	[tilespmem:$0x14C80] =	vst v63  }
0x12: {  	_ =	swait.ge [sflag:s23], $0x4000  }
0x13: {  	[sflag:s23] =	ssyncset.done $0x0  }
0x14: {  	s1 =	simm.s32 $0x14C00;
	[sflag:s23] =	ssyncadd.s32 $0xFFFFC000  }
0x15: {  	[tilespmem:s1], [sflag:$0x3] =	stream.linear.gather [hbm4b:s3+s2], $0x80, $0x38;
	[tilespmem:$0x14C80] =	vst v63  }
0x16: {  	_ =	swait.ge [sflag:s23], $0x80  }
0x17: {  	[sflag:s23] =	ssyncset.done $0x0  }
0x18: {  	[sflag:s23] =	ssyncadd.s32 $0xFFFFFF80  }
0x19: {  	s24 =	simm.s32 $0x200;
	s1 =	simm.s32 $0x0;
	v3 =	vld [tilespmem:$0x14C00]  }
.LBB2_2:
0x1a: {  	p0 =	sne.s32 s24, $0x32E00;
	[tilespmem:s1+$0x4070] =	vst v1  }
0x1b: {  	[tilespmem:s1+$0x4000] =	vst v1  }
0x1c: {  	[tilespmem:s1+$0x4010] =	vst v1  }
.Ltmp0:
0x1d: {  	[tilespmem:s1+$0x4020] =	vst v1;
	(pc) =	sbr.rel @p0 .LBB2_2-.Ltmp0, $4  }
0x1e: {  	[tilespmem:s1+$0x4030] =	vst v1  }
0x1f: {  	[tilespmem:s1+$0x4040] =	vst v1  }
0x20: {  	[tilespmem:s1+$0x4050] =	vst v1  }
0x21: {  	[tilespmem:s1+$0x4060] =	vst v1;
	s1 =	sshra.s32 s24, $0x2;
	s24 =	sadd.s32 $0x200, s24  }
0x22: {  	[tilespmem:s1+$0x4070] =	vst v1  }
0x23: {  	[tilespmem:s1+$0x4000] =	vst v1  }
0x24: {  	[tilespmem:s1+$0x4010] =	vst v1  }
0x25: {  	[tilespmem:s1+$0x4020] =	vst v1  }
0x26: {  	[tilespmem:s1+$0x4030] =	vst v1  }
0x27: {  	[tilespmem:s1+$0x4040] =	vst v1  }
0x28: {  	[tilespmem:s1+$0x4050] =	vst v1  }
0x29: {  	[tilespmem:s1+$0x4060] =	vst v1;
	s30 =	simm.s32 $0x0  }
0x2a: {  	[hbm4b:s6+s30] =	stream.linear.scatter [tilespmem:s25], [sflag:$0x1], $0xCC00, $0x38;
	[tilespmem:$0x14C80] =	vst v63  }
0x2b: {  	_ = 	snop  }
0x2c: {  	[hbm4b:s7+s30] =	stream.linear.scatter [tilespmem:s25], [sflag:$0x1], $0xCC00, $0x38;
	[tilespmem:$0x14C80] =	vst v63  }
0x2d: {  	_ = 	snop  }
0x2e: {  	[hbm4b:s8+s30] =	stream.linear.scatter [tilespmem:s25], [sflag:$0x1], $0xCC00, $0x38;
	[tilespmem:$0x14C80] =	vst v63  }
0x2f: {  	_ = 	snop  }
0x30: {  	[hbm4b:s9+s30] =	stream.linear.scatter [tilespmem:s25], [sflag:$0x1], $0xCC00, $0x38;
	[tilespmem:$0x14C80] =	vst v63  }
0x31: {  	_ = 	snop  }
0x32: {  	[hbm4b:s10+s30] =	stream.linear.scatter [tilespmem:s25], [sflag:$0x1], $0xCC00, $0x38;
	[tilespmem:$0x14C80] =	vst v63  }
0x33: {  	_ = 	snop  }
0x34: {  	[hbm4b:s11+s30] =	stream.linear.scatter [tilespmem:s25], [sflag:$0x1], $0xCC00, $0x38;
	[tilespmem:$0x14C80] =	vst v63  }
0x35: {  	_ = 	snop  }
0x36: {  	[hbm4b:s12+s30] =	stream.linear.scatter [tilespmem:s25], [sflag:$0x1], $0xCC00, $0x38;
	[tilespmem:$0x14C80] =	vst v63  }
0x37: {  	_ = 	snop  }
0x38: {  	[hbm4b:s13+s30] =	stream.linear.scatter [tilespmem:s25], [sflag:$0x1], $0xCC00, $0x38;
	[tilespmem:$0x14C80] =	vst v63  }
0x39: {  	_ = 	snop  }
0x3a: {  	[hbm4b:s14+s30] =	stream.linear.scatter [tilespmem:s25], [sflag:$0x1], $0xCC00, $0x38;
	[tilespmem:$0x14C80] =	vst v63  }
0x3b: {  	_ = 	snop  }
0x3c: {  	[hbm4b:s15+s30] =	stream.linear.scatter [tilespmem:s25], [sflag:$0x1], $0xCC00, $0x38;
	[tilespmem:$0x14C80] =	vst v63  }
0x3d: {  	_ = 	snop  }
0x3e: {  	[hbm4b:s16+s30] =	stream.linear.scatter [tilespmem:s25], [sflag:$0x1], $0xCC00, $0x38;
	[tilespmem:$0x14C80] =	vst v63  }
0x3f: {  	_ = 	snop  }
0x40: {  	[hbm4b:s17+s30] =	stream.linear.scatter [tilespmem:s25], [sflag:$0x1], $0xCC00, $0x38;
	[tilespmem:$0x14C80] =	vst v63  }
0x41: {  	_ = 	snop  }
0x42: {  	[hbm4b:s18+s30] =	stream.linear.scatter [tilespmem:s25], [sflag:$0x1], $0xCC00, $0x38;
	[tilespmem:$0x14C80] =	vst v63  }
0x43: {  	v4 =	vmov s30;
	v5 =	vor.u32 s30, v2;
	s24 =	sand.u32 $0xFE00, s30  }
0x44: {  	v4 =	vshrl.u32 v4, $0xA;
	v5 =	vand.u32 $0x3FF, v5;
	[hbm4b:s19+s30] =	stream.linear.scatter [tilespmem:s25], [sflag:$0x1], $0xCC00, $0x38;
	[tilespmem:$0x14C80] =	vst v63  }
0x45: {  	s29 =	sand.u32 $0x70, s30;
	s24 =	sshrl.u32 s24, $0x2;
	v4 =	vadd.s32 v0, v4;
	v5 =	vmul.u32 $0x33, v5  }
0x46: {  	v4 =	vmul.u32 $0xCC00, v4;
	[hbm4b:s20+s30] =	stream.linear.scatter [tilespmem:s25], [sflag:$0x1], $0xCC00, $0x38;
	[tilespmem:$0x14C80] =	vst v63  }
0x47: {  	s1 =	simm.s32 $0x40;
	s29 =	sor.u32 s29, s24;
	s24 =	simm.s32 $0x10;
	v5 =	vadd.s32 v3, v5  }
0x48: {  	v4 =	vadd.s32 v4, v5;
	[hbm4b:s21+s30] =	stream.linear.scatter [tilespmem:s25], [sflag:$0x1], $0xCC00, $0x38;
	[tilespmem:$0x14C80] =	vst v63  }
.LBB2_4:
0x49: {  	v5 =	vmov s24;
	v6 =	vor.u32 s24, v2;
	p0 =	sne.s32 s1, $0xFFC0;
	[tilespmem:s29+$0x10C00] =	vst v4;
	s29 =	smov.u32 s1;
	s1 =	sadd.s32 $0x40, s1  }
.Ltmp1:
0x4a: {  	v4 =	vshrl.u32 v5, $0xA;
	v5 =	vand.u32 $0x3FF, v6;
	(pc) =	sbr.rel @p0 .LBB2_4-.Ltmp1, $4  }
0x4b: {  	v4 =	vadd.s32 v0, v4;
	v5 =	vmul.u32 $0x33, v5  }
0x4c: {  	s29 =	sand.u32 $0xFE00, s29;
	v4 =	vmul.u32 $0xCC00, v4  }
0x4d: {  	s30 =	sand.u32 $0x70, s24;
	s29 =	sshrl.u32 s29, $0x2;
	v5 =	vadd.s32 v3, v5  }
0x4e: {  	s24 =	sadd.s32 $0x10, s24;
	s29 =	sor.u32 s30, s29;
	v4 =	vadd.s32 v4, v5  }
0x4f: {  	[tilespmem:s29+$0x10C00] =	vst v4  }
0x50: {  	_ =	swait.ge [sflag:s26], $0xCC00  }
0x51: {  	[sflag:s26] =	ssyncset.done $0x0  }
0x52: {  	[sflag:s26] =	ssyncadd.s32 $0xFFFF3400  }
0x53: {  	_ =	swait.ge [sflag:s26], $0xCC00  }
0x54: {  	[sflag:s26] =	ssyncset.done $0x0  }
0x55: {  	[sflag:s26] =	ssyncadd.s32 $0xFFFF3400  }
0x56: {  	_ =	swait.ge [sflag:s26], $0xCC00  }
0x57: {  	[sflag:s26] =	ssyncset.done $0x0  }
0x58: {  	[sflag:s26] =	ssyncadd.s32 $0xFFFF3400  }
0x59: {  	_ =	swait.ge [sflag:s26], $0xCC00  }
0x5a: {  	[sflag:s26] =	ssyncset.done $0x0  }
0x5b: {  	[sflag:s26] =	ssyncadd.s32 $0xFFFF3400  }
0x5c: {  	_ =	swait.ge [sflag:s26], $0xCC00  }
0x5d: {  	[sflag:s26] =	ssyncset.done $0x0  }
0x5e: {  	[sflag:s26] =	ssyncadd.s32 $0xFFFF3400  }
0x5f: {  	_ =	swait.ge [sflag:s26], $0xCC00  }
0x60: {  	[sflag:s26] =	ssyncset.done $0x0  }
0x61: {  	[sflag:s26] =	ssyncadd.s32 $0xFFFF3400  }
0x62: {  	_ =	swait.ge [sflag:s26], $0xCC00  }
0x63: {  	[sflag:s26] =	ssyncset.done $0x0  }
0x64: {  	[sflag:s26] =	ssyncadd.s32 $0xFFFF3400  }
0x65: {  	_ =	swait.ge [sflag:s26], $0xCC00  }
0x66: {  	[sflag:s26] =	ssyncset.done $0x0  }
0x67: {  	[sflag:s26] =	ssyncadd.s32 $0xFFFF3400  }
0x68: {  	_ =	swait.ge [sflag:s26], $0xCC00  }
0x69: {  	[sflag:s26] =	ssyncset.done $0x0  }
0x6a: {  	[sflag:s26] =	ssyncadd.s32 $0xFFFF3400  }
0x6b: {  	_ =	swait.ge [sflag:s26], $0xCC00  }
0x6c: {  	[sflag:s26] =	ssyncset.done $0x0  }
0x6d: {  	[sflag:s26] =	ssyncadd.s32 $0xFFFF3400  }
0x6e: {  	_ =	swait.ge [sflag:s26], $0xCC00  }
0x6f: {  	[sflag:s26] =	ssyncset.done $0x0  }
0x70: {  	[sflag:s26] =	ssyncadd.s32 $0xFFFF3400  }
0x71: {  	_ =	swait.ge [sflag:s26], $0xCC00  }
0x72: {  	[sflag:s26] =	ssyncset.done $0x0  }
0x73: {  	[sflag:s26] =	ssyncadd.s32 $0xFFFF3400  }
0x74: {  	_ =	swait.ge [sflag:s26], $0xCC00  }
0x75: {  	[sflag:s26] =	ssyncset.done $0x0  }
0x76: {  	[sflag:s26] =	ssyncadd.s32 $0xFFFF3400  }
0x77: {  	_ =	swait.ge [sflag:s26], $0xCC00  }
0x78: {  	[sflag:s26] =	ssyncset.done $0x0  }
0x79: {  	[sflag:s26] =	ssyncadd.s32 $0xFFFF3400  }
0x7a: {  	_ =	swait.ge [sflag:s26], $0xCC00  }
0x7b: {  	[sflag:s26] =	ssyncset.done $0x0  }
0x7c: {  	[sflag:s26] =	ssyncadd.s32 $0xFFFF3400  }
0x7d: {  	_ =	swait.ge [sflag:s26], $0xCC00  }
0x7e: {  	[sflag:s26] =	ssyncset.done $0x0  }
0x7f: {  	s1 =	simm.s32 $0x10C00;
	[sflag:s26] =	ssyncadd.s32 $0xFFFF3400  }
0x80: {  	[hbm4b:s4+s28] =	stream.indirect.scatter [tilespmem:s2], [sflag:$0x2], $0x1, s1, s28, $0xb8;
	[tilespmem:$0x14C80] =	vst v63  }
0x81: {  	s29 =	simm.s32 $0x10C80  }
0x82: {  	[hbm4b:s4+s28] =	stream.indirect.scatter [tilespmem:s28], [sflag:$0x2], $0x1, s29, s28, $0xb8;
	[tilespmem:$0x14C80] =	vst v63  }
0x83: {  	s30 =	simm.s32 $0x10D00;
	s24 =	simm.s32 $0x100  }
0x84: {  	[hbm4b:s4+s28] =	stream.indirect.scatter [tilespmem:s24], [sflag:$0x2], $0x1, s30, s28, $0xb8;
	[tilespmem:$0x14C80] =	vst v63  }
0x85: {  	s29 =	simm.s32 $0x10D80;
	s30 =	simm.s32 $0x180  }
0x86: {  	[hbm4b:s4+s28] =	stream.indirect.scatter [tilespmem:s30], [sflag:$0x2], $0x1, s29, s28, $0xb8;
	[tilespmem:$0x14C80] =	vst v63  }
0x87: {  	s29 =	simm.s32 $0x10E00;
	s30 =	simm.s32 $0x200  }
0x88: {  	[hbm4b:s4+s28] =	stream.indirect.scatter [tilespmem:s30], [sflag:$0x2], $0x1, s29, s28, $0xb8;
	[tilespmem:$0x14C80] =	vst v63  }
0x89: {  	s29 =	simm.s32 $0x10E80;
	s30 =	simm.s32 $0x280  }
0x8a: {  	[hbm4b:s4+s28] =	stream.indirect.scatter [tilespmem:s30], [sflag:$0x2], $0x1, s29, s28, $0xb8;
	[tilespmem:$0x14C80] =	vst v63  }
0x8b: {  	s29 =	simm.s32 $0x10F00;
	s30 =	simm.s32 $0x300  }
0x8c: {  	[hbm4b:s4+s28] =	stream.indirect.scatter [tilespmem:s30], [sflag:$0x2], $0x1, s29, s28, $0xb8;
	[tilespmem:$0x14C80] =	vst v63  }
0x8d: {  	s29 =	simm.s32 $0x10F80;
	s30 =	simm.s32 $0x380  }
0x8e: {  	[hbm4b:s4+s28] =	stream.indirect.scatter [tilespmem:s30], [sflag:$0x2], $0x1, s29, s28, $0xb8;
	[tilespmem:$0x14C80] =	vst v63  }
0x8f: {  	s29 =	simm.s32 $0x11000;
	s30 =	simm.s32 $0x400  }
0x90: {  	[hbm4b:s4+s28] =	stream.indirect.scatter [tilespmem:s30], [sflag:$0x2], $0x1, s29, s28, $0xb8;
	[tilespmem:$0x14C80] =	vst v63  }
0x91: {  	s29 =	simm.s32 $0x11080;
	s30 =	simm.s32 $0x480  }
0x92: {  	[hbm4b:s4+s28] =	stream.indirect.scatter [tilespmem:s30], [sflag:$0x2], $0x1, s29, s28, $0xb8;
	[tilespmem:$0x14C80] =	vst v63  }
0x93: {  	s29 =	simm.s32 $0x11100;
	s30 =	simm.s32 $0x500  }
0x94: {  	[hbm4b:s4+s28] =	stream.indirect.scatter [tilespmem:s30], [sflag:$0x2], $0x1, s29, s28, $0xb8;
	[tilespmem:$0x14C80] =	vst v63  }
0x95: {  	s29 =	simm.s32 $0x11180;
	s30 =	simm.s32 $0x580  }
0x96: {  	[hbm4b:s4+s28] =	stream.indirect.scatter [tilespmem:s30], [sflag:$0x2], $0x1, s29, s28, $0xb8;
	[tilespmem:$0x14C80] =	vst v63  }
0x97: {  	s29 =	simm.s32 $0x11200;
	s30 =	simm.s32 $0x600  }
0x98: {  	[hbm4b:s4+s28] =	stream.indirect.scatter [tilespmem:s30], [sflag:$0x2], $0x1, s29, s28, $0xb8;
	[tilespmem:$0x14C80] =	vst v63  }
0x99: {  	s29 =	simm.s32 $0x11280;
	s30 =	simm.s32 $0x680  }
0x9a: {  	[hbm4b:s4+s28] =	stream.indirect.scatter [tilespmem:s30], [sflag:$0x2], $0x1, s29, s28, $0xb8;
	[tilespmem:$0x14C80] =	vst v63  }
0x9b: {  	s29 =	simm.s32 $0x11300;
	s30 =	simm.s32 $0x700  }
0x9c: {  	[hbm4b:s4+s28] =	stream.indirect.scatter [tilespmem:s30], [sflag:$0x2], $0x1, s29, s28, $0xb8;
	[tilespmem:$0x14C80] =	vst v63  }
0x9d: {  	s29 =	simm.s32 $0x11380;
	s30 =	simm.s32 $0x780  }
0x9e: {  	[hbm4b:s4+s28] =	stream.indirect.scatter [tilespmem:s30], [sflag:$0x2], $0x1, s29, s28, $0xb8;
	[tilespmem:$0x14C80] =	vst v63  }
0x9f: {  	s29 =	simm.s32 $0x11400;
	s30 =	simm.s32 $0x800  }
0xa0: {  	[hbm4b:s4+s28] =	stream.indirect.scatter [tilespmem:s30], [sflag:$0x2], $0x1, s29, s28, $0xb8;
	[tilespmem:$0x14C80] =	vst v63  }
0xa1: {  	s29 =	simm.s32 $0x11480;
	s30 =	simm.s32 $0x880  }
0xa2: {  	[hbm4b:s4+s28] =	stream.indirect.scatter [tilespmem:s30], [sflag:$0x2], $0x1, s29, s28, $0xb8;
	[tilespmem:$0x14C80] =	vst v63  }
0xa3: {  	s29 =	simm.s32 $0x11500;
	s30 =	simm.s32 $0x900  }
0xa4: {  	[hbm4b:s4+s28] =	stream.indirect.scatter [tilespmem:s30], [sflag:$0x2], $0x1, s29, s28, $0xb8;
	[tilespmem:$0x14C80] =	vst v63  }
0xa5: {  	s29 =	simm.s32 $0x11580;
	s30 =	simm.s32 $0x980  }
0xa6: {  	[hbm4b:s4+s28] =	stream.indirect.scatter [tilespmem:s30], [sflag:$0x2], $0x1, s29, s28, $0xb8;
	[tilespmem:$0x14C80] =	vst v63  }
0xa7: {  	s29 =	simm.s32 $0x11600;
	s30 =	simm.s32 $0xA00  }
0xa8: {  	[hbm4b:s4+s28] =	stream.indirect.scatter [tilespmem:s30], [sflag:$0x2], $0x1, s29, s28, $0xb8;
	[tilespmem:$0x14C80] =	vst v63  }
0xa9: {  	s29 =	simm.s32 $0x11680;
	s30 =	simm.s32 $0xA80  }
0xaa: {  	[hbm4b:s4+s28] =	stream.indirect.scatter [tilespmem:s30], [sflag:$0x2], $0x1, s29, s28, $0xb8;
	[tilespmem:$0x14C80] =	vst v63  }
0xab: {  	s29 =	simm.s32 $0x11700;
	s30 =	simm.s32 $0xB00  }
0xac: {  	[hbm4b:s4+s28] =	stream.indirect.scatter [tilespmem:s30], [sflag:$0x2], $0x1, s29, s28, $0xb8;
	[tilespmem:$0x14C80] =	vst v63  }
0xad: {  	s29 =	simm.s32 $0x11780;
	s30 =	simm.s32 $0xB80  }
0xae: {  	[hbm4b:s4+s28] =	stream.indirect.scatter [tilespmem:s30], [sflag:$0x2], $0x1, s29, s28, $0xb8;
	[tilespmem:$0x14C80] =	vst v63  }
0xaf: {  	s29 =	simm.s32 $0x11800;
	s30 =	simm.s32 $0xC00  }
0xb0: {  	[hbm4b:s4+s28] =	stream.indirect.scatter [tilespmem:s30], [sflag:$0x2], $0x1, s29, s28, $0xb8;
	[tilespmem:$0x14C80] =	vst v63  }
0xb1: {  	s29 =	simm.s32 $0x11880;
	s30 =	simm.s32 $0xC80  }
0xb2: {  	[hbm4b:s4+s28] =	stream.indirect.scatter [tilespmem:s30], [sflag:$0x2], $0x1, s29, s28, $0xb8;
	[tilespmem:$0x14C80] =	vst v63  }
0xb3: {  	s29 =	simm.s32 $0x11900;
	s30 =	simm.s32 $0xD00  }
0xb4: {  	[hbm4b:s4+s28] =	stream.indirect.scatter [tilespmem:s30], [sflag:$0x2], $0x1, s29, s28, $0xb8;
	[tilespmem:$0x14C80] =	vst v63  }
0xb5: {  	s29 =	simm.s32 $0x11980;
	s30 =	simm.s32 $0xD80  }
0xb6: {  	[hbm4b:s4+s28] =	stream.indirect.scatter [tilespmem:s30], [sflag:$0x2], $0x1, s29, s28, $0xb8;
	[tilespmem:$0x14C80] =	vst v63  }
0xb7: {  	s29 =	simm.s32 $0x11A00;
	s30 =	simm.s32 $0xE00  }
0xb8: {  	[hbm4b:s4+s28] =	stream.indirect.scatter [tilespmem:s30], [sflag:$0x2], $0x1, s29, s28, $0xb8;
	[tilespmem:$0x14C80] =	vst v63  }
0xb9: {  	s29 =	simm.s32 $0x11A80;
	s30 =	simm.s32 $0xE80  }
0xba: {  	[hbm4b:s4+s28] =	stream.indirect.scatter [tilespmem:s30], [sflag:$0x2], $0x1, s29, s28, $0xb8;
	[tilespmem:$0x14C80] =	vst v63  }
0xbb: {  	s29 =	simm.s32 $0x11B00;
	s30 =	simm.s32 $0xF00  }
0xbc: {  	[hbm4b:s4+s28] =	stream.indirect.scatter [tilespmem:s30], [sflag:$0x2], $0x1, s29, s28, $0xb8;
	[tilespmem:$0x14C80] =	vst v63  }
0xbd: {  	s29 =	simm.s32 $0x11B80;
	s30 =	simm.s32 $0xF80  }
0xbe: {  	[hbm4b:s4+s28] =	stream.indirect.scatter [tilespmem:s30], [sflag:$0x2], $0x1, s29, s28, $0xb8;
	[tilespmem:$0x14C80] =	vst v63  }
0xbf: {  	s29 =	simm.s32 $0x11C00;
	s30 =	simm.s32 $0x1000  }
0xc0: {  	[hbm4b:s4+s28] =	stream.indirect.scatter [tilespmem:s30], [sflag:$0x2], $0x1, s29, s28, $0xb8;
	[tilespmem:$0x14C80] =	vst v63  }
0xc1: {  	s29 =	simm.s32 $0x11C80;
	s30 =	simm.s32 $0x1080  }
0xc2: {  	[hbm4b:s4+s28] =	stream.indirect.scatter [tilespmem:s30], [sflag:$0x2], $0x1, s29, s28, $0xb8;
	[tilespmem:$0x14C80] =	vst v63  }
0xc3: {  	s29 =	simm.s32 $0x11D00;
	s30 =	simm.s32 $0x1100  }
0xc4: {  	[hbm4b:s4+s28] =	stream.indirect.scatter [tilespmem:s30], [sflag:$0x2], $0x1, s29, s28, $0xb8;
	[tilespmem:$0x14C80] =	vst v63  }
0xc5: {  	s29 =	simm.s32 $0x11D80;
	s30 =	simm.s32 $0x1180  }
0xc6: {  	[hbm4b:s4+s28] =	stream.indirect.scatter [tilespmem:s30], [sflag:$0x2], $0x1, s29, s28, $0xb8;
	[tilespmem:$0x14C80] =	vst v63  }
0xc7: {  	s29 =	simm.s32 $0x11E00;
	s30 =	simm.s32 $0x1200  }
0xc8: {  	[hbm4b:s4+s28] =	stream.indirect.scatter [tilespmem:s30], [sflag:$0x2], $0x1, s29, s28, $0xb8;
	[tilespmem:$0x14C80] =	vst v63  }
0xc9: {  	s29 =	simm.s32 $0x11E80;
	s30 =	simm.s32 $0x1280  }
0xca: {  	[hbm4b:s4+s28] =	stream.indirect.scatter [tilespmem:s30], [sflag:$0x2], $0x1, s29, s28, $0xb8;
	[tilespmem:$0x14C80] =	vst v63  }
0xcb: {  	s29 =	simm.s32 $0x11F00;
	s30 =	simm.s32 $0x1300  }
0xcc: {  	[hbm4b:s4+s28] =	stream.indirect.scatter [tilespmem:s30], [sflag:$0x2], $0x1, s29, s28, $0xb8;
	[tilespmem:$0x14C80] =	vst v63  }
0xcd: {  	s29 =	simm.s32 $0x11F80;
	s30 =	simm.s32 $0x1380  }
0xce: {  	[hbm4b:s4+s28] =	stream.indirect.scatter [tilespmem:s30], [sflag:$0x2], $0x1, s29, s28, $0xb8;
	[tilespmem:$0x14C80] =	vst v63  }
0xcf: {  	s29 =	simm.s32 $0x12000;
	s30 =	simm.s32 $0x1400  }
0xd0: {  	[hbm4b:s4+s28] =	stream.indirect.scatter [tilespmem:s30], [sflag:$0x2], $0x1, s29, s28, $0xb8;
	[tilespmem:$0x14C80] =	vst v63  }
0xd1: {  	s29 =	simm.s32 $0x12080;
	s30 =	simm.s32 $0x1480  }
0xd2: {  	[hbm4b:s4+s28] =	stream.indirect.scatter [tilespmem:s30], [sflag:$0x2], $0x1, s29, s28, $0xb8;
	[tilespmem:$0x14C80] =	vst v63  }
0xd3: {  	s29 =	simm.s32 $0x12100;
	s30 =	simm.s32 $0x1500  }
0xd4: {  	[hbm4b:s4+s28] =	stream.indirect.scatter [tilespmem:s30], [sflag:$0x2], $0x1, s29, s28, $0xb8;
	[tilespmem:$0x14C80] =	vst v63  }
0xd5: {  	s29 =	simm.s32 $0x12180;
	s30 =	simm.s32 $0x1580  }
0xd6: {  	[hbm4b:s4+s28] =	stream.indirect.scatter [tilespmem:s30], [sflag:$0x2], $0x1, s29, s28, $0xb8;
	[tilespmem:$0x14C80] =	vst v63  }
0xd7: {  	s29 =	simm.s32 $0x12200;
	s30 =	simm.s32 $0x1600  }
0xd8: {  	[hbm4b:s4+s28] =	stream.indirect.scatter [tilespmem:s30], [sflag:$0x2], $0x1, s29, s28, $0xb8;
	[tilespmem:$0x14C80] =	vst v63  }
0xd9: {  	s29 =	simm.s32 $0x12280;
	s30 =	simm.s32 $0x1680  }
0xda: {  	[hbm4b:s4+s28] =	stream.indirect.scatter [tilespmem:s30], [sflag:$0x2], $0x1, s29, s28, $0xb8;
	[tilespmem:$0x14C80] =	vst v63  }
0xdb: {  	s29 =	simm.s32 $0x12300;
	s30 =	simm.s32 $0x1700  }
0xdc: {  	[hbm4b:s4+s28] =	stream.indirect.scatter [tilespmem:s30], [sflag:$0x2], $0x1, s29, s28, $0xb8;
	[tilespmem:$0x14C80] =	vst v63  }
0xdd: {  	s29 =	simm.s32 $0x12380;
	s30 =	simm.s32 $0x1780  }
0xde: {  	[hbm4b:s4+s28] =	stream.indirect.scatter [tilespmem:s30], [sflag:$0x2], $0x1, s29, s28, $0xb8;
	[tilespmem:$0x14C80] =	vst v63  }
0xdf: {  	s29 =	simm.s32 $0x12400;
	s30 =	simm.s32 $0x1800  }
0xe0: {  	[hbm4b:s4+s28] =	stream.indirect.scatter [tilespmem:s30], [sflag:$0x2], $0x1, s29, s28, $0xb8;
	[tilespmem:$0x14C80] =	vst v63  }
0xe1: {  	s29 =	simm.s32 $0x12480;
	s30 =	simm.s32 $0x1880  }
0xe2: {  	[hbm4b:s4+s28] =	stream.indirect.scatter [tilespmem:s30], [sflag:$0x2], $0x1, s29, s28, $0xb8;
	[tilespmem:$0x14C80] =	vst v63  }
0xe3: {  	s29 =	simm.s32 $0x12500;
	s30 =	simm.s32 $0x1900  }
0xe4: {  	[hbm4b:s4+s28] =	stream.indirect.scatter [tilespmem:s30], [sflag:$0x2], $0x1, s29, s28, $0xb8;
	[tilespmem:$0x14C80] =	vst v63  }
0xe5: {  	s29 =	simm.s32 $0x12580;
	s30 =	simm.s32 $0x1980  }
0xe6: {  	[hbm4b:s4+s28] =	stream.indirect.scatter [tilespmem:s30], [sflag:$0x2], $0x1, s29, s28, $0xb8;
	[tilespmem:$0x14C80] =	vst v63  }
0xe7: {  	s29 =	simm.s32 $0x12600;
	s30 =	simm.s32 $0x1A00  }
0xe8: {  	[hbm4b:s4+s28] =	stream.indirect.scatter [tilespmem:s30], [sflag:$0x2], $0x1, s29, s28, $0xb8;
	[tilespmem:$0x14C80] =	vst v63  }
0xe9: {  	s29 =	simm.s32 $0x12680;
	s30 =	simm.s32 $0x1A80  }
0xea: {  	[hbm4b:s4+s28] =	stream.indirect.scatter [tilespmem:s30], [sflag:$0x2], $0x1, s29, s28, $0xb8;
	[tilespmem:$0x14C80] =	vst v63  }
0xeb: {  	s29 =	simm.s32 $0x12700;
	s30 =	simm.s32 $0x1B00  }
0xec: {  	[hbm4b:s4+s28] =	stream.indirect.scatter [tilespmem:s30], [sflag:$0x2], $0x1, s29, s28, $0xb8;
	[tilespmem:$0x14C80] =	vst v63  }
0xed: {  	s29 =	simm.s32 $0x12780;
	s30 =	simm.s32 $0x1B80  }
0xee: {  	[hbm4b:s4+s28] =	stream.indirect.scatter [tilespmem:s30], [sflag:$0x2], $0x1, s29, s28, $0xb8;
	[tilespmem:$0x14C80] =	vst v63  }
0xef: {  	s29 =	simm.s32 $0x12800;
	s30 =	simm.s32 $0x1C00  }
0xf0: {  	[hbm4b:s4+s28] =	stream.indirect.scatter [tilespmem:s30], [sflag:$0x2], $0x1, s29, s28, $0xb8;
	[tilespmem:$0x14C80] =	vst v63  }
0xf1: {  	s29 =	simm.s32 $0x12880;
	s30 =	simm.s32 $0x1C80  }
0xf2: {  	[hbm4b:s4+s28] =	stream.indirect.scatter [tilespmem:s30], [sflag:$0x2], $0x1, s29, s28, $0xb8;
	[tilespmem:$0x14C80] =	vst v63  }
0xf3: {  	s29 =	simm.s32 $0x12900;
	s30 =	simm.s32 $0x1D00  }
0xf4: {  	[hbm4b:s4+s28] =	stream.indirect.scatter [tilespmem:s30], [sflag:$0x2], $0x1, s29, s28, $0xb8;
	[tilespmem:$0x14C80] =	vst v63  }
0xf5: {  	s29 =	simm.s32 $0x12980;
	s30 =	simm.s32 $0x1D80  }
0xf6: {  	[hbm4b:s4+s28] =	stream.indirect.scatter [tilespmem:s30], [sflag:$0x2], $0x1, s29, s28, $0xb8;
	[tilespmem:$0x14C80] =	vst v63  }
0xf7: {  	s29 =	simm.s32 $0x12A00;
	s30 =	simm.s32 $0x1E00  }
0xf8: {  	[hbm4b:s4+s28] =	stream.indirect.scatter [tilespmem:s30], [sflag:$0x2], $0x1, s29, s28, $0xb8;
	[tilespmem:$0x14C80] =	vst v63  }
0xf9: {  	s29 =	simm.s32 $0x12A80;
	s30 =	simm.s32 $0x1E80  }
0xfa: {  	[hbm4b:s4+s28] =	stream.indirect.scatter [tilespmem:s30], [sflag:$0x2], $0x1, s29, s28, $0xb8;
	[tilespmem:$0x14C80] =	vst v63  }
0xfb: {  	s29 =	simm.s32 $0x12B00;
	s30 =	simm.s32 $0x1F00  }
0xfc: {  	[hbm4b:s4+s28] =	stream.indirect.scatter [tilespmem:s30], [sflag:$0x2], $0x1, s29, s28, $0xb8;
	[tilespmem:$0x14C80] =	vst v63  }
0xfd: {  	s29 =	simm.s32 $0x12B80;
	s30 =	simm.s32 $0x1F80  }
0xfe: {  	[hbm4b:s4+s28] =	stream.indirect.scatter [tilespmem:s30], [sflag:$0x2], $0x1, s29, s28, $0xb8;
	[tilespmem:$0x14C80] =	vst v63  }
0xff: {  	s29 =	simm.s32 $0x12C00;
	s30 =	simm.s32 $0x2000  }
0x100: {  	[hbm4b:s4+s28] =	stream.indirect.scatter [tilespmem:s30], [sflag:$0x2], $0x1, s29, s28, $0xb8;
	[tilespmem:$0x14C80] =	vst v63  }
0x101: {  	s29 =	simm.s32 $0x12C80;
	s30 =	simm.s32 $0x2080  }
0x102: {  	[hbm4b:s4+s28] =	stream.indirect.scatter [tilespmem:s30], [sflag:$0x2], $0x1, s29, s28, $0xb8;
	[tilespmem:$0x14C80] =	vst v63  }
0x103: {  	s29 =	simm.s32 $0x12D00;
	s30 =	simm.s32 $0x2100  }
0x104: {  	[hbm4b:s4+s28] =	stream.indirect.scatter [tilespmem:s30], [sflag:$0x2], $0x1, s29, s28, $0xb8;
	[tilespmem:$0x14C80] =	vst v63  }
0x105: {  	s29 =	simm.s32 $0x12D80;
	s30 =	simm.s32 $0x2180  }
0x106: {  	[hbm4b:s4+s28] =	stream.indirect.scatter [tilespmem:s30], [sflag:$0x2], $0x1, s29, s28, $0xb8;
	[tilespmem:$0x14C80] =	vst v63  }
0x107: {  	s29 =	simm.s32 $0x12E00;
	s30 =	simm.s32 $0x2200  }
0x108: {  	[hbm4b:s4+s28] =	stream.indirect.scatter [tilespmem:s30], [sflag:$0x2], $0x1, s29, s28, $0xb8;
	[tilespmem:$0x14C80] =	vst v63  }
0x109: {  	s29 =	simm.s32 $0x12E80;
	s30 =	simm.s32 $0x2280  }
0x10a: {  	[hbm4b:s4+s28] =	stream.indirect.scatter [tilespmem:s30], [sflag:$0x2], $0x1, s29, s28, $0xb8;
	[tilespmem:$0x14C80] =	vst v63  }
0x10b: {  	s29 =	simm.s32 $0x12F00;
	s30 =	simm.s32 $0x2300  }
0x10c: {  	[hbm4b:s4+s28] =	stream.indirect.scatter [tilespmem:s30], [sflag:$0x2], $0x1, s29, s28, $0xb8;
	[tilespmem:$0x14C80] =	vst v63  }
0x10d: {  	s29 =	simm.s32 $0x12F80;
	s30 =	simm.s32 $0x2380  }
0x10e: {  	[hbm4b:s4+s28] =	stream.indirect.scatter [tilespmem:s30], [sflag:$0x2], $0x1, s29, s28, $0xb8;
	[tilespmem:$0x14C80] =	vst v63  }
0x10f: {  	s29 =	simm.s32 $0x13000;
	s30 =	simm.s32 $0x2400  }
0x110: {  	[hbm4b:s4+s28] =	stream.indirect.scatter [tilespmem:s30], [sflag:$0x2], $0x1, s29, s28, $0xb8;
	[tilespmem:$0x14C80] =	vst v63  }
0x111: {  	s29 =	simm.s32 $0x13080;
	s30 =	simm.s32 $0x2480  }
0x112: {  	[hbm4b:s4+s28] =	stream.indirect.scatter [tilespmem:s30], [sflag:$0x2], $0x1, s29, s28, $0xb8;
	[tilespmem:$0x14C80] =	vst v63  }
0x113: {  	s29 =	simm.s32 $0x13100;
	s30 =	simm.s32 $0x2500  }
0x114: {  	[hbm4b:s4+s28] =	stream.indirect.scatter [tilespmem:s30], [sflag:$0x2], $0x1, s29, s28, $0xb8;
	[tilespmem:$0x14C80] =	vst v63  }
0x115: {  	s29 =	simm.s32 $0x13180;
	s30 =	simm.s32 $0x2580  }
0x116: {  	[hbm4b:s4+s28] =	stream.indirect.scatter [tilespmem:s30], [sflag:$0x2], $0x1, s29, s28, $0xb8;
	[tilespmem:$0x14C80] =	vst v63  }
0x117: {  	s29 =	simm.s32 $0x13200;
	s30 =	simm.s32 $0x2600  }
0x118: {  	[hbm4b:s4+s28] =	stream.indirect.scatter [tilespmem:s30], [sflag:$0x2], $0x1, s29, s28, $0xb8;
	[tilespmem:$0x14C80] =	vst v63  }
0x119: {  	s29 =	simm.s32 $0x13280;
	s30 =	simm.s32 $0x2680  }
0x11a: {  	[hbm4b:s4+s28] =	stream.indirect.scatter [tilespmem:s30], [sflag:$0x2], $0x1, s29, s28, $0xb8;
	[tilespmem:$0x14C80] =	vst v63  }
0x11b: {  	s29 =	simm.s32 $0x13300;
	s30 =	simm.s32 $0x2700  }
0x11c: {  	[hbm4b:s4+s28] =	stream.indirect.scatter [tilespmem:s30], [sflag:$0x2], $0x1, s29, s28, $0xb8;
	[tilespmem:$0x14C80] =	vst v63  }
0x11d: {  	s29 =	simm.s32 $0x13380;
	s30 =	simm.s32 $0x2780  }
0x11e: {  	[hbm4b:s4+s28] =	stream.indirect.scatter [tilespmem:s30], [sflag:$0x2], $0x1, s29, s28, $0xb8;
	[tilespmem:$0x14C80] =	vst v63  }
0x11f: {  	s29 =	simm.s32 $0x13400;
	s30 =	simm.s32 $0x2800  }
0x120: {  	[hbm4b:s4+s28] =	stream.indirect.scatter [tilespmem:s30], [sflag:$0x2], $0x1, s29, s28, $0xb8;
	[tilespmem:$0x14C80] =	vst v63  }
0x121: {  	s29 =	simm.s32 $0x13480;
	s30 =	simm.s32 $0x2880  }
0x122: {  	[hbm4b:s4+s28] =	stream.indirect.scatter [tilespmem:s30], [sflag:$0x2], $0x1, s29, s28, $0xb8;
	[tilespmem:$0x14C80] =	vst v63  }
0x123: {  	s29 =	simm.s32 $0x13500;
	s30 =	simm.s32 $0x2900  }
0x124: {  	[hbm4b:s4+s28] =	stream.indirect.scatter [tilespmem:s30], [sflag:$0x2], $0x1, s29, s28, $0xb8;
	[tilespmem:$0x14C80] =	vst v63  }
0x125: {  	s29 =	simm.s32 $0x13580;
	s30 =	simm.s32 $0x2980  }
0x126: {  	[hbm4b:s4+s28] =	stream.indirect.scatter [tilespmem:s30], [sflag:$0x2], $0x1, s29, s28, $0xb8;
	[tilespmem:$0x14C80] =	vst v63  }
0x127: {  	s29 =	simm.s32 $0x13600;
	s30 =	simm.s32 $0x2A00  }
0x128: {  	[hbm4b:s4+s28] =	stream.indirect.scatter [tilespmem:s30], [sflag:$0x2], $0x1, s29, s28, $0xb8;
	[tilespmem:$0x14C80] =	vst v63  }
0x129: {  	s29 =	simm.s32 $0x13680;
	s30 =	simm.s32 $0x2A80  }
0x12a: {  	[hbm4b:s4+s28] =	stream.indirect.scatter [tilespmem:s30], [sflag:$0x2], $0x1, s29, s28, $0xb8;
	[tilespmem:$0x14C80] =	vst v63  }
0x12b: {  	s29 =	simm.s32 $0x13700;
	s30 =	simm.s32 $0x2B00  }
0x12c: {  	[hbm4b:s4+s28] =	stream.indirect.scatter [tilespmem:s30], [sflag:$0x2], $0x1, s29, s28, $0xb8;
	[tilespmem:$0x14C80] =	vst v63  }
0x12d: {  	s29 =	simm.s32 $0x13780;
	s30 =	simm.s32 $0x2B80  }
0x12e: {  	[hbm4b:s4+s28] =	stream.indirect.scatter [tilespmem:s30], [sflag:$0x2], $0x1, s29, s28, $0xb8;
	[tilespmem:$0x14C80] =	vst v63  }
0x12f: {  	s29 =	simm.s32 $0x13800;
	s30 =	simm.s32 $0x2C00  }
0x130: {  	[hbm4b:s4+s28] =	stream.indirect.scatter [tilespmem:s30], [sflag:$0x2], $0x1, s29, s28, $0xb8;
	[tilespmem:$0x14C80] =	vst v63  }
0x131: {  	s29 =	simm.s32 $0x13880;
	s30 =	simm.s32 $0x2C80  }
0x132: {  	[hbm4b:s4+s28] =	stream.indirect.scatter [tilespmem:s30], [sflag:$0x2], $0x1, s29, s28, $0xb8;
	[tilespmem:$0x14C80] =	vst v63  }
0x133: {  	s29 =	simm.s32 $0x13900;
	s30 =	simm.s32 $0x2D00  }
0x134: {  	[hbm4b:s4+s28] =	stream.indirect.scatter [tilespmem:s30], [sflag:$0x2], $0x1, s29, s28, $0xb8;
	[tilespmem:$0x14C80] =	vst v63  }
0x135: {  	s29 =	simm.s32 $0x13980;
	s30 =	simm.s32 $0x2D80  }
0x136: {  	[hbm4b:s4+s28] =	stream.indirect.scatter [tilespmem:s30], [sflag:$0x2], $0x1, s29, s28, $0xb8;
	[tilespmem:$0x14C80] =	vst v63  }
0x137: {  	s29 =	simm.s32 $0x13A00;
	s30 =	simm.s32 $0x2E00  }
0x138: {  	[hbm4b:s4+s28] =	stream.indirect.scatter [tilespmem:s30], [sflag:$0x2], $0x1, s29, s28, $0xb8;
	[tilespmem:$0x14C80] =	vst v63  }
0x139: {  	s29 =	simm.s32 $0x13A80;
	s30 =	simm.s32 $0x2E80  }
0x13a: {  	[hbm4b:s4+s28] =	stream.indirect.scatter [tilespmem:s30], [sflag:$0x2], $0x1, s29, s28, $0xb8;
	[tilespmem:$0x14C80] =	vst v63  }
0x13b: {  	s29 =	simm.s32 $0x13B00;
	s30 =	simm.s32 $0x2F00  }
0x13c: {  	[hbm4b:s4+s28] =	stream.indirect.scatter [tilespmem:s30], [sflag:$0x2], $0x1, s29, s28, $0xb8;
	[tilespmem:$0x14C80] =	vst v63  }
0x13d: {  	s29 =	simm.s32 $0x13B80;
	s30 =	simm.s32 $0x2F80  }
0x13e: {  	[hbm4b:s4+s28] =	stream.indirect.scatter [tilespmem:s30], [sflag:$0x2], $0x1, s29, s28, $0xb8;
	[tilespmem:$0x14C80] =	vst v63  }
0x13f: {  	s29 =	simm.s32 $0x13C00;
	s30 =	simm.s32 $0x3000  }
0x140: {  	[hbm4b:s4+s28] =	stream.indirect.scatter [tilespmem:s30], [sflag:$0x2], $0x1, s29, s28, $0xb8;
	[tilespmem:$0x14C80] =	vst v63  }
0x141: {  	s29 =	simm.s32 $0x13C80;
	s30 =	simm.s32 $0x3080  }
0x142: {  	[hbm4b:s4+s28] =	stream.indirect.scatter [tilespmem:s30], [sflag:$0x2], $0x1, s29, s28, $0xb8;
	[tilespmem:$0x14C80] =	vst v63  }
0x143: {  	s29 =	simm.s32 $0x13D00;
	s30 =	simm.s32 $0x3100  }
0x144: {  	[hbm4b:s4+s28] =	stream.indirect.scatter [tilespmem:s30], [sflag:$0x2], $0x1, s29, s28, $0xb8;
	[tilespmem:$0x14C80] =	vst v63  }
0x145: {  	s29 =	simm.s32 $0x13D80;
	s30 =	simm.s32 $0x3180  }
0x146: {  	[hbm4b:s4+s28] =	stream.indirect.scatter [tilespmem:s30], [sflag:$0x2], $0x1, s29, s28, $0xb8;
	[tilespmem:$0x14C80] =	vst v63  }
0x147: {  	s29 =	simm.s32 $0x13E00;
	s30 =	simm.s32 $0x3200  }
0x148: {  	[hbm4b:s4+s28] =	stream.indirect.scatter [tilespmem:s30], [sflag:$0x2], $0x1, s29, s28, $0xb8;
	[tilespmem:$0x14C80] =	vst v63  }
0x149: {  	s29 =	simm.s32 $0x13E80;
	s30 =	simm.s32 $0x3280  }
0x14a: {  	[hbm4b:s4+s28] =	stream.indirect.scatter [tilespmem:s30], [sflag:$0x2], $0x1, s29, s28, $0xb8;
	[tilespmem:$0x14C80] =	vst v63  }
0x14b: {  	s29 =	simm.s32 $0x13F00;
	s30 =	simm.s32 $0x3300  }
0x14c: {  	[hbm4b:s4+s28] =	stream.indirect.scatter [tilespmem:s30], [sflag:$0x2], $0x1, s29, s28, $0xb8;
	[tilespmem:$0x14C80] =	vst v63  }
0x14d: {  	s29 =	simm.s32 $0x13F80;
	s30 =	simm.s32 $0x3380  }
0x14e: {  	[hbm4b:s4+s28] =	stream.indirect.scatter [tilespmem:s30], [sflag:$0x2], $0x1, s29, s28, $0xb8;
	[tilespmem:$0x14C80] =	vst v63  }
0x14f: {  	s29 =	simm.s32 $0x14000;
	s30 =	simm.s32 $0x3400  }
0x150: {  	[hbm4b:s4+s28] =	stream.indirect.scatter [tilespmem:s30], [sflag:$0x2], $0x1, s29, s28, $0xb8;
	[tilespmem:$0x14C80] =	vst v63  }
0x151: {  	s29 =	simm.s32 $0x14080;
	s30 =	simm.s32 $0x3480  }
0x152: {  	[hbm4b:s4+s28] =	stream.indirect.scatter [tilespmem:s30], [sflag:$0x2], $0x1, s29, s28, $0xb8;
	[tilespmem:$0x14C80] =	vst v63  }
0x153: {  	s29 =	simm.s32 $0x14100;
	s30 =	simm.s32 $0x3500  }
0x154: {  	[hbm4b:s4+s28] =	stream.indirect.scatter [tilespmem:s30], [sflag:$0x2], $0x1, s29, s28, $0xb8;
	[tilespmem:$0x14C80] =	vst v63  }
0x155: {  	s29 =	simm.s32 $0x14180;
	s30 =	simm.s32 $0x3580  }
0x156: {  	[hbm4b:s4+s28] =	stream.indirect.scatter [tilespmem:s30], [sflag:$0x2], $0x1, s29, s28, $0xb8;
	[tilespmem:$0x14C80] =	vst v63  }
0x157: {  	s29 =	simm.s32 $0x14200;
	s30 =	simm.s32 $0x3600  }
0x158: {  	[hbm4b:s4+s28] =	stream.indirect.scatter [tilespmem:s30], [sflag:$0x2], $0x1, s29, s28, $0xb8;
	[tilespmem:$0x14C80] =	vst v63  }
0x159: {  	s29 =	simm.s32 $0x14280;
	s30 =	simm.s32 $0x3680  }
0x15a: {  	[hbm4b:s4+s28] =	stream.indirect.scatter [tilespmem:s30], [sflag:$0x2], $0x1, s29, s28, $0xb8;
	[tilespmem:$0x14C80] =	vst v63  }
0x15b: {  	s29 =	simm.s32 $0x14300;
	s30 =	simm.s32 $0x3700  }
0x15c: {  	[hbm4b:s4+s28] =	stream.indirect.scatter [tilespmem:s30], [sflag:$0x2], $0x1, s29, s28, $0xb8;
	[tilespmem:$0x14C80] =	vst v63  }
0x15d: {  	s29 =	simm.s32 $0x14380;
	s30 =	simm.s32 $0x3780  }
0x15e: {  	[hbm4b:s4+s28] =	stream.indirect.scatter [tilespmem:s30], [sflag:$0x2], $0x1, s29, s28, $0xb8;
	[tilespmem:$0x14C80] =	vst v63  }
0x15f: {  	s29 =	simm.s32 $0x14400;
	s30 =	simm.s32 $0x3800  }
0x160: {  	[hbm4b:s4+s28] =	stream.indirect.scatter [tilespmem:s30], [sflag:$0x2], $0x1, s29, s28, $0xb8;
	[tilespmem:$0x14C80] =	vst v63  }
0x161: {  	s29 =	simm.s32 $0x14480;
	s30 =	simm.s32 $0x3880  }
0x162: {  	[hbm4b:s4+s28] =	stream.indirect.scatter [tilespmem:s30], [sflag:$0x2], $0x1, s29, s28, $0xb8;
	[tilespmem:$0x14C80] =	vst v63  }
0x163: {  	s29 =	simm.s32 $0x14500;
	s30 =	simm.s32 $0x3900  }
0x164: {  	[hbm4b:s4+s28] =	stream.indirect.scatter [tilespmem:s30], [sflag:$0x2], $0x1, s29, s28, $0xb8;
	[tilespmem:$0x14C80] =	vst v63  }
0x165: {  	s29 =	simm.s32 $0x14580;
	s30 =	simm.s32 $0x3980  }
0x166: {  	[hbm4b:s4+s28] =	stream.indirect.scatter [tilespmem:s30], [sflag:$0x2], $0x1, s29, s28, $0xb8;
	[tilespmem:$0x14C80] =	vst v63  }
0x167: {  	s29 =	simm.s32 $0x14600;
	s30 =	simm.s32 $0x3A00  }
0x168: {  	[hbm4b:s4+s28] =	stream.indirect.scatter [tilespmem:s30], [sflag:$0x2], $0x1, s29, s28, $0xb8;
	[tilespmem:$0x14C80] =	vst v63  }
0x169: {  	s29 =	simm.s32 $0x14680;
	s30 =	simm.s32 $0x3A80  }
0x16a: {  	[hbm4b:s4+s28] =	stream.indirect.scatter [tilespmem:s30], [sflag:$0x2], $0x1, s29, s28, $0xb8;
	[tilespmem:$0x14C80] =	vst v63  }
0x16b: {  	s29 =	simm.s32 $0x14700;
	s30 =	simm.s32 $0x3B00  }
0x16c: {  	[hbm4b:s4+s28] =	stream.indirect.scatter [tilespmem:s30], [sflag:$0x2], $0x1, s29, s28, $0xb8;
	[tilespmem:$0x14C80] =	vst v63  }
0x16d: {  	s29 =	simm.s32 $0x14780;
	s30 =	simm.s32 $0x3B80  }
0x16e: {  	[hbm4b:s4+s28] =	stream.indirect.scatter [tilespmem:s30], [sflag:$0x2], $0x1, s29, s28, $0xb8;
	[tilespmem:$0x14C80] =	vst v63  }
0x16f: {  	s29 =	simm.s32 $0x14800;
	s30 =	simm.s32 $0x3C00  }
0x170: {  	[hbm4b:s4+s28] =	stream.indirect.scatter [tilespmem:s30], [sflag:$0x2], $0x1, s29, s28, $0xb8;
	[tilespmem:$0x14C80] =	vst v63  }
0x171: {  	s29 =	simm.s32 $0x14880;
	s30 =	simm.s32 $0x3C80  }
0x172: {  	[hbm4b:s4+s28] =	stream.indirect.scatter [tilespmem:s30], [sflag:$0x2], $0x1, s29, s28, $0xb8;
	[tilespmem:$0x14C80] =	vst v63  }
0x173: {  	s29 =	simm.s32 $0x14900;
	s30 =	simm.s32 $0x3D00  }
0x174: {  	[hbm4b:s4+s28] =	stream.indirect.scatter [tilespmem:s30], [sflag:$0x2], $0x1, s29, s28, $0xb8;
	[tilespmem:$0x14C80] =	vst v63  }
0x175: {  	s29 =	simm.s32 $0x14980;
	s30 =	simm.s32 $0x3D80  }
0x176: {  	[hbm4b:s4+s28] =	stream.indirect.scatter [tilespmem:s30], [sflag:$0x2], $0x1, s29, s28, $0xb8;
	[tilespmem:$0x14C80] =	vst v63  }
0x177: {  	s29 =	simm.s32 $0x14A00;
	s30 =	simm.s32 $0x3E00  }
0x178: {  	[hbm4b:s4+s28] =	stream.indirect.scatter [tilespmem:s30], [sflag:$0x2], $0x1, s29, s28, $0xb8;
	[tilespmem:$0x14C80] =	vst v63  }
0x179: {  	s29 =	simm.s32 $0x14A80;
	s30 =	simm.s32 $0x3E80  }
0x17a: {  	[hbm4b:s4+s28] =	stream.indirect.scatter [tilespmem:s30], [sflag:$0x2], $0x1, s29, s28, $0xb8;
	[tilespmem:$0x14C80] =	vst v63  }
0x17b: {  	s29 =	simm.s32 $0x14B00;
	s30 =	simm.s32 $0x3F00  }
0x17c: {  	[hbm4b:s4+s28] =	stream.indirect.scatter [tilespmem:s30], [sflag:$0x2], $0x1, s29, s28, $0xb8;
	[tilespmem:$0x14C80] =	vst v63  }
0x17d: {  	s29 =	simm.s32 $0x14B80;
	s30 =	simm.s32 $0x3F80  }
0x17e: {  	[hbm4b:s4+s28] =	stream.indirect.scatter [tilespmem:s30], [sflag:$0x2], $0x1, s29, s28, $0xb8;
	[tilespmem:$0x14C80] =	vst v63  }
0x17f: {  	_ =	swait.ge [sflag:s31], $0x80  }
0x180: {  	[sflag:s31] =	ssyncset.done $0x0  }
0x181: {  	[sflag:s31] =	ssyncadd.s32 $0xFFFFFF80  }
0x182: {  	_ =	swait.ge [sflag:s31], $0x80  }
0x183: {  	[sflag:s31] =	ssyncset.done $0x0  }
0x184: {  	[sflag:s31] =	ssyncadd.s32 $0xFFFFFF80  }
0x185: {  	_ =	swait.ge [sflag:s31], $0x80  }
0x186: {  	[sflag:s31] =	ssyncset.done $0x0  }
0x187: {  	[sflag:s31] =	ssyncadd.s32 $0xFFFFFF80  }
0x188: {  	_ =	swait.ge [sflag:s31], $0x80  }
0x189: {  	[sflag:s31] =	ssyncset.done $0x0  }
0x18a: {  	[sflag:s31] =	ssyncadd.s32 $0xFFFFFF80  }
0x18b: {  	_ =	swait.ge [sflag:s31], $0x80  }
0x18c: {  	[sflag:s31] =	ssyncset.done $0x0  }
0x18d: {  	[sflag:s31] =	ssyncadd.s32 $0xFFFFFF80  }
0x18e: {  	_ =	swait.ge [sflag:s31], $0x80  }
0x18f: {  	[sflag:s31] =	ssyncset.done $0x0  }
0x190: {  	[sflag:s31] =	ssyncadd.s32 $0xFFFFFF80  }
0x191: {  	_ =	swait.ge [sflag:s31], $0x80  }
0x192: {  	[sflag:s31] =	ssyncset.done $0x0  }
0x193: {  	[sflag:s31] =	ssyncadd.s32 $0xFFFFFF80  }
0x194: {  	_ =	swait.ge [sflag:s31], $0x80  }
0x195: {  	[sflag:s31] =	ssyncset.done $0x0  }
0x196: {  	[sflag:s31] =	ssyncadd.s32 $0xFFFFFF80  }
0x197: {  	_ =	swait.ge [sflag:s31], $0x80  }
0x198: {  	[sflag:s31] =	ssyncset.done $0x0  }
0x199: {  	[sflag:s31] =	ssyncadd.s32 $0xFFFFFF80  }
0x19a: {  	_ =	swait.ge [sflag:s31], $0x80  }
0x19b: {  	[sflag:s31] =	ssyncset.done $0x0  }
0x19c: {  	[sflag:s31] =	ssyncadd.s32 $0xFFFFFF80  }
0x19d: {  	_ =	swait.ge [sflag:s31], $0x80  }
0x19e: {  	[sflag:s31] =	ssyncset.done $0x0  }
0x19f: {  	[sflag:s31] =	ssyncadd.s32 $0xFFFFFF80  }
0x1a0: {  	_ =	swait.ge [sflag:s31], $0x80  }
0x1a1: {  	[sflag:s31] =	ssyncset.done $0x0  }
0x1a2: {  	[sflag:s31] =	ssyncadd.s32 $0xFFFFFF80  }
0x1a3: {  	_ =	swait.ge [sflag:s31], $0x80  }
0x1a4: {  	[sflag:s31] =	ssyncset.done $0x0  }
0x1a5: {  	[sflag:s31] =	ssyncadd.s32 $0xFFFFFF80  }
0x1a6: {  	_ =	swait.ge [sflag:s31], $0x80  }
0x1a7: {  	[sflag:s31] =	ssyncset.done $0x0  }
0x1a8: {  	[sflag:s31] =	ssyncadd.s32 $0xFFFFFF80  }
0x1a9: {  	_ =	swait.ge [sflag:s31], $0x80  }
0x1aa: {  	[sflag:s31] =	ssyncset.done $0x0  }
0x1ab: {  	[sflag:s31] =	ssyncadd.s32 $0xFFFFFF80  }
0x1ac: {  	_ =	swait.ge [sflag:s31], $0x80  }
0x1ad: {  	[sflag:s31] =	ssyncset.done $0x0  }
0x1ae: {  	[sflag:s31] =	ssyncadd.s32 $0xFFFFFF80  }
0x1af: {  	_ =	swait.ge [sflag:s31], $0x80  }
0x1b0: {  	[sflag:s31] =	ssyncset.done $0x0  }
0x1b1: {  	[sflag:s31] =	ssyncadd.s32 $0xFFFFFF80  }
0x1b2: {  	_ =	swait.ge [sflag:s31], $0x80  }
0x1b3: {  	[sflag:s31] =	ssyncset.done $0x0  }
0x1b4: {  	[sflag:s31] =	ssyncadd.s32 $0xFFFFFF80  }
0x1b5: {  	_ =	swait.ge [sflag:s31], $0x80  }
0x1b6: {  	[sflag:s31] =	ssyncset.done $0x0  }
0x1b7: {  	[sflag:s31] =	ssyncadd.s32 $0xFFFFFF80  }
0x1b8: {  	_ =	swait.ge [sflag:s31], $0x80  }
0x1b9: {  	[sflag:s31] =	ssyncset.done $0x0  }
0x1ba: {  	[sflag:s31] =	ssyncadd.s32 $0xFFFFFF80  }
0x1bb: {  	_ =	swait.ge [sflag:s31], $0x80  }
0x1bc: {  	[sflag:s31] =	ssyncset.done $0x0  }
0x1bd: {  	[sflag:s31] =	ssyncadd.s32 $0xFFFFFF80  }
0x1be: {  	_ =	swait.ge [sflag:s31], $0x80  }
0x1bf: {  	[sflag:s31] =	ssyncset.done $0x0  }
0x1c0: {  	[sflag:s31] =	ssyncadd.s32 $0xFFFFFF80  }
0x1c1: {  	_ =	swait.ge [sflag:s31], $0x80  }
0x1c2: {  	[sflag:s31] =	ssyncset.done $0x0  }
0x1c3: {  	[sflag:s31] =	ssyncadd.s32 $0xFFFFFF80  }
0x1c4: {  	_ =	swait.ge [sflag:s31], $0x80  }
0x1c5: {  	[sflag:s31] =	ssyncset.done $0x0  }
0x1c6: {  	[sflag:s31] =	ssyncadd.s32 $0xFFFFFF80  }
0x1c7: {  	_ =	swait.ge [sflag:s31], $0x80  }
0x1c8: {  	[sflag:s31] =	ssyncset.done $0x0  }
0x1c9: {  	[sflag:s31] =	ssyncadd.s32 $0xFFFFFF80  }
0x1ca: {  	_ =	swait.ge [sflag:s31], $0x80  }
0x1cb: {  	[sflag:s31] =	ssyncset.done $0x0  }
0x1cc: {  	[sflag:s31] =	ssyncadd.s32 $0xFFFFFF80  }
0x1cd: {  	_ =	swait.ge [sflag:s31], $0x80  }
0x1ce: {  	[sflag:s31] =	ssyncset.done $0x0  }
0x1cf: {  	[sflag:s31] =	ssyncadd.s32 $0xFFFFFF80  }
0x1d0: {  	_ =	swait.ge [sflag:s31], $0x80  }
0x1d1: {  	[sflag:s31] =	ssyncset.done $0x0  }
0x1d2: {  	[sflag:s31] =	ssyncadd.s32 $0xFFFFFF80  }
0x1d3: {  	_ =	swait.ge [sflag:s31], $0x80  }
0x1d4: {  	[sflag:s31] =	ssyncset.done $0x0  }
0x1d5: {  	[sflag:s31] =	ssyncadd.s32 $0xFFFFFF80  }
0x1d6: {  	_ =	swait.ge [sflag:s31], $0x80  }
0x1d7: {  	[sflag:s31] =	ssyncset.done $0x0  }
0x1d8: {  	[sflag:s31] =	ssyncadd.s32 $0xFFFFFF80  }
0x1d9: {  	_ =	swait.ge [sflag:s31], $0x80  }
0x1da: {  	[sflag:s31] =	ssyncset.done $0x0  }
0x1db: {  	[sflag:s31] =	ssyncadd.s32 $0xFFFFFF80  }
0x1dc: {  	_ =	swait.ge [sflag:s31], $0x80  }
0x1dd: {  	[sflag:s31] =	ssyncset.done $0x0  }
0x1de: {  	[sflag:s31] =	ssyncadd.s32 $0xFFFFFF80  }
0x1df: {  	_ =	swait.ge [sflag:s31], $0x80  }
0x1e0: {  	[sflag:s31] =	ssyncset.done $0x0  }
0x1e1: {  	[sflag:s31] =	ssyncadd.s32 $0xFFFFFF80  }
0x1e2: {  	_ =	swait.ge [sflag:s31], $0x80  }
0x1e3: {  	[sflag:s31] =	ssyncset.done $0x0  }
0x1e4: {  	[sflag:s31] =	ssyncadd.s32 $0xFFFFFF80  }
0x1e5: {  	_ =	swait.ge [sflag:s31], $0x80  }
0x1e6: {  	[sflag:s31] =	ssyncset.done $0x0  }
0x1e7: {  	[sflag:s31] =	ssyncadd.s32 $0xFFFFFF80  }
0x1e8: {  	_ =	swait.ge [sflag:s31], $0x80  }
0x1e9: {  	[sflag:s31] =	ssyncset.done $0x0  }
0x1ea: {  	[sflag:s31] =	ssyncadd.s32 $0xFFFFFF80  }
0x1eb: {  	_ =	swait.ge [sflag:s31], $0x80  }
0x1ec: {  	[sflag:s31] =	ssyncset.done $0x0  }
0x1ed: {  	[sflag:s31] =	ssyncadd.s32 $0xFFFFFF80  }
0x1ee: {  	_ =	swait.ge [sflag:s31], $0x80  }
0x1ef: {  	[sflag:s31] =	ssyncset.done $0x0  }
0x1f0: {  	[sflag:s31] =	ssyncadd.s32 $0xFFFFFF80  }
0x1f1: {  	_ =	swait.ge [sflag:s31], $0x80  }
0x1f2: {  	[sflag:s31] =	ssyncset.done $0x0  }
0x1f3: {  	[sflag:s31] =	ssyncadd.s32 $0xFFFFFF80  }
0x1f4: {  	_ =	swait.ge [sflag:s31], $0x80  }
0x1f5: {  	[sflag:s31] =	ssyncset.done $0x0  }
0x1f6: {  	[sflag:s31] =	ssyncadd.s32 $0xFFFFFF80  }
0x1f7: {  	_ =	swait.ge [sflag:s31], $0x80  }
0x1f8: {  	[sflag:s31] =	ssyncset.done $0x0  }
0x1f9: {  	[sflag:s31] =	ssyncadd.s32 $0xFFFFFF80  }
0x1fa: {  	_ =	swait.ge [sflag:s31], $0x80  }
0x1fb: {  	[sflag:s31] =	ssyncset.done $0x0  }
0x1fc: {  	[sflag:s31] =	ssyncadd.s32 $0xFFFFFF80  }
0x1fd: {  	_ =	swait.ge [sflag:s31], $0x80  }
0x1fe: {  	[sflag:s31] =	ssyncset.done $0x0  }
0x1ff: {  	[sflag:s31] =	ssyncadd.s32 $0xFFFFFF80  }
0x200: {  	_ =	swait.ge [sflag:s31], $0x80  }
0x201: {  	[sflag:s31] =	ssyncset.done $0x0  }
0x202: {  	[sflag:s31] =	ssyncadd.s32 $0xFFFFFF80  }
0x203: {  	_ =	swait.ge [sflag:s31], $0x80  }
0x204: {  	[sflag:s31] =	ssyncset.done $0x0  }
0x205: {  	[sflag:s31] =	ssyncadd.s32 $0xFFFFFF80  }
0x206: {  	_ =	swait.ge [sflag:s31], $0x80  }
0x207: {  	[sflag:s31] =	ssyncset.done $0x0  }
0x208: {  	[sflag:s31] =	ssyncadd.s32 $0xFFFFFF80  }
0x209: {  	_ =	swait.ge [sflag:s31], $0x80  }
0x20a: {  	[sflag:s31] =	ssyncset.done $0x0  }
0x20b: {  	[sflag:s31] =	ssyncadd.s32 $0xFFFFFF80  }
0x20c: {  	_ =	swait.ge [sflag:s31], $0x80  }
0x20d: {  	[sflag:s31] =	ssyncset.done $0x0  }
0x20e: {  	[sflag:s31] =	ssyncadd.s32 $0xFFFFFF80  }
0x20f: {  	_ =	swait.ge [sflag:s31], $0x80  }
0x210: {  	[sflag:s31] =	ssyncset.done $0x0  }
0x211: {  	[sflag:s31] =	ssyncadd.s32 $0xFFFFFF80  }
0x212: {  	_ =	swait.ge [sflag:s31], $0x80  }
0x213: {  	[sflag:s31] =	ssyncset.done $0x0  }
0x214: {  	[sflag:s31] =	ssyncadd.s32 $0xFFFFFF80  }
0x215: {  	_ =	swait.ge [sflag:s31], $0x80  }
0x216: {  	[sflag:s31] =	ssyncset.done $0x0  }
0x217: {  	[sflag:s31] =	ssyncadd.s32 $0xFFFFFF80  }
0x218: {  	_ =	swait.ge [sflag:s31], $0x80  }
0x219: {  	[sflag:s31] =	ssyncset.done $0x0  }
0x21a: {  	[sflag:s31] =	ssyncadd.s32 $0xFFFFFF80  }
0x21b: {  	_ =	swait.ge [sflag:s31], $0x80  }
0x21c: {  	[sflag:s31] =	ssyncset.done $0x0  }
0x21d: {  	[sflag:s31] =	ssyncadd.s32 $0xFFFFFF80  }
0x21e: {  	_ =	swait.ge [sflag:s31], $0x80  }
0x21f: {  	[sflag:s31] =	ssyncset.done $0x0  }
0x220: {  	[sflag:s31] =	ssyncadd.s32 $0xFFFFFF80  }
0x221: {  	_ =	swait.ge [sflag:s31], $0x80  }
0x222: {  	[sflag:s31] =	ssyncset.done $0x0  }
0x223: {  	[sflag:s31] =	ssyncadd.s32 $0xFFFFFF80  }
0x224: {  	_ =	swait.ge [sflag:s31], $0x80  }
0x225: {  	[sflag:s31] =	ssyncset.done $0x0  }
0x226: {  	[sflag:s31] =	ssyncadd.s32 $0xFFFFFF80  }
0x227: {  	_ =	swait.ge [sflag:s31], $0x80  }
0x228: {  	[sflag:s31] =	ssyncset.done $0x0  }
0x229: {  	[sflag:s31] =	ssyncadd.s32 $0xFFFFFF80  }
0x22a: {  	_ =	swait.ge [sflag:s31], $0x80  }
0x22b: {  	[sflag:s31] =	ssyncset.done $0x0  }
0x22c: {  	[sflag:s31] =	ssyncadd.s32 $0xFFFFFF80  }
0x22d: {  	_ =	swait.ge [sflag:s31], $0x80  }
0x22e: {  	[sflag:s31] =	ssyncset.done $0x0  }
0x22f: {  	[sflag:s31] =	ssyncadd.s32 $0xFFFFFF80  }
0x230: {  	_ =	swait.ge [sflag:s31], $0x80  }
0x231: {  	[sflag:s31] =	ssyncset.done $0x0  }
0x232: {  	[sflag:s31] =	ssyncadd.s32 $0xFFFFFF80  }
0x233: {  	_ =	swait.ge [sflag:s31], $0x80  }
0x234: {  	[sflag:s31] =	ssyncset.done $0x0  }
0x235: {  	[sflag:s31] =	ssyncadd.s32 $0xFFFFFF80  }
0x236: {  	_ =	swait.ge [sflag:s31], $0x80  }
0x237: {  	[sflag:s31] =	ssyncset.done $0x0  }
0x238: {  	[sflag:s31] =	ssyncadd.s32 $0xFFFFFF80  }
0x239: {  	_ =	swait.ge [sflag:s31], $0x80  }
0x23a: {  	[sflag:s31] =	ssyncset.done $0x0  }
0x23b: {  	[sflag:s31] =	ssyncadd.s32 $0xFFFFFF80  }
0x23c: {  	_ =	swait.ge [sflag:s31], $0x80  }
0x23d: {  	[sflag:s31] =	ssyncset.done $0x0  }
0x23e: {  	[sflag:s31] =	ssyncadd.s32 $0xFFFFFF80  }
0x23f: {  	_ =	swait.ge [sflag:s31], $0x80  }
0x240: {  	[sflag:s31] =	ssyncset.done $0x0  }
0x241: {  	[sflag:s31] =	ssyncadd.s32 $0xFFFFFF80  }
0x242: {  	_ =	swait.ge [sflag:s31], $0x80  }
0x243: {  	[sflag:s31] =	ssyncset.done $0x0  }
0x244: {  	[sflag:s31] =	ssyncadd.s32 $0xFFFFFF80  }
0x245: {  	_ =	swait.ge [sflag:s31], $0x80  }
0x246: {  	[sflag:s31] =	ssyncset.done $0x0  }
0x247: {  	[sflag:s31] =	ssyncadd.s32 $0xFFFFFF80  }
0x248: {  	_ =	swait.ge [sflag:s31], $0x80  }
0x249: {  	[sflag:s31] =	ssyncset.done $0x0  }
0x24a: {  	[sflag:s31] =	ssyncadd.s32 $0xFFFFFF80  }
0x24b: {  	_ =	swait.ge [sflag:s31], $0x80  }
0x24c: {  	[sflag:s31] =	ssyncset.done $0x0  }
0x24d: {  	[sflag:s31] =	ssyncadd.s32 $0xFFFFFF80  }
0x24e: {  	_ =	swait.ge [sflag:s31], $0x80  }
0x24f: {  	[sflag:s31] =	ssyncset.done $0x0  }
0x250: {  	[sflag:s31] =	ssyncadd.s32 $0xFFFFFF80  }
0x251: {  	_ =	swait.ge [sflag:s31], $0x80  }
0x252: {  	[sflag:s31] =	ssyncset.done $0x0  }
0x253: {  	[sflag:s31] =	ssyncadd.s32 $0xFFFFFF80  }
0x254: {  	_ =	swait.ge [sflag:s31], $0x80  }
0x255: {  	[sflag:s31] =	ssyncset.done $0x0  }
0x256: {  	[sflag:s31] =	ssyncadd.s32 $0xFFFFFF80  }
0x257: {  	_ =	swait.ge [sflag:s31], $0x80  }
0x258: {  	[sflag:s31] =	ssyncset.done $0x0  }
0x259: {  	[sflag:s31] =	ssyncadd.s32 $0xFFFFFF80  }
0x25a: {  	_ =	swait.ge [sflag:s31], $0x80  }
0x25b: {  	[sflag:s31] =	ssyncset.done $0x0  }
0x25c: {  	[sflag:s31] =	ssyncadd.s32 $0xFFFFFF80  }
0x25d: {  	_ =	swait.ge [sflag:s31], $0x80  }
0x25e: {  	[sflag:s31] =	ssyncset.done $0x0  }
0x25f: {  	[sflag:s31] =	ssyncadd.s32 $0xFFFFFF80  }
0x260: {  	_ =	swait.ge [sflag:s31], $0x80  }
0x261: {  	[sflag:s31] =	ssyncset.done $0x0  }
0x262: {  	[sflag:s31] =	ssyncadd.s32 $0xFFFFFF80  }
0x263: {  	_ =	swait.ge [sflag:s31], $0x80  }
0x264: {  	[sflag:s31] =	ssyncset.done $0x0  }
0x265: {  	[sflag:s31] =	ssyncadd.s32 $0xFFFFFF80  }
0x266: {  	_ =	swait.ge [sflag:s31], $0x80  }
0x267: {  	[sflag:s31] =	ssyncset.done $0x0  }
0x268: {  	[sflag:s31] =	ssyncadd.s32 $0xFFFFFF80  }
0x269: {  	_ =	swait.ge [sflag:s31], $0x80  }
0x26a: {  	[sflag:s31] =	ssyncset.done $0x0  }
0x26b: {  	[sflag:s31] =	ssyncadd.s32 $0xFFFFFF80  }
0x26c: {  	_ =	swait.ge [sflag:s31], $0x80  }
0x26d: {  	[sflag:s31] =	ssyncset.done $0x0  }
0x26e: {  	[sflag:s31] =	ssyncadd.s32 $0xFFFFFF80  }
0x26f: {  	_ =	swait.ge [sflag:s31], $0x80  }
0x270: {  	[sflag:s31] =	ssyncset.done $0x0  }
0x271: {  	[sflag:s31] =	ssyncadd.s32 $0xFFFFFF80  }
0x272: {  	_ =	swait.ge [sflag:s31], $0x80  }
0x273: {  	[sflag:s31] =	ssyncset.done $0x0  }
0x274: {  	[sflag:s31] =	ssyncadd.s32 $0xFFFFFF80  }
0x275: {  	_ =	swait.ge [sflag:s31], $0x80  }
0x276: {  	[sflag:s31] =	ssyncset.done $0x0  }
0x277: {  	[sflag:s31] =	ssyncadd.s32 $0xFFFFFF80  }
0x278: {  	_ =	swait.ge [sflag:s31], $0x80  }
0x279: {  	[sflag:s31] =	ssyncset.done $0x0  }
0x27a: {  	[sflag:s31] =	ssyncadd.s32 $0xFFFFFF80  }
0x27b: {  	_ =	swait.ge [sflag:s31], $0x80  }
0x27c: {  	[sflag:s31] =	ssyncset.done $0x0  }
0x27d: {  	[sflag:s31] =	ssyncadd.s32 $0xFFFFFF80  }
0x27e: {  	_ =	swait.ge [sflag:s31], $0x80  }
0x27f: {  	[sflag:s31] =	ssyncset.done $0x0  }
0x280: {  	[sflag:s31] =	ssyncadd.s32 $0xFFFFFF80  }
0x281: {  	_ =	swait.ge [sflag:s31], $0x80  }
0x282: {  	[sflag:s31] =	ssyncset.done $0x0  }
0x283: {  	[sflag:s31] =	ssyncadd.s32 $0xFFFFFF80  }
0x284: {  	_ =	swait.ge [sflag:s31], $0x80  }
0x285: {  	[sflag:s31] =	ssyncset.done $0x0  }
0x286: {  	[sflag:s31] =	ssyncadd.s32 $0xFFFFFF80  }
0x287: {  	_ =	swait.ge [sflag:s31], $0x80  }
0x288: {  	[sflag:s31] =	ssyncset.done $0x0  }
0x289: {  	[sflag:s31] =	ssyncadd.s32 $0xFFFFFF80  }
0x28a: {  	_ =	swait.ge [sflag:s31], $0x80  }
0x28b: {  	[sflag:s31] =	ssyncset.done $0x0  }
0x28c: {  	[sflag:s31] =	ssyncadd.s32 $0xFFFFFF80  }
0x28d: {  	_ =	swait.ge [sflag:s31], $0x80  }
0x28e: {  	[sflag:s31] =	ssyncset.done $0x0  }
0x28f: {  	[sflag:s31] =	ssyncadd.s32 $0xFFFFFF80  }
0x290: {  	_ =	swait.ge [sflag:s31], $0x80  }
0x291: {  	[sflag:s31] =	ssyncset.done $0x0  }
0x292: {  	[sflag:s31] =	ssyncadd.s32 $0xFFFFFF80  }
0x293: {  	_ =	swait.ge [sflag:s31], $0x80  }
0x294: {  	[sflag:s31] =	ssyncset.done $0x0  }
0x295: {  	[sflag:s31] =	ssyncadd.s32 $0xFFFFFF80  }
0x296: {  	_ =	swait.ge [sflag:s31], $0x80  }
0x297: {  	[sflag:s31] =	ssyncset.done $0x0  }
0x298: {  	[sflag:s31] =	ssyncadd.s32 $0xFFFFFF80  }
0x299: {  	_ =	swait.ge [sflag:s31], $0x80  }
0x29a: {  	[sflag:s31] =	ssyncset.done $0x0  }
0x29b: {  	[sflag:s31] =	ssyncadd.s32 $0xFFFFFF80  }
0x29c: {  	_ =	swait.ge [sflag:s31], $0x80  }
0x29d: {  	[sflag:s31] =	ssyncset.done $0x0  }
0x29e: {  	[sflag:s31] =	ssyncadd.s32 $0xFFFFFF80  }
0x29f: {  	_ =	swait.ge [sflag:s31], $0x80  }
0x2a0: {  	[sflag:s31] =	ssyncset.done $0x0  }
0x2a1: {  	[sflag:s31] =	ssyncadd.s32 $0xFFFFFF80  }
0x2a2: {  	_ =	swait.ge [sflag:s31], $0x80  }
0x2a3: {  	[sflag:s31] =	ssyncset.done $0x0  }
0x2a4: {  	[sflag:s31] =	ssyncadd.s32 $0xFFFFFF80  }
0x2a5: {  	_ =	swait.ge [sflag:s31], $0x80  }
0x2a6: {  	[sflag:s31] =	ssyncset.done $0x0  }
0x2a7: {  	[sflag:s31] =	ssyncadd.s32 $0xFFFFFF80  }
0x2a8: {  	_ =	swait.ge [sflag:s31], $0x80  }
0x2a9: {  	[sflag:s31] =	ssyncset.done $0x0  }
0x2aa: {  	[sflag:s31] =	ssyncadd.s32 $0xFFFFFF80  }
0x2ab: {  	_ =	swait.ge [sflag:s31], $0x80  }
0x2ac: {  	[sflag:s31] =	ssyncset.done $0x0  }
0x2ad: {  	[sflag:s31] =	ssyncadd.s32 $0xFFFFFF80  }
0x2ae: {  	_ =	swait.ge [sflag:s31], $0x80  }
0x2af: {  	[sflag:s31] =	ssyncset.done $0x0  }
0x2b0: {  	[sflag:s31] =	ssyncadd.s32 $0xFFFFFF80  }
0x2b1: {  	_ =	swait.ge [sflag:s31], $0x80  }
0x2b2: {  	[sflag:s31] =	ssyncset.done $0x0  }
0x2b3: {  	[sflag:s31] =	ssyncadd.s32 $0xFFFFFF80  }
0x2b4: {  	_ =	swait.ge [sflag:s31], $0x80  }
0x2b5: {  	[sflag:s31] =	ssyncset.done $0x0  }
0x2b6: {  	[sflag:s31] =	ssyncadd.s32 $0xFFFFFF80  }
0x2b7: {  	_ =	swait.ge [sflag:s31], $0x80  }
0x2b8: {  	[sflag:s31] =	ssyncset.done $0x0  }
0x2b9: {  	[sflag:s31] =	ssyncadd.s32 $0xFFFFFF80  }
0x2ba: {  	_ =	swait.ge [sflag:s31], $0x80  }
0x2bb: {  	[sflag:s31] =	ssyncset.done $0x0  }
0x2bc: {  	[sflag:s31] =	ssyncadd.s32 $0xFFFFFF80  }
0x2bd: {  	_ =	swait.ge [sflag:s31], $0x80  }
0x2be: {  	[sflag:s31] =	ssyncset.done $0x0  }
0x2bf: {  	[sflag:s31] =	ssyncadd.s32 $0xFFFFFF80  }
0x2c0: {  	_ =	swait.ge [sflag:s31], $0x80  }
0x2c1: {  	[sflag:s31] =	ssyncset.done $0x0  }
0x2c2: {  	[sflag:s31] =	ssyncadd.s32 $0xFFFFFF80  }
0x2c3: {  	_ =	swait.ge [sflag:s31], $0x80  }
0x2c4: {  	[sflag:s31] =	ssyncset.done $0x0  }
0x2c5: {  	[sflag:s31] =	ssyncadd.s32 $0xFFFFFF80  }
0x2c6: {  	_ =	swait.ge [sflag:s31], $0x80  }
0x2c7: {  	[sflag:s31] =	ssyncset.done $0x0  }
0x2c8: {  	[sflag:s31] =	ssyncadd.s32 $0xFFFFFF80  }
0x2c9: {  	_ =	swait.ge [sflag:s31], $0x80  }
0x2ca: {  	[sflag:s31] =	ssyncset.done $0x0  }
0x2cb: {  	[sflag:s31] =	ssyncadd.s32 $0xFFFFFF80  }
0x2cc: {  	_ =	swait.ge [sflag:s31], $0x80  }
0x2cd: {  	[sflag:s31] =	ssyncset.done $0x0  }
0x2ce: {  	[sflag:s31] =	ssyncadd.s32 $0xFFFFFF80  }
0x2cf: {  	_ =	swait.ge [sflag:s31], $0x80  }
0x2d0: {  	[sflag:s31] =	ssyncset.done $0x0  }
0x2d1: {  	[sflag:s31] =	ssyncadd.s32 $0xFFFFFF80  }
0x2d2: {  	_ =	swait.ge [sflag:s31], $0x80  }
0x2d3: {  	[sflag:s31] =	ssyncset.done $0x0  }
0x2d4: {  	[sflag:s31] =	ssyncadd.s32 $0xFFFFFF80  }
0x2d5: {  	_ =	swait.ge [sflag:s31], $0x80  }
0x2d6: {  	[sflag:s31] =	ssyncset.done $0x0  }
0x2d7: {  	[sflag:s31] =	ssyncadd.s32 $0xFFFFFF80  }
0x2d8: {  	_ =	swait.ge [sflag:s31], $0x80  }
0x2d9: {  	[sflag:s31] =	ssyncset.done $0x0  }
0x2da: {  	[sflag:s31] =	ssyncadd.s32 $0xFFFFFF80  }
0x2db: {  	_ =	swait.ge [sflag:s31], $0x80  }
0x2dc: {  	[sflag:s31] =	ssyncset.done $0x0  }
0x2dd: {  	[sflag:s31] =	ssyncadd.s32 $0xFFFFFF80  }
0x2de: {  	_ =	swait.ge [sflag:s31], $0x80  }
0x2df: {  	[sflag:s31] =	ssyncset.done $0x0  }
0x2e0: {  	[sflag:s31] =	ssyncadd.s32 $0xFFFFFF80  }
0x2e1: {  	_ =	swait.ge [sflag:s31], $0x80  }
0x2e2: {  	[sflag:s31] =	ssyncset.done $0x0  }
0x2e3: {  	[sflag:s31] =	ssyncadd.s32 $0xFFFFFF80  }
0x2e4: {  	_ =	swait.ge [sflag:s31], $0x80  }
0x2e5: {  	[sflag:s31] =	ssyncset.done $0x0  }
0x2e6: {  	[sflag:s31] =	ssyncadd.s32 $0xFFFFFF80  }
0x2e7: {  	_ =	swait.ge [sflag:s31], $0x80  }
0x2e8: {  	[sflag:s31] =	ssyncset.done $0x0  }
0x2e9: {  	[sflag:s31] =	ssyncadd.s32 $0xFFFFFF80  }
0x2ea: {  	_ =	swait.ge [sflag:s31], $0x80  }
0x2eb: {  	[sflag:s31] =	ssyncset.done $0x0  }
0x2ec: {  	[sflag:s31] =	ssyncadd.s32 $0xFFFFFF80  }
0x2ed: {  	_ =	swait.ge [sflag:s31], $0x80  }
0x2ee: {  	[sflag:s31] =	ssyncset.done $0x0  }
0x2ef: {  	[sflag:s31] =	ssyncadd.s32 $0xFFFFFF80  }
0x2f0: {  	_ =	swait.ge [sflag:s31], $0x80  }
0x2f1: {  	[sflag:s31] =	ssyncset.done $0x0  }
0x2f2: {  	[sflag:s31] =	ssyncadd.s32 $0xFFFFFF80  }
0x2f3: {  	_ =	swait.ge [sflag:s31], $0x80  }
0x2f4: {  	[sflag:s31] =	ssyncset.done $0x0  }
0x2f5: {  	[sflag:s31] =	ssyncadd.s32 $0xFFFFFF80  }
0x2f6: {  	_ =	swait.ge [sflag:s31], $0x80  }
0x2f7: {  	[sflag:s31] =	ssyncset.done $0x0  }
0x2f8: {  	s0 =	sadd.s32 $0x1, s0;
	[sflag:s31] =	ssyncadd.s32 $0xFFFFFF80  }
0x2f9: {  	p0 =	sne.s32 s0, s22;
	_ =	swait.ge [sflag:s31], $0x80  }
.Ltmp2:
0x2fa: {  	[sflag:s31] =	ssyncset.done $0x0;
	(pc) =	sbr.rel @p0 .LBB2_1-.Ltmp2, $4  }
0x2fb: {  	[sflag:s31] =	ssyncadd.s32 $0xFFFFFF80  }
0x2fc: {  	_ =	swait.ge [sflag:s31], $0x80  }
0x2fd: {  	[sflag:s31] =	ssyncset.done $0x0  }
0x2fe: {  	[sflag:s31] =	ssyncadd.s32 $0xFFFFFF80  }
0x2ff: {  	_ =	sfence.sel $0x180000  }
0x300: {  	[bflag:$0x0] =	sbarrier.arrive $0xFFFF  }
0x301: {  	_ =	strace $0x90000047  }
0x302: {  	s0 =	stileid.u32;
	[bflag:$0x2] =	sbarrier.arrive $0xFFFF  }
0x303: {  	p0 =	sne.s32 s0, $0x0;
	s0 =	rddreg [dreg:$0x2]  }
0x304: {  	s0 =	sadd.s32 @!p0 $0x100000, s0  }
0x305: {  	[sflag:s0] =	ssyncadd.tile.s32 @!p0 $0x1;
	_ =	shalt  }
.Lfunc_end2:
_tile_overlayer_lowered:
.L_overlay_start_2:
0x306: {  	(tag) =	ssettag $0x2  }
0x307: {  	s0 =	rddreg [dreg:$0x0];
	s2 =	stileid.u32  }
0x308: {  	s1 =	rddreg [dreg:$0x1];
	p0 =	sne.s32 s2, $0x0  }
0x309: {  	s3 =	rddreg [dreg:$0x2];
	[bflag:$0x3] =	sbarrier.arrive $0xFFFF;
	s2 =	simm.s32 @!p0 $0x1C03  }
0x30a: {  	[timem:s3], [sflag:s2] =	dma.local @!p0 [hbm:s0], s1  }
0x30b: {  	s0 =	simm.s32 @!p0 $0x3  }
0x30c: {  	_ =	swait.ge @!p0 [sflag:s0], s1  }
0x30d: {  	s1 =	ssub.s32 @!p0 $0x0, s1;
	[sflag:s0] =	ssyncset.done @!p0 $0x0  }
0x30e: {  	[sflag:s0] =	ssyncadd.s32 @!p0 s1  }
0x30f: {  	[bflag:$0x3] =	sbarrier.arrive $0xFFFF  }
0x310: {  	_ =	shalt  }

</sc_bundles>
